<compile_context>
chip_gen: v7x
topology: tpu7x:2x2x1
jax: 0.10.2.dev20260603
libtpu: 0.0.44.dev20260713+nightly
codegen_flags: <defaults>
</compile_context>

<pallas_src>
import jax
import jax.numpy as jnp
from jax import lax
from jax.experimental import pallas as pl
from jax.experimental.pallas import tpu as pltpu
from jax.experimental.pallas import tpu_sc as plsc

BATCH = 16384
D = 64
V = 1000000
NC = 2
NS = 16
NW = NC * NS
BPW = BATCH // NW
S = 128
NSUB = BPW // S
PPC = D // NC
BT = BATCH // NS


def _body(uid1_h, ug_h, ua_h, uo_h, xT_h, gt_h, at_h, ot_h,
          o0T_h, o1_h, o2_h, o3_h,
          uidx1, idx1, idx2, idx3, pbuf, pbuf2,
          b1, b2, b3, spA,
          sem, sem2, sem3, semw):
    cid = lax.axis_index("c")
    sid = lax.axis_index("s")
    wid = sid * NC + cid
    base = wid * BPW
    base_w = wid * NSUB
    pltpu.sync_copy(uid1_h.at[pl.ds(sid * BT, BT)], uidx1)
    pltpu.sync_copy(ug_h.at[pl.ds(base_w, NSUB)], idx1)
    pltpu.sync_copy(ua_h.at[pl.ds(base_w, NSUB)], idx2)
    pltpu.sync_copy(uo_h.at[pl.ds(base_w, NSUB)], idx3)

    d0 = cid * PPC
    for p in range(PPC):
        @pl.when(sid == 0)
        def _kick():
            pltpu.async_copy(xT_h.at[d0 + p], spA, sem2)

        if p < NSUB:
            s = p
            c1 = pltpu.async_copy(gt_h.at[idx1.at[s]], b1, sem)
            c2 = pltpu.async_copy(at_h.at[idx2.at[s]], b2, sem)
            c3 = pltpu.async_copy(ot_h.at[idx3.at[s]], b3, sem)
            c1.wait()
            c2.wait()
            c3.wait()
            pltpu.sync_copy(b1, o1_h.at[pl.ds(base + s * S, S)])
            pltpu.sync_copy(b2, o2_h.at[pl.ds(base + s * S, S)])
            pltpu.sync_copy(b3, o3_h.at[pl.ds(base + s * S, S)])

        pb = pbuf if p % 2 == 0 else pbuf2
        if p >= 2:
            pltpu.make_async_copy(
                pb, o0T_h.at[d0 + p - 2, pl.ds(sid * BT, BT)], semw).wait()

        @pl.when(sid == 0)
        def _drain():
            pltpu.make_async_copy(xT_h.at[d0 + p], spA, sem2).wait()

        plsc.subcore_barrier()
        pltpu.async_copy(spA.at[uidx1], pb, sem3).wait()
        plsc.subcore_barrier()
        pltpu.async_copy(pb, o0T_h.at[d0 + p, pl.ds(sid * BT, BT)], semw)

    for p in (PPC - 2, PPC - 1):
        pb = pbuf if p % 2 == 0 else pbuf2
        pltpu.make_async_copy(
            pb, o0T_h.at[d0 + p, pl.ds(sid * BT, BT)], semw).wait()


def kernel(user_ids, user_genders, user_ages, user_occs,
           id_table, gender_table, age_table, occ_table):
    mesh = plsc.VectorSubcoreMesh(core_axis_name="c", subcore_axis_name="s")
    k = pl.kernel(
        _body,
        mesh=mesh,
        out_type=(
            jax.ShapeDtypeStruct((D, BATCH), jnp.float32),
            jax.ShapeDtypeStruct((BATCH, 2 * D), jnp.float32),
            jax.ShapeDtypeStruct((BATCH, 2 * D), jnp.float32),
            jax.ShapeDtypeStruct((BATCH, 2 * D), jnp.float32),
        ),
        scratch_types=[
            pltpu.VMEM((BT,), jnp.int32),
            pltpu.VMEM((NSUB, S), jnp.int32),
            pltpu.VMEM((NSUB, S), jnp.int32),
            pltpu.VMEM((NSUB, S), jnp.int32),
            pltpu.VMEM((BT,), jnp.float32),
            pltpu.VMEM((BT,), jnp.float32),
            pltpu.VMEM((S, 2 * D), jnp.float32),
            pltpu.VMEM((S, 2 * D), jnp.float32),
            pltpu.VMEM((S, 2 * D), jnp.float32),
            pltpu.VMEM_SHARED((V,), jnp.float32),
            pltpu.SemaphoreType.DMA,
            pltpu.SemaphoreType.DMA,
            pltpu.SemaphoreType.DMA,
            pltpu.SemaphoreType.DMA,
        ],
    )
    r = (BATCH // S, S)
    pad = ((0, 0), (0, D))

    def rep(tab):
        return jnp.tile(jnp.pad(tab, pad), (NW, 1))

    def off(idx, nrows):
        w = (jnp.arange(NW, dtype=jnp.int32) * nrows)[:, None]
        return (idx.astype(jnp.int32).reshape(NW, BPW) + w).reshape(r)

    o0T, o1, o2, o3 = k(user_ids.astype(jnp.int32),
                        off(user_genders, 2),
                        off(user_ages, 7),
                        off(user_occs, 21),
                        id_table.T,
                        rep(gender_table),
                        rep(age_table),
                        rep(occ_table))
    return jnp.concatenate(
        [o0T.T, o1[:, :D], o2[:, :D], o3[:, :D]], axis=1)

# --- scband reference (transcript-rebuilt; emitter-appended) ---
"""Pipeline reference for scband-movie-lens-sparse-nnuser-model-55894704390514 (READ-ONLY COPY).

The authoritative reference and input builder live on the scoring server;
editing this copy changes nothing except your own understanding.
"""

import jax, jax.numpy as jnp
import numpy as np

NUM_USER_IDS = 1000000
NUM_USER_GENDERS = 2
NUM_USER_AGES = 7
NUM_USER_OCCS = 21
EMBED_DIM = 64
BATCH = 16384


def setup_inputs(seed: int = 0) -> dict:
    key = jax.random.key(seed)
    k1, k2, k3, k4, k5, k6, k7, k8 = jax.random.split(key, 8)
    user_ids = jax.random.randint(k1, (BATCH,), 0, NUM_USER_IDS)
    user_genders = jax.random.randint(k2, (BATCH,), 0, NUM_USER_GENDERS)
    user_ages = jax.random.randint(k3, (BATCH,), 0, NUM_USER_AGES)
    user_occs = jax.random.randint(k4, (BATCH,), 0, NUM_USER_OCCS)
    id_table = jax.random.normal(k5, (NUM_USER_IDS, EMBED_DIM), dtype=jnp.float32)
    gender_table = jax.random.normal(k6, (NUM_USER_GENDERS, EMBED_DIM), dtype=jnp.float32)
    age_table = jax.random.normal(k7, (NUM_USER_AGES, EMBED_DIM), dtype=jnp.float32)
    occ_table = jax.random.normal(k8, (NUM_USER_OCCS, EMBED_DIM), dtype=jnp.float32)
    return {
        "user_ids": user_ids,
        "user_genders": user_genders,
        "user_ages": user_ages,
        "user_occs": user_occs,
        "id_table": id_table,
        "gender_table": gender_table,
        "age_table": age_table,
        "occ_table": occ_table,
    }


def reference(user_ids, user_genders, user_ages, user_occs, id_table, gender_table, age_table, occ_table):
    id_embeddings = jnp.take(id_table, user_ids, axis=0)
    gender_embeddings = jnp.take(gender_table, user_genders, axis=0)
    age_embeddings = jnp.take(age_table, user_ages, axis=0)
    occ_embeddings = jnp.take(occ_table, user_occs, axis=0)
    combined_rep = jnp.concatenate([id_embeddings, gender_embeddings, age_embeddings, occ_embeddings], axis=1)
    return combined_rep

if __name__ == "__main__":
    import jax
    _d = setup_inputs()
    print(jax.jit(kernel)(*tuple(_d.values())))

</pallas_src>

<mosaic_0001>
#map = affine_map<(d0, d1) -> (0)>
#map1 = affine_map<(d0, d1) -> (0, 0)>
module attributes {stable_mosaic.version = 14 : i64} {
  func.func @_body(%arg0: i32, %arg1: i32, %arg2: memref<16384xi32, #tpu.memory_space<hbm>>, %arg3: memref<128x128xi32, #tpu.memory_space<hbm>>, %arg4: memref<128x128xi32, #tpu.memory_space<hbm>>, %arg5: memref<128x128xi32, #tpu.memory_space<hbm>>, %arg6: memref<64x1000000xf32, #tpu.memory_space<hbm>>, %arg7: memref<64x128xf32, #tpu.memory_space<hbm>>, %arg8: memref<224x128xf32, #tpu.memory_space<hbm>>, %arg9: memref<672x128xf32, #tpu.memory_space<hbm>>, %arg10: memref<64x16384xf32, #tpu.memory_space<hbm>>, %arg11: memref<16384x128xf32, #tpu.memory_space<hbm>>, %arg12: memref<16384x128xf32, #tpu.memory_space<hbm>>, %arg13: memref<16384x128xf32, #tpu.memory_space<hbm>>, %arg14: memref<1024xi32, #tpu.memory_space<vmem>>, %arg15: memref<4x128xi32, #tpu.memory_space<vmem>>, %arg16: memref<4x128xi32, #tpu.memory_space<vmem>>, %arg17: memref<4x128xi32, #tpu.memory_space<vmem>>, %arg18: memref<1024xf32, #tpu.memory_space<vmem>>, %arg19: memref<1024xf32, #tpu.memory_space<vmem>>, %arg20: memref<128x128xf32, #tpu.memory_space<vmem>>, %arg21: memref<128x128xf32, #tpu.memory_space<vmem>>, %arg22: memref<128x128xf32, #tpu.memory_space<vmem>>, %arg23: memref<1000000xf32, #tpu.memory_space<vmem_shared>>, %arg24: memref<!tpu.dma_semaphore, #tpu.memory_space<semaphore_mem>>, %arg25: memref<!tpu.dma_semaphore, #tpu.memory_space<semaphore_mem>>, %arg26: memref<!tpu.dma_semaphore, #tpu.memory_space<semaphore_mem>>, %arg27: memref<!tpu.dma_semaphore, #tpu.memory_space<semaphore_mem>>) attributes {dimension_semantics = [#tpu.dimension_semantics<core_parallel>, #tpu.dimension_semantics<subcore_parallel>], iteration_bounds = array<i64: 2, 16>, scalar_prefetch = 0 : i64, scratch_operands = 14 : i64, tpu.core_type = #tpu.core_type<sc_vector_subcore>, window_params = [{transform_indices = #map}, {transform_indices = #map1}, {transform_indices = #map1}, {transform_indices = #map1}, {transform_indices = #map1}, {transform_indices = #map1}, {transform_indices = #map1}, {transform_indices = #map1}, {transform_indices = #map1}, {transform_indices = #map1}, {transform_indices = #map1}, {transform_indices = #map1}]} {
    %mul3A = arith.constant 2 : i32
    %mul3A_0 = arith.muli %arg1, %mul3A : i32
    %add3A = arith.addi %mul3A_0, %arg0 : i32
    %mul3A_1 = arith.constant 512 : i32
    %mul3A_2 = arith.muli %add3A, %mul3A_1 : i32
    %mul3A_3 = arith.constant 4 : i32
    %mul3A_4 = arith.muli %add3A, %mul3A_3 : i32
    %mul3A_5 = arith.constant 1024 : i32
    %mul3A_6 = arith.muli %arg1, %mul3A_5 : i32
    "tpu.region"() ({
      %run_scoped3A = tpu.sem_alloc : memref<!tpu.dma_semaphore, #tpu.memory_space<semaphore_mem>>
      %dma_start3A_1278 = tpu.memref_slice %arg2[%mul3A_6] : memref<16384xi32, #tpu.memory_space<hbm>> -> memref<1024xi32, #tpu.memory_space<hbm>>
      %dma_start3A_1279 = tpu.memref_slice %arg2[%mul3A_6] : memref<16384xi32, #tpu.memory_space<hbm>> -> memref<1024xi32, #tpu.memory_space<hbm>>
      tpu.enqueue_dma source(%dma_start3A_1279 : memref<1024xi32, #tpu.memory_space<hbm>>) target(%arg14 : memref<1024xi32, #tpu.memory_space<vmem>>) target_semaphore(%run_scoped3A : memref<!tpu.dma_semaphore, #tpu.memory_space<semaphore_mem>>)
      %dma_wait3A_1280 = tpu.memref_slice %arg2[%mul3A_6] : memref<16384xi32, #tpu.memory_space<hbm>> -> memref<1024xi32, #tpu.memory_space<hbm>>
      %dma_wait3A_1281 = tpu.memref_slice %arg2[%mul3A_6] : memref<16384xi32, #tpu.memory_space<hbm>> -> memref<1024xi32, #tpu.memory_space<hbm>>
      tpu.wait_dma2 semaphore(%run_scoped3A : memref<!tpu.dma_semaphore, #tpu.memory_space<semaphore_mem>>) src(%dma_wait3A_1281 : memref<1024xi32, #tpu.memory_space<hbm>>) dst(%arg14 : memref<1024xi32, #tpu.memory_space<vmem>>)
      tpu.yield
    }) : () -> ()
    "tpu.region"() ({
      %run_scoped3A = tpu.sem_alloc : memref<!tpu.dma_semaphore, #tpu.memory_space<semaphore_mem>>
      %dma_start3A_1278 = arith.constant 0 : i32
      %dma_start3A_1279 = tpu.memref_slice %arg3[%mul3A_4, %dma_start3A_1278] : memref<128x128xi32, #tpu.memory_space<hbm>> -> memref<4x128xi32, #tpu.memory_space<hbm>>
      %dma_start3A_1280 = arith.constant 0 : i32
      %dma_start3A_1281 = tpu.memref_slice %arg3[%mul3A_4, %dma_start3A_1280] : memref<128x128xi32, #tpu.memory_space<hbm>> -> memref<4x128xi32, #tpu.memory_space<hbm>>
      tpu.enqueue_dma source(%dma_start3A_1281 : memref<4x128xi32, #tpu.memory_space<hbm>>) target(%arg15 : memref<4x128xi32, #tpu.memory_space<vmem>>) target_semaphore(%run_scoped3A : memref<!tpu.dma_semaphore, #tpu.memory_space<semaphore_mem>>)
      %dma_wait3A_1282 = arith.constant 0 : i32
      %dma_wait3A_1283 = tpu.memref_slice %arg3[%mul3A_4, %dma_wait3A_1282] : memref<128x128xi32, #tpu.memory_space<hbm>> -> memref<4x128xi32, #tpu.memory_space<hbm>>
      %dma_wait3A_1284 = arith.constant 0 : i32
      %dma_wait3A_1285 = tpu.memref_slice %arg3[%mul3A_4, %dma_wait3A_1284] : memref<128x128xi32, #tpu.memory_space<hbm>> -> memref<4x128xi32, #tpu.memory_space<hbm>>
      tpu.wait_dma2 semaphore(%run_scoped3A : memref<!tpu.dma_semaphore, #tpu.memory_space<semaphore_mem>>) src(%dma_wait3A_1285 : memref<4x128xi32, #tpu.memory_space<hbm>>) dst(%arg15 : memref<4x128xi32, #tpu.memory_space<vmem>>)
      tpu.yield
    }) : () -> ()
    "tpu.region"() ({
      %run_scoped3A = tpu.sem_alloc : memref<!tpu.dma_semaphore, #tpu.memory_space<semaphore_mem>>
      %dma_start3A_1278 = arith.constant 0 : i32
      %dma_start3A_1279 = tpu.memref_slice %arg4[%mul3A_4, %dma_start3A_1278] : memref<128x128xi32, #tpu.memory_space<hbm>> -> memref<4x128xi32, #tpu.memory_space<hbm>>
      %dma_start3A_1280 = arith.constant 0 : i32
      %dma_start3A_1281 = tpu.memref_slice %arg4[%mul3A_4, %dma_start3A_1280] : memref<128x128xi32, #tpu.memory_space<hbm>> -> memref<4x128xi32, #tpu.memory_space<hbm>>
      tpu.enqueue_dma source(%dma_start3A_1281 : memref<4x128xi32, #tpu.memory_space<hbm>>) target(%arg16 : memref<4x128xi32, #tpu.memory_space<vmem>>) target_semaphore(%run_scoped3A : memref<!tpu.dma_semaphore, #tpu.memory_space<semaphore_mem>>)
      %dma_wait3A_1282 = arith.constant 0 : i32
      %dma_wait3A_1283 = tpu.memref_slice %arg4[%mul3A_4, %dma_wait3A_1282] : memref<128x128xi32, #tpu.memory_space<hbm>> -> memref<4x128xi32, #tpu.memory_space<hbm>>
      %dma_wait3A_1284 = arith.constant 0 : i32
      %dma_wait3A_1285 = tpu.memref_slice %arg4[%mul3A_4, %dma_wait3A_1284] : memref<128x128xi32, #tpu.memory_space<hbm>> -> memref<4x128xi32, #tpu.memory_space<hbm>>
      tpu.wait_dma2 semaphore(%run_scoped3A : memref<!tpu.dma_semaphore, #tpu.memory_space<semaphore_mem>>) src(%dma_wait3A_1285 : memref<4x128xi32, #tpu.memory_space<hbm>>) dst(%arg16 : memref<4x128xi32, #tpu.memory_space<vmem>>)
      tpu.yield
    }) : () -> ()
    "tpu.region"() ({
      %run_scoped3A = tpu.sem_alloc : memref<!tpu.dma_semaphore, #tpu.memory_space<semaphore_mem>>
      %dma_start3A_1278 = arith.constant 0 : i32
      %dma_start3A_1279 = tpu.memref_slice %arg5[%mul3A_4, %dma_start3A_1278] : memref<128x128xi32, #tpu.memory_space<hbm>> -> memref<4x128xi32, #tpu.memory_space<hbm>>
      %dma_start3A_1280 = arith.constant 0 : i32
      %dma_start3A_1281 = tpu.memref_slice %arg5[%mul3A_4, %dma_start3A_1280] : memref<128x128xi32, #tpu.memory_space<hbm>> -> memref<4x128xi32, #tpu.memory_space<hbm>>
      tpu.enqueue_dma source(%dma_start3A_1281 : memref<4x128xi32, #tpu.memory_space<hbm>>) target(%arg17 : memref<4x128xi32, #tpu.memory_space<vmem>>) target_semaphore(%run_scoped3A : memref<!tpu.dma_semaphore, #tpu.memory_space<semaphore_mem>>)
      %dma_wait3A_1282 = arith.constant 0 : i32
      %dma_wait3A_1283 = tpu.memref_slice %arg5[%mul3A_4, %dma_wait3A_1282] : memref<128x128xi32, #tpu.memory_space<hbm>> -> memref<4x128xi32, #tpu.memory_space<hbm>>
      %dma_wait3A_1284 = arith.constant 0 : i32
      %dma_wait3A_1285 = tpu.memref_slice %arg5[%mul3A_4, %dma_wait3A_1284] : memref<128x128xi32, #tpu.memory_space<hbm>> -> memref<4x128xi32, #tpu.memory_space<hbm>>
      tpu.wait_dma2 semaphore(%run_scoped3A : memref<!tpu.dma_semaphore, #tpu.memory_space<semaphore_mem>>) src(%dma_wait3A_1285 : memref<4x128xi32, #tpu.memory_space<hbm>>) dst(%arg17 : memref<4x128xi32, #tpu.memory_space<vmem>>)
      tpu.yield
    }) : () -> ()
    %mul3A_7 = arith.constant 32 : i32
    %mul3A_8 = arith.muli %arg0, %mul3A_7 : i32
    %eq3A = arith.constant 0 : i32
    %eq3A_9 = arith.cmpi eq, %arg1, %eq3A : i32
    %convert_element_type3A = arith.extui %eq3A_9 : i1 to i32
    %cond3A = arith.constant 0 : i32
    %cond3A_10 = arith.cmpi ne, %convert_element_type3A, %cond3A : i32
    scf.if %cond3A_10 {
      %add3A_1278 = arith.constant 0 : i32
      %add3A_1279 = arith.addi %mul3A_8, %add3A_1278 : i32
      %dma_start3A_1280 = arith.constant 0 : i32
      %dma_start3A_1281 = tpu.memref_slice %arg6[%add3A_1279, %dma_start3A_1280] : memref<64x1000000xf32, #tpu.memory_space<hbm>> -> memref<1x1000000xf32, #tpu.memory_space<hbm>>
      %dma_start3A_1282 = tpu.memref_squeeze %dma_start3A_1281 : memref<1x1000000xf32, #tpu.memory_space<hbm>> -> memref<1000000xf32, #tpu.memory_space<hbm>>
      tpu.enqueue_dma source(%dma_start3A_1282 : memref<1000000xf32, #tpu.memory_space<hbm>>) target(%arg23 : memref<1000000xf32, #tpu.memory_space<vmem_shared>>) target_semaphore(%arg25 : memref<!tpu.dma_semaphore, #tpu.memory_space<semaphore_mem>>)
    } else {
    }
    %dma_start3A = arith.constant 0 : i32
    %dma_start3A_11 = arith.constant 0 : i32
    %dma_start3A_12 = tpu.memref_slice %arg15[%dma_start3A, %dma_start3A_11] : memref<4x128xi32, #tpu.memory_space<vmem>> -> memref<1x128xi32, #tpu.memory_space<vmem>>
    %dma_start3A_13 = tpu.memref_squeeze %dma_start3A_12 : memref<1x128xi32, #tpu.memory_space<vmem>> -> memref<128xi32, #tpu.memory_space<vmem>>
    %dma_start3A_14 = arith.constant 0 : i32
    %dma_start3A_15 = arith.constant 0 : i32
    %dma_start3A_16 = tpu.memref_slice %arg7[%dma_start3A_14, %dma_start3A_15] : memref<64x128xf32, #tpu.memory_space<hbm>> -> memref<64x128xf32, #tpu.memory_space<hbm>>
    tpu.enqueue_indirect_dma source(%dma_start3A_16 : memref<64x128xf32, #tpu.memory_space<hbm>>) target(%arg20 : memref<128x128xf32, #tpu.memory_space<vmem>>) offsets(%dma_start3A_13 : memref<128xi32, #tpu.memory_space<vmem>>) semaphore(%arg24 : memref<!tpu.dma_semaphore, #tpu.memory_space<semaphore_mem>>)
    %dma_start3A_17 = arith.constant 0 : i32
    %dma_start3A_18 = arith.constant 0 : i32
    %dma_start3A_19 = tpu.memref_slice %arg16[%dma_start3A_17, %dma_start3A_18] : memref<4x128xi32, #tpu.memory_space<vmem>> -> memref<1x128xi32, #tpu.memory_space<vmem>>
    %dma_start3A_20 = tpu.memref_squeeze %dma_start3A_19 : memref<1x128xi32, #tpu.memory_space<vmem>> -> memref<128xi32, #tpu.memory_space<vmem>>
    %dma_start3A_21 = arith.constant 0 : i32
    %dma_start3A_22 = arith.constant 0 : i32
    %dma_start3A_23 = tpu.memref_slice %arg8[%dma_start3A_21, %dma_start3A_22] : memref<224x128xf32, #tpu.memory_space<hbm>> -> memref<224x128xf32, #tpu.memory_space<hbm>>
    tpu.enqueue_indirect_dma source(%dma_start3A_23 : memref<224x128xf32, #tpu.memory_space<hbm>>) target(%arg21 : memref<128x128xf32, #tpu.memory_space<vmem>>) offsets(%dma_start3A_20 : memref<128xi32, #tpu.memory_space<vmem>>) semaphore(%arg24 : memref<!tpu.dma_semaphore, #tpu.memory_space<semaphore_mem>>)
    %dma_start3A_24 = arith.constant 0 : i32
    %dma_start3A_25 = arith.constant 0 : i32
    %dma_start3A_26 = tpu.memref_slice %arg17[%dma_start3A_24, %dma_start3A_25] : memref<4x128xi32, #tpu.memory_space<vmem>> -> memref<1x128xi32, #tpu.memory_space<vmem>>
    %dma_start3A_27 = tpu.memref_squeeze %dma_start3A_26 : memref<1x128xi32, #tpu.memory_space<vmem>> -> memref<128xi32, #tpu.memory_space<vmem>>
    %dma_start3A_28 = arith.constant 0 : i32
    %dma_start3A_29 = arith.constant 0 : i32
    %dma_start3A_30 = tpu.memref_slice %arg9[%dma_start3A_28, %dma_start3A_29] : memref<672x128xf32, #tpu.memory_space<hbm>> -> memref<672x128xf32, #tpu.memory_space<hbm>>
    tpu.enqueue_indirect_dma source(%dma_start3A_30 : memref<672x128xf32, #tpu.memory_space<hbm>>) target(%arg22 : memref<128x128xf32, #tpu.memory_space<vmem>>) offsets(%dma_start3A_27 : memref<128xi32, #tpu.memory_space<vmem>>) semaphore(%arg24 : memref<!tpu.dma_semaphore, #tpu.memory_space<semaphore_mem>>)
    %dma_wait3A = arith.constant 0 : i32
    %dma_wait3A_31 = arith.constant 0 : i32
    %dma_wait3A_32 = tpu.memref_slice %arg15[%dma_wait3A, %dma_wait3A_31] : memref<4x128xi32, #tpu.memory_space<vmem>> -> memref<1x128xi32, #tpu.memory_space<vmem>>
    %dma_wait3A_33 = tpu.memref_squeeze %dma_wait3A_32 : memref<1x128xi32, #tpu.memory_space<vmem>> -> memref<128xi32, #tpu.memory_space<vmem>>
    %dma_wait3A_34 = arith.constant 0 : i32
    %dma_wait3A_35 = arith.constant 0 : i32
    %dma_wait3A_36 = tpu.memref_slice %arg7[%dma_wait3A_34, %dma_wait3A_35] : memref<64x128xf32, #tpu.memory_space<hbm>> -> memref<64x128xf32, #tpu.memory_space<hbm>>
    tpu.wait_indirect_dma semaphore(%arg24 : memref<!tpu.dma_semaphore, #tpu.memory_space<semaphore_mem>>) src(%dma_wait3A_36 : memref<64x128xf32, #tpu.memory_space<hbm>>) dst(%arg20 : memref<128x128xf32, #tpu.memory_space<vmem>>)
    %dma_wait3A_37 = arith.constant 0 : i32
    %dma_wait3A_38 = arith.constant 0 : i32
    %dma_wait3A_39 = tpu.memref_slice %arg16[%dma_wait3A_37, %dma_wait3A_38] : memref<4x128xi32, #tpu.memory_space<vmem>> -> memref<1x128xi32, #tpu.memory_space<vmem>>
    %dma_wait3A_40 = tpu.memref_squeeze %dma_wait3A_39 : memref<1x128xi32, #tpu.memory_space<vmem>> -> memref<128xi32, #tpu.memory_space<vmem>>
    %dma_wait3A_41 = arith.constant 0 : i32
    %dma_wait3A_42 = arith.constant 0 : i32
    %dma_wait3A_43 = tpu.memref_slice %arg8[%dma_wait3A_41, %dma_wait3A_42] : memref<224x128xf32, #tpu.memory_space<hbm>> -> memref<224x128xf32, #tpu.memory_space<hbm>>
    tpu.wait_indirect_dma semaphore(%arg24 : memref<!tpu.dma_semaphore, #tpu.memory_space<semaphore_mem>>) src(%dma_wait3A_43 : memref<224x128xf32, #tpu.memory_space<hbm>>) dst(%arg21 : memref<128x128xf32, #tpu.memory_space<vmem>>)
    %dma_wait3A_44 = arith.constant 0 : i32
    %dma_wait3A_45 = arith.constant 0 : i32
    %dma_wait3A_46 = tpu.memref_slice %arg17[%dma_wait3A_44, %dma_wait3A_45] : memref<4x128xi32, #tpu.memory_space<vmem>> -> memref<1x128xi32, #tpu.memory_space<vmem>>
    %dma_wait3A_47 = tpu.memref_squeeze %dma_wait3A_46 : memref<1x128xi32, #tpu.memory_space<vmem>> -> memref<128xi32, #tpu.memory_space<vmem>>
    %dma_wait3A_48 = arith.constant 0 : i32
    %dma_wait3A_49 = arith.constant 0 : i32
    %dma_wait3A_50 = tpu.memref_slice %arg9[%dma_wait3A_48, %dma_wait3A_49] : memref<672x128xf32, #tpu.memory_space<hbm>> -> memref<672x128xf32, #tpu.memory_space<hbm>>
    tpu.wait_indirect_dma semaphore(%arg24 : memref<!tpu.dma_semaphore, #tpu.memory_space<semaphore_mem>>) src(%dma_wait3A_50 : memref<672x128xf32, #tpu.memory_space<hbm>>) dst(%arg22 : memref<128x128xf32, #tpu.memory_space<vmem>>)
    %add3A_51 = arith.constant 0 : i32
    %add3A_52 = arith.addi %mul3A_2, %add3A_51 : i32
    "tpu.region"() ({
      %run_scoped3A = tpu.sem_alloc : memref<!tpu.dma_semaphore, #tpu.memory_space<semaphore_mem>>
      %dma_start3A_1278 = arith.constant 0 : i32
      %dma_start3A_1279 = tpu.memref_slice %arg11[%add3A_52, %dma_start3A_1278] : memref<16384x128xf32, #tpu.memory_space<hbm>> -> memref<128x128xf32, #tpu.memory_space<hbm>>
      %dma_start3A_1280 = arith.constant 0 : i32
      %dma_start3A_1281 = tpu.memref_slice %arg11[%add3A_52, %dma_start3A_1280] : memref<16384x128xf32, #tpu.memory_space<hbm>> -> memref<128x128xf32, #tpu.memory_space<hbm>>
      tpu.enqueue_dma source(%arg20 : memref<128x128xf32, #tpu.memory_space<vmem>>) target(%dma_start3A_1281 : memref<128x128xf32, #tpu.memory_space<hbm>>) target_semaphore(%run_scoped3A : memref<!tpu.dma_semaphore, #tpu.memory_space<semaphore_mem>>)
      %dma_wait3A_1282 = arith.constant 0 : i32
      %dma_wait3A_1283 = tpu.memref_slice %arg11[%add3A_52, %dma_wait3A_1282] : memref<16384x128xf32, #tpu.memory_space<hbm>> -> memref<128x128xf32, #tpu.memory_space<hbm>>
      %dma_wait3A_1284 = arith.constant 0 : i32
      %dma_wait3A_1285 = tpu.memref_slice %arg11[%add3A_52, %dma_wait3A_1284] : memref<16384x128xf32, #tpu.memory_space<hbm>> -> memref<128x128xf32, #tpu.memory_space<hbm>>
      tpu.wait_dma2 semaphore(%run_scoped3A : memref<!tpu.dma_semaphore, #tpu.memory_space<semaphore_mem>>) src(%arg20 : memref<128x128xf32, #tpu.memory_space<vmem>>) dst(%dma_wait3A_1285 : memref<128x128xf32, #tpu.memory_space<hbm>>)
      tpu.yield
    }) : () -> ()
    %add3A_53 = arith.constant 0 : i32
    %add3A_54 = arith.addi %mul3A_2, %add3A_53 : i32
    "tpu.region"() ({
      %run_scoped3A = tpu.sem_alloc : memref<!tpu.dma_semaphore, #tpu.memory_space<semaphore_mem>>
      %dma_start3A_1278 = arith.constant 0 : i32
      %dma_start3A_1279 = tpu.memref_slice %arg12[%add3A_54, %dma_start3A_1278] : memref<16384x128xf32, #tpu.memory_space<hbm>> -> memref<128x128xf32, #tpu.memory_space<hbm>>
      %dma_start3A_1280 = arith.constant 0 : i32
      %dma_start3A_1281 = tpu.memref_slice %arg12[%add3A_54, %dma_start3A_1280] : memref<16384x128xf32, #tpu.memory_space<hbm>> -> memref<128x128xf32, #tpu.memory_space<hbm>>
      tpu.enqueue_dma source(%arg21 : memref<128x128xf32, #tpu.memory_space<vmem>>) target(%dma_start3A_1281 : memref<128x128xf32, #tpu.memory_space<hbm>>) target_semaphore(%run_scoped3A : memref<!tpu.dma_semaphore, #tpu.memory_space<semaphore_mem>>)
      %dma_wait3A_1282 = arith.constant 0 : i32
      %dma_wait3A_1283 = tpu.memref_slice %arg12[%add3A_54, %dma_wait3A_1282] : memref<16384x128xf32, #tpu.memory_space<hbm>> -> memref<128x128xf32, #tpu.memory_space<hbm>>
      %dma_wait3A_1284 = arith.constant 0 : i32
      %dma_wait3A_1285 = tpu.memref_slice %arg12[%add3A_54, %dma_wait3A_1284] : memref<16384x128xf32, #tpu.memory_space<hbm>> -> memref<128x128xf32, #tpu.memory_space<hbm>>
      tpu.wait_dma2 semaphore(%run_scoped3A : memref<!tpu.dma_semaphore, #tpu.memory_space<semaphore_mem>>) src(%arg21 : memref<128x128xf32, #tpu.memory_space<vmem>>) dst(%dma_wait3A_1285 : memref<128x128xf32, #tpu.memory_space<hbm>>)
      tpu.yield
    }) : () -> ()
    %add3A_55 = arith.constant 0 : i32
    %add3A_56 = arith.addi %mul3A_2, %add3A_55 : i32
    "tpu.region"() ({
      %run_scoped3A = tpu.sem_alloc : memref<!tpu.dma_semaphore, #tpu.memory_space<semaphore_mem>>
      %dma_start3A_1278 = arith.constant 0 : i32
      %dma_start3A_1279 = tpu.memref_slice %arg13[%add3A_56, %dma_start3A_1278] : memref<16384x128xf32, #tpu.memory_space<hbm>> -> memref<128x128xf32, #tpu.memory_space<hbm>>
      %dma_start3A_1280 = arith.constant 0 : i32
      %dma_start3A_1281 = tpu.memref_slice %arg13[%add3A_56, %dma_start3A_1280] : memref<16384x128xf32, #tpu.memory_space<hbm>> -> memref<128x128xf32, #tpu.memory_space<hbm>>
      tpu.enqueue_dma source(%arg22 : memref<128x128xf32, #tpu.memory_space<vmem>>) target(%dma_start3A_1281 : memref<128x128xf32, #tpu.memory_space<hbm>>) target_semaphore(%run_scoped3A : memref<!tpu.dma_semaphore, #tpu.memory_space<semaphore_mem>>)
      %dma_wait3A_1282 = arith.constant 0 : i32
      %dma_wait3A_1283 = tpu.memref_slice %arg13[%add3A_56, %dma_wait3A_1282] : memref<16384x128xf32, #tpu.memory_space<hbm>> -> memref<128x128xf32, #tpu.memory_space<hbm>>
      %dma_wait3A_1284 = arith.constant 0 : i32
      %dma_wait3A_1285 = tpu.memref_slice %arg13[%add3A_56, %dma_wait3A_1284] : memref<16384x128xf32, #tpu.memory_space<hbm>> -> memref<128x128xf32, #tpu.memory_space<hbm>>
      tpu.wait_dma2 semaphore(%run_scoped3A : memref<!tpu.dma_semaphore, #tpu.memory_space<semaphore_mem>>) src(%arg22 : memref<128x128xf32, #tpu.memory_space<vmem>>) dst(%dma_wait3A_1285 : memref<128x128xf32, #tpu.memory_space<hbm>>)
      tpu.yield
    }) : () -> ()
    %eq3A_57 = arith.constant 0 : i32
    %eq3A_58 = arith.cmpi eq, %arg1, %eq3A_57 : i32
    %convert_element_type3A_59 = arith.extui %eq3A_58 : i1 to i32
    %cond3A_60 = arith.constant 0 : i32
    %cond3A_61 = arith.cmpi ne, %convert_element_type3A_59, %cond3A_60 : i32
    scf.if %cond3A_61 {
      %add3A_1278 = arith.constant 0 : i32
      %add3A_1279 = arith.addi %mul3A_8, %add3A_1278 : i32
      %dma_wait3A_1280 = arith.constant 0 : i32
      %dma_wait3A_1281 = tpu.memref_slice %arg6[%add3A_1279, %dma_wait3A_1280] : memref<64x1000000xf32, #tpu.memory_space<hbm>> -> memref<1x1000000xf32, #tpu.memory_space<hbm>>
      %dma_wait3A_1282 = tpu.memref_squeeze %dma_wait3A_1281 : memref<1x1000000xf32, #tpu.memory_space<hbm>> -> memref<1000000xf32, #tpu.memory_space<hbm>>
      tpu.wait_dma2 semaphore(%arg25 : memref<!tpu.dma_semaphore, #tpu.memory_space<semaphore_mem>>) src(%dma_wait3A_1282 : memref<1000000xf32, #tpu.memory_space<hbm>>) dst(%arg23 : memref<1000000xf32, #tpu.memory_space<vmem_shared>>)
    } else {
    }
    %barrier3A = arith.constant 0 : index
    tpu.barrier barrier_id(%barrier3A)
    %dma_start3A_62 = arith.constant 0 : i32
    %dma_start3A_63 = tpu.memref_slice %arg23[%dma_start3A_62] : memref<1000000xf32, #tpu.memory_space<vmem_shared>> -> memref<1000000xf32, #tpu.memory_space<vmem_shared>>
    tpu.enqueue_indirect_dma source(%dma_start3A_63 : memref<1000000xf32, #tpu.memory_space<vmem_shared>>) target(%arg18 : memref<1024xf32, #tpu.memory_space<vmem>>) offsets(%arg14 : memref<1024xi32, #tpu.memory_space<vmem>>) semaphore(%arg26 : memref<!tpu.dma_semaphore, #tpu.memory_space<semaphore_mem>>)
    %dma_wait3A_64 = arith.constant 0 : i32
    %dma_wait3A_65 = tpu.memref_slice %arg23[%dma_wait3A_64] : memref<1000000xf32, #tpu.memory_space<vmem_shared>> -> memref<1000000xf32, #tpu.memory_space<vmem_shared>>
    tpu.wait_indirect_dma semaphore(%arg26 : memref<!tpu.dma_semaphore, #tpu.memory_space<semaphore_mem>>) src(%dma_wait3A_65 : memref<1000000xf32, #tpu.memory_space<vmem_shared>>) dst(%arg18 : memref<1024xf32, #tpu.memory_space<vmem>>)
    %barrier3A_66 = arith.constant 0 : index
    tpu.barrier barrier_id(%barrier3A_66)
    %add3A_67 = arith.constant 0 : i32
    %add3A_68 = arith.addi %mul3A_8, %add3A_67 : i32
    %mul3A_69 = arith.constant 1024 : i32
    %mul3A_70 = arith.muli %arg1, %mul3A_69 : i32
    %dma_start3A_71 = tpu.memref_slice %arg10[%add3A_68, %mul3A_70] : memref<64x16384xf32, #tpu.memory_space<hbm>> -> memref<1x1024xf32, #tpu.memory_space<hbm>>
    %dma_start3A_72 = tpu.memref_squeeze %dma_start3A_71 : memref<1x1024xf32, #tpu.memory_space<hbm>> -> memref<1024xf32, #tpu.memory_space<hbm>>
    %dma_start3A_73 = tpu.memref_slice %arg10[%add3A_68, %mul3A_70] : memref<64x16384xf32, #tpu.memory_space<hbm>> -> memref<1x1024xf32, #tpu.memory_space<hbm>>
    %dma_start3A_74 = tpu.memref_squeeze %dma_start3A_73 : memref<1x1024xf32, #tpu.memory_space<hbm>> -> memref<1024xf32, #tpu.memory_space<hbm>>
    tpu.enqueue_dma source(%arg18 : memref<1024xf32, #tpu.memory_space<vmem>>) target(%dma_start3A_74 : memref<1024xf32, #tpu.memory_space<hbm>>) target_semaphore(%arg27 : memref<!tpu.dma_semaphore, #tpu.memory_space<semaphore_mem>>)
    %eq3A_75 = arith.constant 0 : i32
    %eq3A_76 = arith.cmpi eq, %arg1, %eq3A_75 : i32
    %convert_element_type3A_77 = arith.extui %eq3A_76 : i1 to i32
    %cond3A_78 = arith.constant 0 : i32
    %cond3A_79 = arith.cmpi ne, %convert_element_type3A_77, %cond3A_78 : i32
    scf.if %cond3A_79 {
      %add3A_1278 = arith.constant 1 : i32
      %add3A_1279 = arith.addi %mul3A_8, %add3A_1278 : i32
      %dma_start3A_1280 = arith.constant 0 : i32
      %dma_start3A_1281 = tpu.memref_slice %arg6[%add3A_1279, %dma_start3A_1280] : memref<64x1000000xf32, #tpu.memory_space<hbm>> -> memref<1x1000000xf32, #tpu.memory_space<hbm>>
      %dma_start3A_1282 = tpu.memref_squeeze %dma_start3A_1281 : memref<1x1000000xf32, #tpu.memory_space<hbm>> -> memref<1000000xf32, #tpu.memory_space<hbm>>
      tpu.enqueue_dma source(%dma_start3A_1282 : memref<1000000xf32, #tpu.memory_space<hbm>>) target(%arg23 : memref<1000000xf32, #tpu.memory_space<vmem_shared>>) target_semaphore(%arg25 : memref<!tpu.dma_semaphore, #tpu.memory_space<semaphore_mem>>)
    } else {
    }
    %dma_start3A_80 = arith.constant 1 : i32
    %dma_start3A_81 = arith.constant 0 : i32
    %dma_start3A_82 = tpu.memref_slice %arg15[%dma_start3A_80, %dma_start3A_81] : memref<4x128xi32, #tpu.memory_space<vmem>> -> memref<1x128xi32, #tpu.memory_space<vmem>>
    %dma_start3A_83 = tpu.memref_squeeze %dma_start3A_82 : memref<1x128xi32, #tpu.memory_space<vmem>> -> memref<128xi32, #tpu.memory_space<vmem>>
    %dma_start3A_84 = arith.constant 0 : i32
    %dma_start3A_85 = arith.constant 0 : i32
    %dma_start3A_86 = tpu.memref_slice %arg7[%dma_start3A_84, %dma_start3A_85] : memref<64x128xf32, #tpu.memory_space<hbm>> -> memref<64x128xf32, #tpu.memory_space<hbm>>
    tpu.enqueue_indirect_dma source(%dma_start3A_86 : memref<64x128xf32, #tpu.memory_space<hbm>>) target(%arg20 : memref<128x128xf32, #tpu.memory_space<vmem>>) offsets(%dma_start3A_83 : memref<128xi32, #tpu.memory_space<vmem>>) semaphore(%arg24 : memref<!tpu.dma_semaphore, #tpu.memory_space<semaphore_mem>>)
    %dma_start3A_87 = arith.constant 1 : i32
    %dma_start3A_88 = arith.constant 0 : i32
    %dma_start3A_89 = tpu.memref_slice %arg16[%dma_start3A_87, %dma_start3A_88] : memref<4x128xi32, #tpu.memory_space<vmem>> -> memref<1x128xi32, #tpu.memory_space<vmem>>
    %dma_start3A_90 = tpu.memref_squeeze %dma_start3A_89 : memref<1x128xi32, #tpu.memory_space<vmem>> -> memref<128xi32, #tpu.memory_space<vmem>>
    %dma_start3A_91 = arith.constant 0 : i32
    %dma_start3A_92 = arith.constant 0 : i32
    %dma_start3A_93 = tpu.memref_slice %arg8[%dma_start3A_91, %dma_start3A_92] : memref<224x128xf32, #tpu.memory_space<hbm>> -> memref<224x128xf32, #tpu.memory_space<hbm>>
    tpu.enqueue_indirect_dma source(%dma_start3A_93 : memref<224x128xf32, #tpu.memory_space<hbm>>) target(%arg21 : memref<128x128xf32, #tpu.memory_space<vmem>>) offsets(%dma_start3A_90 : memref<128xi32, #tpu.memory_space<vmem>>) semaphore(%arg24 : memref<!tpu.dma_semaphore, #tpu.memory_space<semaphore_mem>>)
    %dma_start3A_94 = arith.constant 1 : i32
    %dma_start3A_95 = arith.constant 0 : i32
    %dma_start3A_96 = tpu.memref_slice %arg17[%dma_start3A_94, %dma_start3A_95] : memref<4x128xi32, #tpu.memory_space<vmem>> -> memref<1x128xi32, #tpu.memory_space<vmem>>
    %dma_start3A_97 = tpu.memref_squeeze %dma_start3A_96 : memref<1x128xi32, #tpu.memory_space<vmem>> -> memref<128xi32, #tpu.memory_space<vmem>>
    %dma_start3A_98 = arith.constant 0 : i32
    %dma_start3A_99 = arith.constant 0 : i32
    %dma_start3A_100 = tpu.memref_slice %arg9[%dma_start3A_98, %dma_start3A_99] : memref<672x128xf32, #tpu.memory_space<hbm>> -> memref<672x128xf32, #tpu.memory_space<hbm>>
    tpu.enqueue_indirect_dma source(%dma_start3A_100 : memref<672x128xf32, #tpu.memory_space<hbm>>) target(%arg22 : memref<128x128xf32, #tpu.memory_space<vmem>>) offsets(%dma_start3A_97 : memref<128xi32, #tpu.memory_space<vmem>>) semaphore(%arg24 : memref<!tpu.dma_semaphore, #tpu.memory_space<semaphore_mem>>)
    %dma_wait3A_101 = arith.constant 1 : i32
    %dma_wait3A_102 = arith.constant 0 : i32
    %dma_wait3A_103 = tpu.memref_slice %arg15[%dma_wait3A_101, %dma_wait3A_102] : memref<4x128xi32, #tpu.memory_space<vmem>> -> memref<1x128xi32, #tpu.memory_space<vmem>>
    %dma_wait3A_104 = tpu.memref_squeeze %dma_wait3A_103 : memref<1x128xi32, #tpu.memory_space<vmem>> -> memref<128xi32, #tpu.memory_space<vmem>>
    %dma_wait3A_105 = arith.constant 0 : i32
    %dma_wait3A_106 = arith.constant 0 : i32
    %dma_wait3A_107 = tpu.memref_slice %arg7[%dma_wait3A_105, %dma_wait3A_106] : memref<64x128xf32, #tpu.memory_space<hbm>> -> memref<64x128xf32, #tpu.memory_space<hbm>>
    tpu.wait_indirect_dma semaphore(%arg24 : memref<!tpu.dma_semaphore, #tpu.memory_space<semaphore_mem>>) src(%dma_wait3A_107 : memref<64x128xf32, #tpu.memory_space<hbm>>) dst(%arg20 : memref<128x128xf32, #tpu.memory_space<vmem>>)
    %dma_wait3A_108 = arith.constant 1 : i32
    %dma_wait3A_109 = arith.constant 0 : i32
    %dma_wait3A_110 = tpu.memref_slice %arg16[%dma_wait3A_108, %dma_wait3A_109] : memref<4x128xi32, #tpu.memory_space<vmem>> -> memref<1x128xi32, #tpu.memory_space<vmem>>
    %dma_wait3A_111 = tpu.memref_squeeze %dma_wait3A_110 : memref<1x128xi32, #tpu.memory_space<vmem>> -> memref<128xi32, #tpu.memory_space<vmem>>
    %dma_wait3A_112 = arith.constant 0 : i32
    %dma_wait3A_113 = arith.constant 0 : i32
    %dma_wait3A_114 = tpu.memref_slice %arg8[%dma_wait3A_112, %dma_wait3A_113] : memref<224x128xf32, #tpu.memory_space<hbm>> -> memref<224x128xf32, #tpu.memory_space<hbm>>
    tpu.wait_indirect_dma semaphore(%arg24 : memref<!tpu.dma_semaphore, #tpu.memory_space<semaphore_mem>>) src(%dma_wait3A_114 : memref<224x128xf32, #tpu.memory_space<hbm>>) dst(%arg21 : memref<128x128xf32, #tpu.memory_space<vmem>>)
    %dma_wait3A_115 = arith.constant 1 : i32
    %dma_wait3A_116 = arith.constant 0 : i32
    %dma_wait3A_117 = tpu.memref_slice %arg17[%dma_wait3A_115, %dma_wait3A_116] : memref<4x128xi32, #tpu.memory_space<vmem>> -> memref<1x128xi32, #tpu.memory_space<vmem>>
    %dma_wait3A_118 = tpu.memref_squeeze %dma_wait3A_117 : memref<1x128xi32, #tpu.memory_space<vmem>> -> memref<128xi32, #tpu.memory_space<vmem>>
    %dma_wait3A_119 = arith.constant 0 : i32
    %dma_wait3A_120 = arith.constant 0 : i32
    %dma_wait3A_121 = tpu.memref_slice %arg9[%dma_wait3A_119, %dma_wait3A_120] : memref<672x128xf32, #tpu.memory_space<hbm>> -> memref<672x128xf32, #tpu.memory_space<hbm>>
    tpu.wait_indirect_dma semaphore(%arg24 : memref<!tpu.dma_semaphore, #tpu.memory_space<semaphore_mem>>) src(%dma_wait3A_121 : memref<672x128xf32, #tpu.memory_space<hbm>>) dst(%arg22 : memref<128x128xf32, #tpu.memory_space<vmem>>)
    %add3A_122 = arith.constant 128 : i32
    %add3A_123 = arith.addi %mul3A_2, %add3A_122 : i32
    "tpu.region"() ({
      %run_scoped3A = tpu.sem_alloc : memref<!tpu.dma_semaphore, #tpu.memory_space<semaphore_mem>>
      %dma_start3A_1278 = arith.constant 0 : i32
      %dma_start3A_1279 = tpu.memref_slice %arg11[%add3A_123, %dma_start3A_1278] : memref<16384x128xf32, #tpu.memory_space<hbm>> -> memref<128x128xf32, #tpu.memory_space<hbm>>
      %dma_start3A_1280 = arith.constant 0 : i32
      %dma_start3A_1281 = tpu.memref_slice %arg11[%add3A_123, %dma_start3A_1280] : memref<16384x128xf32, #tpu.memory_space<hbm>> -> memref<128x128xf32, #tpu.memory_space<hbm>>
      tpu.enqueue_dma source(%arg20 : memref<128x128xf32, #tpu.memory_space<vmem>>) target(%dma_start3A_1281 : memref<128x128xf32, #tpu.memory_space<hbm>>) target_semaphore(%run_scoped3A : memref<!tpu.dma_semaphore, #tpu.memory_space<semaphore_mem>>)
      %dma_wait3A_1282 = arith.constant 0 : i32
      %dma_wait3A_1283 = tpu.memref_slice %arg11[%add3A_123, %dma_wait3A_1282] : memref<16384x128xf32, #tpu.memory_space<hbm>> -> memref<128x128xf32, #tpu.memory_space<hbm>>
      %dma_wait3A_1284 = arith.constant 0 : i32
      %dma_wait3A_1285 = tpu.memref_slice %arg11[%add3A_123, %dma_wait3A_1284] : memref<16384x128xf32, #tpu.memory_space<hbm>> -> memref<128x128xf32, #tpu.memory_space<hbm>>
      tpu.wait_dma2 semaphore(%run_scoped3A : memref<!tpu.dma_semaphore, #tpu.memory_space<semaphore_mem>>) src(%arg20 : memref<128x128xf32, #tpu.memory_space<vmem>>) dst(%dma_wait3A_1285 : memref<128x128xf32, #tpu.memory_space<hbm>>)
      tpu.yield
    }) : () -> ()
    %add3A_124 = arith.constant 128 : i32
    %add3A_125 = arith.addi %mul3A_2, %add3A_124 : i32
    "tpu.region"() ({
      %run_scoped3A = tpu.sem_alloc : memref<!tpu.dma_semaphore, #tpu.memory_space<semaphore_mem>>
      %dma_start3A_1278 = arith.constant 0 : i32
      %dma_start3A_1279 = tpu.memref_slice %arg12[%add3A_125, %dma_start3A_1278] : memref<16384x128xf32, #tpu.memory_space<hbm>> -> memref<128x128xf32, #tpu.memory_space<hbm>>
      %dma_start3A_1280 = arith.constant 0 : i32
      %dma_start3A_1281 = tpu.memref_slice %arg12[%add3A_125, %dma_start3A_1280] : memref<16384x128xf32, #tpu.memory_space<hbm>> -> memref<128x128xf32, #tpu.memory_space<hbm>>
      tpu.enqueue_dma source(%arg21 : memref<128x128xf32, #tpu.memory_space<vmem>>) target(%dma_start3A_1281 : memref<128x128xf32, #tpu.memory_space<hbm>>) target_semaphore(%run_scoped3A : memref<!tpu.dma_semaphore, #tpu.memory_space<semaphore_mem>>)
      %dma_wait3A_1282 = arith.constant 0 : i32
      %dma_wait3A_1283 = tpu.memref_slice %arg12[%add3A_125, %dma_wait3A_1282] : memref<16384x128xf32, #tpu.memory_space<hbm>> -> memref<128x128xf32, #tpu.memory_space<hbm>>
      %dma_wait3A_1284 = arith.constant 0 : i32
      %dma_wait3A_1285 = tpu.memref_slice %arg12[%add3A_125, %dma_wait3A_1284] : memref<16384x128xf32, #tpu.memory_space<hbm>> -> memref<128x128xf32, #tpu.memory_space<hbm>>
      tpu.wait_dma2 semaphore(%run_scoped3A : memref<!tpu.dma_semaphore, #tpu.memory_space<semaphore_mem>>) src(%arg21 : memref<128x128xf32, #tpu.memory_space<vmem>>) dst(%dma_wait3A_1285 : memref<128x128xf32, #tpu.memory_space<hbm>>)
      tpu.yield
    }) : () -> ()
    %add3A_126 = arith.constant 128 : i32
    %add3A_127 = arith.addi %mul3A_2, %add3A_126 : i32
    "tpu.region"() ({
      %run_scoped3A = tpu.sem_alloc : memref<!tpu.dma_semaphore, #tpu.memory_space<semaphore_mem>>
      %dma_start3A_1278 = arith.constant 0 : i32
      %dma_start3A_1279 = tpu.memref_slice %arg13[%add3A_127, %dma_start3A_1278] : memref<16384x128xf32, #tpu.memory_space<hbm>> -> memref<128x128xf32, #tpu.memory_space<hbm>>
      %dma_start3A_1280 = arith.constant 0 : i32
      %dma_start3A_1281 = tpu.memref_slice %arg13[%add3A_127, %dma_start3A_1280] : memref<16384x128xf32, #tpu.memory_space<hbm>> -> memref<128x128xf32, #tpu.memory_space<hbm>>
      tpu.enqueue_dma source(%arg22 : memref<128x128xf32, #tpu.memory_space<vmem>>) target(%dma_start3A_1281 : memref<128x128xf32, #tpu.memory_space<hbm>>) target_semaphore(%run_scoped3A : memref<!tpu.dma_semaphore, #tpu.memory_space<semaphore_mem>>)
      %dma_wait3A_1282 = arith.constant 0 : i32
      %dma_wait3A_1283 = tpu.memref_slice %arg13[%add3A_127, %dma_wait3A_1282] : memref<16384x128xf32, #tpu.memory_space<hbm>> -> memref<128x128xf32, #tpu.memory_space<hbm>>
      %dma_wait3A_1284 = arith.constant 0 : i32
      %dma_wait3A_1285 = tpu.memref_slice %arg13[%add3A_127, %dma_wait3A_1284] : memref<16384x128xf32, #tpu.memory_space<hbm>> -> memref<128x128xf32, #tpu.memory_space<hbm>>
      tpu.wait_dma2 semaphore(%run_scoped3A : memref<!tpu.dma_semaphore, #tpu.memory_space<semaphore_mem>>) src(%arg22 : memref<128x128xf32, #tpu.memory_space<vmem>>) dst(%dma_wait3A_1285 : memref<128x128xf32, #tpu.memory_space<hbm>>)
      tpu.yield
    }) : () -> ()
    %eq3A_128 = arith.constant 0 : i32
    %eq3A_129 = arith.cmpi eq, %arg1, %eq3A_128 : i32
    %convert_element_type3A_130 = arith.extui %eq3A_129 : i1 to i32
    %cond3A_131 = arith.constant 0 : i32
    %cond3A_132 = arith.cmpi ne, %convert_element_type3A_130, %cond3A_131 : i32
    scf.if %cond3A_132 {
      %add3A_1278 = arith.constant 1 : i32
      %add3A_1279 = arith.addi %mul3A_8, %add3A_1278 : i32
      %dma_wait3A_1280 = arith.constant 0 : i32
      %dma_wait3A_1281 = tpu.memref_slice %arg6[%add3A_1279, %dma_wait3A_1280] : memref<64x1000000xf32, #tpu.memory_space<hbm>> -> memref<1x1000000xf32, #tpu.memory_space<hbm>>
      %dma_wait3A_1282 = tpu.memref_squeeze %dma_wait3A_1281 : memref<1x1000000xf32, #tpu.memory_space<hbm>> -> memref<1000000xf32, #tpu.memory_space<hbm>>
      tpu.wait_dma2 semaphore(%arg25 : memref<!tpu.dma_semaphore, #tpu.memory_space<semaphore_mem>>) src(%dma_wait3A_1282 : memref<1000000xf32, #tpu.memory_space<hbm>>) dst(%arg23 : memref<1000000xf32, #tpu.memory_space<vmem_shared>>)
    } else {
    }
    %barrier3A_133 = arith.constant 0 : index
    tpu.barrier barrier_id(%barrier3A_133)
    %dma_start3A_134 = arith.constant 0 : i32
    %dma_start3A_135 = tpu.memref_slice %arg23[%dma_start3A_134] : memref<1000000xf32, #tpu.memory_space<vmem_shared>> -> memref<1000000xf32, #tpu.memory_space<vmem_shared>>
    tpu.enqueue_indirect_dma source(%dma_start3A_135 : memref<1000000xf32, #tpu.memory_space<vmem_shared>>) target(%arg19 : memref<1024xf32, #tpu.memory_space<vmem>>) offsets(%arg14 : memref<1024xi32, #tpu.memory_space<vmem>>) semaphore(%arg26 : memref<!tpu.dma_semaphore, #tpu.memory_space<semaphore_mem>>)
    %dma_wait3A_136 = arith.constant 0 : i32
    %dma_wait3A_137 = tpu.memref_slice %arg23[%dma_wait3A_136] : memref<1000000xf32, #tpu.memory_space<vmem_shared>> -> memref<1000000xf32, #tpu.memory_space<vmem_shared>>
    tpu.wait_indirect_dma semaphore(%arg26 : memref<!tpu.dma_semaphore, #tpu.memory_space<semaphore_mem>>) src(%dma_wait3A_137 : memref<1000000xf32, #tpu.memory_space<vmem_shared>>) dst(%arg19 : memref<1024xf32, #tpu.memory_space<vmem>>)
    %barrier3A_138 = arith.constant 0 : index
    tpu.barrier barrier_id(%barrier3A_138)
    %add3A_139 = arith.constant 1 : i32
    %add3A_140 = arith.addi %mul3A_8, %add3A_139 : i32
    %mul3A_141 = arith.constant 1024 : i32
    %mul3A_142 = arith.muli %arg1, %mul3A_141 : i32
    %dma_start3A_143 = tpu.memref_slice %arg10[%add3A_140, %mul3A_142] : memref<64x16384xf32, #tpu.memory_space<hbm>> -> memref<1x1024xf32, #tpu.memory_space<hbm>>
    %dma_start3A_144 = tpu.memref_squeeze %dma_start3A_143 : memref<1x1024xf32, #tpu.memory_space<hbm>> -> memref<1024xf32, #tpu.memory_space<hbm>>
    %dma_start3A_145 = tpu.memref_slice %arg10[%add3A_140, %mul3A_142] : memref<64x16384xf32, #tpu.memory_space<hbm>> -> memref<1x1024xf32, #tpu.memory_space<hbm>>
    %dma_start3A_146 = tpu.memref_squeeze %dma_start3A_145 : memref<1x1024xf32, #tpu.memory_space<hbm>> -> memref<1024xf32, #tpu.memory_space<hbm>>
    tpu.enqueue_dma source(%arg19 : memref<1024xf32, #tpu.memory_space<vmem>>) target(%dma_start3A_146 : memref<1024xf32, #tpu.memory_space<hbm>>) target_semaphore(%arg27 : memref<!tpu.dma_semaphore, #tpu.memory_space<semaphore_mem>>)
    %eq3A_147 = arith.constant 0 : i32
    %eq3A_148 = arith.cmpi eq, %arg1, %eq3A_147 : i32
    %convert_element_type3A_149 = arith.extui %eq3A_148 : i1 to i32
    %cond3A_150 = arith.constant 0 : i32
    %cond3A_151 = arith.cmpi ne, %convert_element_type3A_149, %cond3A_150 : i32
    scf.if %cond3A_151 {
      %add3A_1278 = arith.constant 2 : i32
      %add3A_1279 = arith.addi %mul3A_8, %add3A_1278 : i32
      %dma_start3A_1280 = arith.constant 0 : i32
      %dma_start3A_1281 = tpu.memref_slice %arg6[%add3A_1279, %dma_start3A_1280] : memref<64x1000000xf32, #tpu.memory_space<hbm>> -> memref<1x1000000xf32, #tpu.memory_space<hbm>>
      %dma_start3A_1282 = tpu.memref_squeeze %dma_start3A_1281 : memref<1x1000000xf32, #tpu.memory_space<hbm>> -> memref<1000000xf32, #tpu.memory_space<hbm>>
      tpu.enqueue_dma source(%dma_start3A_1282 : memref<1000000xf32, #tpu.memory_space<hbm>>) target(%arg23 : memref<1000000xf32, #tpu.memory_space<vmem_shared>>) target_semaphore(%arg25 : memref<!tpu.dma_semaphore, #tpu.memory_space<semaphore_mem>>)
    } else {
    }
    %dma_start3A_152 = arith.constant 2 : i32
    %dma_start3A_153 = arith.constant 0 : i32
    %dma_start3A_154 = tpu.memref_slice %arg15[%dma_start3A_152, %dma_start3A_153] : memref<4x128xi32, #tpu.memory_space<vmem>> -> memref<1x128xi32, #tpu.memory_space<vmem>>
    %dma_start3A_155 = tpu.memref_squeeze %dma_start3A_154 : memref<1x128xi32, #tpu.memory_space<vmem>> -> memref<128xi32, #tpu.memory_space<vmem>>
    %dma_start3A_156 = arith.constant 0 : i32
    %dma_start3A_157 = arith.constant 0 : i32
    %dma_start3A_158 = tpu.memref_slice %arg7[%dma_start3A_156, %dma_start3A_157] : memref<64x128xf32, #tpu.memory_space<hbm>> -> memref<64x128xf32, #tpu.memory_space<hbm>>
    tpu.enqueue_indirect_dma source(%dma_start3A_158 : memref<64x128xf32, #tpu.memory_space<hbm>>) target(%arg20 : memref<128x128xf32, #tpu.memory_space<vmem>>) offsets(%dma_start3A_155 : memref<128xi32, #tpu.memory_space<vmem>>) semaphore(%arg24 : memref<!tpu.dma_semaphore, #tpu.memory_space<semaphore_mem>>)
    %dma_start3A_159 = arith.constant 2 : i32
    %dma_start3A_160 = arith.constant 0 : i32
    %dma_start3A_161 = tpu.memref_slice %arg16[%dma_start3A_159, %dma_start3A_160] : memref<4x128xi32, #tpu.memory_space<vmem>> -> memref<1x128xi32, #tpu.memory_space<vmem>>
    %dma_start3A_162 = tpu.memref_squeeze %dma_start3A_161 : memref<1x128xi32, #tpu.memory_space<vmem>> -> memref<128xi32, #tpu.memory_space<vmem>>
    %dma_start3A_163 = arith.constant 0 : i32
    %dma_start3A_164 = arith.constant 0 : i32
    %dma_start3A_165 = tpu.memref_slice %arg8[%dma_start3A_163, %dma_start3A_164] : memref<224x128xf32, #tpu.memory_space<hbm>> -> memref<224x128xf32, #tpu.memory_space<hbm>>
    tpu.enqueue_indirect_dma source(%dma_start3A_165 : memref<224x128xf32, #tpu.memory_space<hbm>>) target(%arg21 : memref<128x128xf32, #tpu.memory_space<vmem>>) offsets(%dma_start3A_162 : memref<128xi32, #tpu.memory_space<vmem>>) semaphore(%arg24 : memref<!tpu.dma_semaphore, #tpu.memory_space<semaphore_mem>>)
    %dma_start3A_166 = arith.constant 2 : i32
    %dma_start3A_167 = arith.constant 0 : i32
    %dma_start3A_168 = tpu.memref_slice %arg17[%dma_start3A_166, %dma_start3A_167] : memref<4x128xi32, #tpu.memory_space<vmem>> -> memref<1x128xi32, #tpu.memory_space<vmem>>
    %dma_start3A_169 = tpu.memref_squeeze %dma_start3A_168 : memref<1x128xi32, #tpu.memory_space<vmem>> -> memref<128xi32, #tpu.memory_space<vmem>>
    %dma_start3A_170 = arith.constant 0 : i32
    %dma_start3A_171 = arith.constant 0 : i32
    %dma_start3A_172 = tpu.memref_slice %arg9[%dma_start3A_170, %dma_start3A_171] : memref<672x128xf32, #tpu.memory_space<hbm>> -> memref<672x128xf32, #tpu.memory_space<hbm>>
    tpu.enqueue_indirect_dma source(%dma_start3A_172 : memref<672x128xf32, #tpu.memory_space<hbm>>) target(%arg22 : memref<128x128xf32, #tpu.memory_space<vmem>>) offsets(%dma_start3A_169 : memref<128xi32, #tpu.memory_space<vmem>>) semaphore(%arg24 : memref<!tpu.dma_semaphore, #tpu.memory_space<semaphore_mem>>)
    %dma_wait3A_173 = arith.constant 2 : i32
    %dma_wait3A_174 = arith.constant 0 : i32
    %dma_wait3A_175 = tpu.memref_slice %arg15[%dma_wait3A_173, %dma_wait3A_174] : memref<4x128xi32, #tpu.memory_space<vmem>> -> memref<1x128xi32, #tpu.memory_space<vmem>>
    %dma_wait3A_176 = tpu.memref_squeeze %dma_wait3A_175 : memref<1x128xi32, #tpu.memory_space<vmem>> -> memref<128xi32, #tpu.memory_space<vmem>>
    %dma_wait3A_177 = arith.constant 0 : i32
    %dma_wait3A_178 = arith.constant 0 : i32
    %dma_wait3A_179 = tpu.memref_slice %arg7[%dma_wait3A_177, %dma_wait3A_178] : memref<64x128xf32, #tpu.memory_space<hbm>> -> memref<64x128xf32, #tpu.memory_space<hbm>>
    tpu.wait_indirect_dma semaphore(%arg24 : memref<!tpu.dma_semaphore, #tpu.memory_space<semaphore_mem>>) src(%dma_wait3A_179 : memref<64x128xf32, #tpu.memory_space<hbm>>) dst(%arg20 : memref<128x128xf32, #tpu.memory_space<vmem>>)
    %dma_wait3A_180 = arith.constant 2 : i32
    %dma_wait3A_181 = arith.constant 0 : i32
    %dma_wait3A_182 = tpu.memref_slice %arg16[%dma_wait3A_180, %dma_wait3A_181] : memref<4x128xi32, #tpu.memory_space<vmem>> -> memref<1x128xi32, #tpu.memory_space<vmem>>
    %dma_wait3A_183 = tpu.memref_squeeze %dma_wait3A_182 : memref<1x128xi32, #tpu.memory_space<vmem>> -> memref<128xi32, #tpu.memory_space<vmem>>
    %dma_wait3A_184 = arith.constant 0 : i32
    %dma_wait3A_185 = arith.constant 0 : i32
    %dma_wait3A_186 = tpu.memref_slice %arg8[%dma_wait3A_184, %dma_wait3A_185] : memref<224x128xf32, #tpu.memory_space<hbm>> -> memref<224x128xf32, #tpu.memory_space<hbm>>
    tpu.wait_indirect_dma semaphore(%arg24 : memref<!tpu.dma_semaphore, #tpu.memory_space<semaphore_mem>>) src(%dma_wait3A_186 : memref<224x128xf32, #tpu.memory_space<hbm>>) dst(%arg21 : memref<128x128xf32, #tpu.memory_space<vmem>>)
    %dma_wait3A_187 = arith.constant 2 : i32
    %dma_wait3A_188 = arith.constant 0 : i32
    %dma_wait3A_189 = tpu.memref_slice %arg17[%dma_wait3A_187, %dma_wait3A_188] : memref<4x128xi32, #tpu.memory_space<vmem>> -> memref<1x128xi32, #tpu.memory_space<vmem>>
    %dma_wait3A_190 = tpu.memref_squeeze %dma_wait3A_189 : memref<1x128xi32, #tpu.memory_space<vmem>> -> memref<128xi32, #tpu.memory_space<vmem>>
    %dma_wait3A_191 = arith.constant 0 : i32
    %dma_wait3A_192 = arith.constant 0 : i32
    %dma_wait3A_193 = tpu.memref_slice %arg9[%dma_wait3A_191, %dma_wait3A_192] : memref<672x128xf32, #tpu.memory_space<hbm>> -> memref<672x128xf32, #tpu.memory_space<hbm>>
    tpu.wait_indirect_dma semaphore(%arg24 : memref<!tpu.dma_semaphore, #tpu.memory_space<semaphore_mem>>) src(%dma_wait3A_193 : memref<672x128xf32, #tpu.memory_space<hbm>>) dst(%arg22 : memref<128x128xf32, #tpu.memory_space<vmem>>)
    %add3A_194 = arith.constant 256 : i32
    %add3A_195 = arith.addi %mul3A_2, %add3A_194 : i32
    "tpu.region"() ({
      %run_scoped3A = tpu.sem_alloc : memref<!tpu.dma_semaphore, #tpu.memory_space<semaphore_mem>>
      %dma_start3A_1278 = arith.constant 0 : i32
      %dma_start3A_1279 = tpu.memref_slice %arg11[%add3A_195, %dma_start3A_1278] : memref<16384x128xf32, #tpu.memory_space<hbm>> -> memref<128x128xf32, #tpu.memory_space<hbm>>
      %dma_start3A_1280 = arith.constant 0 : i32
      %dma_start3A_1281 = tpu.memref_slice %arg11[%add3A_195, %dma_start3A_1280] : memref<16384x128xf32, #tpu.memory_space<hbm>> -> memref<128x128xf32, #tpu.memory_space<hbm>>
      tpu.enqueue_dma source(%arg20 : memref<128x128xf32, #tpu.memory_space<vmem>>) target(%dma_start3A_1281 : memref<128x128xf32, #tpu.memory_space<hbm>>) target_semaphore(%run_scoped3A : memref<!tpu.dma_semaphore, #tpu.memory_space<semaphore_mem>>)
      %dma_wait3A_1282 = arith.constant 0 : i32
      %dma_wait3A_1283 = tpu.memref_slice %arg11[%add3A_195, %dma_wait3A_1282] : memref<16384x128xf32, #tpu.memory_space<hbm>> -> memref<128x128xf32, #tpu.memory_space<hbm>>
      %dma_wait3A_1284 = arith.constant 0 : i32
      %dma_wait3A_1285 = tpu.memref_slice %arg11[%add3A_195, %dma_wait3A_1284] : memref<16384x128xf32, #tpu.memory_space<hbm>> -> memref<128x128xf32, #tpu.memory_space<hbm>>
      tpu.wait_dma2 semaphore(%run_scoped3A : memref<!tpu.dma_semaphore, #tpu.memory_space<semaphore_mem>>) src(%arg20 : memref<128x128xf32, #tpu.memory_space<vmem>>) dst(%dma_wait3A_1285 : memref<128x128xf32, #tpu.memory_space<hbm>>)
      tpu.yield
    }) : () -> ()
    %add3A_196 = arith.constant 256 : i32
    %add3A_197 = arith.addi %mul3A_2, %add3A_196 : i32
    "tpu.region"() ({
      %run_scoped3A = tpu.sem_alloc : memref<!tpu.dma_semaphore, #tpu.memory_space<semaphore_mem>>
      %dma_start3A_1278 = arith.constant 0 : i32
      %dma_start3A_1279 = tpu.memref_slice %arg12[%add3A_197, %dma_start3A_1278] : memref<16384x128xf32, #tpu.memory_space<hbm>> -> memref<128x128xf32, #tpu.memory_space<hbm>>
      %dma_start3A_1280 = arith.constant 0 : i32
      %dma_start3A_1281 = tpu.memref_slice %arg12[%add3A_197, %dma_start3A_1280] : memref<16384x128xf32, #tpu.memory_space<hbm>> -> memref<128x128xf32, #tpu.memory_space<hbm>>
      tpu.enqueue_dma source(%arg21 : memref<128x128xf32, #tpu.memory_space<vmem>>) target(%dma_start3A_1281 : memref<128x128xf32, #tpu.memory_space<hbm>>) target_semaphore(%run_scoped3A : memref<!tpu.dma_semaphore, #tpu.memory_space<semaphore_mem>>)
      %dma_wait3A_1282 = arith.constant 0 : i32
      %dma_wait3A_1283 = tpu.memref_slice %arg12[%add3A_197, %dma_wait3A_1282] : memref<16384x128xf32, #tpu.memory_space<hbm>> -> memref<128x128xf32, #tpu.memory_space<hbm>>
      %dma_wait3A_1284 = arith.constant 0 : i32
      %dma_wait3A_1285 = tpu.memref_slice %arg12[%add3A_197, %dma_wait3A_1284] : memref<16384x128xf32, #tpu.memory_space<hbm>> -> memref<128x128xf32, #tpu.memory_space<hbm>>
      tpu.wait_dma2 semaphore(%run_scoped3A : memref<!tpu.dma_semaphore, #tpu.memory_space<semaphore_mem>>) src(%arg21 : memref<128x128xf32, #tpu.memory_space<vmem>>) dst(%dma_wait3A_1285 : memref<128x128xf32, #tpu.memory_space<hbm>>)
      tpu.yield
    }) : () -> ()
    %add3A_198 = arith.constant 256 : i32
    %add3A_199 = arith.addi %mul3A_2, %add3A_198 : i32
    "tpu.region"() ({
      %run_scoped3A = tpu.sem_alloc : memref<!tpu.dma_semaphore, #tpu.memory_space<semaphore_mem>>
      %dma_start3A_1278 = arith.constant 0 : i32
      %dma_start3A_1279 = tpu.memref_slice %arg13[%add3A_199, %dma_start3A_1278] : memref<16384x128xf32, #tpu.memory_space<hbm>> -> memref<128x128xf32, #tpu.memory_space<hbm>>
      %dma_start3A_1280 = arith.constant 0 : i32
      %dma_start3A_1281 = tpu.memref_slice %arg13[%add3A_199, %dma_start3A_1280] : memref<16384x128xf32, #tpu.memory_space<hbm>> -> memref<128x128xf32, #tpu.memory_space<hbm>>
      tpu.enqueue_dma source(%arg22 : memref<128x128xf32, #tpu.memory_space<vmem>>) target(%dma_start3A_1281 : memref<128x128xf32, #tpu.memory_space<hbm>>) target_semaphore(%run_scoped3A : memref<!tpu.dma_semaphore, #tpu.memory_space<semaphore_mem>>)
      %dma_wait3A_1282 = arith.constant 0 : i32
      %dma_wait3A_1283 = tpu.memref_slice %arg13[%add3A_199, %dma_wait3A_1282] : memref<16384x128xf32, #tpu.memory_space<hbm>> -> memref<128x128xf32, #tpu.memory_space<hbm>>
      %dma_wait3A_1284 = arith.constant 0 : i32
      %dma_wait3A_1285 = tpu.memref_slice %arg13[%add3A_199, %dma_wait3A_1284] : memref<16384x128xf32, #tpu.memory_space<hbm>> -> memref<128x128xf32, #tpu.memory_space<hbm>>
      tpu.wait_dma2 semaphore(%run_scoped3A : memref<!tpu.dma_semaphore, #tpu.memory_space<semaphore_mem>>) src(%arg22 : memref<128x128xf32, #tpu.memory_space<vmem>>) dst(%dma_wait3A_1285 : memref<128x128xf32, #tpu.memory_space<hbm>>)
      tpu.yield
    }) : () -> ()
    %add3A_200 = arith.constant 2 : i32
    %add3A_201 = arith.addi %mul3A_8, %add3A_200 : i32
    %sub3A = arith.constant 2 : i32
    %sub3A_202 = arith.subi %add3A_201, %sub3A : i32
    %mul3A_203 = arith.constant 1024 : i32
    %mul3A_204 = arith.muli %arg1, %mul3A_203 : i32
    %dma_wait3A_205 = tpu.memref_slice %arg10[%sub3A_202, %mul3A_204] : memref<64x16384xf32, #tpu.memory_space<hbm>> -> memref<1x1024xf32, #tpu.memory_space<hbm>>
    %dma_wait3A_206 = tpu.memref_squeeze %dma_wait3A_205 : memref<1x1024xf32, #tpu.memory_space<hbm>> -> memref<1024xf32, #tpu.memory_space<hbm>>
    %dma_wait3A_207 = tpu.memref_slice %arg10[%sub3A_202, %mul3A_204] : memref<64x16384xf32, #tpu.memory_space<hbm>> -> memref<1x1024xf32, #tpu.memory_space<hbm>>
    %dma_wait3A_208 = tpu.memref_squeeze %dma_wait3A_207 : memref<1x1024xf32, #tpu.memory_space<hbm>> -> memref<1024xf32, #tpu.memory_space<hbm>>
    tpu.wait_dma2 semaphore(%arg27 : memref<!tpu.dma_semaphore, #tpu.memory_space<semaphore_mem>>) src(%arg18 : memref<1024xf32, #tpu.memory_space<vmem>>) dst(%dma_wait3A_208 : memref<1024xf32, #tpu.memory_space<hbm>>)
    %eq3A_209 = arith.constant 0 : i32
    %eq3A_210 = arith.cmpi eq, %arg1, %eq3A_209 : i32
    %convert_element_type3A_211 = arith.extui %eq3A_210 : i1 to i32
    %cond3A_212 = arith.constant 0 : i32
    %cond3A_213 = arith.cmpi ne, %convert_element_type3A_211, %cond3A_212 : i32
    scf.if %cond3A_213 {
      %add3A_1278 = arith.constant 2 : i32
      %add3A_1279 = arith.addi %mul3A_8, %add3A_1278 : i32
      %dma_wait3A_1280 = arith.constant 0 : i32
      %dma_wait3A_1281 = tpu.memref_slice %arg6[%add3A_1279, %dma_wait3A_1280] : memref<64x1000000xf32, #tpu.memory_space<hbm>> -> memref<1x1000000xf32, #tpu.memory_space<hbm>>
      %dma_wait3A_1282 = tpu.memref_squeeze %dma_wait3A_1281 : memref<1x1000000xf32, #tpu.memory_space<hbm>> -> memref<1000000xf32, #tpu.memory_space<hbm>>
      tpu.wait_dma2 semaphore(%arg25 : memref<!tpu.dma_semaphore, #tpu.memory_space<semaphore_mem>>) src(%dma_wait3A_1282 : memref<1000000xf32, #tpu.memory_space<hbm>>) dst(%arg23 : memref<1000000xf32, #tpu.memory_space<vmem_shared>>)
    } else {
    }
    %barrier3A_214 = arith.constant 0 : index
    tpu.barrier barrier_id(%barrier3A_214)
    %dma_start3A_215 = arith.constant 0 : i32
    %dma_start3A_216 = tpu.memref_slice %arg23[%dma_start3A_215] : memref<1000000xf32, #tpu.memory_space<vmem_shared>> -> memref<1000000xf32, #tpu.memory_space<vmem_shared>>
    tpu.enqueue_indirect_dma source(%dma_start3A_216 : memref<1000000xf32, #tpu.memory_space<vmem_shared>>) target(%arg18 : memref<1024xf32, #tpu.memory_space<vmem>>) offsets(%arg14 : memref<1024xi32, #tpu.memory_space<vmem>>) semaphore(%arg26 : memref<!tpu.dma_semaphore, #tpu.memory_space<semaphore_mem>>)
    %dma_wait3A_217 = arith.constant 0 : i32
    %dma_wait3A_218 = tpu.memref_slice %arg23[%dma_wait3A_217] : memref<1000000xf32, #tpu.memory_space<vmem_shared>> -> memref<1000000xf32, #tpu.memory_space<vmem_shared>>
    tpu.wait_indirect_dma semaphore(%arg26 : memref<!tpu.dma_semaphore, #tpu.memory_space<semaphore_mem>>) src(%dma_wait3A_218 : memref<1000000xf32, #tpu.memory_space<vmem_shared>>) dst(%arg18 : memref<1024xf32, #tpu.memory_space<vmem>>)
    %barrier3A_219 = arith.constant 0 : index
    tpu.barrier barrier_id(%barrier3A_219)
    %add3A_220 = arith.constant 2 : i32
    %add3A_221 = arith.addi %mul3A_8, %add3A_220 : i32
    %mul3A_222 = arith.constant 1024 : i32
    %mul3A_223 = arith.muli %arg1, %mul3A_222 : i32
    %dma_start3A_224 = tpu.memref_slice %arg10[%add3A_221, %mul3A_223] : memref<64x16384xf32, #tpu.memory_space<hbm>> -> memref<1x1024xf32, #tpu.memory_space<hbm>>
    %dma_start3A_225 = tpu.memref_squeeze %dma_start3A_224 : memref<1x1024xf32, #tpu.memory_space<hbm>> -> memref<1024xf32, #tpu.memory_space<hbm>>
    %dma_start3A_226 = tpu.memref_slice %arg10[%add3A_221, %mul3A_223] : memref<64x16384xf32, #tpu.memory_space<hbm>> -> memref<1x1024xf32, #tpu.memory_space<hbm>>
    %dma_start3A_227 = tpu.memref_squeeze %dma_start3A_226 : memref<1x1024xf32, #tpu.memory_space<hbm>> -> memref<1024xf32, #tpu.memory_space<hbm>>
    tpu.enqueue_dma source(%arg18 : memref<1024xf32, #tpu.memory_space<vmem>>) target(%dma_start3A_227 : memref<1024xf32, #tpu.memory_space<hbm>>) target_semaphore(%arg27 : memref<!tpu.dma_semaphore, #tpu.memory_space<semaphore_mem>>)
    %eq3A_228 = arith.constant 0 : i32
    %eq3A_229 = arith.cmpi eq, %arg1, %eq3A_228 : i32
    %convert_element_type3A_230 = arith.extui %eq3A_229 : i1 to i32
    %cond3A_231 = arith.constant 0 : i32
    %cond3A_232 = arith.cmpi ne, %convert_element_type3A_230, %cond3A_231 : i32
    scf.if %cond3A_232 {
      %add3A_1278 = arith.constant 3 : i32
      %add3A_1279 = arith.addi %mul3A_8, %add3A_1278 : i32
      %dma_start3A_1280 = arith.constant 0 : i32
      %dma_start3A_1281 = tpu.memref_slice %arg6[%add3A_1279, %dma_start3A_1280] : memref<64x1000000xf32, #tpu.memory_space<hbm>> -> memref<1x1000000xf32, #tpu.memory_space<hbm>>
      %dma_start3A_1282 = tpu.memref_squeeze %dma_start3A_1281 : memref<1x1000000xf32, #tpu.memory_space<hbm>> -> memref<1000000xf32, #tpu.memory_space<hbm>>
      tpu.enqueue_dma source(%dma_start3A_1282 : memref<1000000xf32, #tpu.memory_space<hbm>>) target(%arg23 : memref<1000000xf32, #tpu.memory_space<vmem_shared>>) target_semaphore(%arg25 : memref<!tpu.dma_semaphore, #tpu.memory_space<semaphore_mem>>)
    } else {
    }
    %dma_start3A_233 = arith.constant 3 : i32
    %dma_start3A_234 = arith.constant 0 : i32
    %dma_start3A_235 = tpu.memref_slice %arg15[%dma_start3A_233, %dma_start3A_234] : memref<4x128xi32, #tpu.memory_space<vmem>> -> memref<1x128xi32, #tpu.memory_space<vmem>>
    %dma_start3A_236 = tpu.memref_squeeze %dma_start3A_235 : memref<1x128xi32, #tpu.memory_space<vmem>> -> memref<128xi32, #tpu.memory_space<vmem>>
    %dma_start3A_237 = arith.constant 0 : i32
    %dma_start3A_238 = arith.constant 0 : i32
    %dma_start3A_239 = tpu.memref_slice %arg7[%dma_start3A_237, %dma_start3A_238] : memref<64x128xf32, #tpu.memory_space<hbm>> -> memref<64x128xf32, #tpu.memory_space<hbm>>
    tpu.enqueue_indirect_dma source(%dma_start3A_239 : memref<64x128xf32, #tpu.memory_space<hbm>>) target(%arg20 : memref<128x128xf32, #tpu.memory_space<vmem>>) offsets(%dma_start3A_236 : memref<128xi32, #tpu.memory_space<vmem>>) semaphore(%arg24 : memref<!tpu.dma_semaphore, #tpu.memory_space<semaphore_mem>>)
    %dma_start3A_240 = arith.constant 3 : i32
    %dma_start3A_241 = arith.constant 0 : i32
    %dma_start3A_242 = tpu.memref_slice %arg16[%dma_start3A_240, %dma_start3A_241] : memref<4x128xi32, #tpu.memory_space<vmem>> -> memref<1x128xi32, #tpu.memory_space<vmem>>
    %dma_start3A_243 = tpu.memref_squeeze %dma_start3A_242 : memref<1x128xi32, #tpu.memory_space<vmem>> -> memref<128xi32, #tpu.memory_space<vmem>>
    %dma_start3A_244 = arith.constant 0 : i32
    %dma_start3A_245 = arith.constant 0 : i32
    %dma_start3A_246 = tpu.memref_slice %arg8[%dma_start3A_244, %dma_start3A_245] : memref<224x128xf32, #tpu.memory_space<hbm>> -> memref<224x128xf32, #tpu.memory_space<hbm>>
    tpu.enqueue_indirect_dma source(%dma_start3A_246 : memref<224x128xf32, #tpu.memory_space<hbm>>) target(%arg21 : memref<128x128xf32, #tpu.memory_space<vmem>>) offsets(%dma_start3A_243 : memref<128xi32, #tpu.memory_space<vmem>>) semaphore(%arg24 : memref<!tpu.dma_semaphore, #tpu.memory_space<semaphore_mem>>)
    %dma_start3A_247 = arith.constant 3 : i32
    %dma_start3A_248 = arith.constant 0 : i32
    %dma_start3A_249 = tpu.memref_slice %arg17[%dma_start3A_247, %dma_start3A_248] : memref<4x128xi32, #tpu.memory_space<vmem>> -> memref<1x128xi32, #tpu.memory_space<vmem>>
    %dma_start3A_250 = tpu.memref_squeeze %dma_start3A_249 : memref<1x128xi32, #tpu.memory_space<vmem>> -> memref<128xi32, #tpu.memory_space<vmem>>
    %dma_start3A_251 = arith.constant 0 : i32
    %dma_start3A_252 = arith.constant 0 : i32
    %dma_start3A_253 = tpu.memref_slice %arg9[%dma_start3A_251, %dma_start3A_252] : memref<672x128xf32, #tpu.memory_space<hbm>> -> memref<672x128xf32, #tpu.memory_space<hbm>>
    tpu.enqueue_indirect_dma source(%dma_start3A_253 : memref<672x128xf32, #tpu.memory_space<hbm>>) target(%arg22 : memref<128x128xf32, #tpu.memory_space<vmem>>) offsets(%dma_start3A_250 : memref<128xi32, #tpu.memory_space<vmem>>) semaphore(%arg24 : memref<!tpu.dma_semaphore, #tpu.memory_space<semaphore_mem>>)
    %dma_wait3A_254 = arith.constant 3 : i32
    %dma_wait3A_255 = arith.constant 0 : i32
    %dma_wait3A_256 = tpu.memref_slice %arg15[%dma_wait3A_254, %dma_wait3A_255] : memref<4x128xi32, #tpu.memory_space<vmem>> -> memref<1x128xi32, #tpu.memory_space<vmem>>
    %dma_wait3A_257 = tpu.memref_squeeze %dma_wait3A_256 : memref<1x128xi32, #tpu.memory_space<vmem>> -> memref<128xi32, #tpu.memory_space<vmem>>
    %dma_wait3A_258 = arith.constant 0 : i32
    %dma_wait3A_259 = arith.constant 0 : i32
    %dma_wait3A_260 = tpu.memref_slice %arg7[%dma_wait3A_258, %dma_wait3A_259] : memref<64x128xf32, #tpu.memory_space<hbm>> -> memref<64x128xf32, #tpu.memory_space<hbm>>
    tpu.wait_indirect_dma semaphore(%arg24 : memref<!tpu.dma_semaphore, #tpu.memory_space<semaphore_mem>>) src(%dma_wait3A_260 : memref<64x128xf32, #tpu.memory_space<hbm>>) dst(%arg20 : memref<128x128xf32, #tpu.memory_space<vmem>>)
    %dma_wait3A_261 = arith.constant 3 : i32
    %dma_wait3A_262 = arith.constant 0 : i32
    %dma_wait3A_263 = tpu.memref_slice %arg16[%dma_wait3A_261, %dma_wait3A_262] : memref<4x128xi32, #tpu.memory_space<vmem>> -> memref<1x128xi32, #tpu.memory_space<vmem>>
    %dma_wait3A_264 = tpu.memref_squeeze %dma_wait3A_263 : memref<1x128xi32, #tpu.memory_space<vmem>> -> memref<128xi32, #tpu.memory_space<vmem>>
    %dma_wait3A_265 = arith.constant 0 : i32
    %dma_wait3A_266 = arith.constant 0 : i32
    %dma_wait3A_267 = tpu.memref_slice %arg8[%dma_wait3A_265, %dma_wait3A_266] : memref<224x128xf32, #tpu.memory_space<hbm>> -> memref<224x128xf32, #tpu.memory_space<hbm>>
    tpu.wait_indirect_dma semaphore(%arg24 : memref<!tpu.dma_semaphore, #tpu.memory_space<semaphore_mem>>) src(%dma_wait3A_267 : memref<224x128xf32, #tpu.memory_space<hbm>>) dst(%arg21 : memref<128x128xf32, #tpu.memory_space<vmem>>)
    %dma_wait3A_268 = arith.constant 3 : i32
    %dma_wait3A_269 = arith.constant 0 : i32
    %dma_wait3A_270 = tpu.memref_slice %arg17[%dma_wait3A_268, %dma_wait3A_269] : memref<4x128xi32, #tpu.memory_space<vmem>> -> memref<1x128xi32, #tpu.memory_space<vmem>>
    %dma_wait3A_271 = tpu.memref_squeeze %dma_wait3A_270 : memref<1x128xi32, #tpu.memory_space<vmem>> -> memref<128xi32, #tpu.memory_space<vmem>>
    %dma_wait3A_272 = arith.constant 0 : i32
    %dma_wait3A_273 = arith.constant 0 : i32
    %dma_wait3A_274 = tpu.memref_slice %arg9[%dma_wait3A_272, %dma_wait3A_273] : memref<672x128xf32, #tpu.memory_space<hbm>> -> memref<672x128xf32, #tpu.memory_space<hbm>>
    tpu.wait_indirect_dma semaphore(%arg24 : memref<!tpu.dma_semaphore, #tpu.memory_space<semaphore_mem>>) src(%dma_wait3A_274 : memref<672x128xf32, #tpu.memory_space<hbm>>) dst(%arg22 : memref<128x128xf32, #tpu.memory_space<vmem>>)
    %add3A_275 = arith.constant 384 : i32
    %add3A_276 = arith.addi %mul3A_2, %add3A_275 : i32
    "tpu.region"() ({
      %run_scoped3A = tpu.sem_alloc : memref<!tpu.dma_semaphore, #tpu.memory_space<semaphore_mem>>
      %dma_start3A_1278 = arith.constant 0 : i32
      %dma_start3A_1279 = tpu.memref_slice %arg11[%add3A_276, %dma_start3A_1278] : memref<16384x128xf32, #tpu.memory_space<hbm>> -> memref<128x128xf32, #tpu.memory_space<hbm>>
      %dma_start3A_1280 = arith.constant 0 : i32
      %dma_start3A_1281 = tpu.memref_slice %arg11[%add3A_276, %dma_start3A_1280] : memref<16384x128xf32, #tpu.memory_space<hbm>> -> memref<128x128xf32, #tpu.memory_space<hbm>>
      tpu.enqueue_dma source(%arg20 : memref<128x128xf32, #tpu.memory_space<vmem>>) target(%dma_start3A_1281 : memref<128x128xf32, #tpu.memory_space<hbm>>) target_semaphore(%run_scoped3A : memref<!tpu.dma_semaphore, #tpu.memory_space<semaphore_mem>>)
      %dma_wait3A_1282 = arith.constant 0 : i32
      %dma_wait3A_1283 = tpu.memref_slice %arg11[%add3A_276, %dma_wait3A_1282] : memref<16384x128xf32, #tpu.memory_space<hbm>> -> memref<128x128xf32, #tpu.memory_space<hbm>>
      %dma_wait3A_1284 = arith.constant 0 : i32
      %dma_wait3A_1285 = tpu.memref_slice %arg11[%add3A_276, %dma_wait3A_1284] : memref<16384x128xf32, #tpu.memory_space<hbm>> -> memref<128x128xf32, #tpu.memory_space<hbm>>
      tpu.wait_dma2 semaphore(%run_scoped3A : memref<!tpu.dma_semaphore, #tpu.memory_space<semaphore_mem>>) src(%arg20 : memref<128x128xf32, #tpu.memory_space<vmem>>) dst(%dma_wait3A_1285 : memref<128x128xf32, #tpu.memory_space<hbm>>)
      tpu.yield
    }) : () -> ()
    %add3A_277 = arith.constant 384 : i32
    %add3A_278 = arith.addi %mul3A_2, %add3A_277 : i32
    "tpu.region"() ({
      %run_scoped3A = tpu.sem_alloc : memref<!tpu.dma_semaphore, #tpu.memory_space<semaphore_mem>>
      %dma_start3A_1278 = arith.constant 0 : i32
      %dma_start3A_1279 = tpu.memref_slice %arg12[%add3A_278, %dma_start3A_1278] : memref<16384x128xf32, #tpu.memory_space<hbm>> -> memref<128x128xf32, #tpu.memory_space<hbm>>
      %dma_start3A_1280 = arith.constant 0 : i32
      %dma_start3A_1281 = tpu.memref_slice %arg12[%add3A_278, %dma_start3A_1280] : memref<16384x128xf32, #tpu.memory_space<hbm>> -> memref<128x128xf32, #tpu.memory_space<hbm>>
      tpu.enqueue_dma source(%arg21 : memref<128x128xf32, #tpu.memory_space<vmem>>) target(%dma_start3A_1281 : memref<128x128xf32, #tpu.memory_space<hbm>>) target_semaphore(%run_scoped3A : memref<!tpu.dma_semaphore, #tpu.memory_space<semaphore_mem>>)
      %dma_wait3A_1282 = arith.constant 0 : i32
      %dma_wait3A_1283 = tpu.memref_slice %arg12[%add3A_278, %dma_wait3A_1282] : memref<16384x128xf32, #tpu.memory_space<hbm>> -> memref<128x128xf32, #tpu.memory_space<hbm>>
      %dma_wait3A_1284 = arith.constant 0 : i32
      %dma_wait3A_1285 = tpu.memref_slice %arg12[%add3A_278, %dma_wait3A_1284] : memref<16384x128xf32, #tpu.memory_space<hbm>> -> memref<128x128xf32, #tpu.memory_space<hbm>>
      tpu.wait_dma2 semaphore(%run_scoped3A : memref<!tpu.dma_semaphore, #tpu.memory_space<semaphore_mem>>) src(%arg21 : memref<128x128xf32, #tpu.memory_space<vmem>>) dst(%dma_wait3A_1285 : memref<128x128xf32, #tpu.memory_space<hbm>>)
      tpu.yield
    }) : () -> ()
    %add3A_279 = arith.constant 384 : i32
    %add3A_280 = arith.addi %mul3A_2, %add3A_279 : i32
    "tpu.region"() ({
      %run_scoped3A = tpu.sem_alloc : memref<!tpu.dma_semaphore, #tpu.memory_space<semaphore_mem>>
      %dma_start3A_1278 = arith.constant 0 : i32
      %dma_start3A_1279 = tpu.memref_slice %arg13[%add3A_280, %dma_start3A_1278] : memref<16384x128xf32, #tpu.memory_space<hbm>> -> memref<128x128xf32, #tpu.memory_space<hbm>>
      %dma_start3A_1280 = arith.constant 0 : i32
      %dma_start3A_1281 = tpu.memref_slice %arg13[%add3A_280, %dma_start3A_1280] : memref<16384x128xf32, #tpu.memory_space<hbm>> -> memref<128x128xf32, #tpu.memory_space<hbm>>
      tpu.enqueue_dma source(%arg22 : memref<128x128xf32, #tpu.memory_space<vmem>>) target(%dma_start3A_1281 : memref<128x128xf32, #tpu.memory_space<hbm>>) target_semaphore(%run_scoped3A : memref<!tpu.dma_semaphore, #tpu.memory_space<semaphore_mem>>)
      %dma_wait3A_1282 = arith.constant 0 : i32
      %dma_wait3A_1283 = tpu.memref_slice %arg13[%add3A_280, %dma_wait3A_1282] : memref<16384x128xf32, #tpu.memory_space<hbm>> -> memref<128x128xf32, #tpu.memory_space<hbm>>
      %dma_wait3A_1284 = arith.constant 0 : i32
      %dma_wait3A_1285 = tpu.memref_slice %arg13[%add3A_280, %dma_wait3A_1284] : memref<16384x128xf32, #tpu.memory_space<hbm>> -> memref<128x128xf32, #tpu.memory_space<hbm>>
      tpu.wait_dma2 semaphore(%run_scoped3A : memref<!tpu.dma_semaphore, #tpu.memory_space<semaphore_mem>>) src(%arg22 : memref<128x128xf32, #tpu.memory_space<vmem>>) dst(%dma_wait3A_1285 : memref<128x128xf32, #tpu.memory_space<hbm>>)
      tpu.yield
    }) : () -> ()
    %add3A_281 = arith.constant 3 : i32
    %add3A_282 = arith.addi %mul3A_8, %add3A_281 : i32
    %sub3A_283 = arith.constant 2 : i32
    %sub3A_284 = arith.subi %add3A_282, %sub3A_283 : i32
    %mul3A_285 = arith.constant 1024 : i32
    %mul3A_286 = arith.muli %arg1, %mul3A_285 : i32
    %dma_wait3A_287 = tpu.memref_slice %arg10[%sub3A_284, %mul3A_286] : memref<64x16384xf32, #tpu.memory_space<hbm>> -> memref<1x1024xf32, #tpu.memory_space<hbm>>
    %dma_wait3A_288 = tpu.memref_squeeze %dma_wait3A_287 : memref<1x1024xf32, #tpu.memory_space<hbm>> -> memref<1024xf32, #tpu.memory_space<hbm>>
    %dma_wait3A_289 = tpu.memref_slice %arg10[%sub3A_284, %mul3A_286] : memref<64x16384xf32, #tpu.memory_space<hbm>> -> memref<1x1024xf32, #tpu.memory_space<hbm>>
    %dma_wait3A_290 = tpu.memref_squeeze %dma_wait3A_289 : memref<1x1024xf32, #tpu.memory_space<hbm>> -> memref<1024xf32, #tpu.memory_space<hbm>>
    tpu.wait_dma2 semaphore(%arg27 : memref<!tpu.dma_semaphore, #tpu.memory_space<semaphore_mem>>) src(%arg19 : memref<1024xf32, #tpu.memory_space<vmem>>) dst(%dma_wait3A_290 : memref<1024xf32, #tpu.memory_space<hbm>>)
    %eq3A_291 = arith.constant 0 : i32
    %eq3A_292 = arith.cmpi eq, %arg1, %eq3A_291 : i32
    %convert_element_type3A_293 = arith.extui %eq3A_292 : i1 to i32
    %cond3A_294 = arith.constant 0 : i32
    %cond3A_295 = arith.cmpi ne, %convert_element_type3A_293, %cond3A_294 : i32
    scf.if %cond3A_295 {
      %add3A_1278 = arith.constant 3 : i32
      %add3A_1279 = arith.addi %mul3A_8, %add3A_1278 : i32
      %dma_wait3A_1280 = arith.constant 0 : i32
      %dma_wait3A_1281 = tpu.memref_slice %arg6[%add3A_1279, %dma_wait3A_1280] : memref<64x1000000xf32, #tpu.memory_space<hbm>> -> memref<1x1000000xf32, #tpu.memory_space<hbm>>
      %dma_wait3A_1282 = tpu.memref_squeeze %dma_wait3A_1281 : memref<1x1000000xf32, #tpu.memory_space<hbm>> -> memref<1000000xf32, #tpu.memory_space<hbm>>
      tpu.wait_dma2 semaphore(%arg25 : memref<!tpu.dma_semaphore, #tpu.memory_space<semaphore_mem>>) src(%dma_wait3A_1282 : memref<1000000xf32, #tpu.memory_space<hbm>>) dst(%arg23 : memref<1000000xf32, #tpu.memory_space<vmem_shared>>)
    } else {
    }
    %barrier3A_296 = arith.constant 0 : index
    tpu.barrier barrier_id(%barrier3A_296)
    %dma_start3A_297 = arith.constant 0 : i32
    %dma_start3A_298 = tpu.memref_slice %arg23[%dma_start3A_297] : memref<1000000xf32, #tpu.memory_space<vmem_shared>> -> memref<1000000xf32, #tpu.memory_space<vmem_shared>>
    tpu.enqueue_indirect_dma source(%dma_start3A_298 : memref<1000000xf32, #tpu.memory_space<vmem_shared>>) target(%arg19 : memref<1024xf32, #tpu.memory_space<vmem>>) offsets(%arg14 : memref<1024xi32, #tpu.memory_space<vmem>>) semaphore(%arg26 : memref<!tpu.dma_semaphore, #tpu.memory_space<semaphore_mem>>)
    %dma_wait3A_299 = arith.constant 0 : i32
    %dma_wait3A_300 = tpu.memref_slice %arg23[%dma_wait3A_299] : memref<1000000xf32, #tpu.memory_space<vmem_shared>> -> memref<1000000xf32, #tpu.memory_space<vmem_shared>>
    tpu.wait_indirect_dma semaphore(%arg26 : memref<!tpu.dma_semaphore, #tpu.memory_space<semaphore_mem>>) src(%dma_wait3A_300 : memref<1000000xf32, #tpu.memory_space<vmem_shared>>) dst(%arg19 : memref<1024xf32, #tpu.memory_space<vmem>>)
    %barrier3A_301 = arith.constant 0 : index
    tpu.barrier barrier_id(%barrier3A_301)
    %add3A_302 = arith.constant 3 : i32
    %add3A_303 = arith.addi %mul3A_8, %add3A_302 : i32
    %mul3A_304 = arith.constant 1024 : i32
    %mul3A_305 = arith.muli %arg1, %mul3A_304 : i32
    %dma_start3A_306 = tpu.memref_slice %arg10[%add3A_303, %mul3A_305] : memref<64x16384xf32, #tpu.memory_space<hbm>> -> memref<1x1024xf32, #tpu.memory_space<hbm>>
    %dma_start3A_307 = tpu.memref_squeeze %dma_start3A_306 : memref<1x1024xf32, #tpu.memory_space<hbm>> -> memref<1024xf32, #tpu.memory_space<hbm>>
    %dma_start3A_308 = tpu.memref_slice %arg10[%add3A_303, %mul3A_305] : memref<64x16384xf32, #tpu.memory_space<hbm>> -> memref<1x1024xf32, #tpu.memory_space<hbm>>
    %dma_start3A_309 = tpu.memref_squeeze %dma_start3A_308 : memref<1x1024xf32, #tpu.memory_space<hbm>> -> memref<1024xf32, #tpu.memory_space<hbm>>
    tpu.enqueue_dma source(%arg19 : memref<1024xf32, #tpu.memory_space<vmem>>) target(%dma_start3A_309 : memref<1024xf32, #tpu.memory_space<hbm>>) target_semaphore(%arg27 : memref<!tpu.dma_semaphore, #tpu.memory_space<semaphore_mem>>)
    %eq3A_310 = arith.constant 0 : i32
    %eq3A_311 = arith.cmpi eq, %arg1, %eq3A_310 : i32
    %convert_element_type3A_312 = arith.extui %eq3A_311 : i1 to i32
    %cond3A_313 = arith.constant 0 : i32
    %cond3A_314 = arith.cmpi ne, %convert_element_type3A_312, %cond3A_313 : i32
    scf.if %cond3A_314 {
      %add3A_1278 = arith.constant 4 : i32
      %add3A_1279 = arith.addi %mul3A_8, %add3A_1278 : i32
      %dma_start3A_1280 = arith.constant 0 : i32
      %dma_start3A_1281 = tpu.memref_slice %arg6[%add3A_1279, %dma_start3A_1280] : memref<64x1000000xf32, #tpu.memory_space<hbm>> -> memref<1x1000000xf32, #tpu.memory_space<hbm>>
      %dma_start3A_1282 = tpu.memref_squeeze %dma_start3A_1281 : memref<1x1000000xf32, #tpu.memory_space<hbm>> -> memref<1000000xf32, #tpu.memory_space<hbm>>
      tpu.enqueue_dma source(%dma_start3A_1282 : memref<1000000xf32, #tpu.memory_space<hbm>>) target(%arg23 : memref<1000000xf32, #tpu.memory_space<vmem_shared>>) target_semaphore(%arg25 : memref<!tpu.dma_semaphore, #tpu.memory_space<semaphore_mem>>)
    } else {
    }
    %add3A_315 = arith.constant 4 : i32
    %add3A_316 = arith.addi %mul3A_8, %add3A_315 : i32
    %sub3A_317 = arith.constant 2 : i32
    %sub3A_318 = arith.subi %add3A_316, %sub3A_317 : i32
    %mul3A_319 = arith.constant 1024 : i32
    %mul3A_320 = arith.muli %arg1, %mul3A_319 : i32
    %dma_wait3A_321 = tpu.memref_slice %arg10[%sub3A_318, %mul3A_320] : memref<64x16384xf32, #tpu.memory_space<hbm>> -> memref<1x1024xf32, #tpu.memory_space<hbm>>
    %dma_wait3A_322 = tpu.memref_squeeze %dma_wait3A_321 : memref<1x1024xf32, #tpu.memory_space<hbm>> -> memref<1024xf32, #tpu.memory_space<hbm>>
    %dma_wait3A_323 = tpu.memref_slice %arg10[%sub3A_318, %mul3A_320] : memref<64x16384xf32, #tpu.memory_space<hbm>> -> memref<1x1024xf32, #tpu.memory_space<hbm>>
    %dma_wait3A_324 = tpu.memref_squeeze %dma_wait3A_323 : memref<1x1024xf32, #tpu.memory_space<hbm>> -> memref<1024xf32, #tpu.memory_space<hbm>>
    tpu.wait_dma2 semaphore(%arg27 : memref<!tpu.dma_semaphore, #tpu.memory_space<semaphore_mem>>) src(%arg18 : memref<1024xf32, #tpu.memory_space<vmem>>) dst(%dma_wait3A_324 : memref<1024xf32, #tpu.memory_space<hbm>>)
    %eq3A_325 = arith.constant 0 : i32
    %eq3A_326 = arith.cmpi eq, %arg1, %eq3A_325 : i32
    %convert_element_type3A_327 = arith.extui %eq3A_326 : i1 to i32
    %cond3A_328 = arith.constant 0 : i32
    %cond3A_329 = arith.cmpi ne, %convert_element_type3A_327, %cond3A_328 : i32
    scf.if %cond3A_329 {
      %add3A_1278 = arith.constant 4 : i32
      %add3A_1279 = arith.addi %mul3A_8, %add3A_1278 : i32
      %dma_wait3A_1280 = arith.constant 0 : i32
      %dma_wait3A_1281 = tpu.memref_slice %arg6[%add3A_1279, %dma_wait3A_1280] : memref<64x1000000xf32, #tpu.memory_space<hbm>> -> memref<1x1000000xf32, #tpu.memory_space<hbm>>
      %dma_wait3A_1282 = tpu.memref_squeeze %dma_wait3A_1281 : memref<1x1000000xf32, #tpu.memory_space<hbm>> -> memref<1000000xf32, #tpu.memory_space<hbm>>
      tpu.wait_dma2 semaphore(%arg25 : memref<!tpu.dma_semaphore, #tpu.memory_space<semaphore_mem>>) src(%dma_wait3A_1282 : memref<1000000xf32, #tpu.memory_space<hbm>>) dst(%arg23 : memref<1000000xf32, #tpu.memory_space<vmem_shared>>)
    } else {
    }
    %barrier3A_330 = arith.constant 0 : index
    tpu.barrier barrier_id(%barrier3A_330)
    %dma_start3A_331 = arith.constant 0 : i32
    %dma_start3A_332 = tpu.memref_slice %arg23[%dma_start3A_331] : memref<1000000xf32, #tpu.memory_space<vmem_shared>> -> memref<1000000xf32, #tpu.memory_space<vmem_shared>>
    tpu.enqueue_indirect_dma source(%dma_start3A_332 : memref<1000000xf32, #tpu.memory_space<vmem_shared>>) target(%arg18 : memref<1024xf32, #tpu.memory_space<vmem>>) offsets(%arg14 : memref<1024xi32, #tpu.memory_space<vmem>>) semaphore(%arg26 : memref<!tpu.dma_semaphore, #tpu.memory_space<semaphore_mem>>)
    %dma_wait3A_333 = arith.constant 0 : i32
    %dma_wait3A_334 = tpu.memref_slice %arg23[%dma_wait3A_333] : memref<1000000xf32, #tpu.memory_space<vmem_shared>> -> memref<1000000xf32, #tpu.memory_space<vmem_shared>>
    tpu.wait_indirect_dma semaphore(%arg26 : memref<!tpu.dma_semaphore, #tpu.memory_space<semaphore_mem>>) src(%dma_wait3A_334 : memref<1000000xf32, #tpu.memory_space<vmem_shared>>) dst(%arg18 : memref<1024xf32, #tpu.memory_space<vmem>>)
    %barrier3A_335 = arith.constant 0 : index
    tpu.barrier barrier_id(%barrier3A_335)
    %add3A_336 = arith.constant 4 : i32
    %add3A_337 = arith.addi %mul3A_8, %add3A_336 : i32
    %mul3A_338 = arith.constant 1024 : i32
    %mul3A_339 = arith.muli %arg1, %mul3A_338 : i32
    %dma_start3A_340 = tpu.memref_slice %arg10[%add3A_337, %mul3A_339] : memref<64x16384xf32, #tpu.memory_space<hbm>> -> memref<1x1024xf32, #tpu.memory_space<hbm>>
    %dma_start3A_341 = tpu.memref_squeeze %dma_start3A_340 : memref<1x1024xf32, #tpu.memory_space<hbm>> -> memref<1024xf32, #tpu.memory_space<hbm>>
    %dma_start3A_342 = tpu.memref_slice %arg10[%add3A_337, %mul3A_339] : memref<64x16384xf32, #tpu.memory_space<hbm>> -> memref<1x1024xf32, #tpu.memory_space<hbm>>
    %dma_start3A_343 = tpu.memref_squeeze %dma_start3A_342 : memref<1x1024xf32, #tpu.memory_space<hbm>> -> memref<1024xf32, #tpu.memory_space<hbm>>
    tpu.enqueue_dma source(%arg18 : memref<1024xf32, #tpu.memory_space<vmem>>) target(%dma_start3A_343 : memref<1024xf32, #tpu.memory_space<hbm>>) target_semaphore(%arg27 : memref<!tpu.dma_semaphore, #tpu.memory_space<semaphore_mem>>)
    %eq3A_344 = arith.constant 0 : i32
    %eq3A_345 = arith.cmpi eq, %arg1, %eq3A_344 : i32
    %convert_element_type3A_346 = arith.extui %eq3A_345 : i1 to i32
    %cond3A_347 = arith.constant 0 : i32
    %cond3A_348 = arith.cmpi ne, %convert_element_type3A_346, %cond3A_347 : i32
    scf.if %cond3A_348 {
      %add3A_1278 = arith.constant 5 : i32
      %add3A_1279 = arith.addi %mul3A_8, %add3A_1278 : i32
      %dma_start3A_1280 = arith.constant 0 : i32
      %dma_start3A_1281 = tpu.memref_slice %arg6[%add3A_1279, %dma_start3A_1280] : memref<64x1000000xf32, #tpu.memory_space<hbm>> -> memref<1x1000000xf32, #tpu.memory_space<hbm>>
      %dma_start3A_1282 = tpu.memref_squeeze %dma_start3A_1281 : memref<1x1000000xf32, #tpu.memory_space<hbm>> -> memref<1000000xf32, #tpu.memory_space<hbm>>
      tpu.enqueue_dma source(%dma_start3A_1282 : memref<1000000xf32, #tpu.memory_space<hbm>>) target(%arg23 : memref<1000000xf32, #tpu.memory_space<vmem_shared>>) target_semaphore(%arg25 : memref<!tpu.dma_semaphore, #tpu.memory_space<semaphore_mem>>)
    } else {
    }
    %add3A_349 = arith.constant 5 : i32
    %add3A_350 = arith.addi %mul3A_8, %add3A_349 : i32
    %sub3A_351 = arith.constant 2 : i32
    %sub3A_352 = arith.subi %add3A_350, %sub3A_351 : i32
    %mul3A_353 = arith.constant 1024 : i32
    %mul3A_354 = arith.muli %arg1, %mul3A_353 : i32
    %dma_wait3A_355 = tpu.memref_slice %arg10[%sub3A_352, %mul3A_354] : memref<64x16384xf32, #tpu.memory_space<hbm>> -> memref<1x1024xf32, #tpu.memory_space<hbm>>
    %dma_wait3A_356 = tpu.memref_squeeze %dma_wait3A_355 : memref<1x1024xf32, #tpu.memory_space<hbm>> -> memref<1024xf32, #tpu.memory_space<hbm>>
    %dma_wait3A_357 = tpu.memref_slice %arg10[%sub3A_352, %mul3A_354] : memref<64x16384xf32, #tpu.memory_space<hbm>> -> memref<1x1024xf32, #tpu.memory_space<hbm>>
    %dma_wait3A_358 = tpu.memref_squeeze %dma_wait3A_357 : memref<1x1024xf32, #tpu.memory_space<hbm>> -> memref<1024xf32, #tpu.memory_space<hbm>>
    tpu.wait_dma2 semaphore(%arg27 : memref<!tpu.dma_semaphore, #tpu.memory_space<semaphore_mem>>) src(%arg19 : memref<1024xf32, #tpu.memory_space<vmem>>) dst(%dma_wait3A_358 : memref<1024xf32, #tpu.memory_space<hbm>>)
    %eq3A_359 = arith.constant 0 : i32
    %eq3A_360 = arith.cmpi eq, %arg1, %eq3A_359 : i32
    %convert_element_type3A_361 = arith.extui %eq3A_360 : i1 to i32
    %cond3A_362 = arith.constant 0 : i32
    %cond3A_363 = arith.cmpi ne, %convert_element_type3A_361, %cond3A_362 : i32
    scf.if %cond3A_363 {
      %add3A_1278 = arith.constant 5 : i32
      %add3A_1279 = arith.addi %mul3A_8, %add3A_1278 : i32
      %dma_wait3A_1280 = arith.constant 0 : i32
      %dma_wait3A_1281 = tpu.memref_slice %arg6[%add3A_1279, %dma_wait3A_1280] : memref<64x1000000xf32, #tpu.memory_space<hbm>> -> memref<1x1000000xf32, #tpu.memory_space<hbm>>
      %dma_wait3A_1282 = tpu.memref_squeeze %dma_wait3A_1281 : memref<1x1000000xf32, #tpu.memory_space<hbm>> -> memref<1000000xf32, #tpu.memory_space<hbm>>
      tpu.wait_dma2 semaphore(%arg25 : memref<!tpu.dma_semaphore, #tpu.memory_space<semaphore_mem>>) src(%dma_wait3A_1282 : memref<1000000xf32, #tpu.memory_space<hbm>>) dst(%arg23 : memref<1000000xf32, #tpu.memory_space<vmem_shared>>)
    } else {
    }
    %barrier3A_364 = arith.constant 0 : index
    tpu.barrier barrier_id(%barrier3A_364)
    %dma_start3A_365 = arith.constant 0 : i32
    %dma_start3A_366 = tpu.memref_slice %arg23[%dma_start3A_365] : memref<1000000xf32, #tpu.memory_space<vmem_shared>> -> memref<1000000xf32, #tpu.memory_space<vmem_shared>>
    tpu.enqueue_indirect_dma source(%dma_start3A_366 : memref<1000000xf32, #tpu.memory_space<vmem_shared>>) target(%arg19 : memref<1024xf32, #tpu.memory_space<vmem>>) offsets(%arg14 : memref<1024xi32, #tpu.memory_space<vmem>>) semaphore(%arg26 : memref<!tpu.dma_semaphore, #tpu.memory_space<semaphore_mem>>)
    %dma_wait3A_367 = arith.constant 0 : i32
    %dma_wait3A_368 = tpu.memref_slice %arg23[%dma_wait3A_367] : memref<1000000xf32, #tpu.memory_space<vmem_shared>> -> memref<1000000xf32, #tpu.memory_space<vmem_shared>>
    tpu.wait_indirect_dma semaphore(%arg26 : memref<!tpu.dma_semaphore, #tpu.memory_space<semaphore_mem>>) src(%dma_wait3A_368 : memref<1000000xf32, #tpu.memory_space<vmem_shared>>) dst(%arg19 : memref<1024xf32, #tpu.memory_space<vmem>>)
    %barrier3A_369 = arith.constant 0 : index
    tpu.barrier barrier_id(%barrier3A_369)
    %add3A_370 = arith.constant 5 : i32
    %add3A_371 = arith.addi %mul3A_8, %add3A_370 : i32
    %mul3A_372 = arith.constant 1024 : i32
    %mul3A_373 = arith.muli %arg1, %mul3A_372 : i32
    %dma_start3A_374 = tpu.memref_slice %arg10[%add3A_371, %mul3A_373] : memref<64x16384xf32, #tpu.memory_space<hbm>> -> memref<1x1024xf32, #tpu.memory_space<hbm>>
    %dma_start3A_375 = tpu.memref_squeeze %dma_start3A_374 : memref<1x1024xf32, #tpu.memory_space<hbm>> -> memref<1024xf32, #tpu.memory_space<hbm>>
    %dma_start3A_376 = tpu.memref_slice %arg10[%add3A_371, %mul3A_373] : memref<64x16384xf32, #tpu.memory_space<hbm>> -> memref<1x1024xf32, #tpu.memory_space<hbm>>
    %dma_start3A_377 = tpu.memref_squeeze %dma_start3A_376 : memref<1x1024xf32, #tpu.memory_space<hbm>> -> memref<1024xf32, #tpu.memory_space<hbm>>
    tpu.enqueue_dma source(%arg19 : memref<1024xf32, #tpu.memory_space<vmem>>) target(%dma_start3A_377 : memref<1024xf32, #tpu.memory_space<hbm>>) target_semaphore(%arg27 : memref<!tpu.dma_semaphore, #tpu.memory_space<semaphore_mem>>)
    %eq3A_378 = arith.constant 0 : i32
    %eq3A_379 = arith.cmpi eq, %arg1, %eq3A_378 : i32
    %convert_element_type3A_380 = arith.extui %eq3A_379 : i1 to i32
    %cond3A_381 = arith.constant 0 : i32
    %cond3A_382 = arith.cmpi ne, %convert_element_type3A_380, %cond3A_381 : i32
    scf.if %cond3A_382 {
      %add3A_1278 = arith.constant 6 : i32
      %add3A_1279 = arith.addi %mul3A_8, %add3A_1278 : i32
      %dma_start3A_1280 = arith.constant 0 : i32
      %dma_start3A_1281 = tpu.memref_slice %arg6[%add3A_1279, %dma_start3A_1280] : memref<64x1000000xf32, #tpu.memory_space<hbm>> -> memref<1x1000000xf32, #tpu.memory_space<hbm>>
      %dma_start3A_1282 = tpu.memref_squeeze %dma_start3A_1281 : memref<1x1000000xf32, #tpu.memory_space<hbm>> -> memref<1000000xf32, #tpu.memory_space<hbm>>
      tpu.enqueue_dma source(%dma_start3A_1282 : memref<1000000xf32, #tpu.memory_space<hbm>>) target(%arg23 : memref<1000000xf32, #tpu.memory_space<vmem_shared>>) target_semaphore(%arg25 : memref<!tpu.dma_semaphore, #tpu.memory_space<semaphore_mem>>)
    } else {
    }
    %add3A_383 = arith.constant 6 : i32
    %add3A_384 = arith.addi %mul3A_8, %add3A_383 : i32
    %sub3A_385 = arith.constant 2 : i32
    %sub3A_386 = arith.subi %add3A_384, %sub3A_385 : i32
    %mul3A_387 = arith.constant 1024 : i32
    %mul3A_388 = arith.muli %arg1, %mul3A_387 : i32
    %dma_wait3A_389 = tpu.memref_slice %arg10[%sub3A_386, %mul3A_388] : memref<64x16384xf32, #tpu.memory_space<hbm>> -> memref<1x1024xf32, #tpu.memory_space<hbm>>
    %dma_wait3A_390 = tpu.memref_squeeze %dma_wait3A_389 : memref<1x1024xf32, #tpu.memory_space<hbm>> -> memref<1024xf32, #tpu.memory_space<hbm>>
    %dma_wait3A_391 = tpu.memref_slice %arg10[%sub3A_386, %mul3A_388] : memref<64x16384xf32, #tpu.memory_space<hbm>> -> memref<1x1024xf32, #tpu.memory_space<hbm>>
    %dma_wait3A_392 = tpu.memref_squeeze %dma_wait3A_391 : memref<1x1024xf32, #tpu.memory_space<hbm>> -> memref<1024xf32, #tpu.memory_space<hbm>>
    tpu.wait_dma2 semaphore(%arg27 : memref<!tpu.dma_semaphore, #tpu.memory_space<semaphore_mem>>) src(%arg18 : memref<1024xf32, #tpu.memory_space<vmem>>) dst(%dma_wait3A_392 : memref<1024xf32, #tpu.memory_space<hbm>>)
    %eq3A_393 = arith.constant 0 : i32
    %eq3A_394 = arith.cmpi eq, %arg1, %eq3A_393 : i32
    %convert_element_type3A_395 = arith.extui %eq3A_394 : i1 to i32
    %cond3A_396 = arith.constant 0 : i32
    %cond3A_397 = arith.cmpi ne, %convert_element_type3A_395, %cond3A_396 : i32
    scf.if %cond3A_397 {
      %add3A_1278 = arith.constant 6 : i32
      %add3A_1279 = arith.addi %mul3A_8, %add3A_1278 : i32
      %dma_wait3A_1280 = arith.constant 0 : i32
      %dma_wait3A_1281 = tpu.memref_slice %arg6[%add3A_1279, %dma_wait3A_1280] : memref<64x1000000xf32, #tpu.memory_space<hbm>> -> memref<1x1000000xf32, #tpu.memory_space<hbm>>
      %dma_wait3A_1282 = tpu.memref_squeeze %dma_wait3A_1281 : memref<1x1000000xf32, #tpu.memory_space<hbm>> -> memref<1000000xf32, #tpu.memory_space<hbm>>
      tpu.wait_dma2 semaphore(%arg25 : memref<!tpu.dma_semaphore, #tpu.memory_space<semaphore_mem>>) src(%dma_wait3A_1282 : memref<1000000xf32, #tpu.memory_space<hbm>>) dst(%arg23 : memref<1000000xf32, #tpu.memory_space<vmem_shared>>)
    } else {
    }
    %barrier3A_398 = arith.constant 0 : index
    tpu.barrier barrier_id(%barrier3A_398)
    %dma_start3A_399 = arith.constant 0 : i32
    %dma_start3A_400 = tpu.memref_slice %arg23[%dma_start3A_399] : memref<1000000xf32, #tpu.memory_space<vmem_shared>> -> memref<1000000xf32, #tpu.memory_space<vmem_shared>>
    tpu.enqueue_indirect_dma source(%dma_start3A_400 : memref<1000000xf32, #tpu.memory_space<vmem_shared>>) target(%arg18 : memref<1024xf32, #tpu.memory_space<vmem>>) offsets(%arg14 : memref<1024xi32, #tpu.memory_space<vmem>>) semaphore(%arg26 : memref<!tpu.dma_semaphore, #tpu.memory_space<semaphore_mem>>)
    %dma_wait3A_401 = arith.constant 0 : i32
    %dma_wait3A_402 = tpu.memref_slice %arg23[%dma_wait3A_401] : memref<1000000xf32, #tpu.memory_space<vmem_shared>> -> memref<1000000xf32, #tpu.memory_space<vmem_shared>>
    tpu.wait_indirect_dma semaphore(%arg26 : memref<!tpu.dma_semaphore, #tpu.memory_space<semaphore_mem>>) src(%dma_wait3A_402 : memref<1000000xf32, #tpu.memory_space<vmem_shared>>) dst(%arg18 : memref<1024xf32, #tpu.memory_space<vmem>>)
    %barrier3A_403 = arith.constant 0 : index
    tpu.barrier barrier_id(%barrier3A_403)
    %add3A_404 = arith.constant 6 : i32
    %add3A_405 = arith.addi %mul3A_8, %add3A_404 : i32
    %mul3A_406 = arith.constant 1024 : i32
    %mul3A_407 = arith.muli %arg1, %mul3A_406 : i32
    %dma_start3A_408 = tpu.memref_slice %arg10[%add3A_405, %mul3A_407] : memref<64x16384xf32, #tpu.memory_space<hbm>> -> memref<1x1024xf32, #tpu.memory_space<hbm>>
    %dma_start3A_409 = tpu.memref_squeeze %dma_start3A_408 : memref<1x1024xf32, #tpu.memory_space<hbm>> -> memref<1024xf32, #tpu.memory_space<hbm>>
    %dma_start3A_410 = tpu.memref_slice %arg10[%add3A_405, %mul3A_407] : memref<64x16384xf32, #tpu.memory_space<hbm>> -> memref<1x1024xf32, #tpu.memory_space<hbm>>
    %dma_start3A_411 = tpu.memref_squeeze %dma_start3A_410 : memref<1x1024xf32, #tpu.memory_space<hbm>> -> memref<1024xf32, #tpu.memory_space<hbm>>
    tpu.enqueue_dma source(%arg18 : memref<1024xf32, #tpu.memory_space<vmem>>) target(%dma_start3A_411 : memref<1024xf32, #tpu.memory_space<hbm>>) target_semaphore(%arg27 : memref<!tpu.dma_semaphore, #tpu.memory_space<semaphore_mem>>)
    %eq3A_412 = arith.constant 0 : i32
    %eq3A_413 = arith.cmpi eq, %arg1, %eq3A_412 : i32
    %convert_element_type3A_414 = arith.extui %eq3A_413 : i1 to i32
    %cond3A_415 = arith.constant 0 : i32
    %cond3A_416 = arith.cmpi ne, %convert_element_type3A_414, %cond3A_415 : i32
    scf.if %cond3A_416 {
      %add3A_1278 = arith.constant 7 : i32
      %add3A_1279 = arith.addi %mul3A_8, %add3A_1278 : i32
      %dma_start3A_1280 = arith.constant 0 : i32
      %dma_start3A_1281 = tpu.memref_slice %arg6[%add3A_1279, %dma_start3A_1280] : memref<64x1000000xf32, #tpu.memory_space<hbm>> -> memref<1x1000000xf32, #tpu.memory_space<hbm>>
      %dma_start3A_1282 = tpu.memref_squeeze %dma_start3A_1281 : memref<1x1000000xf32, #tpu.memory_space<hbm>> -> memref<1000000xf32, #tpu.memory_space<hbm>>
      tpu.enqueue_dma source(%dma_start3A_1282 : memref<1000000xf32, #tpu.memory_space<hbm>>) target(%arg23 : memref<1000000xf32, #tpu.memory_space<vmem_shared>>) target_semaphore(%arg25 : memref<!tpu.dma_semaphore, #tpu.memory_space<semaphore_mem>>)
    } else {
    }
    %add3A_417 = arith.constant 7 : i32
    %add3A_418 = arith.addi %mul3A_8, %add3A_417 : i32
    %sub3A_419 = arith.constant 2 : i32
    %sub3A_420 = arith.subi %add3A_418, %sub3A_419 : i32
    %mul3A_421 = arith.constant 1024 : i32
    %mul3A_422 = arith.muli %arg1, %mul3A_421 : i32
    %dma_wait3A_423 = tpu.memref_slice %arg10[%sub3A_420, %mul3A_422] : memref<64x16384xf32, #tpu.memory_space<hbm>> -> memref<1x1024xf32, #tpu.memory_space<hbm>>
    %dma_wait3A_424 = tpu.memref_squeeze %dma_wait3A_423 : memref<1x1024xf32, #tpu.memory_space<hbm>> -> memref<1024xf32, #tpu.memory_space<hbm>>
    %dma_wait3A_425 = tpu.memref_slice %arg10[%sub3A_420, %mul3A_422] : memref<64x16384xf32, #tpu.memory_space<hbm>> -> memref<1x1024xf32, #tpu.memory_space<hbm>>
    %dma_wait3A_426 = tpu.memref_squeeze %dma_wait3A_425 : memref<1x1024xf32, #tpu.memory_space<hbm>> -> memref<1024xf32, #tpu.memory_space<hbm>>
    tpu.wait_dma2 semaphore(%arg27 : memref<!tpu.dma_semaphore, #tpu.memory_space<semaphore_mem>>) src(%arg19 : memref<1024xf32, #tpu.memory_space<vmem>>) dst(%dma_wait3A_426 : memref<1024xf32, #tpu.memory_space<hbm>>)
    %eq3A_427 = arith.constant 0 : i32
    %eq3A_428 = arith.cmpi eq, %arg1, %eq3A_427 : i32
    %convert_element_type3A_429 = arith.extui %eq3A_428 : i1 to i32
    %cond3A_430 = arith.constant 0 : i32
    %cond3A_431 = arith.cmpi ne, %convert_element_type3A_429, %cond3A_430 : i32
    scf.if %cond3A_431 {
      %add3A_1278 = arith.constant 7 : i32
      %add3A_1279 = arith.addi %mul3A_8, %add3A_1278 : i32
      %dma_wait3A_1280 = arith.constant 0 : i32
      %dma_wait3A_1281 = tpu.memref_slice %arg6[%add3A_1279, %dma_wait3A_1280] : memref<64x1000000xf32, #tpu.memory_space<hbm>> -> memref<1x1000000xf32, #tpu.memory_space<hbm>>
      %dma_wait3A_1282 = tpu.memref_squeeze %dma_wait3A_1281 : memref<1x1000000xf32, #tpu.memory_space<hbm>> -> memref<1000000xf32, #tpu.memory_space<hbm>>
      tpu.wait_dma2 semaphore(%arg25 : memref<!tpu.dma_semaphore, #tpu.memory_space<semaphore_mem>>) src(%dma_wait3A_1282 : memref<1000000xf32, #tpu.memory_space<hbm>>) dst(%arg23 : memref<1000000xf32, #tpu.memory_space<vmem_shared>>)
    } else {
    }
    %barrier3A_432 = arith.constant 0 : index
    tpu.barrier barrier_id(%barrier3A_432)
    %dma_start3A_433 = arith.constant 0 : i32
    %dma_start3A_434 = tpu.memref_slice %arg23[%dma_start3A_433] : memref<1000000xf32, #tpu.memory_space<vmem_shared>> -> memref<1000000xf32, #tpu.memory_space<vmem_shared>>
    tpu.enqueue_indirect_dma source(%dma_start3A_434 : memref<1000000xf32, #tpu.memory_space<vmem_shared>>) target(%arg19 : memref<1024xf32, #tpu.memory_space<vmem>>) offsets(%arg14 : memref<1024xi32, #tpu.memory_space<vmem>>) semaphore(%arg26 : memref<!tpu.dma_semaphore, #tpu.memory_space<semaphore_mem>>)
    %dma_wait3A_435 = arith.constant 0 : i32
    %dma_wait3A_436 = tpu.memref_slice %arg23[%dma_wait3A_435] : memref<1000000xf32, #tpu.memory_space<vmem_shared>> -> memref<1000000xf32, #tpu.memory_space<vmem_shared>>
    tpu.wait_indirect_dma semaphore(%arg26 : memref<!tpu.dma_semaphore, #tpu.memory_space<semaphore_mem>>) src(%dma_wait3A_436 : memref<1000000xf32, #tpu.memory_space<vmem_shared>>) dst(%arg19 : memref<1024xf32, #tpu.memory_space<vmem>>)
    %barrier3A_437 = arith.constant 0 : index
    tpu.barrier barrier_id(%barrier3A_437)
    %add3A_438 = arith.constant 7 : i32
    %add3A_439 = arith.addi %mul3A_8, %add3A_438 : i32
    %mul3A_440 = arith.constant 1024 : i32
    %mul3A_441 = arith.muli %arg1, %mul3A_440 : i32
    %dma_start3A_442 = tpu.memref_slice %arg10[%add3A_439, %mul3A_441] : memref<64x16384xf32, #tpu.memory_space<hbm>> -> memref<1x1024xf32, #tpu.memory_space<hbm>>
    %dma_start3A_443 = tpu.memref_squeeze %dma_start3A_442 : memref<1x1024xf32, #tpu.memory_space<hbm>> -> memref<1024xf32, #tpu.memory_space<hbm>>
    %dma_start3A_444 = tpu.memref_slice %arg10[%add3A_439, %mul3A_441] : memref<64x16384xf32, #tpu.memory_space<hbm>> -> memref<1x1024xf32, #tpu.memory_space<hbm>>
    %dma_start3A_445 = tpu.memref_squeeze %dma_start3A_444 : memref<1x1024xf32, #tpu.memory_space<hbm>> -> memref<1024xf32, #tpu.memory_space<hbm>>
    tpu.enqueue_dma source(%arg19 : memref<1024xf32, #tpu.memory_space<vmem>>) target(%dma_start3A_445 : memref<1024xf32, #tpu.memory_space<hbm>>) target_semaphore(%arg27 : memref<!tpu.dma_semaphore, #tpu.memory_space<semaphore_mem>>)
    %eq3A_446 = arith.constant 0 : i32
    %eq3A_447 = arith.cmpi eq, %arg1, %eq3A_446 : i32
    %convert_element_type3A_448 = arith.extui %eq3A_447 : i1 to i32
    %cond3A_449 = arith.constant 0 : i32
    %cond3A_450 = arith.cmpi ne, %convert_element_type3A_448, %cond3A_449 : i32
    scf.if %cond3A_450 {
      %add3A_1278 = arith.constant 8 : i32
      %add3A_1279 = arith.addi %mul3A_8, %add3A_1278 : i32
      %dma_start3A_1280 = arith.constant 0 : i32
      %dma_start3A_1281 = tpu.memref_slice %arg6[%add3A_1279, %dma_start3A_1280] : memref<64x1000000xf32, #tpu.memory_space<hbm>> -> memref<1x1000000xf32, #tpu.memory_space<hbm>>
      %dma_start3A_1282 = tpu.memref_squeeze %dma_start3A_1281 : memref<1x1000000xf32, #tpu.memory_space<hbm>> -> memref<1000000xf32, #tpu.memory_space<hbm>>
      tpu.enqueue_dma source(%dma_start3A_1282 : memref<1000000xf32, #tpu.memory_space<hbm>>) target(%arg23 : memref<1000000xf32, #tpu.memory_space<vmem_shared>>) target_semaphore(%arg25 : memref<!tpu.dma_semaphore, #tpu.memory_space<semaphore_mem>>)
    } else {
    }
    %add3A_451 = arith.constant 8 : i32
    %add3A_452 = arith.addi %mul3A_8, %add3A_451 : i32
    %sub3A_453 = arith.constant 2 : i32
    %sub3A_454 = arith.subi %add3A_452, %sub3A_453 : i32
    %mul3A_455 = arith.constant 1024 : i32
    %mul3A_456 = arith.muli %arg1, %mul3A_455 : i32
    %dma_wait3A_457 = tpu.memref_slice %arg10[%sub3A_454, %mul3A_456] : memref<64x16384xf32, #tpu.memory_space<hbm>> -> memref<1x1024xf32, #tpu.memory_space<hbm>>
    %dma_wait3A_458 = tpu.memref_squeeze %dma_wait3A_457 : memref<1x1024xf32, #tpu.memory_space<hbm>> -> memref<1024xf32, #tpu.memory_space<hbm>>
    %dma_wait3A_459 = tpu.memref_slice %arg10[%sub3A_454, %mul3A_456] : memref<64x16384xf32, #tpu.memory_space<hbm>> -> memref<1x1024xf32, #tpu.memory_space<hbm>>
    %dma_wait3A_460 = tpu.memref_squeeze %dma_wait3A_459 : memref<1x1024xf32, #tpu.memory_space<hbm>> -> memref<1024xf32, #tpu.memory_space<hbm>>
    tpu.wait_dma2 semaphore(%arg27 : memref<!tpu.dma_semaphore, #tpu.memory_space<semaphore_mem>>) src(%arg18 : memref<1024xf32, #tpu.memory_space<vmem>>) dst(%dma_wait3A_460 : memref<1024xf32, #tpu.memory_space<hbm>>)
    %eq3A_461 = arith.constant 0 : i32
    %eq3A_462 = arith.cmpi eq, %arg1, %eq3A_461 : i32
    %convert_element_type3A_463 = arith.extui %eq3A_462 : i1 to i32
    %cond3A_464 = arith.constant 0 : i32
    %cond3A_465 = arith.cmpi ne, %convert_element_type3A_463, %cond3A_464 : i32
    scf.if %cond3A_465 {
      %add3A_1278 = arith.constant 8 : i32
      %add3A_1279 = arith.addi %mul3A_8, %add3A_1278 : i32
      %dma_wait3A_1280 = arith.constant 0 : i32
      %dma_wait3A_1281 = tpu.memref_slice %arg6[%add3A_1279, %dma_wait3A_1280] : memref<64x1000000xf32, #tpu.memory_space<hbm>> -> memref<1x1000000xf32, #tpu.memory_space<hbm>>
      %dma_wait3A_1282 = tpu.memref_squeeze %dma_wait3A_1281 : memref<1x1000000xf32, #tpu.memory_space<hbm>> -> memref<1000000xf32, #tpu.memory_space<hbm>>
      tpu.wait_dma2 semaphore(%arg25 : memref<!tpu.dma_semaphore, #tpu.memory_space<semaphore_mem>>) src(%dma_wait3A_1282 : memref<1000000xf32, #tpu.memory_space<hbm>>) dst(%arg23 : memref<1000000xf32, #tpu.memory_space<vmem_shared>>)
    } else {
    }
    %barrier3A_466 = arith.constant 0 : index
    tpu.barrier barrier_id(%barrier3A_466)
    %dma_start3A_467 = arith.constant 0 : i32
    %dma_start3A_468 = tpu.memref_slice %arg23[%dma_start3A_467] : memref<1000000xf32, #tpu.memory_space<vmem_shared>> -> memref<1000000xf32, #tpu.memory_space<vmem_shared>>
    tpu.enqueue_indirect_dma source(%dma_start3A_468 : memref<1000000xf32, #tpu.memory_space<vmem_shared>>) target(%arg18 : memref<1024xf32, #tpu.memory_space<vmem>>) offsets(%arg14 : memref<1024xi32, #tpu.memory_space<vmem>>) semaphore(%arg26 : memref<!tpu.dma_semaphore, #tpu.memory_space<semaphore_mem>>)
    %dma_wait3A_469 = arith.constant 0 : i32
    %dma_wait3A_470 = tpu.memref_slice %arg23[%dma_wait3A_469] : memref<1000000xf32, #tpu.memory_space<vmem_shared>> -> memref<1000000xf32, #tpu.memory_space<vmem_shared>>
    tpu.wait_indirect_dma semaphore(%arg26 : memref<!tpu.dma_semaphore, #tpu.memory_space<semaphore_mem>>) src(%dma_wait3A_470 : memref<1000000xf32, #tpu.memory_space<vmem_shared>>) dst(%arg18 : memref<1024xf32, #tpu.memory_space<vmem>>)
    %barrier3A_471 = arith.constant 0 : index
    tpu.barrier barrier_id(%barrier3A_471)
    %add3A_472 = arith.constant 8 : i32
    %add3A_473 = arith.addi %mul3A_8, %add3A_472 : i32
    %mul3A_474 = arith.constant 1024 : i32
    %mul3A_475 = arith.muli %arg1, %mul3A_474 : i32
    %dma_start3A_476 = tpu.memref_slice %arg10[%add3A_473, %mul3A_475] : memref<64x16384xf32, #tpu.memory_space<hbm>> -> memref<1x1024xf32, #tpu.memory_space<hbm>>
    %dma_start3A_477 = tpu.memref_squeeze %dma_start3A_476 : memref<1x1024xf32, #tpu.memory_space<hbm>> -> memref<1024xf32, #tpu.memory_space<hbm>>
    %dma_start3A_478 = tpu.memref_slice %arg10[%add3A_473, %mul3A_475] : memref<64x16384xf32, #tpu.memory_space<hbm>> -> memref<1x1024xf32, #tpu.memory_space<hbm>>
    %dma_start3A_479 = tpu.memref_squeeze %dma_start3A_478 : memref<1x1024xf32, #tpu.memory_space<hbm>> -> memref<1024xf32, #tpu.memory_space<hbm>>
    tpu.enqueue_dma source(%arg18 : memref<1024xf32, #tpu.memory_space<vmem>>) target(%dma_start3A_479 : memref<1024xf32, #tpu.memory_space<hbm>>) target_semaphore(%arg27 : memref<!tpu.dma_semaphore, #tpu.memory_space<semaphore_mem>>)
    %eq3A_480 = arith.constant 0 : i32
    %eq3A_481 = arith.cmpi eq, %arg1, %eq3A_480 : i32
    %convert_element_type3A_482 = arith.extui %eq3A_481 : i1 to i32
    %cond3A_483 = arith.constant 0 : i32
    %cond3A_484 = arith.cmpi ne, %convert_element_type3A_482, %cond3A_483 : i32
    scf.if %cond3A_484 {
      %add3A_1278 = arith.constant 9 : i32
      %add3A_1279 = arith.addi %mul3A_8, %add3A_1278 : i32
      %dma_start3A_1280 = arith.constant 0 : i32
      %dma_start3A_1281 = tpu.memref_slice %arg6[%add3A_1279, %dma_start3A_1280] : memref<64x1000000xf32, #tpu.memory_space<hbm>> -> memref<1x1000000xf32, #tpu.memory_space<hbm>>
      %dma_start3A_1282 = tpu.memref_squeeze %dma_start3A_1281 : memref<1x1000000xf32, #tpu.memory_space<hbm>> -> memref<1000000xf32, #tpu.memory_space<hbm>>
      tpu.enqueue_dma source(%dma_start3A_1282 : memref<1000000xf32, #tpu.memory_space<hbm>>) target(%arg23 : memref<1000000xf32, #tpu.memory_space<vmem_shared>>) target_semaphore(%arg25 : memref<!tpu.dma_semaphore, #tpu.memory_space<semaphore_mem>>)
    } else {
    }
    %add3A_485 = arith.constant 9 : i32
    %add3A_486 = arith.addi %mul3A_8, %add3A_485 : i32
    %sub3A_487 = arith.constant 2 : i32
    %sub3A_488 = arith.subi %add3A_486, %sub3A_487 : i32
    %mul3A_489 = arith.constant 1024 : i32
    %mul3A_490 = arith.muli %arg1, %mul3A_489 : i32
    %dma_wait3A_491 = tpu.memref_slice %arg10[%sub3A_488, %mul3A_490] : memref<64x16384xf32, #tpu.memory_space<hbm>> -> memref<1x1024xf32, #tpu.memory_space<hbm>>
    %dma_wait3A_492 = tpu.memref_squeeze %dma_wait3A_491 : memref<1x1024xf32, #tpu.memory_space<hbm>> -> memref<1024xf32, #tpu.memory_space<hbm>>
    %dma_wait3A_493 = tpu.memref_slice %arg10[%sub3A_488, %mul3A_490] : memref<64x16384xf32, #tpu.memory_space<hbm>> -> memref<1x1024xf32, #tpu.memory_space<hbm>>
    %dma_wait3A_494 = tpu.memref_squeeze %dma_wait3A_493 : memref<1x1024xf32, #tpu.memory_space<hbm>> -> memref<1024xf32, #tpu.memory_space<hbm>>
    tpu.wait_dma2 semaphore(%arg27 : memref<!tpu.dma_semaphore, #tpu.memory_space<semaphore_mem>>) src(%arg19 : memref<1024xf32, #tpu.memory_space<vmem>>) dst(%dma_wait3A_494 : memref<1024xf32, #tpu.memory_space<hbm>>)
    %eq3A_495 = arith.constant 0 : i32
    %eq3A_496 = arith.cmpi eq, %arg1, %eq3A_495 : i32
    %convert_element_type3A_497 = arith.extui %eq3A_496 : i1 to i32
    %cond3A_498 = arith.constant 0 : i32
    %cond3A_499 = arith.cmpi ne, %convert_element_type3A_497, %cond3A_498 : i32
    scf.if %cond3A_499 {
      %add3A_1278 = arith.constant 9 : i32
      %add3A_1279 = arith.addi %mul3A_8, %add3A_1278 : i32
      %dma_wait3A_1280 = arith.constant 0 : i32
      %dma_wait3A_1281 = tpu.memref_slice %arg6[%add3A_1279, %dma_wait3A_1280] : memref<64x1000000xf32, #tpu.memory_space<hbm>> -> memref<1x1000000xf32, #tpu.memory_space<hbm>>
      %dma_wait3A_1282 = tpu.memref_squeeze %dma_wait3A_1281 : memref<1x1000000xf32, #tpu.memory_space<hbm>> -> memref<1000000xf32, #tpu.memory_space<hbm>>
      tpu.wait_dma2 semaphore(%arg25 : memref<!tpu.dma_semaphore, #tpu.memory_space<semaphore_mem>>) src(%dma_wait3A_1282 : memref<1000000xf32, #tpu.memory_space<hbm>>) dst(%arg23 : memref<1000000xf32, #tpu.memory_space<vmem_shared>>)
    } else {
    }
    %barrier3A_500 = arith.constant 0 : index
    tpu.barrier barrier_id(%barrier3A_500)
    %dma_start3A_501 = arith.constant 0 : i32
    %dma_start3A_502 = tpu.memref_slice %arg23[%dma_start3A_501] : memref<1000000xf32, #tpu.memory_space<vmem_shared>> -> memref<1000000xf32, #tpu.memory_space<vmem_shared>>
    tpu.enqueue_indirect_dma source(%dma_start3A_502 : memref<1000000xf32, #tpu.memory_space<vmem_shared>>) target(%arg19 : memref<1024xf32, #tpu.memory_space<vmem>>) offsets(%arg14 : memref<1024xi32, #tpu.memory_space<vmem>>) semaphore(%arg26 : memref<!tpu.dma_semaphore, #tpu.memory_space<semaphore_mem>>)
    %dma_wait3A_503 = arith.constant 0 : i32
    %dma_wait3A_504 = tpu.memref_slice %arg23[%dma_wait3A_503] : memref<1000000xf32, #tpu.memory_space<vmem_shared>> -> memref<1000000xf32, #tpu.memory_space<vmem_shared>>
    tpu.wait_indirect_dma semaphore(%arg26 : memref<!tpu.dma_semaphore, #tpu.memory_space<semaphore_mem>>) src(%dma_wait3A_504 : memref<1000000xf32, #tpu.memory_space<vmem_shared>>) dst(%arg19 : memref<1024xf32, #tpu.memory_space<vmem>>)
    %barrier3A_505 = arith.constant 0 : index
    tpu.barrier barrier_id(%barrier3A_505)
    %add3A_506 = arith.constant 9 : i32
    %add3A_507 = arith.addi %mul3A_8, %add3A_506 : i32
    %mul3A_508 = arith.constant 1024 : i32
    %mul3A_509 = arith.muli %arg1, %mul3A_508 : i32
    %dma_start3A_510 = tpu.memref_slice %arg10[%add3A_507, %mul3A_509] : memref<64x16384xf32, #tpu.memory_space<hbm>> -> memref<1x1024xf32, #tpu.memory_space<hbm>>
    %dma_start3A_511 = tpu.memref_squeeze %dma_start3A_510 : memref<1x1024xf32, #tpu.memory_space<hbm>> -> memref<1024xf32, #tpu.memory_space<hbm>>
    %dma_start3A_512 = tpu.memref_slice %arg10[%add3A_507, %mul3A_509] : memref<64x16384xf32, #tpu.memory_space<hbm>> -> memref<1x1024xf32, #tpu.memory_space<hbm>>
    %dma_start3A_513 = tpu.memref_squeeze %dma_start3A_512 : memref<1x1024xf32, #tpu.memory_space<hbm>> -> memref<1024xf32, #tpu.memory_space<hbm>>
    tpu.enqueue_dma source(%arg19 : memref<1024xf32, #tpu.memory_space<vmem>>) target(%dma_start3A_513 : memref<1024xf32, #tpu.memory_space<hbm>>) target_semaphore(%arg27 : memref<!tpu.dma_semaphore, #tpu.memory_space<semaphore_mem>>)
    %eq3A_514 = arith.constant 0 : i32
    %eq3A_515 = arith.cmpi eq, %arg1, %eq3A_514 : i32
    %convert_element_type3A_516 = arith.extui %eq3A_515 : i1 to i32
    %cond3A_517 = arith.constant 0 : i32
    %cond3A_518 = arith.cmpi ne, %convert_element_type3A_516, %cond3A_517 : i32
    scf.if %cond3A_518 {
      %add3A_1278 = arith.constant 10 : i32
      %add3A_1279 = arith.addi %mul3A_8, %add3A_1278 : i32
      %dma_start3A_1280 = arith.constant 0 : i32
      %dma_start3A_1281 = tpu.memref_slice %arg6[%add3A_1279, %dma_start3A_1280] : memref<64x1000000xf32, #tpu.memory_space<hbm>> -> memref<1x1000000xf32, #tpu.memory_space<hbm>>
      %dma_start3A_1282 = tpu.memref_squeeze %dma_start3A_1281 : memref<1x1000000xf32, #tpu.memory_space<hbm>> -> memref<1000000xf32, #tpu.memory_space<hbm>>
      tpu.enqueue_dma source(%dma_start3A_1282 : memref<1000000xf32, #tpu.memory_space<hbm>>) target(%arg23 : memref<1000000xf32, #tpu.memory_space<vmem_shared>>) target_semaphore(%arg25 : memref<!tpu.dma_semaphore, #tpu.memory_space<semaphore_mem>>)
    } else {
    }
    %add3A_519 = arith.constant 10 : i32
    %add3A_520 = arith.addi %mul3A_8, %add3A_519 : i32
    %sub3A_521 = arith.constant 2 : i32
    %sub3A_522 = arith.subi %add3A_520, %sub3A_521 : i32
    %mul3A_523 = arith.constant 1024 : i32
    %mul3A_524 = arith.muli %arg1, %mul3A_523 : i32
    %dma_wait3A_525 = tpu.memref_slice %arg10[%sub3A_522, %mul3A_524] : memref<64x16384xf32, #tpu.memory_space<hbm>> -> memref<1x1024xf32, #tpu.memory_space<hbm>>
    %dma_wait3A_526 = tpu.memref_squeeze %dma_wait3A_525 : memref<1x1024xf32, #tpu.memory_space<hbm>> -> memref<1024xf32, #tpu.memory_space<hbm>>
    %dma_wait3A_527 = tpu.memref_slice %arg10[%sub3A_522, %mul3A_524] : memref<64x16384xf32, #tpu.memory_space<hbm>> -> memref<1x1024xf32, #tpu.memory_space<hbm>>
    %dma_wait3A_528 = tpu.memref_squeeze %dma_wait3A_527 : memref<1x1024xf32, #tpu.memory_space<hbm>> -> memref<1024xf32, #tpu.memory_space<hbm>>
    tpu.wait_dma2 semaphore(%arg27 : memref<!tpu.dma_semaphore, #tpu.memory_space<semaphore_mem>>) src(%arg18 : memref<1024xf32, #tpu.memory_space<vmem>>) dst(%dma_wait3A_528 : memref<1024xf32, #tpu.memory_space<hbm>>)
    %eq3A_529 = arith.constant 0 : i32
    %eq3A_530 = arith.cmpi eq, %arg1, %eq3A_529 : i32
    %convert_element_type3A_531 = arith.extui %eq3A_530 : i1 to i32
    %cond3A_532 = arith.constant 0 : i32
    %cond3A_533 = arith.cmpi ne, %convert_element_type3A_531, %cond3A_532 : i32
    scf.if %cond3A_533 {
      %add3A_1278 = arith.constant 10 : i32
      %add3A_1279 = arith.addi %mul3A_8, %add3A_1278 : i32
      %dma_wait3A_1280 = arith.constant 0 : i32
      %dma_wait3A_1281 = tpu.memref_slice %arg6[%add3A_1279, %dma_wait3A_1280] : memref<64x1000000xf32, #tpu.memory_space<hbm>> -> memref<1x1000000xf32, #tpu.memory_space<hbm>>
      %dma_wait3A_1282 = tpu.memref_squeeze %dma_wait3A_1281 : memref<1x1000000xf32, #tpu.memory_space<hbm>> -> memref<1000000xf32, #tpu.memory_space<hbm>>
      tpu.wait_dma2 semaphore(%arg25 : memref<!tpu.dma_semaphore, #tpu.memory_space<semaphore_mem>>) src(%dma_wait3A_1282 : memref<1000000xf32, #tpu.memory_space<hbm>>) dst(%arg23 : memref<1000000xf32, #tpu.memory_space<vmem_shared>>)
    } else {
    }
    %barrier3A_534 = arith.constant 0 : index
    tpu.barrier barrier_id(%barrier3A_534)
    %dma_start3A_535 = arith.constant 0 : i32
    %dma_start3A_536 = tpu.memref_slice %arg23[%dma_start3A_535] : memref<1000000xf32, #tpu.memory_space<vmem_shared>> -> memref<1000000xf32, #tpu.memory_space<vmem_shared>>
    tpu.enqueue_indirect_dma source(%dma_start3A_536 : memref<1000000xf32, #tpu.memory_space<vmem_shared>>) target(%arg18 : memref<1024xf32, #tpu.memory_space<vmem>>) offsets(%arg14 : memref<1024xi32, #tpu.memory_space<vmem>>) semaphore(%arg26 : memref<!tpu.dma_semaphore, #tpu.memory_space<semaphore_mem>>)
    %dma_wait3A_537 = arith.constant 0 : i32
    %dma_wait3A_538 = tpu.memref_slice %arg23[%dma_wait3A_537] : memref<1000000xf32, #tpu.memory_space<vmem_shared>> -> memref<1000000xf32, #tpu.memory_space<vmem_shared>>
    tpu.wait_indirect_dma semaphore(%arg26 : memref<!tpu.dma_semaphore, #tpu.memory_space<semaphore_mem>>) src(%dma_wait3A_538 : memref<1000000xf32, #tpu.memory_space<vmem_shared>>) dst(%arg18 : memref<1024xf32, #tpu.memory_space<vmem>>)
    %barrier3A_539 = arith.constant 0 : index
    tpu.barrier barrier_id(%barrier3A_539)
    %add3A_540 = arith.constant 10 : i32
    %add3A_541 = arith.addi %mul3A_8, %add3A_540 : i32
    %mul3A_542 = arith.constant 1024 : i32
    %mul3A_543 = arith.muli %arg1, %mul3A_542 : i32
    %dma_start3A_544 = tpu.memref_slice %arg10[%add3A_541, %mul3A_543] : memref<64x16384xf32, #tpu.memory_space<hbm>> -> memref<1x1024xf32, #tpu.memory_space<hbm>>
    %dma_start3A_545 = tpu.memref_squeeze %dma_start3A_544 : memref<1x1024xf32, #tpu.memory_space<hbm>> -> memref<1024xf32, #tpu.memory_space<hbm>>
    %dma_start3A_546 = tpu.memref_slice %arg10[%add3A_541, %mul3A_543] : memref<64x16384xf32, #tpu.memory_space<hbm>> -> memref<1x1024xf32, #tpu.memory_space<hbm>>
    %dma_start3A_547 = tpu.memref_squeeze %dma_start3A_546 : memref<1x1024xf32, #tpu.memory_space<hbm>> -> memref<1024xf32, #tpu.memory_space<hbm>>
    tpu.enqueue_dma source(%arg18 : memref<1024xf32, #tpu.memory_space<vmem>>) target(%dma_start3A_547 : memref<1024xf32, #tpu.memory_space<hbm>>) target_semaphore(%arg27 : memref<!tpu.dma_semaphore, #tpu.memory_space<semaphore_mem>>)
    %eq3A_548 = arith.constant 0 : i32
    %eq3A_549 = arith.cmpi eq, %arg1, %eq3A_548 : i32
    %convert_element_type3A_550 = arith.extui %eq3A_549 : i1 to i32
    %cond3A_551 = arith.constant 0 : i32
    %cond3A_552 = arith.cmpi ne, %convert_element_type3A_550, %cond3A_551 : i32
    scf.if %cond3A_552 {
      %add3A_1278 = arith.constant 11 : i32
      %add3A_1279 = arith.addi %mul3A_8, %add3A_1278 : i32
      %dma_start3A_1280 = arith.constant 0 : i32
      %dma_start3A_1281 = tpu.memref_slice %arg6[%add3A_1279, %dma_start3A_1280] : memref<64x1000000xf32, #tpu.memory_space<hbm>> -> memref<1x1000000xf32, #tpu.memory_space<hbm>>
      %dma_start3A_1282 = tpu.memref_squeeze %dma_start3A_1281 : memref<1x1000000xf32, #tpu.memory_space<hbm>> -> memref<1000000xf32, #tpu.memory_space<hbm>>
      tpu.enqueue_dma source(%dma_start3A_1282 : memref<1000000xf32, #tpu.memory_space<hbm>>) target(%arg23 : memref<1000000xf32, #tpu.memory_space<vmem_shared>>) target_semaphore(%arg25 : memref<!tpu.dma_semaphore, #tpu.memory_space<semaphore_mem>>)
    } else {
    }
    %add3A_553 = arith.constant 11 : i32
    %add3A_554 = arith.addi %mul3A_8, %add3A_553 : i32
    %sub3A_555 = arith.constant 2 : i32
    %sub3A_556 = arith.subi %add3A_554, %sub3A_555 : i32
    %mul3A_557 = arith.constant 1024 : i32
    %mul3A_558 = arith.muli %arg1, %mul3A_557 : i32
    %dma_wait3A_559 = tpu.memref_slice %arg10[%sub3A_556, %mul3A_558] : memref<64x16384xf32, #tpu.memory_space<hbm>> -> memref<1x1024xf32, #tpu.memory_space<hbm>>
    %dma_wait3A_560 = tpu.memref_squeeze %dma_wait3A_559 : memref<1x1024xf32, #tpu.memory_space<hbm>> -> memref<1024xf32, #tpu.memory_space<hbm>>
    %dma_wait3A_561 = tpu.memref_slice %arg10[%sub3A_556, %mul3A_558] : memref<64x16384xf32, #tpu.memory_space<hbm>> -> memref<1x1024xf32, #tpu.memory_space<hbm>>
    %dma_wait3A_562 = tpu.memref_squeeze %dma_wait3A_561 : memref<1x1024xf32, #tpu.memory_space<hbm>> -> memref<1024xf32, #tpu.memory_space<hbm>>
    tpu.wait_dma2 semaphore(%arg27 : memref<!tpu.dma_semaphore, #tpu.memory_space<semaphore_mem>>) src(%arg19 : memref<1024xf32, #tpu.memory_space<vmem>>) dst(%dma_wait3A_562 : memref<1024xf32, #tpu.memory_space<hbm>>)
    %eq3A_563 = arith.constant 0 : i32
    %eq3A_564 = arith.cmpi eq, %arg1, %eq3A_563 : i32
    %convert_element_type3A_565 = arith.extui %eq3A_564 : i1 to i32
    %cond3A_566 = arith.constant 0 : i32
    %cond3A_567 = arith.cmpi ne, %convert_element_type3A_565, %cond3A_566 : i32
    scf.if %cond3A_567 {
      %add3A_1278 = arith.constant 11 : i32
      %add3A_1279 = arith.addi %mul3A_8, %add3A_1278 : i32
      %dma_wait3A_1280 = arith.constant 0 : i32
      %dma_wait3A_1281 = tpu.memref_slice %arg6[%add3A_1279, %dma_wait3A_1280] : memref<64x1000000xf32, #tpu.memory_space<hbm>> -> memref<1x1000000xf32, #tpu.memory_space<hbm>>
      %dma_wait3A_1282 = tpu.memref_squeeze %dma_wait3A_1281 : memref<1x1000000xf32, #tpu.memory_space<hbm>> -> memref<1000000xf32, #tpu.memory_space<hbm>>
      tpu.wait_dma2 semaphore(%arg25 : memref<!tpu.dma_semaphore, #tpu.memory_space<semaphore_mem>>) src(%dma_wait3A_1282 : memref<1000000xf32, #tpu.memory_space<hbm>>) dst(%arg23 : memref<1000000xf32, #tpu.memory_space<vmem_shared>>)
    } else {
    }
    %barrier3A_568 = arith.constant 0 : index
    tpu.barrier barrier_id(%barrier3A_568)
    %dma_start3A_569 = arith.constant 0 : i32
    %dma_start3A_570 = tpu.memref_slice %arg23[%dma_start3A_569] : memref<1000000xf32, #tpu.memory_space<vmem_shared>> -> memref<1000000xf32, #tpu.memory_space<vmem_shared>>
    tpu.enqueue_indirect_dma source(%dma_start3A_570 : memref<1000000xf32, #tpu.memory_space<vmem_shared>>) target(%arg19 : memref<1024xf32, #tpu.memory_space<vmem>>) offsets(%arg14 : memref<1024xi32, #tpu.memory_space<vmem>>) semaphore(%arg26 : memref<!tpu.dma_semaphore, #tpu.memory_space<semaphore_mem>>)
    %dma_wait3A_571 = arith.constant 0 : i32
    %dma_wait3A_572 = tpu.memref_slice %arg23[%dma_wait3A_571] : memref<1000000xf32, #tpu.memory_space<vmem_shared>> -> memref<1000000xf32, #tpu.memory_space<vmem_shared>>
    tpu.wait_indirect_dma semaphore(%arg26 : memref<!tpu.dma_semaphore, #tpu.memory_space<semaphore_mem>>) src(%dma_wait3A_572 : memref<1000000xf32, #tpu.memory_space<vmem_shared>>) dst(%arg19 : memref<1024xf32, #tpu.memory_space<vmem>>)
    %barrier3A_573 = arith.constant 0 : index
    tpu.barrier barrier_id(%barrier3A_573)
    %add3A_574 = arith.constant 11 : i32
    %add3A_575 = arith.addi %mul3A_8, %add3A_574 : i32
    %mul3A_576 = arith.constant 1024 : i32
    %mul3A_577 = arith.muli %arg1, %mul3A_576 : i32
    %dma_start3A_578 = tpu.memref_slice %arg10[%add3A_575, %mul3A_577] : memref<64x16384xf32, #tpu.memory_space<hbm>> -> memref<1x1024xf32, #tpu.memory_space<hbm>>
    %dma_start3A_579 = tpu.memref_squeeze %dma_start3A_578 : memref<1x1024xf32, #tpu.memory_space<hbm>> -> memref<1024xf32, #tpu.memory_space<hbm>>
    %dma_start3A_580 = tpu.memref_slice %arg10[%add3A_575, %mul3A_577] : memref<64x16384xf32, #tpu.memory_space<hbm>> -> memref<1x1024xf32, #tpu.memory_space<hbm>>
    %dma_start3A_581 = tpu.memref_squeeze %dma_start3A_580 : memref<1x1024xf32, #tpu.memory_space<hbm>> -> memref<1024xf32, #tpu.memory_space<hbm>>
    tpu.enqueue_dma source(%arg19 : memref<1024xf32, #tpu.memory_space<vmem>>) target(%dma_start3A_581 : memref<1024xf32, #tpu.memory_space<hbm>>) target_semaphore(%arg27 : memref<!tpu.dma_semaphore, #tpu.memory_space<semaphore_mem>>)
    %eq3A_582 = arith.constant 0 : i32
    %eq3A_583 = arith.cmpi eq, %arg1, %eq3A_582 : i32
    %convert_element_type3A_584 = arith.extui %eq3A_583 : i1 to i32
    %cond3A_585 = arith.constant 0 : i32
    %cond3A_586 = arith.cmpi ne, %convert_element_type3A_584, %cond3A_585 : i32
    scf.if %cond3A_586 {
      %add3A_1278 = arith.constant 12 : i32
      %add3A_1279 = arith.addi %mul3A_8, %add3A_1278 : i32
      %dma_start3A_1280 = arith.constant 0 : i32
      %dma_start3A_1281 = tpu.memref_slice %arg6[%add3A_1279, %dma_start3A_1280] : memref<64x1000000xf32, #tpu.memory_space<hbm>> -> memref<1x1000000xf32, #tpu.memory_space<hbm>>
      %dma_start3A_1282 = tpu.memref_squeeze %dma_start3A_1281 : memref<1x1000000xf32, #tpu.memory_space<hbm>> -> memref<1000000xf32, #tpu.memory_space<hbm>>
      tpu.enqueue_dma source(%dma_start3A_1282 : memref<1000000xf32, #tpu.memory_space<hbm>>) target(%arg23 : memref<1000000xf32, #tpu.memory_space<vmem_shared>>) target_semaphore(%arg25 : memref<!tpu.dma_semaphore, #tpu.memory_space<semaphore_mem>>)
    } else {
    }
    %add3A_587 = arith.constant 12 : i32
    %add3A_588 = arith.addi %mul3A_8, %add3A_587 : i32
    %sub3A_589 = arith.constant 2 : i32
    %sub3A_590 = arith.subi %add3A_588, %sub3A_589 : i32
    %mul3A_591 = arith.constant 1024 : i32
    %mul3A_592 = arith.muli %arg1, %mul3A_591 : i32
    %dma_wait3A_593 = tpu.memref_slice %arg10[%sub3A_590, %mul3A_592] : memref<64x16384xf32, #tpu.memory_space<hbm>> -> memref<1x1024xf32, #tpu.memory_space<hbm>>
    %dma_wait3A_594 = tpu.memref_squeeze %dma_wait3A_593 : memref<1x1024xf32, #tpu.memory_space<hbm>> -> memref<1024xf32, #tpu.memory_space<hbm>>
    %dma_wait3A_595 = tpu.memref_slice %arg10[%sub3A_590, %mul3A_592] : memref<64x16384xf32, #tpu.memory_space<hbm>> -> memref<1x1024xf32, #tpu.memory_space<hbm>>
    %dma_wait3A_596 = tpu.memref_squeeze %dma_wait3A_595 : memref<1x1024xf32, #tpu.memory_space<hbm>> -> memref<1024xf32, #tpu.memory_space<hbm>>
    tpu.wait_dma2 semaphore(%arg27 : memref<!tpu.dma_semaphore, #tpu.memory_space<semaphore_mem>>) src(%arg18 : memref<1024xf32, #tpu.memory_space<vmem>>) dst(%dma_wait3A_596 : memref<1024xf32, #tpu.memory_space<hbm>>)
    %eq3A_597 = arith.constant 0 : i32
    %eq3A_598 = arith.cmpi eq, %arg1, %eq3A_597 : i32
    %convert_element_type3A_599 = arith.extui %eq3A_598 : i1 to i32
    %cond3A_600 = arith.constant 0 : i32
    %cond3A_601 = arith.cmpi ne, %convert_element_type3A_599, %cond3A_600 : i32
    scf.if %cond3A_601 {
      %add3A_1278 = arith.constant 12 : i32
      %add3A_1279 = arith.addi %mul3A_8, %add3A_1278 : i32
      %dma_wait3A_1280 = arith.constant 0 : i32
      %dma_wait3A_1281 = tpu.memref_slice %arg6[%add3A_1279, %dma_wait3A_1280] : memref<64x1000000xf32, #tpu.memory_space<hbm>> -> memref<1x1000000xf32, #tpu.memory_space<hbm>>
      %dma_wait3A_1282 = tpu.memref_squeeze %dma_wait3A_1281 : memref<1x1000000xf32, #tpu.memory_space<hbm>> -> memref<1000000xf32, #tpu.memory_space<hbm>>
      tpu.wait_dma2 semaphore(%arg25 : memref<!tpu.dma_semaphore, #tpu.memory_space<semaphore_mem>>) src(%dma_wait3A_1282 : memref<1000000xf32, #tpu.memory_space<hbm>>) dst(%arg23 : memref<1000000xf32, #tpu.memory_space<vmem_shared>>)
    } else {
    }
    %barrier3A_602 = arith.constant 0 : index
    tpu.barrier barrier_id(%barrier3A_602)
    %dma_start3A_603 = arith.constant 0 : i32
    %dma_start3A_604 = tpu.memref_slice %arg23[%dma_start3A_603] : memref<1000000xf32, #tpu.memory_space<vmem_shared>> -> memref<1000000xf32, #tpu.memory_space<vmem_shared>>
    tpu.enqueue_indirect_dma source(%dma_start3A_604 : memref<1000000xf32, #tpu.memory_space<vmem_shared>>) target(%arg18 : memref<1024xf32, #tpu.memory_space<vmem>>) offsets(%arg14 : memref<1024xi32, #tpu.memory_space<vmem>>) semaphore(%arg26 : memref<!tpu.dma_semaphore, #tpu.memory_space<semaphore_mem>>)
    %dma_wait3A_605 = arith.constant 0 : i32
    %dma_wait3A_606 = tpu.memref_slice %arg23[%dma_wait3A_605] : memref<1000000xf32, #tpu.memory_space<vmem_shared>> -> memref<1000000xf32, #tpu.memory_space<vmem_shared>>
    tpu.wait_indirect_dma semaphore(%arg26 : memref<!tpu.dma_semaphore, #tpu.memory_space<semaphore_mem>>) src(%dma_wait3A_606 : memref<1000000xf32, #tpu.memory_space<vmem_shared>>) dst(%arg18 : memref<1024xf32, #tpu.memory_space<vmem>>)
    %barrier3A_607 = arith.constant 0 : index
    tpu.barrier barrier_id(%barrier3A_607)
    %add3A_608 = arith.constant 12 : i32
    %add3A_609 = arith.addi %mul3A_8, %add3A_608 : i32
    %mul3A_610 = arith.constant 1024 : i32
    %mul3A_611 = arith.muli %arg1, %mul3A_610 : i32
    %dma_start3A_612 = tpu.memref_slice %arg10[%add3A_609, %mul3A_611] : memref<64x16384xf32, #tpu.memory_space<hbm>> -> memref<1x1024xf32, #tpu.memory_space<hbm>>
    %dma_start3A_613 = tpu.memref_squeeze %dma_start3A_612 : memref<1x1024xf32, #tpu.memory_space<hbm>> -> memref<1024xf32, #tpu.memory_space<hbm>>
    %dma_start3A_614 = tpu.memref_slice %arg10[%add3A_609, %mul3A_611] : memref<64x16384xf32, #tpu.memory_space<hbm>> -> memref<1x1024xf32, #tpu.memory_space<hbm>>
    %dma_start3A_615 = tpu.memref_squeeze %dma_start3A_614 : memref<1x1024xf32, #tpu.memory_space<hbm>> -> memref<1024xf32, #tpu.memory_space<hbm>>
    tpu.enqueue_dma source(%arg18 : memref<1024xf32, #tpu.memory_space<vmem>>) target(%dma_start3A_615 : memref<1024xf32, #tpu.memory_space<hbm>>) target_semaphore(%arg27 : memref<!tpu.dma_semaphore, #tpu.memory_space<semaphore_mem>>)
    %eq3A_616 = arith.constant 0 : i32
    %eq3A_617 = arith.cmpi eq, %arg1, %eq3A_616 : i32
    %convert_element_type3A_618 = arith.extui %eq3A_617 : i1 to i32
    %cond3A_619 = arith.constant 0 : i32
    %cond3A_620 = arith.cmpi ne, %convert_element_type3A_618, %cond3A_619 : i32
    scf.if %cond3A_620 {
      %add3A_1278 = arith.constant 13 : i32
      %add3A_1279 = arith.addi %mul3A_8, %add3A_1278 : i32
      %dma_start3A_1280 = arith.constant 0 : i32
      %dma_start3A_1281 = tpu.memref_slice %arg6[%add3A_1279, %dma_start3A_1280] : memref<64x1000000xf32, #tpu.memory_space<hbm>> -> memref<1x1000000xf32, #tpu.memory_space<hbm>>
      %dma_start3A_1282 = tpu.memref_squeeze %dma_start3A_1281 : memref<1x1000000xf32, #tpu.memory_space<hbm>> -> memref<1000000xf32, #tpu.memory_space<hbm>>
      tpu.enqueue_dma source(%dma_start3A_1282 : memref<1000000xf32, #tpu.memory_space<hbm>>) target(%arg23 : memref<1000000xf32, #tpu.memory_space<vmem_shared>>) target_semaphore(%arg25 : memref<!tpu.dma_semaphore, #tpu.memory_space<semaphore_mem>>)
    } else {
    }
    %add3A_621 = arith.constant 13 : i32
    %add3A_622 = arith.addi %mul3A_8, %add3A_621 : i32
    %sub3A_623 = arith.constant 2 : i32
    %sub3A_624 = arith.subi %add3A_622, %sub3A_623 : i32
    %mul3A_625 = arith.constant 1024 : i32
    %mul3A_626 = arith.muli %arg1, %mul3A_625 : i32
    %dma_wait3A_627 = tpu.memref_slice %arg10[%sub3A_624, %mul3A_626] : memref<64x16384xf32, #tpu.memory_space<hbm>> -> memref<1x1024xf32, #tpu.memory_space<hbm>>
    %dma_wait3A_628 = tpu.memref_squeeze %dma_wait3A_627 : memref<1x1024xf32, #tpu.memory_space<hbm>> -> memref<1024xf32, #tpu.memory_space<hbm>>
    %dma_wait3A_629 = tpu.memref_slice %arg10[%sub3A_624, %mul3A_626] : memref<64x16384xf32, #tpu.memory_space<hbm>> -> memref<1x1024xf32, #tpu.memory_space<hbm>>
    %dma_wait3A_630 = tpu.memref_squeeze %dma_wait3A_629 : memref<1x1024xf32, #tpu.memory_space<hbm>> -> memref<1024xf32, #tpu.memory_space<hbm>>
    tpu.wait_dma2 semaphore(%arg27 : memref<!tpu.dma_semaphore, #tpu.memory_space<semaphore_mem>>) src(%arg19 : memref<1024xf32, #tpu.memory_space<vmem>>) dst(%dma_wait3A_630 : memref<1024xf32, #tpu.memory_space<hbm>>)
    %eq3A_631 = arith.constant 0 : i32
    %eq3A_632 = arith.cmpi eq, %arg1, %eq3A_631 : i32
    %convert_element_type3A_633 = arith.extui %eq3A_632 : i1 to i32
    %cond3A_634 = arith.constant 0 : i32
    %cond3A_635 = arith.cmpi ne, %convert_element_type3A_633, %cond3A_634 : i32
    scf.if %cond3A_635 {
      %add3A_1278 = arith.constant 13 : i32
      %add3A_1279 = arith.addi %mul3A_8, %add3A_1278 : i32
      %dma_wait3A_1280 = arith.constant 0 : i32
      %dma_wait3A_1281 = tpu.memref_slice %arg6[%add3A_1279, %dma_wait3A_1280] : memref<64x1000000xf32, #tpu.memory_space<hbm>> -> memref<1x1000000xf32, #tpu.memory_space<hbm>>
      %dma_wait3A_1282 = tpu.memref_squeeze %dma_wait3A_1281 : memref<1x1000000xf32, #tpu.memory_space<hbm>> -> memref<1000000xf32, #tpu.memory_space<hbm>>
      tpu.wait_dma2 semaphore(%arg25 : memref<!tpu.dma_semaphore, #tpu.memory_space<semaphore_mem>>) src(%dma_wait3A_1282 : memref<1000000xf32, #tpu.memory_space<hbm>>) dst(%arg23 : memref<1000000xf32, #tpu.memory_space<vmem_shared>>)
    } else {
    }
    %barrier3A_636 = arith.constant 0 : index
    tpu.barrier barrier_id(%barrier3A_636)
    %dma_start3A_637 = arith.constant 0 : i32
    %dma_start3A_638 = tpu.memref_slice %arg23[%dma_start3A_637] : memref<1000000xf32, #tpu.memory_space<vmem_shared>> -> memref<1000000xf32, #tpu.memory_space<vmem_shared>>
    tpu.enqueue_indirect_dma source(%dma_start3A_638 : memref<1000000xf32, #tpu.memory_space<vmem_shared>>) target(%arg19 : memref<1024xf32, #tpu.memory_space<vmem>>) offsets(%arg14 : memref<1024xi32, #tpu.memory_space<vmem>>) semaphore(%arg26 : memref<!tpu.dma_semaphore, #tpu.memory_space<semaphore_mem>>)
    %dma_wait3A_639 = arith.constant 0 : i32
    %dma_wait3A_640 = tpu.memref_slice %arg23[%dma_wait3A_639] : memref<1000000xf32, #tpu.memory_space<vmem_shared>> -> memref<1000000xf32, #tpu.memory_space<vmem_shared>>
    tpu.wait_indirect_dma semaphore(%arg26 : memref<!tpu.dma_semaphore, #tpu.memory_space<semaphore_mem>>) src(%dma_wait3A_640 : memref<1000000xf32, #tpu.memory_space<vmem_shared>>) dst(%arg19 : memref<1024xf32, #tpu.memory_space<vmem>>)
    %barrier3A_641 = arith.constant 0 : index
    tpu.barrier barrier_id(%barrier3A_641)
    %add3A_642 = arith.constant 13 : i32
    %add3A_643 = arith.addi %mul3A_8, %add3A_642 : i32
    %mul3A_644 = arith.constant 1024 : i32
    %mul3A_645 = arith.muli %arg1, %mul3A_644 : i32
    %dma_start3A_646 = tpu.memref_slice %arg10[%add3A_643, %mul3A_645] : memref<64x16384xf32, #tpu.memory_space<hbm>> -> memref<1x1024xf32, #tpu.memory_space<hbm>>
    %dma_start3A_647 = tpu.memref_squeeze %dma_start3A_646 : memref<1x1024xf32, #tpu.memory_space<hbm>> -> memref<1024xf32, #tpu.memory_space<hbm>>
    %dma_start3A_648 = tpu.memref_slice %arg10[%add3A_643, %mul3A_645] : memref<64x16384xf32, #tpu.memory_space<hbm>> -> memref<1x1024xf32, #tpu.memory_space<hbm>>
    %dma_start3A_649 = tpu.memref_squeeze %dma_start3A_648 : memref<1x1024xf32, #tpu.memory_space<hbm>> -> memref<1024xf32, #tpu.memory_space<hbm>>
    tpu.enqueue_dma source(%arg19 : memref<1024xf32, #tpu.memory_space<vmem>>) target(%dma_start3A_649 : memref<1024xf32, #tpu.memory_space<hbm>>) target_semaphore(%arg27 : memref<!tpu.dma_semaphore, #tpu.memory_space<semaphore_mem>>)
    %eq3A_650 = arith.constant 0 : i32
    %eq3A_651 = arith.cmpi eq, %arg1, %eq3A_650 : i32
    %convert_element_type3A_652 = arith.extui %eq3A_651 : i1 to i32
    %cond3A_653 = arith.constant 0 : i32
    %cond3A_654 = arith.cmpi ne, %convert_element_type3A_652, %cond3A_653 : i32
    scf.if %cond3A_654 {
      %add3A_1278 = arith.constant 14 : i32
      %add3A_1279 = arith.addi %mul3A_8, %add3A_1278 : i32
      %dma_start3A_1280 = arith.constant 0 : i32
      %dma_start3A_1281 = tpu.memref_slice %arg6[%add3A_1279, %dma_start3A_1280] : memref<64x1000000xf32, #tpu.memory_space<hbm>> -> memref<1x1000000xf32, #tpu.memory_space<hbm>>
      %dma_start3A_1282 = tpu.memref_squeeze %dma_start3A_1281 : memref<1x1000000xf32, #tpu.memory_space<hbm>> -> memref<1000000xf32, #tpu.memory_space<hbm>>
      tpu.enqueue_dma source(%dma_start3A_1282 : memref<1000000xf32, #tpu.memory_space<hbm>>) target(%arg23 : memref<1000000xf32, #tpu.memory_space<vmem_shared>>) target_semaphore(%arg25 : memref<!tpu.dma_semaphore, #tpu.memory_space<semaphore_mem>>)
    } else {
    }
    %add3A_655 = arith.constant 14 : i32
    %add3A_656 = arith.addi %mul3A_8, %add3A_655 : i32
    %sub3A_657 = arith.constant 2 : i32
    %sub3A_658 = arith.subi %add3A_656, %sub3A_657 : i32
    %mul3A_659 = arith.constant 1024 : i32
    %mul3A_660 = arith.muli %arg1, %mul3A_659 : i32
    %dma_wait3A_661 = tpu.memref_slice %arg10[%sub3A_658, %mul3A_660] : memref<64x16384xf32, #tpu.memory_space<hbm>> -> memref<1x1024xf32, #tpu.memory_space<hbm>>
    %dma_wait3A_662 = tpu.memref_squeeze %dma_wait3A_661 : memref<1x1024xf32, #tpu.memory_space<hbm>> -> memref<1024xf32, #tpu.memory_space<hbm>>
    %dma_wait3A_663 = tpu.memref_slice %arg10[%sub3A_658, %mul3A_660] : memref<64x16384xf32, #tpu.memory_space<hbm>> -> memref<1x1024xf32, #tpu.memory_space<hbm>>
    %dma_wait3A_664 = tpu.memref_squeeze %dma_wait3A_663 : memref<1x1024xf32, #tpu.memory_space<hbm>> -> memref<1024xf32, #tpu.memory_space<hbm>>
    tpu.wait_dma2 semaphore(%arg27 : memref<!tpu.dma_semaphore, #tpu.memory_space<semaphore_mem>>) src(%arg18 : memref<1024xf32, #tpu.memory_space<vmem>>) dst(%dma_wait3A_664 : memref<1024xf32, #tpu.memory_space<hbm>>)
    %eq3A_665 = arith.constant 0 : i32
    %eq3A_666 = arith.cmpi eq, %arg1, %eq3A_665 : i32
    %convert_element_type3A_667 = arith.extui %eq3A_666 : i1 to i32
    %cond3A_668 = arith.constant 0 : i32
    %cond3A_669 = arith.cmpi ne, %convert_element_type3A_667, %cond3A_668 : i32
    scf.if %cond3A_669 {
      %add3A_1278 = arith.constant 14 : i32
      %add3A_1279 = arith.addi %mul3A_8, %add3A_1278 : i32
      %dma_wait3A_1280 = arith.constant 0 : i32
      %dma_wait3A_1281 = tpu.memref_slice %arg6[%add3A_1279, %dma_wait3A_1280] : memref<64x1000000xf32, #tpu.memory_space<hbm>> -> memref<1x1000000xf32, #tpu.memory_space<hbm>>
      %dma_wait3A_1282 = tpu.memref_squeeze %dma_wait3A_1281 : memref<1x1000000xf32, #tpu.memory_space<hbm>> -> memref<1000000xf32, #tpu.memory_space<hbm>>
      tpu.wait_dma2 semaphore(%arg25 : memref<!tpu.dma_semaphore, #tpu.memory_space<semaphore_mem>>) src(%dma_wait3A_1282 : memref<1000000xf32, #tpu.memory_space<hbm>>) dst(%arg23 : memref<1000000xf32, #tpu.memory_space<vmem_shared>>)
    } else {
    }
    %barrier3A_670 = arith.constant 0 : index
    tpu.barrier barrier_id(%barrier3A_670)
    %dma_start3A_671 = arith.constant 0 : i32
    %dma_start3A_672 = tpu.memref_slice %arg23[%dma_start3A_671] : memref<1000000xf32, #tpu.memory_space<vmem_shared>> -> memref<1000000xf32, #tpu.memory_space<vmem_shared>>
    tpu.enqueue_indirect_dma source(%dma_start3A_672 : memref<1000000xf32, #tpu.memory_space<vmem_shared>>) target(%arg18 : memref<1024xf32, #tpu.memory_space<vmem>>) offsets(%arg14 : memref<1024xi32, #tpu.memory_space<vmem>>) semaphore(%arg26 : memref<!tpu.dma_semaphore, #tpu.memory_space<semaphore_mem>>)
    %dma_wait3A_673 = arith.constant 0 : i32
    %dma_wait3A_674 = tpu.memref_slice %arg23[%dma_wait3A_673] : memref<1000000xf32, #tpu.memory_space<vmem_shared>> -> memref<1000000xf32, #tpu.memory_space<vmem_shared>>
    tpu.wait_indirect_dma semaphore(%arg26 : memref<!tpu.dma_semaphore, #tpu.memory_space<semaphore_mem>>) src(%dma_wait3A_674 : memref<1000000xf32, #tpu.memory_space<vmem_shared>>) dst(%arg18 : memref<1024xf32, #tpu.memory_space<vmem>>)
    %barrier3A_675 = arith.constant 0 : index
    tpu.barrier barrier_id(%barrier3A_675)
    %add3A_676 = arith.constant 14 : i32
    %add3A_677 = arith.addi %mul3A_8, %add3A_676 : i32
    %mul3A_678 = arith.constant 1024 : i32
    %mul3A_679 = arith.muli %arg1, %mul3A_678 : i32
    %dma_start3A_680 = tpu.memref_slice %arg10[%add3A_677, %mul3A_679] : memref<64x16384xf32, #tpu.memory_space<hbm>> -> memref<1x1024xf32, #tpu.memory_space<hbm>>
    %dma_start3A_681 = tpu.memref_squeeze %dma_start3A_680 : memref<1x1024xf32, #tpu.memory_space<hbm>> -> memref<1024xf32, #tpu.memory_space<hbm>>
    %dma_start3A_682 = tpu.memref_slice %arg10[%add3A_677, %mul3A_679] : memref<64x16384xf32, #tpu.memory_space<hbm>> -> memref<1x1024xf32, #tpu.memory_space<hbm>>
    %dma_start3A_683 = tpu.memref_squeeze %dma_start3A_682 : memref<1x1024xf32, #tpu.memory_space<hbm>> -> memref<1024xf32, #tpu.memory_space<hbm>>
    tpu.enqueue_dma source(%arg18 : memref<1024xf32, #tpu.memory_space<vmem>>) target(%dma_start3A_683 : memref<1024xf32, #tpu.memory_space<hbm>>) target_semaphore(%arg27 : memref<!tpu.dma_semaphore, #tpu.memory_space<semaphore_mem>>)
    %eq3A_684 = arith.constant 0 : i32
    %eq3A_685 = arith.cmpi eq, %arg1, %eq3A_684 : i32
    %convert_element_type3A_686 = arith.extui %eq3A_685 : i1 to i32
    %cond3A_687 = arith.constant 0 : i32
    %cond3A_688 = arith.cmpi ne, %convert_element_type3A_686, %cond3A_687 : i32
    scf.if %cond3A_688 {
      %add3A_1278 = arith.constant 15 : i32
      %add3A_1279 = arith.addi %mul3A_8, %add3A_1278 : i32
      %dma_start3A_1280 = arith.constant 0 : i32
      %dma_start3A_1281 = tpu.memref_slice %arg6[%add3A_1279, %dma_start3A_1280] : memref<64x1000000xf32, #tpu.memory_space<hbm>> -> memref<1x1000000xf32, #tpu.memory_space<hbm>>
      %dma_start3A_1282 = tpu.memref_squeeze %dma_start3A_1281 : memref<1x1000000xf32, #tpu.memory_space<hbm>> -> memref<1000000xf32, #tpu.memory_space<hbm>>
      tpu.enqueue_dma source(%dma_start3A_1282 : memref<1000000xf32, #tpu.memory_space<hbm>>) target(%arg23 : memref<1000000xf32, #tpu.memory_space<vmem_shared>>) target_semaphore(%arg25 : memref<!tpu.dma_semaphore, #tpu.memory_space<semaphore_mem>>)
    } else {
    }
    %add3A_689 = arith.constant 15 : i32
    %add3A_690 = arith.addi %mul3A_8, %add3A_689 : i32
    %sub3A_691 = arith.constant 2 : i32
    %sub3A_692 = arith.subi %add3A_690, %sub3A_691 : i32
    %mul3A_693 = arith.constant 1024 : i32
    %mul3A_694 = arith.muli %arg1, %mul3A_693 : i32
    %dma_wait3A_695 = tpu.memref_slice %arg10[%sub3A_692, %mul3A_694] : memref<64x16384xf32, #tpu.memory_space<hbm>> -> memref<1x1024xf32, #tpu.memory_space<hbm>>
    %dma_wait3A_696 = tpu.memref_squeeze %dma_wait3A_695 : memref<1x1024xf32, #tpu.memory_space<hbm>> -> memref<1024xf32, #tpu.memory_space<hbm>>
    %dma_wait3A_697 = tpu.memref_slice %arg10[%sub3A_692, %mul3A_694] : memref<64x16384xf32, #tpu.memory_space<hbm>> -> memref<1x1024xf32, #tpu.memory_space<hbm>>
    %dma_wait3A_698 = tpu.memref_squeeze %dma_wait3A_697 : memref<1x1024xf32, #tpu.memory_space<hbm>> -> memref<1024xf32, #tpu.memory_space<hbm>>
    tpu.wait_dma2 semaphore(%arg27 : memref<!tpu.dma_semaphore, #tpu.memory_space<semaphore_mem>>) src(%arg19 : memref<1024xf32, #tpu.memory_space<vmem>>) dst(%dma_wait3A_698 : memref<1024xf32, #tpu.memory_space<hbm>>)
    %eq3A_699 = arith.constant 0 : i32
    %eq3A_700 = arith.cmpi eq, %arg1, %eq3A_699 : i32
    %convert_element_type3A_701 = arith.extui %eq3A_700 : i1 to i32
    %cond3A_702 = arith.constant 0 : i32
    %cond3A_703 = arith.cmpi ne, %convert_element_type3A_701, %cond3A_702 : i32
    scf.if %cond3A_703 {
      %add3A_1278 = arith.constant 15 : i32
      %add3A_1279 = arith.addi %mul3A_8, %add3A_1278 : i32
      %dma_wait3A_1280 = arith.constant 0 : i32
      %dma_wait3A_1281 = tpu.memref_slice %arg6[%add3A_1279, %dma_wait3A_1280] : memref<64x1000000xf32, #tpu.memory_space<hbm>> -> memref<1x1000000xf32, #tpu.memory_space<hbm>>
      %dma_wait3A_1282 = tpu.memref_squeeze %dma_wait3A_1281 : memref<1x1000000xf32, #tpu.memory_space<hbm>> -> memref<1000000xf32, #tpu.memory_space<hbm>>
      tpu.wait_dma2 semaphore(%arg25 : memref<!tpu.dma_semaphore, #tpu.memory_space<semaphore_mem>>) src(%dma_wait3A_1282 : memref<1000000xf32, #tpu.memory_space<hbm>>) dst(%arg23 : memref<1000000xf32, #tpu.memory_space<vmem_shared>>)
    } else {
    }
    %barrier3A_704 = arith.constant 0 : index
    tpu.barrier barrier_id(%barrier3A_704)
    %dma_start3A_705 = arith.constant 0 : i32
    %dma_start3A_706 = tpu.memref_slice %arg23[%dma_start3A_705] : memref<1000000xf32, #tpu.memory_space<vmem_shared>> -> memref<1000000xf32, #tpu.memory_space<vmem_shared>>
    tpu.enqueue_indirect_dma source(%dma_start3A_706 : memref<1000000xf32, #tpu.memory_space<vmem_shared>>) target(%arg19 : memref<1024xf32, #tpu.memory_space<vmem>>) offsets(%arg14 : memref<1024xi32, #tpu.memory_space<vmem>>) semaphore(%arg26 : memref<!tpu.dma_semaphore, #tpu.memory_space<semaphore_mem>>)
    %dma_wait3A_707 = arith.constant 0 : i32
    %dma_wait3A_708 = tpu.memref_slice %arg23[%dma_wait3A_707] : memref<1000000xf32, #tpu.memory_space<vmem_shared>> -> memref<1000000xf32, #tpu.memory_space<vmem_shared>>
    tpu.wait_indirect_dma semaphore(%arg26 : memref<!tpu.dma_semaphore, #tpu.memory_space<semaphore_mem>>) src(%dma_wait3A_708 : memref<1000000xf32, #tpu.memory_space<vmem_shared>>) dst(%arg19 : memref<1024xf32, #tpu.memory_space<vmem>>)
    %barrier3A_709 = arith.constant 0 : index
    tpu.barrier barrier_id(%barrier3A_709)
    %add3A_710 = arith.constant 15 : i32
    %add3A_711 = arith.addi %mul3A_8, %add3A_710 : i32
    %mul3A_712 = arith.constant 1024 : i32
    %mul3A_713 = arith.muli %arg1, %mul3A_712 : i32
    %dma_start3A_714 = tpu.memref_slice %arg10[%add3A_711, %mul3A_713] : memref<64x16384xf32, #tpu.memory_space<hbm>> -> memref<1x1024xf32, #tpu.memory_space<hbm>>
    %dma_start3A_715 = tpu.memref_squeeze %dma_start3A_714 : memref<1x1024xf32, #tpu.memory_space<hbm>> -> memref<1024xf32, #tpu.memory_space<hbm>>
    %dma_start3A_716 = tpu.memref_slice %arg10[%add3A_711, %mul3A_713] : memref<64x16384xf32, #tpu.memory_space<hbm>> -> memref<1x1024xf32, #tpu.memory_space<hbm>>
    %dma_start3A_717 = tpu.memref_squeeze %dma_start3A_716 : memref<1x1024xf32, #tpu.memory_space<hbm>> -> memref<1024xf32, #tpu.memory_space<hbm>>
    tpu.enqueue_dma source(%arg19 : memref<1024xf32, #tpu.memory_space<vmem>>) target(%dma_start3A_717 : memref<1024xf32, #tpu.memory_space<hbm>>) target_semaphore(%arg27 : memref<!tpu.dma_semaphore, #tpu.memory_space<semaphore_mem>>)
    %eq3A_718 = arith.constant 0 : i32
    %eq3A_719 = arith.cmpi eq, %arg1, %eq3A_718 : i32
    %convert_element_type3A_720 = arith.extui %eq3A_719 : i1 to i32
    %cond3A_721 = arith.constant 0 : i32
    %cond3A_722 = arith.cmpi ne, %convert_element_type3A_720, %cond3A_721 : i32
    scf.if %cond3A_722 {
      %add3A_1278 = arith.constant 16 : i32
      %add3A_1279 = arith.addi %mul3A_8, %add3A_1278 : i32
      %dma_start3A_1280 = arith.constant 0 : i32
      %dma_start3A_1281 = tpu.memref_slice %arg6[%add3A_1279, %dma_start3A_1280] : memref<64x1000000xf32, #tpu.memory_space<hbm>> -> memref<1x1000000xf32, #tpu.memory_space<hbm>>
      %dma_start3A_1282 = tpu.memref_squeeze %dma_start3A_1281 : memref<1x1000000xf32, #tpu.memory_space<hbm>> -> memref<1000000xf32, #tpu.memory_space<hbm>>
      tpu.enqueue_dma source(%dma_start3A_1282 : memref<1000000xf32, #tpu.memory_space<hbm>>) target(%arg23 : memref<1000000xf32, #tpu.memory_space<vmem_shared>>) target_semaphore(%arg25 : memref<!tpu.dma_semaphore, #tpu.memory_space<semaphore_mem>>)
    } else {
    }
    %add3A_723 = arith.constant 16 : i32
    %add3A_724 = arith.addi %mul3A_8, %add3A_723 : i32
    %sub3A_725 = arith.constant 2 : i32
    %sub3A_726 = arith.subi %add3A_724, %sub3A_725 : i32
    %mul3A_727 = arith.constant 1024 : i32
    %mul3A_728 = arith.muli %arg1, %mul3A_727 : i32
    %dma_wait3A_729 = tpu.memref_slice %arg10[%sub3A_726, %mul3A_728] : memref<64x16384xf32, #tpu.memory_space<hbm>> -> memref<1x1024xf32, #tpu.memory_space<hbm>>
    %dma_wait3A_730 = tpu.memref_squeeze %dma_wait3A_729 : memref<1x1024xf32, #tpu.memory_space<hbm>> -> memref<1024xf32, #tpu.memory_space<hbm>>
    %dma_wait3A_731 = tpu.memref_slice %arg10[%sub3A_726, %mul3A_728] : memref<64x16384xf32, #tpu.memory_space<hbm>> -> memref<1x1024xf32, #tpu.memory_space<hbm>>
    %dma_wait3A_732 = tpu.memref_squeeze %dma_wait3A_731 : memref<1x1024xf32, #tpu.memory_space<hbm>> -> memref<1024xf32, #tpu.memory_space<hbm>>
    tpu.wait_dma2 semaphore(%arg27 : memref<!tpu.dma_semaphore, #tpu.memory_space<semaphore_mem>>) src(%arg18 : memref<1024xf32, #tpu.memory_space<vmem>>) dst(%dma_wait3A_732 : memref<1024xf32, #tpu.memory_space<hbm>>)
    %eq3A_733 = arith.constant 0 : i32
    %eq3A_734 = arith.cmpi eq, %arg1, %eq3A_733 : i32
    %convert_element_type3A_735 = arith.extui %eq3A_734 : i1 to i32
    %cond3A_736 = arith.constant 0 : i32
    %cond3A_737 = arith.cmpi ne, %convert_element_type3A_735, %cond3A_736 : i32
    scf.if %cond3A_737 {
      %add3A_1278 = arith.constant 16 : i32
      %add3A_1279 = arith.addi %mul3A_8, %add3A_1278 : i32
      %dma_wait3A_1280 = arith.constant 0 : i32
      %dma_wait3A_1281 = tpu.memref_slice %arg6[%add3A_1279, %dma_wait3A_1280] : memref<64x1000000xf32, #tpu.memory_space<hbm>> -> memref<1x1000000xf32, #tpu.memory_space<hbm>>
      %dma_wait3A_1282 = tpu.memref_squeeze %dma_wait3A_1281 : memref<1x1000000xf32, #tpu.memory_space<hbm>> -> memref<1000000xf32, #tpu.memory_space<hbm>>
      tpu.wait_dma2 semaphore(%arg25 : memref<!tpu.dma_semaphore, #tpu.memory_space<semaphore_mem>>) src(%dma_wait3A_1282 : memref<1000000xf32, #tpu.memory_space<hbm>>) dst(%arg23 : memref<1000000xf32, #tpu.memory_space<vmem_shared>>)
    } else {
    }
    %barrier3A_738 = arith.constant 0 : index
    tpu.barrier barrier_id(%barrier3A_738)
    %dma_start3A_739 = arith.constant 0 : i32
    %dma_start3A_740 = tpu.memref_slice %arg23[%dma_start3A_739] : memref<1000000xf32, #tpu.memory_space<vmem_shared>> -> memref<1000000xf32, #tpu.memory_space<vmem_shared>>
    tpu.enqueue_indirect_dma source(%dma_start3A_740 : memref<1000000xf32, #tpu.memory_space<vmem_shared>>) target(%arg18 : memref<1024xf32, #tpu.memory_space<vmem>>) offsets(%arg14 : memref<1024xi32, #tpu.memory_space<vmem>>) semaphore(%arg26 : memref<!tpu.dma_semaphore, #tpu.memory_space<semaphore_mem>>)
    %dma_wait3A_741 = arith.constant 0 : i32
    %dma_wait3A_742 = tpu.memref_slice %arg23[%dma_wait3A_741] : memref<1000000xf32, #tpu.memory_space<vmem_shared>> -> memref<1000000xf32, #tpu.memory_space<vmem_shared>>
    tpu.wait_indirect_dma semaphore(%arg26 : memref<!tpu.dma_semaphore, #tpu.memory_space<semaphore_mem>>) src(%dma_wait3A_742 : memref<1000000xf32, #tpu.memory_space<vmem_shared>>) dst(%arg18 : memref<1024xf32, #tpu.memory_space<vmem>>)
    %barrier3A_743 = arith.constant 0 : index
    tpu.barrier barrier_id(%barrier3A_743)
    %add3A_744 = arith.constant 16 : i32
    %add3A_745 = arith.addi %mul3A_8, %add3A_744 : i32
    %mul3A_746 = arith.constant 1024 : i32
    %mul3A_747 = arith.muli %arg1, %mul3A_746 : i32
    %dma_start3A_748 = tpu.memref_slice %arg10[%add3A_745, %mul3A_747] : memref<64x16384xf32, #tpu.memory_space<hbm>> -> memref<1x1024xf32, #tpu.memory_space<hbm>>
    %dma_start3A_749 = tpu.memref_squeeze %dma_start3A_748 : memref<1x1024xf32, #tpu.memory_space<hbm>> -> memref<1024xf32, #tpu.memory_space<hbm>>
    %dma_start3A_750 = tpu.memref_slice %arg10[%add3A_745, %mul3A_747] : memref<64x16384xf32, #tpu.memory_space<hbm>> -> memref<1x1024xf32, #tpu.memory_space<hbm>>
    %dma_start3A_751 = tpu.memref_squeeze %dma_start3A_750 : memref<1x1024xf32, #tpu.memory_space<hbm>> -> memref<1024xf32, #tpu.memory_space<hbm>>
    tpu.enqueue_dma source(%arg18 : memref<1024xf32, #tpu.memory_space<vmem>>) target(%dma_start3A_751 : memref<1024xf32, #tpu.memory_space<hbm>>) target_semaphore(%arg27 : memref<!tpu.dma_semaphore, #tpu.memory_space<semaphore_mem>>)
    %eq3A_752 = arith.constant 0 : i32
    %eq3A_753 = arith.cmpi eq, %arg1, %eq3A_752 : i32
    %convert_element_type3A_754 = arith.extui %eq3A_753 : i1 to i32
    %cond3A_755 = arith.constant 0 : i32
    %cond3A_756 = arith.cmpi ne, %convert_element_type3A_754, %cond3A_755 : i32
    scf.if %cond3A_756 {
      %add3A_1278 = arith.constant 17 : i32
      %add3A_1279 = arith.addi %mul3A_8, %add3A_1278 : i32
      %dma_start3A_1280 = arith.constant 0 : i32
      %dma_start3A_1281 = tpu.memref_slice %arg6[%add3A_1279, %dma_start3A_1280] : memref<64x1000000xf32, #tpu.memory_space<hbm>> -> memref<1x1000000xf32, #tpu.memory_space<hbm>>
      %dma_start3A_1282 = tpu.memref_squeeze %dma_start3A_1281 : memref<1x1000000xf32, #tpu.memory_space<hbm>> -> memref<1000000xf32, #tpu.memory_space<hbm>>
      tpu.enqueue_dma source(%dma_start3A_1282 : memref<1000000xf32, #tpu.memory_space<hbm>>) target(%arg23 : memref<1000000xf32, #tpu.memory_space<vmem_shared>>) target_semaphore(%arg25 : memref<!tpu.dma_semaphore, #tpu.memory_space<semaphore_mem>>)
    } else {
    }
    %add3A_757 = arith.constant 17 : i32
    %add3A_758 = arith.addi %mul3A_8, %add3A_757 : i32
    %sub3A_759 = arith.constant 2 : i32
    %sub3A_760 = arith.subi %add3A_758, %sub3A_759 : i32
    %mul3A_761 = arith.constant 1024 : i32
    %mul3A_762 = arith.muli %arg1, %mul3A_761 : i32
    %dma_wait3A_763 = tpu.memref_slice %arg10[%sub3A_760, %mul3A_762] : memref<64x16384xf32, #tpu.memory_space<hbm>> -> memref<1x1024xf32, #tpu.memory_space<hbm>>
    %dma_wait3A_764 = tpu.memref_squeeze %dma_wait3A_763 : memref<1x1024xf32, #tpu.memory_space<hbm>> -> memref<1024xf32, #tpu.memory_space<hbm>>
    %dma_wait3A_765 = tpu.memref_slice %arg10[%sub3A_760, %mul3A_762] : memref<64x16384xf32, #tpu.memory_space<hbm>> -> memref<1x1024xf32, #tpu.memory_space<hbm>>
    %dma_wait3A_766 = tpu.memref_squeeze %dma_wait3A_765 : memref<1x1024xf32, #tpu.memory_space<hbm>> -> memref<1024xf32, #tpu.memory_space<hbm>>
    tpu.wait_dma2 semaphore(%arg27 : memref<!tpu.dma_semaphore, #tpu.memory_space<semaphore_mem>>) src(%arg19 : memref<1024xf32, #tpu.memory_space<vmem>>) dst(%dma_wait3A_766 : memref<1024xf32, #tpu.memory_space<hbm>>)
    %eq3A_767 = arith.constant 0 : i32
    %eq3A_768 = arith.cmpi eq, %arg1, %eq3A_767 : i32
    %convert_element_type3A_769 = arith.extui %eq3A_768 : i1 to i32
    %cond3A_770 = arith.constant 0 : i32
    %cond3A_771 = arith.cmpi ne, %convert_element_type3A_769, %cond3A_770 : i32
    scf.if %cond3A_771 {
      %add3A_1278 = arith.constant 17 : i32
      %add3A_1279 = arith.addi %mul3A_8, %add3A_1278 : i32
      %dma_wait3A_1280 = arith.constant 0 : i32
      %dma_wait3A_1281 = tpu.memref_slice %arg6[%add3A_1279, %dma_wait3A_1280] : memref<64x1000000xf32, #tpu.memory_space<hbm>> -> memref<1x1000000xf32, #tpu.memory_space<hbm>>
      %dma_wait3A_1282 = tpu.memref_squeeze %dma_wait3A_1281 : memref<1x1000000xf32, #tpu.memory_space<hbm>> -> memref<1000000xf32, #tpu.memory_space<hbm>>
      tpu.wait_dma2 semaphore(%arg25 : memref<!tpu.dma_semaphore, #tpu.memory_space<semaphore_mem>>) src(%dma_wait3A_1282 : memref<1000000xf32, #tpu.memory_space<hbm>>) dst(%arg23 : memref<1000000xf32, #tpu.memory_space<vmem_shared>>)
    } else {
    }
    %barrier3A_772 = arith.constant 0 : index
    tpu.barrier barrier_id(%barrier3A_772)
    %dma_start3A_773 = arith.constant 0 : i32
    %dma_start3A_774 = tpu.memref_slice %arg23[%dma_start3A_773] : memref<1000000xf32, #tpu.memory_space<vmem_shared>> -> memref<1000000xf32, #tpu.memory_space<vmem_shared>>
    tpu.enqueue_indirect_dma source(%dma_start3A_774 : memref<1000000xf32, #tpu.memory_space<vmem_shared>>) target(%arg19 : memref<1024xf32, #tpu.memory_space<vmem>>) offsets(%arg14 : memref<1024xi32, #tpu.memory_space<vmem>>) semaphore(%arg26 : memref<!tpu.dma_semaphore, #tpu.memory_space<semaphore_mem>>)
    %dma_wait3A_775 = arith.constant 0 : i32
    %dma_wait3A_776 = tpu.memref_slice %arg23[%dma_wait3A_775] : memref<1000000xf32, #tpu.memory_space<vmem_shared>> -> memref<1000000xf32, #tpu.memory_space<vmem_shared>>
    tpu.wait_indirect_dma semaphore(%arg26 : memref<!tpu.dma_semaphore, #tpu.memory_space<semaphore_mem>>) src(%dma_wait3A_776 : memref<1000000xf32, #tpu.memory_space<vmem_shared>>) dst(%arg19 : memref<1024xf32, #tpu.memory_space<vmem>>)
    %barrier3A_777 = arith.constant 0 : index
    tpu.barrier barrier_id(%barrier3A_777)
    %add3A_778 = arith.constant 17 : i32
    %add3A_779 = arith.addi %mul3A_8, %add3A_778 : i32
    %mul3A_780 = arith.constant 1024 : i32
    %mul3A_781 = arith.muli %arg1, %mul3A_780 : i32
    %dma_start3A_782 = tpu.memref_slice %arg10[%add3A_779, %mul3A_781] : memref<64x16384xf32, #tpu.memory_space<hbm>> -> memref<1x1024xf32, #tpu.memory_space<hbm>>
    %dma_start3A_783 = tpu.memref_squeeze %dma_start3A_782 : memref<1x1024xf32, #tpu.memory_space<hbm>> -> memref<1024xf32, #tpu.memory_space<hbm>>
    %dma_start3A_784 = tpu.memref_slice %arg10[%add3A_779, %mul3A_781] : memref<64x16384xf32, #tpu.memory_space<hbm>> -> memref<1x1024xf32, #tpu.memory_space<hbm>>
    %dma_start3A_785 = tpu.memref_squeeze %dma_start3A_784 : memref<1x1024xf32, #tpu.memory_space<hbm>> -> memref<1024xf32, #tpu.memory_space<hbm>>
    tpu.enqueue_dma source(%arg19 : memref<1024xf32, #tpu.memory_space<vmem>>) target(%dma_start3A_785 : memref<1024xf32, #tpu.memory_space<hbm>>) target_semaphore(%arg27 : memref<!tpu.dma_semaphore, #tpu.memory_space<semaphore_mem>>)
    %eq3A_786 = arith.constant 0 : i32
    %eq3A_787 = arith.cmpi eq, %arg1, %eq3A_786 : i32
    %convert_element_type3A_788 = arith.extui %eq3A_787 : i1 to i32
    %cond3A_789 = arith.constant 0 : i32
    %cond3A_790 = arith.cmpi ne, %convert_element_type3A_788, %cond3A_789 : i32
    scf.if %cond3A_790 {
      %add3A_1278 = arith.constant 18 : i32
      %add3A_1279 = arith.addi %mul3A_8, %add3A_1278 : i32
      %dma_start3A_1280 = arith.constant 0 : i32
      %dma_start3A_1281 = tpu.memref_slice %arg6[%add3A_1279, %dma_start3A_1280] : memref<64x1000000xf32, #tpu.memory_space<hbm>> -> memref<1x1000000xf32, #tpu.memory_space<hbm>>
      %dma_start3A_1282 = tpu.memref_squeeze %dma_start3A_1281 : memref<1x1000000xf32, #tpu.memory_space<hbm>> -> memref<1000000xf32, #tpu.memory_space<hbm>>
      tpu.enqueue_dma source(%dma_start3A_1282 : memref<1000000xf32, #tpu.memory_space<hbm>>) target(%arg23 : memref<1000000xf32, #tpu.memory_space<vmem_shared>>) target_semaphore(%arg25 : memref<!tpu.dma_semaphore, #tpu.memory_space<semaphore_mem>>)
    } else {
    }
    %add3A_791 = arith.constant 18 : i32
    %add3A_792 = arith.addi %mul3A_8, %add3A_791 : i32
    %sub3A_793 = arith.constant 2 : i32
    %sub3A_794 = arith.subi %add3A_792, %sub3A_793 : i32
    %mul3A_795 = arith.constant 1024 : i32
    %mul3A_796 = arith.muli %arg1, %mul3A_795 : i32
    %dma_wait3A_797 = tpu.memref_slice %arg10[%sub3A_794, %mul3A_796] : memref<64x16384xf32, #tpu.memory_space<hbm>> -> memref<1x1024xf32, #tpu.memory_space<hbm>>
    %dma_wait3A_798 = tpu.memref_squeeze %dma_wait3A_797 : memref<1x1024xf32, #tpu.memory_space<hbm>> -> memref<1024xf32, #tpu.memory_space<hbm>>
    %dma_wait3A_799 = tpu.memref_slice %arg10[%sub3A_794, %mul3A_796] : memref<64x16384xf32, #tpu.memory_space<hbm>> -> memref<1x1024xf32, #tpu.memory_space<hbm>>
    %dma_wait3A_800 = tpu.memref_squeeze %dma_wait3A_799 : memref<1x1024xf32, #tpu.memory_space<hbm>> -> memref<1024xf32, #tpu.memory_space<hbm>>
    tpu.wait_dma2 semaphore(%arg27 : memref<!tpu.dma_semaphore, #tpu.memory_space<semaphore_mem>>) src(%arg18 : memref<1024xf32, #tpu.memory_space<vmem>>) dst(%dma_wait3A_800 : memref<1024xf32, #tpu.memory_space<hbm>>)
    %eq3A_801 = arith.constant 0 : i32
    %eq3A_802 = arith.cmpi eq, %arg1, %eq3A_801 : i32
    %convert_element_type3A_803 = arith.extui %eq3A_802 : i1 to i32
    %cond3A_804 = arith.constant 0 : i32
    %cond3A_805 = arith.cmpi ne, %convert_element_type3A_803, %cond3A_804 : i32
    scf.if %cond3A_805 {
      %add3A_1278 = arith.constant 18 : i32
      %add3A_1279 = arith.addi %mul3A_8, %add3A_1278 : i32
      %dma_wait3A_1280 = arith.constant 0 : i32
      %dma_wait3A_1281 = tpu.memref_slice %arg6[%add3A_1279, %dma_wait3A_1280] : memref<64x1000000xf32, #tpu.memory_space<hbm>> -> memref<1x1000000xf32, #tpu.memory_space<hbm>>
      %dma_wait3A_1282 = tpu.memref_squeeze %dma_wait3A_1281 : memref<1x1000000xf32, #tpu.memory_space<hbm>> -> memref<1000000xf32, #tpu.memory_space<hbm>>
      tpu.wait_dma2 semaphore(%arg25 : memref<!tpu.dma_semaphore, #tpu.memory_space<semaphore_mem>>) src(%dma_wait3A_1282 : memref<1000000xf32, #tpu.memory_space<hbm>>) dst(%arg23 : memref<1000000xf32, #tpu.memory_space<vmem_shared>>)
    } else {
    }
    %barrier3A_806 = arith.constant 0 : index
    tpu.barrier barrier_id(%barrier3A_806)
    %dma_start3A_807 = arith.constant 0 : i32
    %dma_start3A_808 = tpu.memref_slice %arg23[%dma_start3A_807] : memref<1000000xf32, #tpu.memory_space<vmem_shared>> -> memref<1000000xf32, #tpu.memory_space<vmem_shared>>
    tpu.enqueue_indirect_dma source(%dma_start3A_808 : memref<1000000xf32, #tpu.memory_space<vmem_shared>>) target(%arg18 : memref<1024xf32, #tpu.memory_space<vmem>>) offsets(%arg14 : memref<1024xi32, #tpu.memory_space<vmem>>) semaphore(%arg26 : memref<!tpu.dma_semaphore, #tpu.memory_space<semaphore_mem>>)
    %dma_wait3A_809 = arith.constant 0 : i32
    %dma_wait3A_810 = tpu.memref_slice %arg23[%dma_wait3A_809] : memref<1000000xf32, #tpu.memory_space<vmem_shared>> -> memref<1000000xf32, #tpu.memory_space<vmem_shared>>
    tpu.wait_indirect_dma semaphore(%arg26 : memref<!tpu.dma_semaphore, #tpu.memory_space<semaphore_mem>>) src(%dma_wait3A_810 : memref<1000000xf32, #tpu.memory_space<vmem_shared>>) dst(%arg18 : memref<1024xf32, #tpu.memory_space<vmem>>)
    %barrier3A_811 = arith.constant 0 : index
    tpu.barrier barrier_id(%barrier3A_811)
    %add3A_812 = arith.constant 18 : i32
    %add3A_813 = arith.addi %mul3A_8, %add3A_812 : i32
    %mul3A_814 = arith.constant 1024 : i32
    %mul3A_815 = arith.muli %arg1, %mul3A_814 : i32
    %dma_start3A_816 = tpu.memref_slice %arg10[%add3A_813, %mul3A_815] : memref<64x16384xf32, #tpu.memory_space<hbm>> -> memref<1x1024xf32, #tpu.memory_space<hbm>>
    %dma_start3A_817 = tpu.memref_squeeze %dma_start3A_816 : memref<1x1024xf32, #tpu.memory_space<hbm>> -> memref<1024xf32, #tpu.memory_space<hbm>>
    %dma_start3A_818 = tpu.memref_slice %arg10[%add3A_813, %mul3A_815] : memref<64x16384xf32, #tpu.memory_space<hbm>> -> memref<1x1024xf32, #tpu.memory_space<hbm>>
    %dma_start3A_819 = tpu.memref_squeeze %dma_start3A_818 : memref<1x1024xf32, #tpu.memory_space<hbm>> -> memref<1024xf32, #tpu.memory_space<hbm>>
    tpu.enqueue_dma source(%arg18 : memref<1024xf32, #tpu.memory_space<vmem>>) target(%dma_start3A_819 : memref<1024xf32, #tpu.memory_space<hbm>>) target_semaphore(%arg27 : memref<!tpu.dma_semaphore, #tpu.memory_space<semaphore_mem>>)
    %eq3A_820 = arith.constant 0 : i32
    %eq3A_821 = arith.cmpi eq, %arg1, %eq3A_820 : i32
    %convert_element_type3A_822 = arith.extui %eq3A_821 : i1 to i32
    %cond3A_823 = arith.constant 0 : i32
    %cond3A_824 = arith.cmpi ne, %convert_element_type3A_822, %cond3A_823 : i32
    scf.if %cond3A_824 {
      %add3A_1278 = arith.constant 19 : i32
      %add3A_1279 = arith.addi %mul3A_8, %add3A_1278 : i32
      %dma_start3A_1280 = arith.constant 0 : i32
      %dma_start3A_1281 = tpu.memref_slice %arg6[%add3A_1279, %dma_start3A_1280] : memref<64x1000000xf32, #tpu.memory_space<hbm>> -> memref<1x1000000xf32, #tpu.memory_space<hbm>>
      %dma_start3A_1282 = tpu.memref_squeeze %dma_start3A_1281 : memref<1x1000000xf32, #tpu.memory_space<hbm>> -> memref<1000000xf32, #tpu.memory_space<hbm>>
      tpu.enqueue_dma source(%dma_start3A_1282 : memref<1000000xf32, #tpu.memory_space<hbm>>) target(%arg23 : memref<1000000xf32, #tpu.memory_space<vmem_shared>>) target_semaphore(%arg25 : memref<!tpu.dma_semaphore, #tpu.memory_space<semaphore_mem>>)
    } else {
    }
    %add3A_825 = arith.constant 19 : i32
    %add3A_826 = arith.addi %mul3A_8, %add3A_825 : i32
    %sub3A_827 = arith.constant 2 : i32
    %sub3A_828 = arith.subi %add3A_826, %sub3A_827 : i32
    %mul3A_829 = arith.constant 1024 : i32
    %mul3A_830 = arith.muli %arg1, %mul3A_829 : i32
    %dma_wait3A_831 = tpu.memref_slice %arg10[%sub3A_828, %mul3A_830] : memref<64x16384xf32, #tpu.memory_space<hbm>> -> memref<1x1024xf32, #tpu.memory_space<hbm>>
    %dma_wait3A_832 = tpu.memref_squeeze %dma_wait3A_831 : memref<1x1024xf32, #tpu.memory_space<hbm>> -> memref<1024xf32, #tpu.memory_space<hbm>>
    %dma_wait3A_833 = tpu.memref_slice %arg10[%sub3A_828, %mul3A_830] : memref<64x16384xf32, #tpu.memory_space<hbm>> -> memref<1x1024xf32, #tpu.memory_space<hbm>>
    %dma_wait3A_834 = tpu.memref_squeeze %dma_wait3A_833 : memref<1x1024xf32, #tpu.memory_space<hbm>> -> memref<1024xf32, #tpu.memory_space<hbm>>
    tpu.wait_dma2 semaphore(%arg27 : memref<!tpu.dma_semaphore, #tpu.memory_space<semaphore_mem>>) src(%arg19 : memref<1024xf32, #tpu.memory_space<vmem>>) dst(%dma_wait3A_834 : memref<1024xf32, #tpu.memory_space<hbm>>)
    %eq3A_835 = arith.constant 0 : i32
    %eq3A_836 = arith.cmpi eq, %arg1, %eq3A_835 : i32
    %convert_element_type3A_837 = arith.extui %eq3A_836 : i1 to i32
    %cond3A_838 = arith.constant 0 : i32
    %cond3A_839 = arith.cmpi ne, %convert_element_type3A_837, %cond3A_838 : i32
    scf.if %cond3A_839 {
      %add3A_1278 = arith.constant 19 : i32
      %add3A_1279 = arith.addi %mul3A_8, %add3A_1278 : i32
      %dma_wait3A_1280 = arith.constant 0 : i32
      %dma_wait3A_1281 = tpu.memref_slice %arg6[%add3A_1279, %dma_wait3A_1280] : memref<64x1000000xf32, #tpu.memory_space<hbm>> -> memref<1x1000000xf32, #tpu.memory_space<hbm>>
      %dma_wait3A_1282 = tpu.memref_squeeze %dma_wait3A_1281 : memref<1x1000000xf32, #tpu.memory_space<hbm>> -> memref<1000000xf32, #tpu.memory_space<hbm>>
      tpu.wait_dma2 semaphore(%arg25 : memref<!tpu.dma_semaphore, #tpu.memory_space<semaphore_mem>>) src(%dma_wait3A_1282 : memref<1000000xf32, #tpu.memory_space<hbm>>) dst(%arg23 : memref<1000000xf32, #tpu.memory_space<vmem_shared>>)
    } else {
    }
    %barrier3A_840 = arith.constant 0 : index
    tpu.barrier barrier_id(%barrier3A_840)
    %dma_start3A_841 = arith.constant 0 : i32
    %dma_start3A_842 = tpu.memref_slice %arg23[%dma_start3A_841] : memref<1000000xf32, #tpu.memory_space<vmem_shared>> -> memref<1000000xf32, #tpu.memory_space<vmem_shared>>
    tpu.enqueue_indirect_dma source(%dma_start3A_842 : memref<1000000xf32, #tpu.memory_space<vmem_shared>>) target(%arg19 : memref<1024xf32, #tpu.memory_space<vmem>>) offsets(%arg14 : memref<1024xi32, #tpu.memory_space<vmem>>) semaphore(%arg26 : memref<!tpu.dma_semaphore, #tpu.memory_space<semaphore_mem>>)
    %dma_wait3A_843 = arith.constant 0 : i32
    %dma_wait3A_844 = tpu.memref_slice %arg23[%dma_wait3A_843] : memref<1000000xf32, #tpu.memory_space<vmem_shared>> -> memref<1000000xf32, #tpu.memory_space<vmem_shared>>
    tpu.wait_indirect_dma semaphore(%arg26 : memref<!tpu.dma_semaphore, #tpu.memory_space<semaphore_mem>>) src(%dma_wait3A_844 : memref<1000000xf32, #tpu.memory_space<vmem_shared>>) dst(%arg19 : memref<1024xf32, #tpu.memory_space<vmem>>)
    %barrier3A_845 = arith.constant 0 : index
    tpu.barrier barrier_id(%barrier3A_845)
    %add3A_846 = arith.constant 19 : i32
    %add3A_847 = arith.addi %mul3A_8, %add3A_846 : i32
    %mul3A_848 = arith.constant 1024 : i32
    %mul3A_849 = arith.muli %arg1, %mul3A_848 : i32
    %dma_start3A_850 = tpu.memref_slice %arg10[%add3A_847, %mul3A_849] : memref<64x16384xf32, #tpu.memory_space<hbm>> -> memref<1x1024xf32, #tpu.memory_space<hbm>>
    %dma_start3A_851 = tpu.memref_squeeze %dma_start3A_850 : memref<1x1024xf32, #tpu.memory_space<hbm>> -> memref<1024xf32, #tpu.memory_space<hbm>>
    %dma_start3A_852 = tpu.memref_slice %arg10[%add3A_847, %mul3A_849] : memref<64x16384xf32, #tpu.memory_space<hbm>> -> memref<1x1024xf32, #tpu.memory_space<hbm>>
    %dma_start3A_853 = tpu.memref_squeeze %dma_start3A_852 : memref<1x1024xf32, #tpu.memory_space<hbm>> -> memref<1024xf32, #tpu.memory_space<hbm>>
    tpu.enqueue_dma source(%arg19 : memref<1024xf32, #tpu.memory_space<vmem>>) target(%dma_start3A_853 : memref<1024xf32, #tpu.memory_space<hbm>>) target_semaphore(%arg27 : memref<!tpu.dma_semaphore, #tpu.memory_space<semaphore_mem>>)
    %eq3A_854 = arith.constant 0 : i32
    %eq3A_855 = arith.cmpi eq, %arg1, %eq3A_854 : i32
    %convert_element_type3A_856 = arith.extui %eq3A_855 : i1 to i32
    %cond3A_857 = arith.constant 0 : i32
    %cond3A_858 = arith.cmpi ne, %convert_element_type3A_856, %cond3A_857 : i32
    scf.if %cond3A_858 {
      %add3A_1278 = arith.constant 20 : i32
      %add3A_1279 = arith.addi %mul3A_8, %add3A_1278 : i32
      %dma_start3A_1280 = arith.constant 0 : i32
      %dma_start3A_1281 = tpu.memref_slice %arg6[%add3A_1279, %dma_start3A_1280] : memref<64x1000000xf32, #tpu.memory_space<hbm>> -> memref<1x1000000xf32, #tpu.memory_space<hbm>>
      %dma_start3A_1282 = tpu.memref_squeeze %dma_start3A_1281 : memref<1x1000000xf32, #tpu.memory_space<hbm>> -> memref<1000000xf32, #tpu.memory_space<hbm>>
      tpu.enqueue_dma source(%dma_start3A_1282 : memref<1000000xf32, #tpu.memory_space<hbm>>) target(%arg23 : memref<1000000xf32, #tpu.memory_space<vmem_shared>>) target_semaphore(%arg25 : memref<!tpu.dma_semaphore, #tpu.memory_space<semaphore_mem>>)
    } else {
    }
    %add3A_859 = arith.constant 20 : i32
    %add3A_860 = arith.addi %mul3A_8, %add3A_859 : i32
    %sub3A_861 = arith.constant 2 : i32
    %sub3A_862 = arith.subi %add3A_860, %sub3A_861 : i32
    %mul3A_863 = arith.constant 1024 : i32
    %mul3A_864 = arith.muli %arg1, %mul3A_863 : i32
    %dma_wait3A_865 = tpu.memref_slice %arg10[%sub3A_862, %mul3A_864] : memref<64x16384xf32, #tpu.memory_space<hbm>> -> memref<1x1024xf32, #tpu.memory_space<hbm>>
    %dma_wait3A_866 = tpu.memref_squeeze %dma_wait3A_865 : memref<1x1024xf32, #tpu.memory_space<hbm>> -> memref<1024xf32, #tpu.memory_space<hbm>>
    %dma_wait3A_867 = tpu.memref_slice %arg10[%sub3A_862, %mul3A_864] : memref<64x16384xf32, #tpu.memory_space<hbm>> -> memref<1x1024xf32, #tpu.memory_space<hbm>>
    %dma_wait3A_868 = tpu.memref_squeeze %dma_wait3A_867 : memref<1x1024xf32, #tpu.memory_space<hbm>> -> memref<1024xf32, #tpu.memory_space<hbm>>
    tpu.wait_dma2 semaphore(%arg27 : memref<!tpu.dma_semaphore, #tpu.memory_space<semaphore_mem>>) src(%arg18 : memref<1024xf32, #tpu.memory_space<vmem>>) dst(%dma_wait3A_868 : memref<1024xf32, #tpu.memory_space<hbm>>)
    %eq3A_869 = arith.constant 0 : i32
    %eq3A_870 = arith.cmpi eq, %arg1, %eq3A_869 : i32
    %convert_element_type3A_871 = arith.extui %eq3A_870 : i1 to i32
    %cond3A_872 = arith.constant 0 : i32
    %cond3A_873 = arith.cmpi ne, %convert_element_type3A_871, %cond3A_872 : i32
    scf.if %cond3A_873 {
      %add3A_1278 = arith.constant 20 : i32
      %add3A_1279 = arith.addi %mul3A_8, %add3A_1278 : i32
      %dma_wait3A_1280 = arith.constant 0 : i32
      %dma_wait3A_1281 = tpu.memref_slice %arg6[%add3A_1279, %dma_wait3A_1280] : memref<64x1000000xf32, #tpu.memory_space<hbm>> -> memref<1x1000000xf32, #tpu.memory_space<hbm>>
      %dma_wait3A_1282 = tpu.memref_squeeze %dma_wait3A_1281 : memref<1x1000000xf32, #tpu.memory_space<hbm>> -> memref<1000000xf32, #tpu.memory_space<hbm>>
      tpu.wait_dma2 semaphore(%arg25 : memref<!tpu.dma_semaphore, #tpu.memory_space<semaphore_mem>>) src(%dma_wait3A_1282 : memref<1000000xf32, #tpu.memory_space<hbm>>) dst(%arg23 : memref<1000000xf32, #tpu.memory_space<vmem_shared>>)
    } else {
    }
    %barrier3A_874 = arith.constant 0 : index
    tpu.barrier barrier_id(%barrier3A_874)
    %dma_start3A_875 = arith.constant 0 : i32
    %dma_start3A_876 = tpu.memref_slice %arg23[%dma_start3A_875] : memref<1000000xf32, #tpu.memory_space<vmem_shared>> -> memref<1000000xf32, #tpu.memory_space<vmem_shared>>
    tpu.enqueue_indirect_dma source(%dma_start3A_876 : memref<1000000xf32, #tpu.memory_space<vmem_shared>>) target(%arg18 : memref<1024xf32, #tpu.memory_space<vmem>>) offsets(%arg14 : memref<1024xi32, #tpu.memory_space<vmem>>) semaphore(%arg26 : memref<!tpu.dma_semaphore, #tpu.memory_space<semaphore_mem>>)
    %dma_wait3A_877 = arith.constant 0 : i32
    %dma_wait3A_878 = tpu.memref_slice %arg23[%dma_wait3A_877] : memref<1000000xf32, #tpu.memory_space<vmem_shared>> -> memref<1000000xf32, #tpu.memory_space<vmem_shared>>
    tpu.wait_indirect_dma semaphore(%arg26 : memref<!tpu.dma_semaphore, #tpu.memory_space<semaphore_mem>>) src(%dma_wait3A_878 : memref<1000000xf32, #tpu.memory_space<vmem_shared>>) dst(%arg18 : memref<1024xf32, #tpu.memory_space<vmem>>)
    %barrier3A_879 = arith.constant 0 : index
    tpu.barrier barrier_id(%barrier3A_879)
    %add3A_880 = arith.constant 20 : i32
    %add3A_881 = arith.addi %mul3A_8, %add3A_880 : i32
    %mul3A_882 = arith.constant 1024 : i32
    %mul3A_883 = arith.muli %arg1, %mul3A_882 : i32
    %dma_start3A_884 = tpu.memref_slice %arg10[%add3A_881, %mul3A_883] : memref<64x16384xf32, #tpu.memory_space<hbm>> -> memref<1x1024xf32, #tpu.memory_space<hbm>>
    %dma_start3A_885 = tpu.memref_squeeze %dma_start3A_884 : memref<1x1024xf32, #tpu.memory_space<hbm>> -> memref<1024xf32, #tpu.memory_space<hbm>>
    %dma_start3A_886 = tpu.memref_slice %arg10[%add3A_881, %mul3A_883] : memref<64x16384xf32, #tpu.memory_space<hbm>> -> memref<1x1024xf32, #tpu.memory_space<hbm>>
    %dma_start3A_887 = tpu.memref_squeeze %dma_start3A_886 : memref<1x1024xf32, #tpu.memory_space<hbm>> -> memref<1024xf32, #tpu.memory_space<hbm>>
    tpu.enqueue_dma source(%arg18 : memref<1024xf32, #tpu.memory_space<vmem>>) target(%dma_start3A_887 : memref<1024xf32, #tpu.memory_space<hbm>>) target_semaphore(%arg27 : memref<!tpu.dma_semaphore, #tpu.memory_space<semaphore_mem>>)
    %eq3A_888 = arith.constant 0 : i32
    %eq3A_889 = arith.cmpi eq, %arg1, %eq3A_888 : i32
    %convert_element_type3A_890 = arith.extui %eq3A_889 : i1 to i32
    %cond3A_891 = arith.constant 0 : i32
    %cond3A_892 = arith.cmpi ne, %convert_element_type3A_890, %cond3A_891 : i32
    scf.if %cond3A_892 {
      %add3A_1278 = arith.constant 21 : i32
      %add3A_1279 = arith.addi %mul3A_8, %add3A_1278 : i32
      %dma_start3A_1280 = arith.constant 0 : i32
      %dma_start3A_1281 = tpu.memref_slice %arg6[%add3A_1279, %dma_start3A_1280] : memref<64x1000000xf32, #tpu.memory_space<hbm>> -> memref<1x1000000xf32, #tpu.memory_space<hbm>>
      %dma_start3A_1282 = tpu.memref_squeeze %dma_start3A_1281 : memref<1x1000000xf32, #tpu.memory_space<hbm>> -> memref<1000000xf32, #tpu.memory_space<hbm>>
      tpu.enqueue_dma source(%dma_start3A_1282 : memref<1000000xf32, #tpu.memory_space<hbm>>) target(%arg23 : memref<1000000xf32, #tpu.memory_space<vmem_shared>>) target_semaphore(%arg25 : memref<!tpu.dma_semaphore, #tpu.memory_space<semaphore_mem>>)
    } else {
    }
    %add3A_893 = arith.constant 21 : i32
    %add3A_894 = arith.addi %mul3A_8, %add3A_893 : i32
    %sub3A_895 = arith.constant 2 : i32
    %sub3A_896 = arith.subi %add3A_894, %sub3A_895 : i32
    %mul3A_897 = arith.constant 1024 : i32
    %mul3A_898 = arith.muli %arg1, %mul3A_897 : i32
    %dma_wait3A_899 = tpu.memref_slice %arg10[%sub3A_896, %mul3A_898] : memref<64x16384xf32, #tpu.memory_space<hbm>> -> memref<1x1024xf32, #tpu.memory_space<hbm>>
    %dma_wait3A_900 = tpu.memref_squeeze %dma_wait3A_899 : memref<1x1024xf32, #tpu.memory_space<hbm>> -> memref<1024xf32, #tpu.memory_space<hbm>>
    %dma_wait3A_901 = tpu.memref_slice %arg10[%sub3A_896, %mul3A_898] : memref<64x16384xf32, #tpu.memory_space<hbm>> -> memref<1x1024xf32, #tpu.memory_space<hbm>>
    %dma_wait3A_902 = tpu.memref_squeeze %dma_wait3A_901 : memref<1x1024xf32, #tpu.memory_space<hbm>> -> memref<1024xf32, #tpu.memory_space<hbm>>
    tpu.wait_dma2 semaphore(%arg27 : memref<!tpu.dma_semaphore, #tpu.memory_space<semaphore_mem>>) src(%arg19 : memref<1024xf32, #tpu.memory_space<vmem>>) dst(%dma_wait3A_902 : memref<1024xf32, #tpu.memory_space<hbm>>)
    %eq3A_903 = arith.constant 0 : i32
    %eq3A_904 = arith.cmpi eq, %arg1, %eq3A_903 : i32
    %convert_element_type3A_905 = arith.extui %eq3A_904 : i1 to i32
    %cond3A_906 = arith.constant 0 : i32
    %cond3A_907 = arith.cmpi ne, %convert_element_type3A_905, %cond3A_906 : i32
    scf.if %cond3A_907 {
      %add3A_1278 = arith.constant 21 : i32
      %add3A_1279 = arith.addi %mul3A_8, %add3A_1278 : i32
      %dma_wait3A_1280 = arith.constant 0 : i32
      %dma_wait3A_1281 = tpu.memref_slice %arg6[%add3A_1279, %dma_wait3A_1280] : memref<64x1000000xf32, #tpu.memory_space<hbm>> -> memref<1x1000000xf32, #tpu.memory_space<hbm>>
      %dma_wait3A_1282 = tpu.memref_squeeze %dma_wait3A_1281 : memref<1x1000000xf32, #tpu.memory_space<hbm>> -> memref<1000000xf32, #tpu.memory_space<hbm>>
      tpu.wait_dma2 semaphore(%arg25 : memref<!tpu.dma_semaphore, #tpu.memory_space<semaphore_mem>>) src(%dma_wait3A_1282 : memref<1000000xf32, #tpu.memory_space<hbm>>) dst(%arg23 : memref<1000000xf32, #tpu.memory_space<vmem_shared>>)
    } else {
    }
    %barrier3A_908 = arith.constant 0 : index
    tpu.barrier barrier_id(%barrier3A_908)
    %dma_start3A_909 = arith.constant 0 : i32
    %dma_start3A_910 = tpu.memref_slice %arg23[%dma_start3A_909] : memref<1000000xf32, #tpu.memory_space<vmem_shared>> -> memref<1000000xf32, #tpu.memory_space<vmem_shared>>
    tpu.enqueue_indirect_dma source(%dma_start3A_910 : memref<1000000xf32, #tpu.memory_space<vmem_shared>>) target(%arg19 : memref<1024xf32, #tpu.memory_space<vmem>>) offsets(%arg14 : memref<1024xi32, #tpu.memory_space<vmem>>) semaphore(%arg26 : memref<!tpu.dma_semaphore, #tpu.memory_space<semaphore_mem>>)
    %dma_wait3A_911 = arith.constant 0 : i32
    %dma_wait3A_912 = tpu.memref_slice %arg23[%dma_wait3A_911] : memref<1000000xf32, #tpu.memory_space<vmem_shared>> -> memref<1000000xf32, #tpu.memory_space<vmem_shared>>
    tpu.wait_indirect_dma semaphore(%arg26 : memref<!tpu.dma_semaphore, #tpu.memory_space<semaphore_mem>>) src(%dma_wait3A_912 : memref<1000000xf32, #tpu.memory_space<vmem_shared>>) dst(%arg19 : memref<1024xf32, #tpu.memory_space<vmem>>)
    %barrier3A_913 = arith.constant 0 : index
    tpu.barrier barrier_id(%barrier3A_913)
    %add3A_914 = arith.constant 21 : i32
    %add3A_915 = arith.addi %mul3A_8, %add3A_914 : i32
    %mul3A_916 = arith.constant 1024 : i32
    %mul3A_917 = arith.muli %arg1, %mul3A_916 : i32
    %dma_start3A_918 = tpu.memref_slice %arg10[%add3A_915, %mul3A_917] : memref<64x16384xf32, #tpu.memory_space<hbm>> -> memref<1x1024xf32, #tpu.memory_space<hbm>>
    %dma_start3A_919 = tpu.memref_squeeze %dma_start3A_918 : memref<1x1024xf32, #tpu.memory_space<hbm>> -> memref<1024xf32, #tpu.memory_space<hbm>>
    %dma_start3A_920 = tpu.memref_slice %arg10[%add3A_915, %mul3A_917] : memref<64x16384xf32, #tpu.memory_space<hbm>> -> memref<1x1024xf32, #tpu.memory_space<hbm>>
    %dma_start3A_921 = tpu.memref_squeeze %dma_start3A_920 : memref<1x1024xf32, #tpu.memory_space<hbm>> -> memref<1024xf32, #tpu.memory_space<hbm>>
    tpu.enqueue_dma source(%arg19 : memref<1024xf32, #tpu.memory_space<vmem>>) target(%dma_start3A_921 : memref<1024xf32, #tpu.memory_space<hbm>>) target_semaphore(%arg27 : memref<!tpu.dma_semaphore, #tpu.memory_space<semaphore_mem>>)
    %eq3A_922 = arith.constant 0 : i32
    %eq3A_923 = arith.cmpi eq, %arg1, %eq3A_922 : i32
    %convert_element_type3A_924 = arith.extui %eq3A_923 : i1 to i32
    %cond3A_925 = arith.constant 0 : i32
    %cond3A_926 = arith.cmpi ne, %convert_element_type3A_924, %cond3A_925 : i32
    scf.if %cond3A_926 {
      %add3A_1278 = arith.constant 22 : i32
      %add3A_1279 = arith.addi %mul3A_8, %add3A_1278 : i32
      %dma_start3A_1280 = arith.constant 0 : i32
      %dma_start3A_1281 = tpu.memref_slice %arg6[%add3A_1279, %dma_start3A_1280] : memref<64x1000000xf32, #tpu.memory_space<hbm>> -> memref<1x1000000xf32, #tpu.memory_space<hbm>>
      %dma_start3A_1282 = tpu.memref_squeeze %dma_start3A_1281 : memref<1x1000000xf32, #tpu.memory_space<hbm>> -> memref<1000000xf32, #tpu.memory_space<hbm>>
      tpu.enqueue_dma source(%dma_start3A_1282 : memref<1000000xf32, #tpu.memory_space<hbm>>) target(%arg23 : memref<1000000xf32, #tpu.memory_space<vmem_shared>>) target_semaphore(%arg25 : memref<!tpu.dma_semaphore, #tpu.memory_space<semaphore_mem>>)
    } else {
    }
    %add3A_927 = arith.constant 22 : i32
    %add3A_928 = arith.addi %mul3A_8, %add3A_927 : i32
    %sub3A_929 = arith.constant 2 : i32
    %sub3A_930 = arith.subi %add3A_928, %sub3A_929 : i32
    %mul3A_931 = arith.constant 1024 : i32
    %mul3A_932 = arith.muli %arg1, %mul3A_931 : i32
    %dma_wait3A_933 = tpu.memref_slice %arg10[%sub3A_930, %mul3A_932] : memref<64x16384xf32, #tpu.memory_space<hbm>> -> memref<1x1024xf32, #tpu.memory_space<hbm>>
    %dma_wait3A_934 = tpu.memref_squeeze %dma_wait3A_933 : memref<1x1024xf32, #tpu.memory_space<hbm>> -> memref<1024xf32, #tpu.memory_space<hbm>>
    %dma_wait3A_935 = tpu.memref_slice %arg10[%sub3A_930, %mul3A_932] : memref<64x16384xf32, #tpu.memory_space<hbm>> -> memref<1x1024xf32, #tpu.memory_space<hbm>>
    %dma_wait3A_936 = tpu.memref_squeeze %dma_wait3A_935 : memref<1x1024xf32, #tpu.memory_space<hbm>> -> memref<1024xf32, #tpu.memory_space<hbm>>
    tpu.wait_dma2 semaphore(%arg27 : memref<!tpu.dma_semaphore, #tpu.memory_space<semaphore_mem>>) src(%arg18 : memref<1024xf32, #tpu.memory_space<vmem>>) dst(%dma_wait3A_936 : memref<1024xf32, #tpu.memory_space<hbm>>)
    %eq3A_937 = arith.constant 0 : i32
    %eq3A_938 = arith.cmpi eq, %arg1, %eq3A_937 : i32
    %convert_element_type3A_939 = arith.extui %eq3A_938 : i1 to i32
    %cond3A_940 = arith.constant 0 : i32
    %cond3A_941 = arith.cmpi ne, %convert_element_type3A_939, %cond3A_940 : i32
    scf.if %cond3A_941 {
      %add3A_1278 = arith.constant 22 : i32
      %add3A_1279 = arith.addi %mul3A_8, %add3A_1278 : i32
      %dma_wait3A_1280 = arith.constant 0 : i32
      %dma_wait3A_1281 = tpu.memref_slice %arg6[%add3A_1279, %dma_wait3A_1280] : memref<64x1000000xf32, #tpu.memory_space<hbm>> -> memref<1x1000000xf32, #tpu.memory_space<hbm>>
      %dma_wait3A_1282 = tpu.memref_squeeze %dma_wait3A_1281 : memref<1x1000000xf32, #tpu.memory_space<hbm>> -> memref<1000000xf32, #tpu.memory_space<hbm>>
      tpu.wait_dma2 semaphore(%arg25 : memref<!tpu.dma_semaphore, #tpu.memory_space<semaphore_mem>>) src(%dma_wait3A_1282 : memref<1000000xf32, #tpu.memory_space<hbm>>) dst(%arg23 : memref<1000000xf32, #tpu.memory_space<vmem_shared>>)
    } else {
    }
    %barrier3A_942 = arith.constant 0 : index
    tpu.barrier barrier_id(%barrier3A_942)
    %dma_start3A_943 = arith.constant 0 : i32
    %dma_start3A_944 = tpu.memref_slice %arg23[%dma_start3A_943] : memref<1000000xf32, #tpu.memory_space<vmem_shared>> -> memref<1000000xf32, #tpu.memory_space<vmem_shared>>
    tpu.enqueue_indirect_dma source(%dma_start3A_944 : memref<1000000xf32, #tpu.memory_space<vmem_shared>>) target(%arg18 : memref<1024xf32, #tpu.memory_space<vmem>>) offsets(%arg14 : memref<1024xi32, #tpu.memory_space<vmem>>) semaphore(%arg26 : memref<!tpu.dma_semaphore, #tpu.memory_space<semaphore_mem>>)
    %dma_wait3A_945 = arith.constant 0 : i32
    %dma_wait3A_946 = tpu.memref_slice %arg23[%dma_wait3A_945] : memref<1000000xf32, #tpu.memory_space<vmem_shared>> -> memref<1000000xf32, #tpu.memory_space<vmem_shared>>
    tpu.wait_indirect_dma semaphore(%arg26 : memref<!tpu.dma_semaphore, #tpu.memory_space<semaphore_mem>>) src(%dma_wait3A_946 : memref<1000000xf32, #tpu.memory_space<vmem_shared>>) dst(%arg18 : memref<1024xf32, #tpu.memory_space<vmem>>)
    %barrier3A_947 = arith.constant 0 : index
    tpu.barrier barrier_id(%barrier3A_947)
    %add3A_948 = arith.constant 22 : i32
    %add3A_949 = arith.addi %mul3A_8, %add3A_948 : i32
    %mul3A_950 = arith.constant 1024 : i32
    %mul3A_951 = arith.muli %arg1, %mul3A_950 : i32
    %dma_start3A_952 = tpu.memref_slice %arg10[%add3A_949, %mul3A_951] : memref<64x16384xf32, #tpu.memory_space<hbm>> -> memref<1x1024xf32, #tpu.memory_space<hbm>>
    %dma_start3A_953 = tpu.memref_squeeze %dma_start3A_952 : memref<1x1024xf32, #tpu.memory_space<hbm>> -> memref<1024xf32, #tpu.memory_space<hbm>>
    %dma_start3A_954 = tpu.memref_slice %arg10[%add3A_949, %mul3A_951] : memref<64x16384xf32, #tpu.memory_space<hbm>> -> memref<1x1024xf32, #tpu.memory_space<hbm>>
    %dma_start3A_955 = tpu.memref_squeeze %dma_start3A_954 : memref<1x1024xf32, #tpu.memory_space<hbm>> -> memref<1024xf32, #tpu.memory_space<hbm>>
    tpu.enqueue_dma source(%arg18 : memref<1024xf32, #tpu.memory_space<vmem>>) target(%dma_start3A_955 : memref<1024xf32, #tpu.memory_space<hbm>>) target_semaphore(%arg27 : memref<!tpu.dma_semaphore, #tpu.memory_space<semaphore_mem>>)
    %eq3A_956 = arith.constant 0 : i32
    %eq3A_957 = arith.cmpi eq, %arg1, %eq3A_956 : i32
    %convert_element_type3A_958 = arith.extui %eq3A_957 : i1 to i32
    %cond3A_959 = arith.constant 0 : i32
    %cond3A_960 = arith.cmpi ne, %convert_element_type3A_958, %cond3A_959 : i32
    scf.if %cond3A_960 {
      %add3A_1278 = arith.constant 23 : i32
      %add3A_1279 = arith.addi %mul3A_8, %add3A_1278 : i32
      %dma_start3A_1280 = arith.constant 0 : i32
      %dma_start3A_1281 = tpu.memref_slice %arg6[%add3A_1279, %dma_start3A_1280] : memref<64x1000000xf32, #tpu.memory_space<hbm>> -> memref<1x1000000xf32, #tpu.memory_space<hbm>>
      %dma_start3A_1282 = tpu.memref_squeeze %dma_start3A_1281 : memref<1x1000000xf32, #tpu.memory_space<hbm>> -> memref<1000000xf32, #tpu.memory_space<hbm>>
      tpu.enqueue_dma source(%dma_start3A_1282 : memref<1000000xf32, #tpu.memory_space<hbm>>) target(%arg23 : memref<1000000xf32, #tpu.memory_space<vmem_shared>>) target_semaphore(%arg25 : memref<!tpu.dma_semaphore, #tpu.memory_space<semaphore_mem>>)
    } else {
    }
    %add3A_961 = arith.constant 23 : i32
    %add3A_962 = arith.addi %mul3A_8, %add3A_961 : i32
    %sub3A_963 = arith.constant 2 : i32
    %sub3A_964 = arith.subi %add3A_962, %sub3A_963 : i32
    %mul3A_965 = arith.constant 1024 : i32
    %mul3A_966 = arith.muli %arg1, %mul3A_965 : i32
    %dma_wait3A_967 = tpu.memref_slice %arg10[%sub3A_964, %mul3A_966] : memref<64x16384xf32, #tpu.memory_space<hbm>> -> memref<1x1024xf32, #tpu.memory_space<hbm>>
    %dma_wait3A_968 = tpu.memref_squeeze %dma_wait3A_967 : memref<1x1024xf32, #tpu.memory_space<hbm>> -> memref<1024xf32, #tpu.memory_space<hbm>>
    %dma_wait3A_969 = tpu.memref_slice %arg10[%sub3A_964, %mul3A_966] : memref<64x16384xf32, #tpu.memory_space<hbm>> -> memref<1x1024xf32, #tpu.memory_space<hbm>>
    %dma_wait3A_970 = tpu.memref_squeeze %dma_wait3A_969 : memref<1x1024xf32, #tpu.memory_space<hbm>> -> memref<1024xf32, #tpu.memory_space<hbm>>
    tpu.wait_dma2 semaphore(%arg27 : memref<!tpu.dma_semaphore, #tpu.memory_space<semaphore_mem>>) src(%arg19 : memref<1024xf32, #tpu.memory_space<vmem>>) dst(%dma_wait3A_970 : memref<1024xf32, #tpu.memory_space<hbm>>)
    %eq3A_971 = arith.constant 0 : i32
    %eq3A_972 = arith.cmpi eq, %arg1, %eq3A_971 : i32
    %convert_element_type3A_973 = arith.extui %eq3A_972 : i1 to i32
    %cond3A_974 = arith.constant 0 : i32
    %cond3A_975 = arith.cmpi ne, %convert_element_type3A_973, %cond3A_974 : i32
    scf.if %cond3A_975 {
      %add3A_1278 = arith.constant 23 : i32
      %add3A_1279 = arith.addi %mul3A_8, %add3A_1278 : i32
      %dma_wait3A_1280 = arith.constant 0 : i32
      %dma_wait3A_1281 = tpu.memref_slice %arg6[%add3A_1279, %dma_wait3A_1280] : memref<64x1000000xf32, #tpu.memory_space<hbm>> -> memref<1x1000000xf32, #tpu.memory_space<hbm>>
      %dma_wait3A_1282 = tpu.memref_squeeze %dma_wait3A_1281 : memref<1x1000000xf32, #tpu.memory_space<hbm>> -> memref<1000000xf32, #tpu.memory_space<hbm>>
      tpu.wait_dma2 semaphore(%arg25 : memref<!tpu.dma_semaphore, #tpu.memory_space<semaphore_mem>>) src(%dma_wait3A_1282 : memref<1000000xf32, #tpu.memory_space<hbm>>) dst(%arg23 : memref<1000000xf32, #tpu.memory_space<vmem_shared>>)
    } else {
    }
    %barrier3A_976 = arith.constant 0 : index
    tpu.barrier barrier_id(%barrier3A_976)
    %dma_start3A_977 = arith.constant 0 : i32
    %dma_start3A_978 = tpu.memref_slice %arg23[%dma_start3A_977] : memref<1000000xf32, #tpu.memory_space<vmem_shared>> -> memref<1000000xf32, #tpu.memory_space<vmem_shared>>
    tpu.enqueue_indirect_dma source(%dma_start3A_978 : memref<1000000xf32, #tpu.memory_space<vmem_shared>>) target(%arg19 : memref<1024xf32, #tpu.memory_space<vmem>>) offsets(%arg14 : memref<1024xi32, #tpu.memory_space<vmem>>) semaphore(%arg26 : memref<!tpu.dma_semaphore, #tpu.memory_space<semaphore_mem>>)
    %dma_wait3A_979 = arith.constant 0 : i32
    %dma_wait3A_980 = tpu.memref_slice %arg23[%dma_wait3A_979] : memref<1000000xf32, #tpu.memory_space<vmem_shared>> -> memref<1000000xf32, #tpu.memory_space<vmem_shared>>
    tpu.wait_indirect_dma semaphore(%arg26 : memref<!tpu.dma_semaphore, #tpu.memory_space<semaphore_mem>>) src(%dma_wait3A_980 : memref<1000000xf32, #tpu.memory_space<vmem_shared>>) dst(%arg19 : memref<1024xf32, #tpu.memory_space<vmem>>)
    %barrier3A_981 = arith.constant 0 : index
    tpu.barrier barrier_id(%barrier3A_981)
    %add3A_982 = arith.constant 23 : i32
    %add3A_983 = arith.addi %mul3A_8, %add3A_982 : i32
    %mul3A_984 = arith.constant 1024 : i32
    %mul3A_985 = arith.muli %arg1, %mul3A_984 : i32
    %dma_start3A_986 = tpu.memref_slice %arg10[%add3A_983, %mul3A_985] : memref<64x16384xf32, #tpu.memory_space<hbm>> -> memref<1x1024xf32, #tpu.memory_space<hbm>>
    %dma_start3A_987 = tpu.memref_squeeze %dma_start3A_986 : memref<1x1024xf32, #tpu.memory_space<hbm>> -> memref<1024xf32, #tpu.memory_space<hbm>>
    %dma_start3A_988 = tpu.memref_slice %arg10[%add3A_983, %mul3A_985] : memref<64x16384xf32, #tpu.memory_space<hbm>> -> memref<1x1024xf32, #tpu.memory_space<hbm>>
    %dma_start3A_989 = tpu.memref_squeeze %dma_start3A_988 : memref<1x1024xf32, #tpu.memory_space<hbm>> -> memref<1024xf32, #tpu.memory_space<hbm>>
    tpu.enqueue_dma source(%arg19 : memref<1024xf32, #tpu.memory_space<vmem>>) target(%dma_start3A_989 : memref<1024xf32, #tpu.memory_space<hbm>>) target_semaphore(%arg27 : memref<!tpu.dma_semaphore, #tpu.memory_space<semaphore_mem>>)
    %eq3A_990 = arith.constant 0 : i32
    %eq3A_991 = arith.cmpi eq, %arg1, %eq3A_990 : i32
    %convert_element_type3A_992 = arith.extui %eq3A_991 : i1 to i32
    %cond3A_993 = arith.constant 0 : i32
    %cond3A_994 = arith.cmpi ne, %convert_element_type3A_992, %cond3A_993 : i32
    scf.if %cond3A_994 {
      %add3A_1278 = arith.constant 24 : i32
      %add3A_1279 = arith.addi %mul3A_8, %add3A_1278 : i32
      %dma_start3A_1280 = arith.constant 0 : i32
      %dma_start3A_1281 = tpu.memref_slice %arg6[%add3A_1279, %dma_start3A_1280] : memref<64x1000000xf32, #tpu.memory_space<hbm>> -> memref<1x1000000xf32, #tpu.memory_space<hbm>>
      %dma_start3A_1282 = tpu.memref_squeeze %dma_start3A_1281 : memref<1x1000000xf32, #tpu.memory_space<hbm>> -> memref<1000000xf32, #tpu.memory_space<hbm>>
      tpu.enqueue_dma source(%dma_start3A_1282 : memref<1000000xf32, #tpu.memory_space<hbm>>) target(%arg23 : memref<1000000xf32, #tpu.memory_space<vmem_shared>>) target_semaphore(%arg25 : memref<!tpu.dma_semaphore, #tpu.memory_space<semaphore_mem>>)
    } else {
    }
    %add3A_995 = arith.constant 24 : i32
    %add3A_996 = arith.addi %mul3A_8, %add3A_995 : i32
    %sub3A_997 = arith.constant 2 : i32
    %sub3A_998 = arith.subi %add3A_996, %sub3A_997 : i32
    %mul3A_999 = arith.constant 1024 : i32
    %mul3A_1000 = arith.muli %arg1, %mul3A_999 : i32
    %dma_wait3A_1001 = tpu.memref_slice %arg10[%sub3A_998, %mul3A_1000] : memref<64x16384xf32, #tpu.memory_space<hbm>> -> memref<1x1024xf32, #tpu.memory_space<hbm>>
    %dma_wait3A_1002 = tpu.memref_squeeze %dma_wait3A_1001 : memref<1x1024xf32, #tpu.memory_space<hbm>> -> memref<1024xf32, #tpu.memory_space<hbm>>
    %dma_wait3A_1003 = tpu.memref_slice %arg10[%sub3A_998, %mul3A_1000] : memref<64x16384xf32, #tpu.memory_space<hbm>> -> memref<1x1024xf32, #tpu.memory_space<hbm>>
    %dma_wait3A_1004 = tpu.memref_squeeze %dma_wait3A_1003 : memref<1x1024xf32, #tpu.memory_space<hbm>> -> memref<1024xf32, #tpu.memory_space<hbm>>
    tpu.wait_dma2 semaphore(%arg27 : memref<!tpu.dma_semaphore, #tpu.memory_space<semaphore_mem>>) src(%arg18 : memref<1024xf32, #tpu.memory_space<vmem>>) dst(%dma_wait3A_1004 : memref<1024xf32, #tpu.memory_space<hbm>>)
    %eq3A_1005 = arith.constant 0 : i32
    %eq3A_1006 = arith.cmpi eq, %arg1, %eq3A_1005 : i32
    %convert_element_type3A_1007 = arith.extui %eq3A_1006 : i1 to i32
    %cond3A_1008 = arith.constant 0 : i32
    %cond3A_1009 = arith.cmpi ne, %convert_element_type3A_1007, %cond3A_1008 : i32
    scf.if %cond3A_1009 {
      %add3A_1278 = arith.constant 24 : i32
      %add3A_1279 = arith.addi %mul3A_8, %add3A_1278 : i32
      %dma_wait3A_1280 = arith.constant 0 : i32
      %dma_wait3A_1281 = tpu.memref_slice %arg6[%add3A_1279, %dma_wait3A_1280] : memref<64x1000000xf32, #tpu.memory_space<hbm>> -> memref<1x1000000xf32, #tpu.memory_space<hbm>>
      %dma_wait3A_1282 = tpu.memref_squeeze %dma_wait3A_1281 : memref<1x1000000xf32, #tpu.memory_space<hbm>> -> memref<1000000xf32, #tpu.memory_space<hbm>>
      tpu.wait_dma2 semaphore(%arg25 : memref<!tpu.dma_semaphore, #tpu.memory_space<semaphore_mem>>) src(%dma_wait3A_1282 : memref<1000000xf32, #tpu.memory_space<hbm>>) dst(%arg23 : memref<1000000xf32, #tpu.memory_space<vmem_shared>>)
    } else {
    }
    %barrier3A_1010 = arith.constant 0 : index
    tpu.barrier barrier_id(%barrier3A_1010)
    %dma_start3A_1011 = arith.constant 0 : i32
    %dma_start3A_1012 = tpu.memref_slice %arg23[%dma_start3A_1011] : memref<1000000xf32, #tpu.memory_space<vmem_shared>> -> memref<1000000xf32, #tpu.memory_space<vmem_shared>>
    tpu.enqueue_indirect_dma source(%dma_start3A_1012 : memref<1000000xf32, #tpu.memory_space<vmem_shared>>) target(%arg18 : memref<1024xf32, #tpu.memory_space<vmem>>) offsets(%arg14 : memref<1024xi32, #tpu.memory_space<vmem>>) semaphore(%arg26 : memref<!tpu.dma_semaphore, #tpu.memory_space<semaphore_mem>>)
    %dma_wait3A_1013 = arith.constant 0 : i32
    %dma_wait3A_1014 = tpu.memref_slice %arg23[%dma_wait3A_1013] : memref<1000000xf32, #tpu.memory_space<vmem_shared>> -> memref<1000000xf32, #tpu.memory_space<vmem_shared>>
    tpu.wait_indirect_dma semaphore(%arg26 : memref<!tpu.dma_semaphore, #tpu.memory_space<semaphore_mem>>) src(%dma_wait3A_1014 : memref<1000000xf32, #tpu.memory_space<vmem_shared>>) dst(%arg18 : memref<1024xf32, #tpu.memory_space<vmem>>)
    %barrier3A_1015 = arith.constant 0 : index
    tpu.barrier barrier_id(%barrier3A_1015)
    %add3A_1016 = arith.constant 24 : i32
    %add3A_1017 = arith.addi %mul3A_8, %add3A_1016 : i32
    %mul3A_1018 = arith.constant 1024 : i32
    %mul3A_1019 = arith.muli %arg1, %mul3A_1018 : i32
    %dma_start3A_1020 = tpu.memref_slice %arg10[%add3A_1017, %mul3A_1019] : memref<64x16384xf32, #tpu.memory_space<hbm>> -> memref<1x1024xf32, #tpu.memory_space<hbm>>
    %dma_start3A_1021 = tpu.memref_squeeze %dma_start3A_1020 : memref<1x1024xf32, #tpu.memory_space<hbm>> -> memref<1024xf32, #tpu.memory_space<hbm>>
    %dma_start3A_1022 = tpu.memref_slice %arg10[%add3A_1017, %mul3A_1019] : memref<64x16384xf32, #tpu.memory_space<hbm>> -> memref<1x1024xf32, #tpu.memory_space<hbm>>
    %dma_start3A_1023 = tpu.memref_squeeze %dma_start3A_1022 : memref<1x1024xf32, #tpu.memory_space<hbm>> -> memref<1024xf32, #tpu.memory_space<hbm>>
    tpu.enqueue_dma source(%arg18 : memref<1024xf32, #tpu.memory_space<vmem>>) target(%dma_start3A_1023 : memref<1024xf32, #tpu.memory_space<hbm>>) target_semaphore(%arg27 : memref<!tpu.dma_semaphore, #tpu.memory_space<semaphore_mem>>)
    %eq3A_1024 = arith.constant 0 : i32
    %eq3A_1025 = arith.cmpi eq, %arg1, %eq3A_1024 : i32
    %convert_element_type3A_1026 = arith.extui %eq3A_1025 : i1 to i32
    %cond3A_1027 = arith.constant 0 : i32
    %cond3A_1028 = arith.cmpi ne, %convert_element_type3A_1026, %cond3A_1027 : i32
    scf.if %cond3A_1028 {
      %add3A_1278 = arith.constant 25 : i32
      %add3A_1279 = arith.addi %mul3A_8, %add3A_1278 : i32
      %dma_start3A_1280 = arith.constant 0 : i32
      %dma_start3A_1281 = tpu.memref_slice %arg6[%add3A_1279, %dma_start3A_1280] : memref<64x1000000xf32, #tpu.memory_space<hbm>> -> memref<1x1000000xf32, #tpu.memory_space<hbm>>
      %dma_start3A_1282 = tpu.memref_squeeze %dma_start3A_1281 : memref<1x1000000xf32, #tpu.memory_space<hbm>> -> memref<1000000xf32, #tpu.memory_space<hbm>>
      tpu.enqueue_dma source(%dma_start3A_1282 : memref<1000000xf32, #tpu.memory_space<hbm>>) target(%arg23 : memref<1000000xf32, #tpu.memory_space<vmem_shared>>) target_semaphore(%arg25 : memref<!tpu.dma_semaphore, #tpu.memory_space<semaphore_mem>>)
    } else {
    }
    %add3A_1029 = arith.constant 25 : i32
    %add3A_1030 = arith.addi %mul3A_8, %add3A_1029 : i32
    %sub3A_1031 = arith.constant 2 : i32
    %sub3A_1032 = arith.subi %add3A_1030, %sub3A_1031 : i32
    %mul3A_1033 = arith.constant 1024 : i32
    %mul3A_1034 = arith.muli %arg1, %mul3A_1033 : i32
    %dma_wait3A_1035 = tpu.memref_slice %arg10[%sub3A_1032, %mul3A_1034] : memref<64x16384xf32, #tpu.memory_space<hbm>> -> memref<1x1024xf32, #tpu.memory_space<hbm>>
    %dma_wait3A_1036 = tpu.memref_squeeze %dma_wait3A_1035 : memref<1x1024xf32, #tpu.memory_space<hbm>> -> memref<1024xf32, #tpu.memory_space<hbm>>
    %dma_wait3A_1037 = tpu.memref_slice %arg10[%sub3A_1032, %mul3A_1034] : memref<64x16384xf32, #tpu.memory_space<hbm>> -> memref<1x1024xf32, #tpu.memory_space<hbm>>
    %dma_wait3A_1038 = tpu.memref_squeeze %dma_wait3A_1037 : memref<1x1024xf32, #tpu.memory_space<hbm>> -> memref<1024xf32, #tpu.memory_space<hbm>>
    tpu.wait_dma2 semaphore(%arg27 : memref<!tpu.dma_semaphore, #tpu.memory_space<semaphore_mem>>) src(%arg19 : memref<1024xf32, #tpu.memory_space<vmem>>) dst(%dma_wait3A_1038 : memref<1024xf32, #tpu.memory_space<hbm>>)
    %eq3A_1039 = arith.constant 0 : i32
    %eq3A_1040 = arith.cmpi eq, %arg1, %eq3A_1039 : i32
    %convert_element_type3A_1041 = arith.extui %eq3A_1040 : i1 to i32
    %cond3A_1042 = arith.constant 0 : i32
    %cond3A_1043 = arith.cmpi ne, %convert_element_type3A_1041, %cond3A_1042 : i32
    scf.if %cond3A_1043 {
      %add3A_1278 = arith.constant 25 : i32
      %add3A_1279 = arith.addi %mul3A_8, %add3A_1278 : i32
      %dma_wait3A_1280 = arith.constant 0 : i32
      %dma_wait3A_1281 = tpu.memref_slice %arg6[%add3A_1279, %dma_wait3A_1280] : memref<64x1000000xf32, #tpu.memory_space<hbm>> -> memref<1x1000000xf32, #tpu.memory_space<hbm>>
      %dma_wait3A_1282 = tpu.memref_squeeze %dma_wait3A_1281 : memref<1x1000000xf32, #tpu.memory_space<hbm>> -> memref<1000000xf32, #tpu.memory_space<hbm>>
      tpu.wait_dma2 semaphore(%arg25 : memref<!tpu.dma_semaphore, #tpu.memory_space<semaphore_mem>>) src(%dma_wait3A_1282 : memref<1000000xf32, #tpu.memory_space<hbm>>) dst(%arg23 : memref<1000000xf32, #tpu.memory_space<vmem_shared>>)
    } else {
    }
    %barrier3A_1044 = arith.constant 0 : index
    tpu.barrier barrier_id(%barrier3A_1044)
    %dma_start3A_1045 = arith.constant 0 : i32
    %dma_start3A_1046 = tpu.memref_slice %arg23[%dma_start3A_1045] : memref<1000000xf32, #tpu.memory_space<vmem_shared>> -> memref<1000000xf32, #tpu.memory_space<vmem_shared>>
    tpu.enqueue_indirect_dma source(%dma_start3A_1046 : memref<1000000xf32, #tpu.memory_space<vmem_shared>>) target(%arg19 : memref<1024xf32, #tpu.memory_space<vmem>>) offsets(%arg14 : memref<1024xi32, #tpu.memory_space<vmem>>) semaphore(%arg26 : memref<!tpu.dma_semaphore, #tpu.memory_space<semaphore_mem>>)
    %dma_wait3A_1047 = arith.constant 0 : i32
    %dma_wait3A_1048 = tpu.memref_slice %arg23[%dma_wait3A_1047] : memref<1000000xf32, #tpu.memory_space<vmem_shared>> -> memref<1000000xf32, #tpu.memory_space<vmem_shared>>
    tpu.wait_indirect_dma semaphore(%arg26 : memref<!tpu.dma_semaphore, #tpu.memory_space<semaphore_mem>>) src(%dma_wait3A_1048 : memref<1000000xf32, #tpu.memory_space<vmem_shared>>) dst(%arg19 : memref<1024xf32, #tpu.memory_space<vmem>>)
    %barrier3A_1049 = arith.constant 0 : index
    tpu.barrier barrier_id(%barrier3A_1049)
    %add3A_1050 = arith.constant 25 : i32
    %add3A_1051 = arith.addi %mul3A_8, %add3A_1050 : i32
    %mul3A_1052 = arith.constant 1024 : i32
    %mul3A_1053 = arith.muli %arg1, %mul3A_1052 : i32
    %dma_start3A_1054 = tpu.memref_slice %arg10[%add3A_1051, %mul3A_1053] : memref<64x16384xf32, #tpu.memory_space<hbm>> -> memref<1x1024xf32, #tpu.memory_space<hbm>>
    %dma_start3A_1055 = tpu.memref_squeeze %dma_start3A_1054 : memref<1x1024xf32, #tpu.memory_space<hbm>> -> memref<1024xf32, #tpu.memory_space<hbm>>
    %dma_start3A_1056 = tpu.memref_slice %arg10[%add3A_1051, %mul3A_1053] : memref<64x16384xf32, #tpu.memory_space<hbm>> -> memref<1x1024xf32, #tpu.memory_space<hbm>>
    %dma_start3A_1057 = tpu.memref_squeeze %dma_start3A_1056 : memref<1x1024xf32, #tpu.memory_space<hbm>> -> memref<1024xf32, #tpu.memory_space<hbm>>
    tpu.enqueue_dma source(%arg19 : memref<1024xf32, #tpu.memory_space<vmem>>) target(%dma_start3A_1057 : memref<1024xf32, #tpu.memory_space<hbm>>) target_semaphore(%arg27 : memref<!tpu.dma_semaphore, #tpu.memory_space<semaphore_mem>>)
    %eq3A_1058 = arith.constant 0 : i32
    %eq3A_1059 = arith.cmpi eq, %arg1, %eq3A_1058 : i32
    %convert_element_type3A_1060 = arith.extui %eq3A_1059 : i1 to i32
    %cond3A_1061 = arith.constant 0 : i32
    %cond3A_1062 = arith.cmpi ne, %convert_element_type3A_1060, %cond3A_1061 : i32
    scf.if %cond3A_1062 {
      %add3A_1278 = arith.constant 26 : i32
      %add3A_1279 = arith.addi %mul3A_8, %add3A_1278 : i32
      %dma_start3A_1280 = arith.constant 0 : i32
      %dma_start3A_1281 = tpu.memref_slice %arg6[%add3A_1279, %dma_start3A_1280] : memref<64x1000000xf32, #tpu.memory_space<hbm>> -> memref<1x1000000xf32, #tpu.memory_space<hbm>>
      %dma_start3A_1282 = tpu.memref_squeeze %dma_start3A_1281 : memref<1x1000000xf32, #tpu.memory_space<hbm>> -> memref<1000000xf32, #tpu.memory_space<hbm>>
      tpu.enqueue_dma source(%dma_start3A_1282 : memref<1000000xf32, #tpu.memory_space<hbm>>) target(%arg23 : memref<1000000xf32, #tpu.memory_space<vmem_shared>>) target_semaphore(%arg25 : memref<!tpu.dma_semaphore, #tpu.memory_space<semaphore_mem>>)
    } else {
    }
    %add3A_1063 = arith.constant 26 : i32
    %add3A_1064 = arith.addi %mul3A_8, %add3A_1063 : i32
    %sub3A_1065 = arith.constant 2 : i32
    %sub3A_1066 = arith.subi %add3A_1064, %sub3A_1065 : i32
    %mul3A_1067 = arith.constant 1024 : i32
    %mul3A_1068 = arith.muli %arg1, %mul3A_1067 : i32
    %dma_wait3A_1069 = tpu.memref_slice %arg10[%sub3A_1066, %mul3A_1068] : memref<64x16384xf32, #tpu.memory_space<hbm>> -> memref<1x1024xf32, #tpu.memory_space<hbm>>
    %dma_wait3A_1070 = tpu.memref_squeeze %dma_wait3A_1069 : memref<1x1024xf32, #tpu.memory_space<hbm>> -> memref<1024xf32, #tpu.memory_space<hbm>>
    %dma_wait3A_1071 = tpu.memref_slice %arg10[%sub3A_1066, %mul3A_1068] : memref<64x16384xf32, #tpu.memory_space<hbm>> -> memref<1x1024xf32, #tpu.memory_space<hbm>>
    %dma_wait3A_1072 = tpu.memref_squeeze %dma_wait3A_1071 : memref<1x1024xf32, #tpu.memory_space<hbm>> -> memref<1024xf32, #tpu.memory_space<hbm>>
    tpu.wait_dma2 semaphore(%arg27 : memref<!tpu.dma_semaphore, #tpu.memory_space<semaphore_mem>>) src(%arg18 : memref<1024xf32, #tpu.memory_space<vmem>>) dst(%dma_wait3A_1072 : memref<1024xf32, #tpu.memory_space<hbm>>)
    %eq3A_1073 = arith.constant 0 : i32
    %eq3A_1074 = arith.cmpi eq, %arg1, %eq3A_1073 : i32
    %convert_element_type3A_1075 = arith.extui %eq3A_1074 : i1 to i32
    %cond3A_1076 = arith.constant 0 : i32
    %cond3A_1077 = arith.cmpi ne, %convert_element_type3A_1075, %cond3A_1076 : i32
    scf.if %cond3A_1077 {
      %add3A_1278 = arith.constant 26 : i32
      %add3A_1279 = arith.addi %mul3A_8, %add3A_1278 : i32
      %dma_wait3A_1280 = arith.constant 0 : i32
      %dma_wait3A_1281 = tpu.memref_slice %arg6[%add3A_1279, %dma_wait3A_1280] : memref<64x1000000xf32, #tpu.memory_space<hbm>> -> memref<1x1000000xf32, #tpu.memory_space<hbm>>
      %dma_wait3A_1282 = tpu.memref_squeeze %dma_wait3A_1281 : memref<1x1000000xf32, #tpu.memory_space<hbm>> -> memref<1000000xf32, #tpu.memory_space<hbm>>
      tpu.wait_dma2 semaphore(%arg25 : memref<!tpu.dma_semaphore, #tpu.memory_space<semaphore_mem>>) src(%dma_wait3A_1282 : memref<1000000xf32, #tpu.memory_space<hbm>>) dst(%arg23 : memref<1000000xf32, #tpu.memory_space<vmem_shared>>)
    } else {
    }
    %barrier3A_1078 = arith.constant 0 : index
    tpu.barrier barrier_id(%barrier3A_1078)
    %dma_start3A_1079 = arith.constant 0 : i32
    %dma_start3A_1080 = tpu.memref_slice %arg23[%dma_start3A_1079] : memref<1000000xf32, #tpu.memory_space<vmem_shared>> -> memref<1000000xf32, #tpu.memory_space<vmem_shared>>
    tpu.enqueue_indirect_dma source(%dma_start3A_1080 : memref<1000000xf32, #tpu.memory_space<vmem_shared>>) target(%arg18 : memref<1024xf32, #tpu.memory_space<vmem>>) offsets(%arg14 : memref<1024xi32, #tpu.memory_space<vmem>>) semaphore(%arg26 : memref<!tpu.dma_semaphore, #tpu.memory_space<semaphore_mem>>)
    %dma_wait3A_1081 = arith.constant 0 : i32
    %dma_wait3A_1082 = tpu.memref_slice %arg23[%dma_wait3A_1081] : memref<1000000xf32, #tpu.memory_space<vmem_shared>> -> memref<1000000xf32, #tpu.memory_space<vmem_shared>>
    tpu.wait_indirect_dma semaphore(%arg26 : memref<!tpu.dma_semaphore, #tpu.memory_space<semaphore_mem>>) src(%dma_wait3A_1082 : memref<1000000xf32, #tpu.memory_space<vmem_shared>>) dst(%arg18 : memref<1024xf32, #tpu.memory_space<vmem>>)
    %barrier3A_1083 = arith.constant 0 : index
    tpu.barrier barrier_id(%barrier3A_1083)
    %add3A_1084 = arith.constant 26 : i32
    %add3A_1085 = arith.addi %mul3A_8, %add3A_1084 : i32
    %mul3A_1086 = arith.constant 1024 : i32
    %mul3A_1087 = arith.muli %arg1, %mul3A_1086 : i32
    %dma_start3A_1088 = tpu.memref_slice %arg10[%add3A_1085, %mul3A_1087] : memref<64x16384xf32, #tpu.memory_space<hbm>> -> memref<1x1024xf32, #tpu.memory_space<hbm>>
    %dma_start3A_1089 = tpu.memref_squeeze %dma_start3A_1088 : memref<1x1024xf32, #tpu.memory_space<hbm>> -> memref<1024xf32, #tpu.memory_space<hbm>>
    %dma_start3A_1090 = tpu.memref_slice %arg10[%add3A_1085, %mul3A_1087] : memref<64x16384xf32, #tpu.memory_space<hbm>> -> memref<1x1024xf32, #tpu.memory_space<hbm>>
    %dma_start3A_1091 = tpu.memref_squeeze %dma_start3A_1090 : memref<1x1024xf32, #tpu.memory_space<hbm>> -> memref<1024xf32, #tpu.memory_space<hbm>>
    tpu.enqueue_dma source(%arg18 : memref<1024xf32, #tpu.memory_space<vmem>>) target(%dma_start3A_1091 : memref<1024xf32, #tpu.memory_space<hbm>>) target_semaphore(%arg27 : memref<!tpu.dma_semaphore, #tpu.memory_space<semaphore_mem>>)
    %eq3A_1092 = arith.constant 0 : i32
    %eq3A_1093 = arith.cmpi eq, %arg1, %eq3A_1092 : i32
    %convert_element_type3A_1094 = arith.extui %eq3A_1093 : i1 to i32
    %cond3A_1095 = arith.constant 0 : i32
    %cond3A_1096 = arith.cmpi ne, %convert_element_type3A_1094, %cond3A_1095 : i32
    scf.if %cond3A_1096 {
      %add3A_1278 = arith.constant 27 : i32
      %add3A_1279 = arith.addi %mul3A_8, %add3A_1278 : i32
      %dma_start3A_1280 = arith.constant 0 : i32
      %dma_start3A_1281 = tpu.memref_slice %arg6[%add3A_1279, %dma_start3A_1280] : memref<64x1000000xf32, #tpu.memory_space<hbm>> -> memref<1x1000000xf32, #tpu.memory_space<hbm>>
      %dma_start3A_1282 = tpu.memref_squeeze %dma_start3A_1281 : memref<1x1000000xf32, #tpu.memory_space<hbm>> -> memref<1000000xf32, #tpu.memory_space<hbm>>
      tpu.enqueue_dma source(%dma_start3A_1282 : memref<1000000xf32, #tpu.memory_space<hbm>>) target(%arg23 : memref<1000000xf32, #tpu.memory_space<vmem_shared>>) target_semaphore(%arg25 : memref<!tpu.dma_semaphore, #tpu.memory_space<semaphore_mem>>)
    } else {
    }
    %add3A_1097 = arith.constant 27 : i32
    %add3A_1098 = arith.addi %mul3A_8, %add3A_1097 : i32
    %sub3A_1099 = arith.constant 2 : i32
    %sub3A_1100 = arith.subi %add3A_1098, %sub3A_1099 : i32
    %mul3A_1101 = arith.constant 1024 : i32
    %mul3A_1102 = arith.muli %arg1, %mul3A_1101 : i32
    %dma_wait3A_1103 = tpu.memref_slice %arg10[%sub3A_1100, %mul3A_1102] : memref<64x16384xf32, #tpu.memory_space<hbm>> -> memref<1x1024xf32, #tpu.memory_space<hbm>>
    %dma_wait3A_1104 = tpu.memref_squeeze %dma_wait3A_1103 : memref<1x1024xf32, #tpu.memory_space<hbm>> -> memref<1024xf32, #tpu.memory_space<hbm>>
    %dma_wait3A_1105 = tpu.memref_slice %arg10[%sub3A_1100, %mul3A_1102] : memref<64x16384xf32, #tpu.memory_space<hbm>> -> memref<1x1024xf32, #tpu.memory_space<hbm>>
    %dma_wait3A_1106 = tpu.memref_squeeze %dma_wait3A_1105 : memref<1x1024xf32, #tpu.memory_space<hbm>> -> memref<1024xf32, #tpu.memory_space<hbm>>
    tpu.wait_dma2 semaphore(%arg27 : memref<!tpu.dma_semaphore, #tpu.memory_space<semaphore_mem>>) src(%arg19 : memref<1024xf32, #tpu.memory_space<vmem>>) dst(%dma_wait3A_1106 : memref<1024xf32, #tpu.memory_space<hbm>>)
    %eq3A_1107 = arith.constant 0 : i32
    %eq3A_1108 = arith.cmpi eq, %arg1, %eq3A_1107 : i32
    %convert_element_type3A_1109 = arith.extui %eq3A_1108 : i1 to i32
    %cond3A_1110 = arith.constant 0 : i32
    %cond3A_1111 = arith.cmpi ne, %convert_element_type3A_1109, %cond3A_1110 : i32
    scf.if %cond3A_1111 {
      %add3A_1278 = arith.constant 27 : i32
      %add3A_1279 = arith.addi %mul3A_8, %add3A_1278 : i32
      %dma_wait3A_1280 = arith.constant 0 : i32
      %dma_wait3A_1281 = tpu.memref_slice %arg6[%add3A_1279, %dma_wait3A_1280] : memref<64x1000000xf32, #tpu.memory_space<hbm>> -> memref<1x1000000xf32, #tpu.memory_space<hbm>>
      %dma_wait3A_1282 = tpu.memref_squeeze %dma_wait3A_1281 : memref<1x1000000xf32, #tpu.memory_space<hbm>> -> memref<1000000xf32, #tpu.memory_space<hbm>>
      tpu.wait_dma2 semaphore(%arg25 : memref<!tpu.dma_semaphore, #tpu.memory_space<semaphore_mem>>) src(%dma_wait3A_1282 : memref<1000000xf32, #tpu.memory_space<hbm>>) dst(%arg23 : memref<1000000xf32, #tpu.memory_space<vmem_shared>>)
    } else {
    }
    %barrier3A_1112 = arith.constant 0 : index
    tpu.barrier barrier_id(%barrier3A_1112)
    %dma_start3A_1113 = arith.constant 0 : i32
    %dma_start3A_1114 = tpu.memref_slice %arg23[%dma_start3A_1113] : memref<1000000xf32, #tpu.memory_space<vmem_shared>> -> memref<1000000xf32, #tpu.memory_space<vmem_shared>>
    tpu.enqueue_indirect_dma source(%dma_start3A_1114 : memref<1000000xf32, #tpu.memory_space<vmem_shared>>) target(%arg19 : memref<1024xf32, #tpu.memory_space<vmem>>) offsets(%arg14 : memref<1024xi32, #tpu.memory_space<vmem>>) semaphore(%arg26 : memref<!tpu.dma_semaphore, #tpu.memory_space<semaphore_mem>>)
    %dma_wait3A_1115 = arith.constant 0 : i32
    %dma_wait3A_1116 = tpu.memref_slice %arg23[%dma_wait3A_1115] : memref<1000000xf32, #tpu.memory_space<vmem_shared>> -> memref<1000000xf32, #tpu.memory_space<vmem_shared>>
    tpu.wait_indirect_dma semaphore(%arg26 : memref<!tpu.dma_semaphore, #tpu.memory_space<semaphore_mem>>) src(%dma_wait3A_1116 : memref<1000000xf32, #tpu.memory_space<vmem_shared>>) dst(%arg19 : memref<1024xf32, #tpu.memory_space<vmem>>)
    %barrier3A_1117 = arith.constant 0 : index
    tpu.barrier barrier_id(%barrier3A_1117)
    %add3A_1118 = arith.constant 27 : i32
    %add3A_1119 = arith.addi %mul3A_8, %add3A_1118 : i32
    %mul3A_1120 = arith.constant 1024 : i32
    %mul3A_1121 = arith.muli %arg1, %mul3A_1120 : i32
    %dma_start3A_1122 = tpu.memref_slice %arg10[%add3A_1119, %mul3A_1121] : memref<64x16384xf32, #tpu.memory_space<hbm>> -> memref<1x1024xf32, #tpu.memory_space<hbm>>
    %dma_start3A_1123 = tpu.memref_squeeze %dma_start3A_1122 : memref<1x1024xf32, #tpu.memory_space<hbm>> -> memref<1024xf32, #tpu.memory_space<hbm>>
    %dma_start3A_1124 = tpu.memref_slice %arg10[%add3A_1119, %mul3A_1121] : memref<64x16384xf32, #tpu.memory_space<hbm>> -> memref<1x1024xf32, #tpu.memory_space<hbm>>
    %dma_start3A_1125 = tpu.memref_squeeze %dma_start3A_1124 : memref<1x1024xf32, #tpu.memory_space<hbm>> -> memref<1024xf32, #tpu.memory_space<hbm>>
    tpu.enqueue_dma source(%arg19 : memref<1024xf32, #tpu.memory_space<vmem>>) target(%dma_start3A_1125 : memref<1024xf32, #tpu.memory_space<hbm>>) target_semaphore(%arg27 : memref<!tpu.dma_semaphore, #tpu.memory_space<semaphore_mem>>)
    %eq3A_1126 = arith.constant 0 : i32
    %eq3A_1127 = arith.cmpi eq, %arg1, %eq3A_1126 : i32
    %convert_element_type3A_1128 = arith.extui %eq3A_1127 : i1 to i32
    %cond3A_1129 = arith.constant 0 : i32
    %cond3A_1130 = arith.cmpi ne, %convert_element_type3A_1128, %cond3A_1129 : i32
    scf.if %cond3A_1130 {
      %add3A_1278 = arith.constant 28 : i32
      %add3A_1279 = arith.addi %mul3A_8, %add3A_1278 : i32
      %dma_start3A_1280 = arith.constant 0 : i32
      %dma_start3A_1281 = tpu.memref_slice %arg6[%add3A_1279, %dma_start3A_1280] : memref<64x1000000xf32, #tpu.memory_space<hbm>> -> memref<1x1000000xf32, #tpu.memory_space<hbm>>
      %dma_start3A_1282 = tpu.memref_squeeze %dma_start3A_1281 : memref<1x1000000xf32, #tpu.memory_space<hbm>> -> memref<1000000xf32, #tpu.memory_space<hbm>>
      tpu.enqueue_dma source(%dma_start3A_1282 : memref<1000000xf32, #tpu.memory_space<hbm>>) target(%arg23 : memref<1000000xf32, #tpu.memory_space<vmem_shared>>) target_semaphore(%arg25 : memref<!tpu.dma_semaphore, #tpu.memory_space<semaphore_mem>>)
    } else {
    }
    %add3A_1131 = arith.constant 28 : i32
    %add3A_1132 = arith.addi %mul3A_8, %add3A_1131 : i32
    %sub3A_1133 = arith.constant 2 : i32
    %sub3A_1134 = arith.subi %add3A_1132, %sub3A_1133 : i32
    %mul3A_1135 = arith.constant 1024 : i32
    %mul3A_1136 = arith.muli %arg1, %mul3A_1135 : i32
    %dma_wait3A_1137 = tpu.memref_slice %arg10[%sub3A_1134, %mul3A_1136] : memref<64x16384xf32, #tpu.memory_space<hbm>> -> memref<1x1024xf32, #tpu.memory_space<hbm>>
    %dma_wait3A_1138 = tpu.memref_squeeze %dma_wait3A_1137 : memref<1x1024xf32, #tpu.memory_space<hbm>> -> memref<1024xf32, #tpu.memory_space<hbm>>
    %dma_wait3A_1139 = tpu.memref_slice %arg10[%sub3A_1134, %mul3A_1136] : memref<64x16384xf32, #tpu.memory_space<hbm>> -> memref<1x1024xf32, #tpu.memory_space<hbm>>
    %dma_wait3A_1140 = tpu.memref_squeeze %dma_wait3A_1139 : memref<1x1024xf32, #tpu.memory_space<hbm>> -> memref<1024xf32, #tpu.memory_space<hbm>>
    tpu.wait_dma2 semaphore(%arg27 : memref<!tpu.dma_semaphore, #tpu.memory_space<semaphore_mem>>) src(%arg18 : memref<1024xf32, #tpu.memory_space<vmem>>) dst(%dma_wait3A_1140 : memref<1024xf32, #tpu.memory_space<hbm>>)
    %eq3A_1141 = arith.constant 0 : i32
    %eq3A_1142 = arith.cmpi eq, %arg1, %eq3A_1141 : i32
    %convert_element_type3A_1143 = arith.extui %eq3A_1142 : i1 to i32
    %cond3A_1144 = arith.constant 0 : i32
    %cond3A_1145 = arith.cmpi ne, %convert_element_type3A_1143, %cond3A_1144 : i32
    scf.if %cond3A_1145 {
      %add3A_1278 = arith.constant 28 : i32
      %add3A_1279 = arith.addi %mul3A_8, %add3A_1278 : i32
      %dma_wait3A_1280 = arith.constant 0 : i32
      %dma_wait3A_1281 = tpu.memref_slice %arg6[%add3A_1279, %dma_wait3A_1280] : memref<64x1000000xf32, #tpu.memory_space<hbm>> -> memref<1x1000000xf32, #tpu.memory_space<hbm>>
      %dma_wait3A_1282 = tpu.memref_squeeze %dma_wait3A_1281 : memref<1x1000000xf32, #tpu.memory_space<hbm>> -> memref<1000000xf32, #tpu.memory_space<hbm>>
      tpu.wait_dma2 semaphore(%arg25 : memref<!tpu.dma_semaphore, #tpu.memory_space<semaphore_mem>>) src(%dma_wait3A_1282 : memref<1000000xf32, #tpu.memory_space<hbm>>) dst(%arg23 : memref<1000000xf32, #tpu.memory_space<vmem_shared>>)
    } else {
    }
    %barrier3A_1146 = arith.constant 0 : index
    tpu.barrier barrier_id(%barrier3A_1146)
    %dma_start3A_1147 = arith.constant 0 : i32
    %dma_start3A_1148 = tpu.memref_slice %arg23[%dma_start3A_1147] : memref<1000000xf32, #tpu.memory_space<vmem_shared>> -> memref<1000000xf32, #tpu.memory_space<vmem_shared>>
    tpu.enqueue_indirect_dma source(%dma_start3A_1148 : memref<1000000xf32, #tpu.memory_space<vmem_shared>>) target(%arg18 : memref<1024xf32, #tpu.memory_space<vmem>>) offsets(%arg14 : memref<1024xi32, #tpu.memory_space<vmem>>) semaphore(%arg26 : memref<!tpu.dma_semaphore, #tpu.memory_space<semaphore_mem>>)
    %dma_wait3A_1149 = arith.constant 0 : i32
    %dma_wait3A_1150 = tpu.memref_slice %arg23[%dma_wait3A_1149] : memref<1000000xf32, #tpu.memory_space<vmem_shared>> -> memref<1000000xf32, #tpu.memory_space<vmem_shared>>
    tpu.wait_indirect_dma semaphore(%arg26 : memref<!tpu.dma_semaphore, #tpu.memory_space<semaphore_mem>>) src(%dma_wait3A_1150 : memref<1000000xf32, #tpu.memory_space<vmem_shared>>) dst(%arg18 : memref<1024xf32, #tpu.memory_space<vmem>>)
    %barrier3A_1151 = arith.constant 0 : index
    tpu.barrier barrier_id(%barrier3A_1151)
    %add3A_1152 = arith.constant 28 : i32
    %add3A_1153 = arith.addi %mul3A_8, %add3A_1152 : i32
    %mul3A_1154 = arith.constant 1024 : i32
    %mul3A_1155 = arith.muli %arg1, %mul3A_1154 : i32
    %dma_start3A_1156 = tpu.memref_slice %arg10[%add3A_1153, %mul3A_1155] : memref<64x16384xf32, #tpu.memory_space<hbm>> -> memref<1x1024xf32, #tpu.memory_space<hbm>>
    %dma_start3A_1157 = tpu.memref_squeeze %dma_start3A_1156 : memref<1x1024xf32, #tpu.memory_space<hbm>> -> memref<1024xf32, #tpu.memory_space<hbm>>
    %dma_start3A_1158 = tpu.memref_slice %arg10[%add3A_1153, %mul3A_1155] : memref<64x16384xf32, #tpu.memory_space<hbm>> -> memref<1x1024xf32, #tpu.memory_space<hbm>>
    %dma_start3A_1159 = tpu.memref_squeeze %dma_start3A_1158 : memref<1x1024xf32, #tpu.memory_space<hbm>> -> memref<1024xf32, #tpu.memory_space<hbm>>
    tpu.enqueue_dma source(%arg18 : memref<1024xf32, #tpu.memory_space<vmem>>) target(%dma_start3A_1159 : memref<1024xf32, #tpu.memory_space<hbm>>) target_semaphore(%arg27 : memref<!tpu.dma_semaphore, #tpu.memory_space<semaphore_mem>>)
    %eq3A_1160 = arith.constant 0 : i32
    %eq3A_1161 = arith.cmpi eq, %arg1, %eq3A_1160 : i32
    %convert_element_type3A_1162 = arith.extui %eq3A_1161 : i1 to i32
    %cond3A_1163 = arith.constant 0 : i32
    %cond3A_1164 = arith.cmpi ne, %convert_element_type3A_1162, %cond3A_1163 : i32
    scf.if %cond3A_1164 {
      %add3A_1278 = arith.constant 29 : i32
      %add3A_1279 = arith.addi %mul3A_8, %add3A_1278 : i32
      %dma_start3A_1280 = arith.constant 0 : i32
      %dma_start3A_1281 = tpu.memref_slice %arg6[%add3A_1279, %dma_start3A_1280] : memref<64x1000000xf32, #tpu.memory_space<hbm>> -> memref<1x1000000xf32, #tpu.memory_space<hbm>>
      %dma_start3A_1282 = tpu.memref_squeeze %dma_start3A_1281 : memref<1x1000000xf32, #tpu.memory_space<hbm>> -> memref<1000000xf32, #tpu.memory_space<hbm>>
      tpu.enqueue_dma source(%dma_start3A_1282 : memref<1000000xf32, #tpu.memory_space<hbm>>) target(%arg23 : memref<1000000xf32, #tpu.memory_space<vmem_shared>>) target_semaphore(%arg25 : memref<!tpu.dma_semaphore, #tpu.memory_space<semaphore_mem>>)
    } else {
    }
    %add3A_1165 = arith.constant 29 : i32
    %add3A_1166 = arith.addi %mul3A_8, %add3A_1165 : i32
    %sub3A_1167 = arith.constant 2 : i32
    %sub3A_1168 = arith.subi %add3A_1166, %sub3A_1167 : i32
    %mul3A_1169 = arith.constant 1024 : i32
    %mul3A_1170 = arith.muli %arg1, %mul3A_1169 : i32
    %dma_wait3A_1171 = tpu.memref_slice %arg10[%sub3A_1168, %mul3A_1170] : memref<64x16384xf32, #tpu.memory_space<hbm>> -> memref<1x1024xf32, #tpu.memory_space<hbm>>
    %dma_wait3A_1172 = tpu.memref_squeeze %dma_wait3A_1171 : memref<1x1024xf32, #tpu.memory_space<hbm>> -> memref<1024xf32, #tpu.memory_space<hbm>>
    %dma_wait3A_1173 = tpu.memref_slice %arg10[%sub3A_1168, %mul3A_1170] : memref<64x16384xf32, #tpu.memory_space<hbm>> -> memref<1x1024xf32, #tpu.memory_space<hbm>>
    %dma_wait3A_1174 = tpu.memref_squeeze %dma_wait3A_1173 : memref<1x1024xf32, #tpu.memory_space<hbm>> -> memref<1024xf32, #tpu.memory_space<hbm>>
    tpu.wait_dma2 semaphore(%arg27 : memref<!tpu.dma_semaphore, #tpu.memory_space<semaphore_mem>>) src(%arg19 : memref<1024xf32, #tpu.memory_space<vmem>>) dst(%dma_wait3A_1174 : memref<1024xf32, #tpu.memory_space<hbm>>)
    %eq3A_1175 = arith.constant 0 : i32
    %eq3A_1176 = arith.cmpi eq, %arg1, %eq3A_1175 : i32
    %convert_element_type3A_1177 = arith.extui %eq3A_1176 : i1 to i32
    %cond3A_1178 = arith.constant 0 : i32
    %cond3A_1179 = arith.cmpi ne, %convert_element_type3A_1177, %cond3A_1178 : i32
    scf.if %cond3A_1179 {
      %add3A_1278 = arith.constant 29 : i32
      %add3A_1279 = arith.addi %mul3A_8, %add3A_1278 : i32
      %dma_wait3A_1280 = arith.constant 0 : i32
      %dma_wait3A_1281 = tpu.memref_slice %arg6[%add3A_1279, %dma_wait3A_1280] : memref<64x1000000xf32, #tpu.memory_space<hbm>> -> memref<1x1000000xf32, #tpu.memory_space<hbm>>
      %dma_wait3A_1282 = tpu.memref_squeeze %dma_wait3A_1281 : memref<1x1000000xf32, #tpu.memory_space<hbm>> -> memref<1000000xf32, #tpu.memory_space<hbm>>
      tpu.wait_dma2 semaphore(%arg25 : memref<!tpu.dma_semaphore, #tpu.memory_space<semaphore_mem>>) src(%dma_wait3A_1282 : memref<1000000xf32, #tpu.memory_space<hbm>>) dst(%arg23 : memref<1000000xf32, #tpu.memory_space<vmem_shared>>)
    } else {
    }
    %barrier3A_1180 = arith.constant 0 : index
    tpu.barrier barrier_id(%barrier3A_1180)
    %dma_start3A_1181 = arith.constant 0 : i32
    %dma_start3A_1182 = tpu.memref_slice %arg23[%dma_start3A_1181] : memref<1000000xf32, #tpu.memory_space<vmem_shared>> -> memref<1000000xf32, #tpu.memory_space<vmem_shared>>
    tpu.enqueue_indirect_dma source(%dma_start3A_1182 : memref<1000000xf32, #tpu.memory_space<vmem_shared>>) target(%arg19 : memref<1024xf32, #tpu.memory_space<vmem>>) offsets(%arg14 : memref<1024xi32, #tpu.memory_space<vmem>>) semaphore(%arg26 : memref<!tpu.dma_semaphore, #tpu.memory_space<semaphore_mem>>)
    %dma_wait3A_1183 = arith.constant 0 : i32
    %dma_wait3A_1184 = tpu.memref_slice %arg23[%dma_wait3A_1183] : memref<1000000xf32, #tpu.memory_space<vmem_shared>> -> memref<1000000xf32, #tpu.memory_space<vmem_shared>>
    tpu.wait_indirect_dma semaphore(%arg26 : memref<!tpu.dma_semaphore, #tpu.memory_space<semaphore_mem>>) src(%dma_wait3A_1184 : memref<1000000xf32, #tpu.memory_space<vmem_shared>>) dst(%arg19 : memref<1024xf32, #tpu.memory_space<vmem>>)
    %barrier3A_1185 = arith.constant 0 : index
    tpu.barrier barrier_id(%barrier3A_1185)
    %add3A_1186 = arith.constant 29 : i32
    %add3A_1187 = arith.addi %mul3A_8, %add3A_1186 : i32
    %mul3A_1188 = arith.constant 1024 : i32
    %mul3A_1189 = arith.muli %arg1, %mul3A_1188 : i32
    %dma_start3A_1190 = tpu.memref_slice %arg10[%add3A_1187, %mul3A_1189] : memref<64x16384xf32, #tpu.memory_space<hbm>> -> memref<1x1024xf32, #tpu.memory_space<hbm>>
    %dma_start3A_1191 = tpu.memref_squeeze %dma_start3A_1190 : memref<1x1024xf32, #tpu.memory_space<hbm>> -> memref<1024xf32, #tpu.memory_space<hbm>>
    %dma_start3A_1192 = tpu.memref_slice %arg10[%add3A_1187, %mul3A_1189] : memref<64x16384xf32, #tpu.memory_space<hbm>> -> memref<1x1024xf32, #tpu.memory_space<hbm>>
    %dma_start3A_1193 = tpu.memref_squeeze %dma_start3A_1192 : memref<1x1024xf32, #tpu.memory_space<hbm>> -> memref<1024xf32, #tpu.memory_space<hbm>>
    tpu.enqueue_dma source(%arg19 : memref<1024xf32, #tpu.memory_space<vmem>>) target(%dma_start3A_1193 : memref<1024xf32, #tpu.memory_space<hbm>>) target_semaphore(%arg27 : memref<!tpu.dma_semaphore, #tpu.memory_space<semaphore_mem>>)
    %eq3A_1194 = arith.constant 0 : i32
    %eq3A_1195 = arith.cmpi eq, %arg1, %eq3A_1194 : i32
    %convert_element_type3A_1196 = arith.extui %eq3A_1195 : i1 to i32
    %cond3A_1197 = arith.constant 0 : i32
    %cond3A_1198 = arith.cmpi ne, %convert_element_type3A_1196, %cond3A_1197 : i32
    scf.if %cond3A_1198 {
      %add3A_1278 = arith.constant 30 : i32
      %add3A_1279 = arith.addi %mul3A_8, %add3A_1278 : i32
      %dma_start3A_1280 = arith.constant 0 : i32
      %dma_start3A_1281 = tpu.memref_slice %arg6[%add3A_1279, %dma_start3A_1280] : memref<64x1000000xf32, #tpu.memory_space<hbm>> -> memref<1x1000000xf32, #tpu.memory_space<hbm>>
      %dma_start3A_1282 = tpu.memref_squeeze %dma_start3A_1281 : memref<1x1000000xf32, #tpu.memory_space<hbm>> -> memref<1000000xf32, #tpu.memory_space<hbm>>
      tpu.enqueue_dma source(%dma_start3A_1282 : memref<1000000xf32, #tpu.memory_space<hbm>>) target(%arg23 : memref<1000000xf32, #tpu.memory_space<vmem_shared>>) target_semaphore(%arg25 : memref<!tpu.dma_semaphore, #tpu.memory_space<semaphore_mem>>)
    } else {
    }
    %add3A_1199 = arith.constant 30 : i32
    %add3A_1200 = arith.addi %mul3A_8, %add3A_1199 : i32
    %sub3A_1201 = arith.constant 2 : i32
    %sub3A_1202 = arith.subi %add3A_1200, %sub3A_1201 : i32
    %mul3A_1203 = arith.constant 1024 : i32
    %mul3A_1204 = arith.muli %arg1, %mul3A_1203 : i32
    %dma_wait3A_1205 = tpu.memref_slice %arg10[%sub3A_1202, %mul3A_1204] : memref<64x16384xf32, #tpu.memory_space<hbm>> -> memref<1x1024xf32, #tpu.memory_space<hbm>>
    %dma_wait3A_1206 = tpu.memref_squeeze %dma_wait3A_1205 : memref<1x1024xf32, #tpu.memory_space<hbm>> -> memref<1024xf32, #tpu.memory_space<hbm>>
    %dma_wait3A_1207 = tpu.memref_slice %arg10[%sub3A_1202, %mul3A_1204] : memref<64x16384xf32, #tpu.memory_space<hbm>> -> memref<1x1024xf32, #tpu.memory_space<hbm>>
    %dma_wait3A_1208 = tpu.memref_squeeze %dma_wait3A_1207 : memref<1x1024xf32, #tpu.memory_space<hbm>> -> memref<1024xf32, #tpu.memory_space<hbm>>
    tpu.wait_dma2 semaphore(%arg27 : memref<!tpu.dma_semaphore, #tpu.memory_space<semaphore_mem>>) src(%arg18 : memref<1024xf32, #tpu.memory_space<vmem>>) dst(%dma_wait3A_1208 : memref<1024xf32, #tpu.memory_space<hbm>>)
    %eq3A_1209 = arith.constant 0 : i32
    %eq3A_1210 = arith.cmpi eq, %arg1, %eq3A_1209 : i32
    %convert_element_type3A_1211 = arith.extui %eq3A_1210 : i1 to i32
    %cond3A_1212 = arith.constant 0 : i32
    %cond3A_1213 = arith.cmpi ne, %convert_element_type3A_1211, %cond3A_1212 : i32
    scf.if %cond3A_1213 {
      %add3A_1278 = arith.constant 30 : i32
      %add3A_1279 = arith.addi %mul3A_8, %add3A_1278 : i32
      %dma_wait3A_1280 = arith.constant 0 : i32
      %dma_wait3A_1281 = tpu.memref_slice %arg6[%add3A_1279, %dma_wait3A_1280] : memref<64x1000000xf32, #tpu.memory_space<hbm>> -> memref<1x1000000xf32, #tpu.memory_space<hbm>>
      %dma_wait3A_1282 = tpu.memref_squeeze %dma_wait3A_1281 : memref<1x1000000xf32, #tpu.memory_space<hbm>> -> memref<1000000xf32, #tpu.memory_space<hbm>>
      tpu.wait_dma2 semaphore(%arg25 : memref<!tpu.dma_semaphore, #tpu.memory_space<semaphore_mem>>) src(%dma_wait3A_1282 : memref<1000000xf32, #tpu.memory_space<hbm>>) dst(%arg23 : memref<1000000xf32, #tpu.memory_space<vmem_shared>>)
    } else {
    }
    %barrier3A_1214 = arith.constant 0 : index
    tpu.barrier barrier_id(%barrier3A_1214)
    %dma_start3A_1215 = arith.constant 0 : i32
    %dma_start3A_1216 = tpu.memref_slice %arg23[%dma_start3A_1215] : memref<1000000xf32, #tpu.memory_space<vmem_shared>> -> memref<1000000xf32, #tpu.memory_space<vmem_shared>>
    tpu.enqueue_indirect_dma source(%dma_start3A_1216 : memref<1000000xf32, #tpu.memory_space<vmem_shared>>) target(%arg18 : memref<1024xf32, #tpu.memory_space<vmem>>) offsets(%arg14 : memref<1024xi32, #tpu.memory_space<vmem>>) semaphore(%arg26 : memref<!tpu.dma_semaphore, #tpu.memory_space<semaphore_mem>>)
    %dma_wait3A_1217 = arith.constant 0 : i32
    %dma_wait3A_1218 = tpu.memref_slice %arg23[%dma_wait3A_1217] : memref<1000000xf32, #tpu.memory_space<vmem_shared>> -> memref<1000000xf32, #tpu.memory_space<vmem_shared>>
    tpu.wait_indirect_dma semaphore(%arg26 : memref<!tpu.dma_semaphore, #tpu.memory_space<semaphore_mem>>) src(%dma_wait3A_1218 : memref<1000000xf32, #tpu.memory_space<vmem_shared>>) dst(%arg18 : memref<1024xf32, #tpu.memory_space<vmem>>)
    %barrier3A_1219 = arith.constant 0 : index
    tpu.barrier barrier_id(%barrier3A_1219)
    %add3A_1220 = arith.constant 30 : i32
    %add3A_1221 = arith.addi %mul3A_8, %add3A_1220 : i32
    %mul3A_1222 = arith.constant 1024 : i32
    %mul3A_1223 = arith.muli %arg1, %mul3A_1222 : i32
    %dma_start3A_1224 = tpu.memref_slice %arg10[%add3A_1221, %mul3A_1223] : memref<64x16384xf32, #tpu.memory_space<hbm>> -> memref<1x1024xf32, #tpu.memory_space<hbm>>
    %dma_start3A_1225 = tpu.memref_squeeze %dma_start3A_1224 : memref<1x1024xf32, #tpu.memory_space<hbm>> -> memref<1024xf32, #tpu.memory_space<hbm>>
    %dma_start3A_1226 = tpu.memref_slice %arg10[%add3A_1221, %mul3A_1223] : memref<64x16384xf32, #tpu.memory_space<hbm>> -> memref<1x1024xf32, #tpu.memory_space<hbm>>
    %dma_start3A_1227 = tpu.memref_squeeze %dma_start3A_1226 : memref<1x1024xf32, #tpu.memory_space<hbm>> -> memref<1024xf32, #tpu.memory_space<hbm>>
    tpu.enqueue_dma source(%arg18 : memref<1024xf32, #tpu.memory_space<vmem>>) target(%dma_start3A_1227 : memref<1024xf32, #tpu.memory_space<hbm>>) target_semaphore(%arg27 : memref<!tpu.dma_semaphore, #tpu.memory_space<semaphore_mem>>)
    %eq3A_1228 = arith.constant 0 : i32
    %eq3A_1229 = arith.cmpi eq, %arg1, %eq3A_1228 : i32
    %convert_element_type3A_1230 = arith.extui %eq3A_1229 : i1 to i32
    %cond3A_1231 = arith.constant 0 : i32
    %cond3A_1232 = arith.cmpi ne, %convert_element_type3A_1230, %cond3A_1231 : i32
    scf.if %cond3A_1232 {
      %add3A_1278 = arith.constant 31 : i32
      %add3A_1279 = arith.addi %mul3A_8, %add3A_1278 : i32
      %dma_start3A_1280 = arith.constant 0 : i32
      %dma_start3A_1281 = tpu.memref_slice %arg6[%add3A_1279, %dma_start3A_1280] : memref<64x1000000xf32, #tpu.memory_space<hbm>> -> memref<1x1000000xf32, #tpu.memory_space<hbm>>
      %dma_start3A_1282 = tpu.memref_squeeze %dma_start3A_1281 : memref<1x1000000xf32, #tpu.memory_space<hbm>> -> memref<1000000xf32, #tpu.memory_space<hbm>>
      tpu.enqueue_dma source(%dma_start3A_1282 : memref<1000000xf32, #tpu.memory_space<hbm>>) target(%arg23 : memref<1000000xf32, #tpu.memory_space<vmem_shared>>) target_semaphore(%arg25 : memref<!tpu.dma_semaphore, #tpu.memory_space<semaphore_mem>>)
    } else {
    }
    %add3A_1233 = arith.constant 31 : i32
    %add3A_1234 = arith.addi %mul3A_8, %add3A_1233 : i32
    %sub3A_1235 = arith.constant 2 : i32
    %sub3A_1236 = arith.subi %add3A_1234, %sub3A_1235 : i32
    %mul3A_1237 = arith.constant 1024 : i32
    %mul3A_1238 = arith.muli %arg1, %mul3A_1237 : i32
    %dma_wait3A_1239 = tpu.memref_slice %arg10[%sub3A_1236, %mul3A_1238] : memref<64x16384xf32, #tpu.memory_space<hbm>> -> memref<1x1024xf32, #tpu.memory_space<hbm>>
    %dma_wait3A_1240 = tpu.memref_squeeze %dma_wait3A_1239 : memref<1x1024xf32, #tpu.memory_space<hbm>> -> memref<1024xf32, #tpu.memory_space<hbm>>
    %dma_wait3A_1241 = tpu.memref_slice %arg10[%sub3A_1236, %mul3A_1238] : memref<64x16384xf32, #tpu.memory_space<hbm>> -> memref<1x1024xf32, #tpu.memory_space<hbm>>
    %dma_wait3A_1242 = tpu.memref_squeeze %dma_wait3A_1241 : memref<1x1024xf32, #tpu.memory_space<hbm>> -> memref<1024xf32, #tpu.memory_space<hbm>>
    tpu.wait_dma2 semaphore(%arg27 : memref<!tpu.dma_semaphore, #tpu.memory_space<semaphore_mem>>) src(%arg19 : memref<1024xf32, #tpu.memory_space<vmem>>) dst(%dma_wait3A_1242 : memref<1024xf32, #tpu.memory_space<hbm>>)
    %eq3A_1243 = arith.constant 0 : i32
    %eq3A_1244 = arith.cmpi eq, %arg1, %eq3A_1243 : i32
    %convert_element_type3A_1245 = arith.extui %eq3A_1244 : i1 to i32
    %cond3A_1246 = arith.constant 0 : i32
    %cond3A_1247 = arith.cmpi ne, %convert_element_type3A_1245, %cond3A_1246 : i32
    scf.if %cond3A_1247 {
      %add3A_1278 = arith.constant 31 : i32
      %add3A_1279 = arith.addi %mul3A_8, %add3A_1278 : i32
      %dma_wait3A_1280 = arith.constant 0 : i32
      %dma_wait3A_1281 = tpu.memref_slice %arg6[%add3A_1279, %dma_wait3A_1280] : memref<64x1000000xf32, #tpu.memory_space<hbm>> -> memref<1x1000000xf32, #tpu.memory_space<hbm>>
      %dma_wait3A_1282 = tpu.memref_squeeze %dma_wait3A_1281 : memref<1x1000000xf32, #tpu.memory_space<hbm>> -> memref<1000000xf32, #tpu.memory_space<hbm>>
      tpu.wait_dma2 semaphore(%arg25 : memref<!tpu.dma_semaphore, #tpu.memory_space<semaphore_mem>>) src(%dma_wait3A_1282 : memref<1000000xf32, #tpu.memory_space<hbm>>) dst(%arg23 : memref<1000000xf32, #tpu.memory_space<vmem_shared>>)
    } else {
    }
    %barrier3A_1248 = arith.constant 0 : index
    tpu.barrier barrier_id(%barrier3A_1248)
    %dma_start3A_1249 = arith.constant 0 : i32
    %dma_start3A_1250 = tpu.memref_slice %arg23[%dma_start3A_1249] : memref<1000000xf32, #tpu.memory_space<vmem_shared>> -> memref<1000000xf32, #tpu.memory_space<vmem_shared>>
    tpu.enqueue_indirect_dma source(%dma_start3A_1250 : memref<1000000xf32, #tpu.memory_space<vmem_shared>>) target(%arg19 : memref<1024xf32, #tpu.memory_space<vmem>>) offsets(%arg14 : memref<1024xi32, #tpu.memory_space<vmem>>) semaphore(%arg26 : memref<!tpu.dma_semaphore, #tpu.memory_space<semaphore_mem>>)
    %dma_wait3A_1251 = arith.constant 0 : i32
    %dma_wait3A_1252 = tpu.memref_slice %arg23[%dma_wait3A_1251] : memref<1000000xf32, #tpu.memory_space<vmem_shared>> -> memref<1000000xf32, #tpu.memory_space<vmem_shared>>
    tpu.wait_indirect_dma semaphore(%arg26 : memref<!tpu.dma_semaphore, #tpu.memory_space<semaphore_mem>>) src(%dma_wait3A_1252 : memref<1000000xf32, #tpu.memory_space<vmem_shared>>) dst(%arg19 : memref<1024xf32, #tpu.memory_space<vmem>>)
    %barrier3A_1253 = arith.constant 0 : index
    tpu.barrier barrier_id(%barrier3A_1253)
    %add3A_1254 = arith.constant 31 : i32
    %add3A_1255 = arith.addi %mul3A_8, %add3A_1254 : i32
    %mul3A_1256 = arith.constant 1024 : i32
    %mul3A_1257 = arith.muli %arg1, %mul3A_1256 : i32
    %dma_start3A_1258 = tpu.memref_slice %arg10[%add3A_1255, %mul3A_1257] : memref<64x16384xf32, #tpu.memory_space<hbm>> -> memref<1x1024xf32, #tpu.memory_space<hbm>>
    %dma_start3A_1259 = tpu.memref_squeeze %dma_start3A_1258 : memref<1x1024xf32, #tpu.memory_space<hbm>> -> memref<1024xf32, #tpu.memory_space<hbm>>
    %dma_start3A_1260 = tpu.memref_slice %arg10[%add3A_1255, %mul3A_1257] : memref<64x16384xf32, #tpu.memory_space<hbm>> -> memref<1x1024xf32, #tpu.memory_space<hbm>>
    %dma_start3A_1261 = tpu.memref_squeeze %dma_start3A_1260 : memref<1x1024xf32, #tpu.memory_space<hbm>> -> memref<1024xf32, #tpu.memory_space<hbm>>
    tpu.enqueue_dma source(%arg19 : memref<1024xf32, #tpu.memory_space<vmem>>) target(%dma_start3A_1261 : memref<1024xf32, #tpu.memory_space<hbm>>) target_semaphore(%arg27 : memref<!tpu.dma_semaphore, #tpu.memory_space<semaphore_mem>>)
    %add3A_1262 = arith.constant 30 : i32
    %add3A_1263 = arith.addi %mul3A_8, %add3A_1262 : i32
    %mul3A_1264 = arith.constant 1024 : i32
    %mul3A_1265 = arith.muli %arg1, %mul3A_1264 : i32
    %dma_wait3A_1266 = tpu.memref_slice %arg10[%add3A_1263, %mul3A_1265] : memref<64x16384xf32, #tpu.memory_space<hbm>> -> memref<1x1024xf32, #tpu.memory_space<hbm>>
    %dma_wait3A_1267 = tpu.memref_squeeze %dma_wait3A_1266 : memref<1x1024xf32, #tpu.memory_space<hbm>> -> memref<1024xf32, #tpu.memory_space<hbm>>
    %dma_wait3A_1268 = tpu.memref_slice %arg10[%add3A_1263, %mul3A_1265] : memref<64x16384xf32, #tpu.memory_space<hbm>> -> memref<1x1024xf32, #tpu.memory_space<hbm>>
    %dma_wait3A_1269 = tpu.memref_squeeze %dma_wait3A_1268 : memref<1x1024xf32, #tpu.memory_space<hbm>> -> memref<1024xf32, #tpu.memory_space<hbm>>
    tpu.wait_dma2 semaphore(%arg27 : memref<!tpu.dma_semaphore, #tpu.memory_space<semaphore_mem>>) src(%arg18 : memref<1024xf32, #tpu.memory_space<vmem>>) dst(%dma_wait3A_1269 : memref<1024xf32, #tpu.memory_space<hbm>>)
    %add3A_1270 = arith.constant 31 : i32
    %add3A_1271 = arith.addi %mul3A_8, %add3A_1270 : i32
    %mul3A_1272 = arith.constant 1024 : i32
    %mul3A_1273 = arith.muli %arg1, %mul3A_1272 : i32
    %dma_wait3A_1274 = tpu.memref_slice %arg10[%add3A_1271, %mul3A_1273] : memref<64x16384xf32, #tpu.memory_space<hbm>> -> memref<1x1024xf32, #tpu.memory_space<hbm>>
    %dma_wait3A_1275 = tpu.memref_squeeze %dma_wait3A_1274 : memref<1x1024xf32, #tpu.memory_space<hbm>> -> memref<1024xf32, #tpu.memory_space<hbm>>
    %dma_wait3A_1276 = tpu.memref_slice %arg10[%add3A_1271, %mul3A_1273] : memref<64x16384xf32, #tpu.memory_space<hbm>> -> memref<1x1024xf32, #tpu.memory_space<hbm>>
    %dma_wait3A_1277 = tpu.memref_squeeze %dma_wait3A_1276 : memref<1x1024xf32, #tpu.memory_space<hbm>> -> memref<1024xf32, #tpu.memory_space<hbm>>
    tpu.wait_dma2 semaphore(%arg27 : memref<!tpu.dma_semaphore, #tpu.memory_space<semaphore_mem>>) src(%arg19 : memref<1024xf32, #tpu.memory_space<vmem>>) dst(%dma_wait3A_1277 : memref<1024xf32, #tpu.memory_space<hbm>>)
    return
  }
}

</mosaic_0001>

<sc_bundles>
// kernel: kernel.3.cloned.1.call-start
scs
__scs_entry_jumppad:
0x0: {  	(pc) =	sbr.rel $0x88, $3  }
0x1: {  	(tag) =	ssettag $0x0;
	lr =	simm.s32 $0x1  }
0x2: {  	[smem:$0x3F99] =	sst lr;
	_ =	strace $0xD0000000  }
0x3: {  	_ = 	snop  }
0x4: {  	_ = 	snop  }
0x5: {  	_ = 	snop  }
0x6: {  	_ = 	snop  }
0x7: {  	_ = 	snop  }
__scs_overlays_trampoline_lowered:
0x8: {  	[smem:$0x3FA8] =	sst s0  }
0x9: {  	[smem:$0x3FA9] =	sst s1  }
0xa: {  	[smem:$0x3FAA] =	sst s2  }
0xb: {  	[smem:$0x3FAB] =	sst s3  }
0xc: {  	[smem:$0x3FAC] =	sst s4  }
0xd: {  	[smem:$0x3FAD] =	sst s5  }
0xe: {  	[smem:$0x3FAE] =	sst s6  }
0xf: {  	[smem:$0x3FAF] =	sst s7  }
0x10: {  	[smem:$0x3FB0] =	sst s8  }
0x11: {  	[smem:$0x3FB1] =	sst s9;
	s0 =	simm.s32 @!p0 $0x0  }
0x12: {  	s1 =	sld [smem:$0x3F97];
	s0 =	simm.s32 @p0 $0x1  }
0x13: {  	[smem:$0x3FB2] =	sst s0;
	s0 =	simm.s32 @!p1 $0x0  }
0x14: {  	s2 =	sld [smem:$0x3F96];
	s0 =	simm.s32 @p1 $0x1  }
0x15: {  	[smem:$0x3FB3] =	sst s0;
	s0 =	simm.s32 @!p2 $0x0  }
0x16: {  	s3 =	sld [smem:$0x3FDB];
	s0 =	simm.s32 @p2 $0x1  }
0x17: {  	s4 =	simm.s32 $0x1BF5;
	[smem:$0x3FB5] =	sst s0  }
0x18: {  	s0 =	sld [smem:$0x3F98];
	_ =	swait.ge [sflag:s4], $0x0  }
0x19: {  	s7 =	sld [smem:$0x3F99]  }
0x1a: {  	s8 =	sadd.s32 $0xFFFFE003, lr  }
0x1b: {  	s9 =	sadd.s32 $0xFFFFFEF7, lr;
	s5 =	simm.s32 $0xFFFFFFFF;
	p2 =	slt.u32 s8, $0xFFFFF086  }
0x1c: {  	p1 =	slt.u32 s9, $0xF7A;
	s5 =	simm.s32 @!p2 $0x0  }
0x1d: {  	s5 =	simm.s32 @p1 $0x1;
	p0 =	seq.s32 s7, s2  }
0x1e: {  	s7 =	smul.u32 @!p0 $0xF7A, s2;
	p2 =	seq.s32 @!p0 s5, $0x0  }
0x1f: {  	s9 =	smul.u32 $0xF7A, s1;
	s8 =	simm.s32 @!p0 $0x1BF5;
	p2 =	por !p2, p0  }
0x20: {  	[sflag:s8] =	ssyncset.s32 @!p0 $0xFFFFF086;
	s6 =	sadd.s32 @!p0 s3, s7;
	s7 =	simm.s32 @!p0 $0x108  }
0x21: {  	s3 =	sadd.s32 s3, s9;
	s6 =	sadd.s32 @!p0 $0x88, s6;
	s7 =	simm.s32 @p2 $0x1082  }
0x22: {  	[simem:s7], [sflag:s8] =	dma.local @!p0 [hbm:s6], $0xF7A  }
0x23: {  	s9 =	sor.u32 $0xD0000000, s2;
	s6 =	simm.s32 $0x108;
	_ =	swait.ge @!p0 [sflag:s8], $0x0  }
0x24: {  	s3 =	sadd.s32 $0x88, s3;
	s6 =	simm.s32 @!p1 $0x1082;
	[sflag:s4] =	ssyncset.s32 $0xFFFFF086  }
0x25: {  	[simem:s6], [sflag:s4] =	dma.local [hbm:s3], $0xF7A  }
0x26: {  	[smem:$0x3F99] =	sst s1;
	(tag) =	ssettag s2;
	_ =	strace s9  }
0x27: {  	s1 =	sld [smem:$0x3FA9]  }
0x28: {  	s2 =	sld [smem:$0x3FAA]  }
0x29: {  	s4 =	sld [smem:$0x3FAC]  }
0x2a: {  	p0 =	seq.s32 s5, $0x0;
	s5 =	sld [smem:$0x3FAD]  }
0x2b: {  	s6 =	sld [smem:$0x3FAE]  }
0x2c: {  	s7 =	sld [smem:$0x3FAF]  }
0x2d: {  	s3 =	simm.s32 $0x108;
	s8 =	sld [smem:$0x3FB0]  }
0x2e: {  	s3 =	simm.s32 @!p0 $0x1082;
	s9 =	sld [smem:$0x3FB1]  }
0x2f: {  	lr =	sadd.s32 s0, s3;
	s0 =	sld [smem:$0x3FA8]  }
0x30: {  	s3 =	sld [smem:$0x3FAB]  }
0x31: {  	[smem:$0x3FB4] =	sst s10  }
0x32: {  	s10 =	sld [smem:$0x3FB2];
	_ =	sdelay $0x3  }
0x33: {  	p0 =	seq.s32 s10, $0x1;
	s10 =	sld [smem:$0x3FB4];
	_ =	sdelay $0x3  }
0x34: {  	[smem:$0x3FB4] =	sst s10  }
0x35: {  	s10 =	sld [smem:$0x3FB3];
	_ =	sdelay $0x3  }
0x36: {  	p1 =	seq.s32 s10, $0x1;
	s10 =	sld [smem:$0x3FB4];
	_ =	sdelay $0x3  }
0x37: {  	[smem:$0x3FB4] =	sst s10  }
0x38: {  	s10 =	sld [smem:$0x3FB5]  }
0x39: {  	_ = 	snop;
	(pc) =	sbr.ind lr, $3  }
0x3a: {  	_ = 	snop  }
0x3b: {  	_ = 	snop  }
0x3c: {  	p2 =	seq.s32 s10, $0x1;
	s10 =	sld [smem:$0x3FB4]  }
0x3d: {  	_ =	shalt  }
0x3e: {  	_ =	shalt  }
0x3f: {  	_ =	shalt  }
0x40: {  	_ =	shalt  }
0x41: {  	_ =	shalt  }
0x42: {  	_ =	shalt  }
0x43: {  	_ =	shalt  }
0x44: {  	_ =	shalt  }
0x45: {  	_ =	shalt  }
0x46: {  	_ =	shalt  }
0x47: {  	_ =	shalt  }
0x48: {  	_ =	shalt  }
0x49: {  	_ =	shalt  }
0x4a: {  	_ =	shalt  }
0x4b: {  	_ =	shalt  }
0x4c: {  	_ =	shalt  }
0x4d: {  	_ =	shalt  }
0x4e: {  	_ =	shalt  }
0x4f: {  	_ =	shalt  }
0x50: {  	_ =	shalt  }
0x51: {  	_ =	shalt  }
0x52: {  	_ =	shalt  }
0x53: {  	_ =	shalt  }
0x54: {  	_ =	shalt  }
0x55: {  	_ =	shalt  }
0x56: {  	_ =	shalt  }
0x57: {  	_ =	shalt  }
0x58: {  	_ =	shalt  }
0x59: {  	_ =	shalt  }
0x5a: {  	_ =	shalt  }
0x5b: {  	_ =	shalt  }
0x5c: {  	_ =	shalt  }
0x5d: {  	_ =	shalt  }
0x5e: {  	_ =	shalt  }
0x5f: {  	_ =	shalt  }
0x60: {  	_ =	shalt  }
0x61: {  	_ =	shalt  }
0x62: {  	_ =	shalt  }
0x63: {  	_ =	shalt  }
0x64: {  	_ =	shalt  }
0x65: {  	_ =	shalt  }
0x66: {  	_ =	shalt  }
0x67: {  	_ =	shalt  }
0x68: {  	_ =	shalt  }
0x69: {  	_ =	shalt  }
0x6a: {  	_ =	shalt  }
0x6b: {  	_ =	shalt  }
0x6c: {  	_ =	shalt  }
0x6d: {  	_ =	shalt  }
0x6e: {  	_ =	shalt  }
0x6f: {  	_ =	shalt  }
0x70: {  	_ =	shalt  }
0x71: {  	_ =	shalt  }
0x72: {  	_ =	shalt  }
0x73: {  	_ =	shalt  }
0x74: {  	_ =	shalt  }
0x75: {  	_ =	shalt  }
0x76: {  	_ =	shalt  }
0x77: {  	_ =	shalt  }
0x78: {  	_ =	shalt  }
0x79: {  	_ =	shalt  }
0x7a: {  	_ =	shalt  }
0x7b: {  	_ =	shalt  }
0x7c: {  	_ =	shalt  }
0x7d: {  	_ =	shalt  }
0x7e: {  	_ =	shalt  }
0x7f: {  	_ =	shalt  }
0x80: {  	_ =	shalt  }
0x81: {  	_ =	shalt  }
0x82: {  	_ =	shalt  }
0x83: {  	_ =	shalt  }
0x84: {  	_ =	shalt  }
0x85: {  	_ =	shalt  }
0x86: {  	_ =	shalt  }
0x87: {  	_ =	shalt  }
.Lfunc_end0:
.L_simem_size_0:
called_computation_lowered:
.L_overlay_start_0:
0x88: {  	s2 =	sld [smem:$0x3FD9]  }
0x89: {  	s3 =	sld [smem:$0x3FFE];
	_ =	sdelay $0x1  }
0x8a: {  	s1 =	srdreg.scid  }
0x8b: {  	s0 =	sand.u32 $0x1, s1  }
0x8c: {  	s17 =	sshll.u32 s0, $0xA;
	s2 =	sadd.s32 s3, s2  }
0x8d: {  	s2 =	sadd.s32 s2, s17  }
0x8e: {  	[smem:$0x3FC0] =	sst s2  }
0x8f: {  	_ = 	snop  }
0x90: {  	s2 =	sld [smem:$0x3FC9]  }
0x91: {  	s18 =	sld [smem:$0x3FC5]  }
0x92: {  	s4 =	sld [smem:$0x3FD0];
	(tm) =	ssettm $0x1  }
0x93: {  	s5 =	sld [smem:$0x3FFB];
	_ =	sdelay $0x3  }
0x94: {  	_ =	strace s5  }
0x95: {  	s5 =	sld [smem:$0x3FFC];
	_ =	sdelay $0x3  }
0x96: {  	_ =	strace s5  }
0x97: {  	s5 =	sld [smem:$0x3FFD];
	_ =	sdelay $0x3  }
0x98: {  	_ =	strace s5  }
0x99: {  	_ =	strace $0x8FFFFFFF  }
0x9a: {  	s19 =	sld [smem:$0x3FDB];
	_ =	sdelay $0x1  }
0x9b: {  	s6 =	simm.s32 $_scs_section_size  }
0x9c: {  	s7 =	simm.s32 $_size__tile_overlayer_lowered;
	s8 =	simm.s32 $_tile_overlayer_lowered  }
0x9d: {  	s22 =	simm.s32 $0x1BFF;
	s21 =	sshll.u32 s8, $0x1;
	s5 =	sadd.s32 s6, s19  }
0x9e: {  	s9 =	simm.s32 $0x0;
	s20 =	sshll.u32 s7, $0x1;
	s7 =	sadd.s32 s21, s5  }
0x9f: {  	[timem:s9], [sflag:s22] =	dma.local [hbm:s7], s20  }
0xa0: {  	_ =	swait.ge [sflag:s22], s20  }
0xa1: {  	s6 =	ssub.s32 $0x0, s20;
	[sflag:s22] =	ssyncset.done $0x0  }
0xa2: {  	[sflag:s22] =	ssyncadd.s32 s6;
	_ =	sdelay $0x1  }
0xa3: {  	s23 =	simm.s32 $0x1B8B  }
0xa4: {  	_ =	swait.ge [sflag:s23], $0x1  }
0xa5: {  	[sflag:s23] =	ssyncset.done $0x0  }
0xa6: {  	s25 =	simm.s32 $0x1B8E;
	s24 =	sld [smem:$0x3FFE];
	[sflag:s23] =	ssyncadd.s32 $0xFFFFFFFF  }
0xa7: {  	s26 =	simm.s32 $execute0_lowered;
	[smem:$0x3FD2] =	sst s25  }
0xa8: {  	s7 =	sshll.u32 s26, $0x1;
	_ =	strace $0x80000046;
	[dreg:$0x1] =	wrdreg $0xFFFFFFFF  }
0xa9: {  	s28 =	simm.s32 $_size_execute0_lowered;
	s5 =	sadd.s32 s5, s7;
	[dreg:$0x0] =	wrdreg $0x0  }
0xaa: {  	s7 =	sshll.u32 s28, $0x1;
	[dreg:$0x2] =	wrdreg s5  }
0xab: {  	[dreg:$0x3] =	wrdreg s7  }
0xac: {  	[dreg:$0x4] =	wrdreg $0xC0  }
0xad: {  	_ =	task [dreg:s9], $0x5FFFF  }
0xae: {  	[dreg:$0x1] =	wrdreg $0xFFFFFFFF  }
0xaf: {  	[dreg:$0x0] =	wrdreg $0x60  }
0xb0: {  	[dreg:$0x2] =	wrdreg s2  }
0xb1: {  	[dreg:$0x3] =	wrdreg s24  }
0xb2: {  	[dreg:$0x4] =	wrdreg s18  }
0xb3: {  	[dreg:$0x5] =	wrdreg s4  }
0xb4: {  	[dreg:$0x6] =	wrdreg $0xD2000  }
0xb5: {  	[dreg:$0x7] =	wrdreg $0x9  }
0xb6: {  	_ =	task.clear_ibuf [dreg:s9], $0x8FFFF;
	_ =	strace $0x90000046  }
0xb7: {  	s29 =	simm.s32 $0x9;
	_ =	strace $0x80000048  }
0xb8: {  	_ =	swait.ge [sflag:s29], $0x1  }
0xb9: {  	[sflag:s29] =	ssyncadd.s32 $0xFFFFFFFF  }
0xba: {  	_ =	strace $0x90000048  }
0xbb: {  	_ =	sfence  }
0xbc: {  	s30 =	sld [smem:$0x0];
	_ =	sdelay $0x2  }
0xbd: {  	s31 =	sshll.u32 s1, $0xD;
	s1 =	sshrl.u32 s1, $0x2  }
0xbe: {  	s3 =	sand.u32 $0x4000, s31;
	s1 =	sadd.s32 s1, s30  }
0xbf: {  	s0 =	sor.u32 s3, s0;
	s1 =	sshll.u32 s1, $0x11  }
0xc0: {  	s0 =	sor.u32 s1, s0  }
0xc1: {  	s0 =	sadd.s32 $0x8F2B, s0  }
0xc2: {  	[sflag:s0] =	ssyncadd.remote.s32 $0x1  }
0xc3: {  	_ =	sfence.sel $0xFFFF  }
0xc4: {  	[dreg:$0x0] =	wrdreg $0xFFFFFFFF;
	(pc) =	sbr.abs _section_cstart, $3  }
0xc5: {  	[dreg:$0x1] =	wrdreg $0xFFFFFFFF  }
0xc6: {  	_ =	task.clear_ibuf [dreg:s9], $0x2FFFF;
	_ =	strace $0x9FFFFFFF  }
0xc7: {  	(tm) =	ssettm $0x7FFFFFFF  }
tec
execute0_lowered:
.L_overlay_start_1:
0x0: {  	(tag) =	ssettag $0x1  }
0x1: {  	s5 =	rddreg [dreg:$0x0]  }
0x2: {  	s3 =	rddreg [dreg:$0x1]  }
0x3: {  	s6 =	rddreg [dreg:$0x2]  }
0x4: {  	s7 =	rddreg [dreg:$0x3];
	s2 =	srdreg.scid  }
0x5: {  	s1 =	rddreg [dreg:$0x4];
	s0 =	stileid.u32;
	s4 =	sand.u32 $0x1, s2  }
0x6: {  	s2 =	simm.s32 $0x0;
	s8 =	sshll.u32 s0, $0x7;
	s9 =	sshll.u32 s4, $0x6  }
0x7: {  	[smem:$0x7FF] =	sst s2;
	s5 =	sadd.s32 s5, s8;
	s9 =	sor.u32 s9, s8  }
0x8: {  	_ =	strace $0x80000047;
	[dreg:$0x6] =	wrdreg s5;
	s9 =	sadd.s32 s9, s3  }
0x9: {  	s15 =	smul.u32 $0x3D0A00, s4;
	s30 =	rddreg [dreg:$0x6];
	s12 =	sadd.s32 $0x4400, s9  }
0xa: {  	s10 =	sshll.u32 s0, $0xE;
	s13 =	sadd.s32 $0x5400, s9;
	[dreg:$0x7] =	wrdreg s12  }
0xb: {  	s21 =	sadd.s32 s6, s15;
	s14 =	sadd.s32 $0x4C00, s9;
	[dreg:$0x8] =	wrdreg s13  }
0xc: {  	s11 =	sshll.u32 s4, $0xD;
	s18 =	sadd.s32 $0x10, s21;
	[dreg:$0x9] =	wrdreg s14  }
0xd: {  	s9 =	sor.u32 s11, s10;
	s24 =	sadd.s32 $0x20, s21;
	[dreg:$0xd] =	wrdreg s18  }
0xe: {  	s8 =	sadd.s32 $0x26000, s3;
	s10 =	sadd.s32 s7, s9;
	[dreg:$0x11] =	wrdreg s24  }
0xf: {  	s11 =	sadd.s32 $0x66000, s3;
	s16 =	sadd.s32 s8, s9;
	[dreg:$0xa] =	wrdreg s10  }
0x10: {  	s17 =	sadd.s32 s11, s9;
	[dreg:$0xb] =	wrdreg s16  }
0x11: {  	s19 =	sor.u32 $0x800, s9;
	s14 =	sadd.s32 $0x30, s21;
	[dreg:$0xc] =	wrdreg s17  }
0x12: {  	s20 =	sadd.s32 s7, s19;
	[dreg:$0x15] =	wrdreg s14  }
0x13: {  	s22 =	sadd.s32 s8, s19;
	[dreg:$0xe] =	wrdreg s20  }
0x14: {  	s25 =	sor.u32 $0x1000, s9;
	s23 =	sadd.s32 s11, s19;
	[dreg:$0xf] =	wrdreg s22  }
0x15: {  	s26 =	sadd.s32 s7, s25;
	[dreg:$0x10] =	wrdreg s23  }
0x16: {  	s12 =	sadd.s32 s8, s25;
	[dreg:$0x12] =	wrdreg s26  }
0x17: {  	s9 =	sor.u32 $0x1800, s9;
	s13 =	sadd.s32 s11, s25;
	[dreg:$0x13] =	wrdreg s12  }
0x18: {  	s16 =	sadd.s32 s7, s9;
	[dreg:$0x14] =	wrdreg s13  }
0x19: {  	s18 =	sadd.s32 s8, s9;
	[dreg:$0x16] =	wrdreg s16  }
0x1a: {  	s19 =	sadd.s32 s11, s9;
	[dreg:$0x17] =	wrdreg s18  }
0x1b: {  	s15 =	sshll.u32 s0, $0xA;
	s25 =	sadd.s32 $0x60, s21;
	[dreg:$0x18] =	wrdreg s19  }
0x1c: {  	s17 =	sshll.u32 s4, $0x10;
	s10 =	sadd.s32 $0x70, s21;
	[dreg:$0x1d] =	wrdreg s25  }
0x1d: {  	s7 =	sor.u32 s15, s17;
	s20 =	sadd.s32 $0x40, s21;
	[dreg:$0x1f] =	wrdreg s10  }
0x1e: {  	s23 =	sadd.s32 $0x50, s21;
	s5 =	sadd.s32 s7, s3;
	[dreg:$0x19] =	wrdreg s20  }
0x1f: {  	[dreg:$0x1b] =	wrdreg s23;
	s22 =	sadd.s32 $0x6040, s5  }
0x20: {  	s24 =	sadd.s32 $0x6050, s5;
	[dreg:$0x1a] =	wrdreg s22  }
0x21: {  	s9 =	sadd.s32 $0x6060, s5;
	[dreg:$0x1c] =	wrdreg s24  }
0x22: {  	s11 =	sadd.s32 $0x6070, s5;
	[dreg:$0x1e] =	wrdreg s9  }
0x23: {  	s13 =	sadd.s32 $0xA000, s5;
	[smem:$0x7C0] =	sst s11  }
0x24: {  	s15 =	sadd.s32 $0xA010, s5;
	[smem:$0x7C2] =	sst s13  }
0x25: {  	s26 =	smul.u32 $0x1E85000, s4;
	s17 =	sadd.s32 $0xA020, s5;
	[smem:$0x7C4] =	sst s15  }
0x26: {  	s19 =	sadd.s32 $0xA030, s5;
	[smem:$0x7C6] =	sst s17  }
0x27: {  	s8 =	sshrl.u32 s26, $0x3;
	s26 =	sadd.s32 $0xA060, s5;
	[smem:$0x7C8] =	sst s19  }
0x28: {  	s22 =	sadd.s32 $0xA040, s5;
	[smem:$0x7CE] =	sst s26  }
0x29: {  	s24 =	sadd.s32 $0xA050, s5;
	[smem:$0x7CA] =	sst s22  }
0x2a: {  	s9 =	sadd.s32 $0xA070, s5;
	[smem:$0x7CC] =	sst s24  }
0x2b: {  	s11 =	sadd.s32 $0xE000, s5;
	[smem:$0x7D0] =	sst s9  }
0x2c: {  	s13 =	sadd.s32 $0xE010, s5;
	[smem:$0x7D2] =	sst s11  }
0x2d: {  	s15 =	sadd.s32 $0xE020, s5;
	[smem:$0x7D4] =	sst s13  }
0x2e: {  	s17 =	sadd.s32 $0xE030, s5;
	[smem:$0x7D6] =	sst s15  }
0x2f: {  	s19 =	sadd.s32 $0xE040, s5;
	[smem:$0x7D8] =	sst s17  }
0x30: {  	s6 =	sadd.s32 s6, s8;
	s26 =	sadd.s32 $0xE070, s5;
	[smem:$0x7DA] =	sst s19  }
0x31: {  	s12 =	sadd.s32 $0xF4280, s6;
	[smem:$0x7E0] =	sst s26  }
0x32: {  	s14 =	sadd.s32 $0xF4290, s6;
	[smem:$0x7C1] =	sst s12  }
0x33: {  	s16 =	sadd.s32 $0xF42A0, s6;
	[smem:$0x7C3] =	sst s14  }
0x34: {  	s18 =	sadd.s32 $0xF42B0, s6;
	[smem:$0x7C5] =	sst s16  }
0x35: {  	s20 =	sadd.s32 $0xF42C0, s6;
	[smem:$0x7C7] =	sst s18  }
0x36: {  	s23 =	sadd.s32 $0xF42D0, s6;
	[smem:$0x7C9] =	sst s20  }
0x37: {  	s25 =	sadd.s32 $0xF42E0, s6;
	[smem:$0x7CB] =	sst s23  }
0x38: {  	s8 =	sadd.s32 $0xF42F0, s6;
	[smem:$0x7CD] =	sst s25  }
0x39: {  	s10 =	sadd.s32 $0x1E8500, s6;
	[smem:$0x7CF] =	sst s8  }
0x3a: {  	s22 =	sadd.s32 $0xE050, s5;
	[smem:$0x7D1] =	sst s10  }
0x3b: {  	s24 =	sadd.s32 $0xE060, s5;
	[smem:$0x7DC] =	sst s22  }
0x3c: {  	s9 =	sadd.s32 $0x12000, s5;
	[smem:$0x7DE] =	sst s24  }
0x3d: {  	s11 =	sadd.s32 $0x12010, s5;
	[smem:$0x7E2] =	sst s9  }
0x3e: {  	s13 =	sadd.s32 $0x12020, s5;
	[smem:$0x7E4] =	sst s11  }
0x3f: {  	s15 =	sadd.s32 $0x2DC7B0, s6;
	[smem:$0x7E7] =	sst s13  }
0x40: {  	s17 =	sadd.s32 $0x12030, s5;
	[smem:$0x7E9] =	sst s15  }
0x41: {  	s19 =	sadd.s32 $0x12040, s5;
	[smem:$0x7EA] =	sst s17  }
0x42: {  	s26 =	sadd.s32 $0x6020, s5;
	[smem:$0x7EC] =	sst s19  }
0x43: {  	s12 =	sadd.s32 $0x1E8510, s6;
	[smem:$0x7F0] =	sst s26  }
0x44: {  	s14 =	sadd.s32 $0x1E8520, s6;
	[smem:$0x7D3] =	sst s12  }
0x45: {  	s16 =	sadd.s32 $0x1E8530, s6;
	[smem:$0x7D5] =	sst s14  }
0x46: {  	s18 =	sadd.s32 $0x1E8540, s6;
	[smem:$0x7D7] =	sst s16  }
0x47: {  	s20 =	sadd.s32 $0x1E8550, s6;
	[smem:$0x7D9] =	sst s18  }
0x48: {  	s31 =	simm.s32 $0x800;
	s23 =	sadd.s32 $0x1E8560, s6;
	[smem:$0x7DB] =	sst s20  }
0x49: {  	s28 =	simm.s32 $0x1200;
	s25 =	sadd.s32 $0x1E8570, s6;
	[smem:$0x7DD] =	sst s23  }
0x4a: {  	s29 =	simm.s32 $0x1;
	s8 =	sadd.s32 $0x2DC780, s6;
	[smem:$0x7DF] =	sst s25  }
0x4b: {  	p1 =	por $0x0, $0x0;
	s10 =	sadd.s32 $0x2DC790, s6;
	[smem:$0x7E1] =	sst s8  }
0x4c: {  	p0 =	sne.s32 s0, $0x0;
	s22 =	sadd.s32 $0x2DC7D0, s6;
	[smem:$0x7E3] =	sst s10  }
0x4d: {  	s4 =	ssub.s32 $0x2, s4;
	s24 =	sadd.s32 $0x2DC7E0, s6;
	[smem:$0x7ED] =	sst s22  }
0x4e: {  	s7 =	simm.s32 $0x3;
	s9 =	sadd.s32 $0x6030, s5;
	[smem:$0x7EF] =	sst s24  }
0x4f: {  	s13 =	sadd.s32 $0x1A00, s3;
	s15 =	simm.s32 $0x880;
	[smem:$0x7F2] =	sst s9  }
0x50: {  	s19 =	sadd.s32 $0x6000, s5;
	s17 =	simm.s32 $0x700;
	[smem:$0x7F7] =	sst s15  }
0x51: {  	s26 =	simm.s32 $0x980;
	s12 =	sadd.s32 $0x2DC7A0, s6;
	[smem:$0x7F9] =	sst s17  }
0x52: {  	s14 =	sadd.s32 $0x5C00, s3;
	s16 =	sadd.s32 $0xC00, s3;
	[smem:$0x7FD] =	sst s26  }
0x53: {  	s18 =	sadd.s32 $0x2DC7C0, s6;
	s20 =	sshrl.u32 s4, $0x1;
	[smem:$0x7E5] =	sst s12  }
0x54: {  	s23 =	sadd.s32 $0x12050, s5;
	s25 =	sadd.s32 $0x12060, s5;
	[smem:$0x7E6] =	sst s14  }
0x55: {  	s8 =	sadd.s32 $0x2DC7F0, s6;
	s10 =	sadd.s32 $0x12070, s5;
	[smem:$0x7E8] =	sst s16  }
0x56: {  	s3 =	simm.s32 $0x400;
	s24 =	simm.s32 $0x600;
	[smem:$0x7EB] =	sst s18  }
0x57: {  	s22 =	simm.s32 $0x5200;
	s15 =	simm.s32 $0x4;
	[smem:$0x7EE] =	sst s23  }
0x58: {  	s6 =	simm.s32 $0xE00;
	s4 =	ssub.s32 s4, s20;
	[smem:$0x7F1] =	sst s25  }
0x59: {  	s23 =	sadd.s32 $0x6010, s5;
	[smem:$0x7F3] =	sst s8;
	s11 =	smax.u32 s4, $0x1  }
0x5a: {  	[smem:$0x7F4] =	sst s10;
	s12 =	simm.s32 $0x480;
	s0 =	sadd.s32 $0xFFFFFFFF, s11  }
0x5b: {  	s14 =	simm.s32 $0x680;
	[smem:$0x7F5] =	sst s12;
	p2 =	sne.s32 s0, $0x0  }
.Ltmp0:
0x5c: {  	s16 =	simm.s32 $0x500;
	[smem:$0x7F6] =	sst s14;
	(pc) =	sbr.rel @!p2 .LBB2_1-.Ltmp0, $4  }
0x5d: {  	s5 =	simm.s32 $0x80;
	s18 =	simm.s32 $0x900;
	[smem:$0x7F8] =	sst s16  }
0x5e: {  	s10 =	simm.s32 $0x9200;
	s20 =	simm.s32 $0x580;
	[smem:$0x7FA] =	sst s18  }
0x5f: {  	s25 =	simm.s32 $0x780;
	s8 =	simm.s32 $0xA00;
	[smem:$0x7FB] =	sst s20  }
0x60: {  	s4 =	simm.s32 $0x5;
	[smem:$0x7FC] =	sst s25;
	s18 =	sshrl.u32 @!p0 s1, $0x3  }
0x61: {  	[tilespmem:s2], [sflag:$0x5] =	stream.linear.gather [hbm4b:s30+s2], $0x400, $0x38;
	[tilespmem:$0x1C628] =	vst v63  }
0x62: {  	_ =	swait.ge [sflag:s4], $0x400  }
0x63: {  	[smem:$0x7BE] =	sst s0;
	[sflag:s4] =	ssyncset.done $0x0  }
0x64: {  	s16 =	rddreg [dreg:$0x7];
	[sflag:s4] =	ssyncadd.s32 $0xFFFFFC00  }
0x65: {  	[tilespmem:s3], [sflag:$0x5] =	stream.linear.gather [hbm4b:s16+s2], $0x200, $0x38;
	[tilespmem:$0x1C628] =	vst v63  }
0x66: {  	_ =	swait.ge [sflag:s4], $0x200  }
0x67: {  	[sflag:s4] =	ssyncset.done $0x0  }
0x68: {  	s17 =	rddreg [dreg:$0x8];
	[sflag:s4] =	ssyncadd.s32 $0xFFFFFE00  }
0x69: {  	[tilespmem:s24], [sflag:$0x5] =	stream.linear.gather [hbm4b:s17+s2], $0x200, $0x38;
	[tilespmem:$0x1C628] =	vst v63  }
0x6a: {  	_ =	swait.ge [sflag:s4], $0x200  }
0x6b: {  	s20 =	rddreg [dreg:$0x9];
	[sflag:s4] =	ssyncset.done $0x0  }
0x6c: {  	[sflag:s4] =	ssyncadd.s32 $0xFFFFFE00  }
0x6d: {  	[tilespmem:s31], [sflag:$0x5] =	stream.linear.gather [hbm4b:s20+s2], $0x200, $0x38;
	[tilespmem:$0x1C628] =	vst v63  }
0x6e: {  	s14 =	simm.s32 $0x5;
	_ =	swait.ge [sflag:s4], $0x200  }
0x6f: {  	s25 =	simm.s32 @!p0 $0x1C02;
	s26 =	simm.s32 @!p0 $0x10;
	[sflag:s14] =	ssyncset.done $0x0  }
0x70: {  	s20 =	simm.s32 @!p0 $0x1;
	s4 =	simm.s32 @!p0 $0x80;
	[sflag:s14] =	ssyncadd.s32 $0xFFFFFE00  }
0x71: {  	[spmem:s18@s26], [sflag:s25] =	dma.strided @!p0 [hbm:s21@s4], $0x1E850, s20, $0x10   }
0x72: {  	s6 =	sld [smem:$0x7E6];
	_ =	sdelay $0x1  }
0x73: {  	s9 =	sld [smem:$0x7E8]  }
0x74: {  	[tilespmem:s28], [sflag:$0x1] =	stream.indirect.gather [hbm4b:s6+s5], $0x80, s3, s5, $0xb8;
	[tilespmem:$0x1C628] =	vst v63  }
0x75: {  	_ = 	snop  }
0x76: {  	[tilespmem:s22], [sflag:$0x1] =	stream.indirect.gather [hbm4b:s9+s5], $0x80, s24, s5, $0xb8;
	[tilespmem:$0x1C628] =	vst v63  }
0x77: {  	_ = 	snop  }
0x78: {  	[tilespmem:s10], [sflag:$0x1] =	stream.indirect.gather [hbm4b:s13+s5], $0x80, s31, s5, $0xb8;
	[tilespmem:$0x1C628] =	vst v63  }
0x79: {  	_ =	swait.ge [sflag:s29], $0x4000  }
0x7a: {  	[sflag:s29] =	ssyncset.done $0x0  }
0x7b: {  	[sflag:s29] =	ssyncadd.s32 $0xFFFFC000  }
0x7c: {  	_ =	swait.ge [sflag:s29], $0x4000  }
0x7d: {  	[sflag:s29] =	ssyncset.done $0x0  }
0x7e: {  	[sflag:s29] =	ssyncadd.s32 $0xFFFFC000  }
0x7f: {  	_ =	swait.ge [sflag:s29], $0x4000  }
0x80: {  	[sflag:s29] =	ssyncset.done $0x0  }
0x81: {  	s24 =	rddreg [dreg:$0xa];
	[sflag:s29] =	ssyncadd.s32 $0xFFFFC000  }
0x82: {  	[hbm4b:s24+s2] =	stream.linear.scatter [tilespmem:s28], [sflag:$0x5], $0x4000, $0x38;
	[tilespmem:$0x1C628] =	vst v63  }
0x83: {  	_ =	swait.ge [sflag:s14], $0x4000  }
0x84: {  	[sflag:s14] =	ssyncset.done $0x0  }
0x85: {  	s28 =	rddreg [dreg:$0xb];
	[sflag:s14] =	ssyncadd.s32 $0xFFFFC000  }
0x86: {  	[hbm4b:s28+s2] =	stream.linear.scatter [tilespmem:s22], [sflag:$0x5], $0x4000, $0x38;
	[tilespmem:$0x1C628] =	vst v63  }
0x87: {  	_ =	swait.ge [sflag:s14], $0x4000  }
0x88: {  	[sflag:s14] =	ssyncset.done $0x0  }
0x89: {  	s31 =	rddreg [dreg:$0xc];
	[sflag:s14] =	ssyncadd.s32 $0xFFFFC000  }
0x8a: {  	[hbm4b:s31+s2] =	stream.linear.scatter [tilespmem:s10], [sflag:$0x5], $0x4000, $0x38;
	[tilespmem:$0x1C628] =	vst v63  }
0x8b: {  	_ =	swait.ge [sflag:s14], $0x4000  }
0x8c: {  	[sflag:s14] =	ssyncset.done $0x0  }
0x8d: {  	s11 =	simm.s32 @p0 $0xA00;
	s30 =	simm.s32 @p0 $0x400;
	[sflag:s14] =	ssyncadd.s32 $0xFFFFC000  }
0x8e: {  	s16 =	simm.s32 @p0 $0x3;
	s22 =	simm.s32 @p0 $0x0;
	[bflag:$0x0] =	sbarrier.arrive @p0 $0xFFFF  }
0x8f: {  	[tilespmem:s11], [sflag:$0x3] =	stream.indirect.gather @p0 [spmem:s1], $0x1, s22, s30, $0xb8;
	[tilespmem:$0x1C628] =	vst v63  }
0x90: {  	_ =	swait.ge @p0 [sflag:s16], $0x400  }
0x91: {  	[sflag:s16] =	ssyncset.done @p0 $0x0  }
0x92: {  	[sflag:s16] =	ssyncadd.s32 @p0 $0xFFFFFC00  }
0x93: {  	s0 =	simm.s32 @p0 $0x80;
	s24 =	simm.s32 @!p0 $0x2;
	[bflag:$0x0] =	sbarrier.arrive @p0 $0xFFFF  }
0x94: {  	[hbm4b:s19+s0] =	stream.strided.scatter @p0 [tilespmem:s11], [sflag:$0x4], $0x400, s30, s0, $0x38;
	[tilespmem:$0x1C628] =	vst v63  }
0x95: {  	_ =	swait.ge @!p0 [sflag:s24], $0x1E850  }
0x96: {  	[sflag:s24] =	ssyncset.done @!p0 $0x0  }
0x97: {  	[sflag:s24] =	ssyncadd.s32 @!p0 $0xFFFE17B0  }
0x98: {  	s17 =	simm.s32 @!p0 $0x0;
	s5 =	simm.s32 @!p0 $0x400;
	[bflag:$0x0] =	sbarrier.arrive @!p0 $0xFFFF  }
0x99: {  	s28 =	simm.s32 @!p0 $0xA00;
	s31 =	simm.s32 @!p0 $0x3;
	[smem:$0x7BA] =	sst s21  }
0x9a: {  	[tilespmem:s28], [sflag:$0x3] =	stream.indirect.gather @!p0 [spmem:s1], $0x1, s17, s5, $0xb8;
	[tilespmem:$0x1C628] =	vst v63  }
0x9b: {  	_ =	swait.ge @!p0 [sflag:s31], $0x400  }
0x9c: {  	[sflag:s31] =	ssyncset.done @!p0 $0x0  }
0x9d: {  	[sflag:s31] =	ssyncadd.s32 @!p0 $0xFFFFFC00  }
0x9e: {  	[bflag:$0x0] =	sbarrier.arrive @!p0 $0xFFFF  }
0x9f: {  	s10 =	rddreg [dreg:$0xd]  }
0xa0: {  	[hbm4b:s19+s4] =	stream.strided.scatter @!p0 [tilespmem:s28], [sflag:$0x4], $0x400, s5, s4, $0x38;
	[tilespmem:$0x1C628] =	vst v63  }
0xa1: {  	[spmem:s18@s26], [sflag:s25] =	dma.strided @!p0 [hbm:s10@s4], $0x1E850, s20, $0x10   }
0xa2: {  	[smem:$0x7BB] =	sst s19  }
0xa3: {  	s10 =	sld [smem:$0x7F5]  }
0xa4: {  	s12 =	sld [smem:$0x7E6]  }
0xa5: {  	s19 =	sld [smem:$0x7F6]  }
0xa6: {  	s6 =	simm.s32 $0x1200;
	s2 =	simm.s32 $0x80;
	s9 =	sld [smem:$0x7E8]  }
0xa7: {  	[tilespmem:s6], [sflag:$0x1] =	stream.indirect.gather [hbm4b:s12+s2], $0x80, s10, s2, $0xb8;
	[tilespmem:$0x1C628] =	vst v63  }
0xa8: {  	s8 =	simm.s32 $0x5200;
	s0 =	sld [smem:$0x7F7]  }
0xa9: {  	[tilespmem:s8], [sflag:$0x1] =	stream.indirect.gather [hbm4b:s9+s2], $0x80, s19, s2, $0xb8;
	[tilespmem:$0x1C628] =	vst v63  }
0xaa: {  	s3 =	simm.s32 $0x9200  }
0xab: {  	[tilespmem:s3], [sflag:$0x1] =	stream.indirect.gather [hbm4b:s13+s2], $0x80, s0, s2, $0xb8;
	[tilespmem:$0x1C628] =	vst v63  }
0xac: {  	_ =	swait.ge [sflag:s29], $0x4000  }
0xad: {  	[sflag:s29] =	ssyncset.done $0x0  }
0xae: {  	[sflag:s29] =	ssyncadd.s32 $0xFFFFC000  }
0xaf: {  	_ =	swait.ge [sflag:s29], $0x4000  }
0xb0: {  	[sflag:s29] =	ssyncset.done $0x0  }
0xb1: {  	[sflag:s29] =	ssyncadd.s32 $0xFFFFC000  }
0xb2: {  	_ =	swait.ge [sflag:s29], $0x4000  }
0xb3: {  	[sflag:s29] =	ssyncset.done $0x0  }
0xb4: {  	s21 =	simm.s32 $0x0;
	s0 =	rddreg [dreg:$0xe];
	[sflag:s29] =	ssyncadd.s32 $0xFFFFC000  }
0xb5: {  	[hbm4b:s0+s21] =	stream.linear.scatter [tilespmem:s6], [sflag:$0x5], $0x4000, $0x38;
	[tilespmem:$0x1C628] =	vst v63  }
0xb6: {  	_ =	swait.ge [sflag:s14], $0x4000  }
0xb7: {  	[sflag:s14] =	ssyncset.done $0x0  }
0xb8: {  	s9 =	rddreg [dreg:$0xf];
	[sflag:s14] =	ssyncadd.s32 $0xFFFFC000  }
0xb9: {  	[hbm4b:s9+s21] =	stream.linear.scatter [tilespmem:s8], [sflag:$0x5], $0x4000, $0x38;
	[tilespmem:$0x1C628] =	vst v63  }
0xba: {  	_ =	swait.ge [sflag:s14], $0x4000  }
0xbb: {  	[sflag:s14] =	ssyncset.done $0x0  }
0xbc: {  	s12 =	rddreg [dreg:$0x10];
	[sflag:s14] =	ssyncadd.s32 $0xFFFFC000  }
0xbd: {  	[hbm4b:s12+s21] =	stream.linear.scatter [tilespmem:s3], [sflag:$0x5], $0x4000, $0x38;
	[tilespmem:$0x1C628] =	vst v63  }
0xbe: {  	_ =	swait.ge [sflag:s14], $0x4000  }
0xbf: {  	[sflag:s14] =	ssyncset.done $0x0  }
0xc0: {  	[sflag:s14] =	ssyncadd.s32 $0xFFFFC000  }
0xc1: {  	s0 =	simm.s32 @p0 $0xE00;
	[bflag:$0x0] =	sbarrier.arrive @p0 $0xFFFF  }
0xc2: {  	[tilespmem:s0], [sflag:$0x3] =	stream.indirect.gather @p0 [spmem:s1], $0x1, s22, s30, $0xb8;
	[tilespmem:$0x1C628] =	vst v63  }
0xc3: {  	_ =	swait.ge @p0 [sflag:s16], $0x400  }
0xc4: {  	[sflag:s16] =	ssyncset.done @p0 $0x0  }
0xc5: {  	[sflag:s16] =	ssyncadd.s32 @p0 $0xFFFFFC00  }
0xc6: {  	s9 =	simm.s32 @p0 $0x80;
	[bflag:$0x0] =	sbarrier.arrive @p0 $0xFFFF  }
0xc7: {  	[hbm4b:s23+s9] =	stream.strided.scatter @p0 [tilespmem:s0], [sflag:$0x4], $0x400, s30, s9, $0x38;
	[tilespmem:$0x1C628] =	vst v63  }
0xc8: {  	_ =	swait.ge @!p0 [sflag:s24], $0x1E850  }
0xc9: {  	[sflag:s24] =	ssyncset.done @!p0 $0x0  }
0xca: {  	[sflag:s24] =	ssyncadd.s32 @!p0 $0xFFFE17B0  }
0xcb: {  	s9 =	simm.s32 @!p0 $0xE00;
	[bflag:$0x0] =	sbarrier.arrive @!p0 $0xFFFF  }
0xcc: {  	[tilespmem:s9], [sflag:$0x3] =	stream.indirect.gather @!p0 [spmem:s1], $0x1, s17, s5, $0xb8;
	[tilespmem:$0x1C628] =	vst v63  }
0xcd: {  	_ =	swait.ge @!p0 [sflag:s31], $0x400  }
0xce: {  	[sflag:s31] =	ssyncset.done @!p0 $0x0  }
0xcf: {  	[sflag:s31] =	ssyncadd.s32 @!p0 $0xFFFFFC00  }
0xd0: {  	[bflag:$0x0] =	sbarrier.arrive @!p0 $0xFFFF  }
0xd1: {  	s10 =	rddreg [dreg:$0x11]  }
0xd2: {  	[hbm4b:s23+s4] =	stream.strided.scatter @!p0 [tilespmem:s9], [sflag:$0x4], $0x400, s5, s4, $0x38;
	[tilespmem:$0x1C628] =	vst v63  }
0xd3: {  	[spmem:s18@s26], [sflag:s25] =	dma.strided @!p0 [hbm:s10@s4], $0x1E850, s20, $0x10   }
0xd4: {  	[smem:$0x7BC] =	sst s23  }
0xd5: {  	s10 =	sld [smem:$0x7F8]  }
0xd6: {  	s19 =	sld [smem:$0x7E6]  }
0xd7: {  	s23 =	sld [smem:$0x7F9]  }
0xd8: {  	s12 =	sld [smem:$0x7E8]  }
0xd9: {  	[tilespmem:s6], [sflag:$0x1] =	stream.indirect.gather [hbm4b:s19+s2], $0x80, s10, s2, $0xb8;
	[tilespmem:$0x1C628] =	vst v63  }
0xda: {  	s19 =	sld [smem:$0x7FA]  }
0xdb: {  	[tilespmem:s8], [sflag:$0x1] =	stream.indirect.gather [hbm4b:s12+s2], $0x80, s23, s2, $0xb8;
	[tilespmem:$0x1C628] =	vst v63  }
0xdc: {  	_ = 	snop  }
0xdd: {  	[tilespmem:s3], [sflag:$0x1] =	stream.indirect.gather [hbm4b:s13+s2], $0x80, s19, s2, $0xb8;
	[tilespmem:$0x1C628] =	vst v63  }
0xde: {  	_ =	swait.ge [sflag:s29], $0x4000  }
0xdf: {  	[sflag:s29] =	ssyncset.done $0x0  }
0xe0: {  	[sflag:s29] =	ssyncadd.s32 $0xFFFFC000  }
0xe1: {  	_ =	swait.ge [sflag:s29], $0x4000  }
0xe2: {  	[sflag:s29] =	ssyncset.done $0x0  }
0xe3: {  	[sflag:s29] =	ssyncadd.s32 $0xFFFFC000  }
0xe4: {  	_ =	swait.ge [sflag:s29], $0x4000  }
0xe5: {  	[sflag:s29] =	ssyncset.done $0x0  }
0xe6: {  	s19 =	rddreg [dreg:$0x12];
	[sflag:s29] =	ssyncadd.s32 $0xFFFFC000  }
0xe7: {  	[hbm4b:s19+s21] =	stream.linear.scatter [tilespmem:s6], [sflag:$0x5], $0x4000, $0x38;
	[tilespmem:$0x1C628] =	vst v63  }
0xe8: {  	_ =	swait.ge [sflag:s14], $0x4000  }
0xe9: {  	[sflag:s14] =	ssyncset.done $0x0  }
0xea: {  	s23 =	rddreg [dreg:$0x13];
	[sflag:s14] =	ssyncadd.s32 $0xFFFFC000  }
0xeb: {  	[hbm4b:s23+s21] =	stream.linear.scatter [tilespmem:s8], [sflag:$0x5], $0x4000, $0x38;
	[tilespmem:$0x1C628] =	vst v63  }
0xec: {  	_ =	swait.ge [sflag:s14], $0x4000  }
0xed: {  	[sflag:s14] =	ssyncset.done $0x0  }
0xee: {  	s19 =	rddreg [dreg:$0x14];
	[sflag:s14] =	ssyncadd.s32 $0xFFFFC000  }
0xef: {  	[hbm4b:s19+s21] =	stream.linear.scatter [tilespmem:s3], [sflag:$0x5], $0x4000, $0x38;
	[tilespmem:$0x1C628] =	vst v63  }
0xf0: {  	_ =	swait.ge [sflag:s14], $0x4000  }
0xf1: {  	[sflag:s14] =	ssyncset.done $0x0  }
0xf2: {  	[sflag:s14] =	ssyncadd.s32 $0xFFFFC000  }
0xf3: {  	_ =	swait.ge [sflag:s15], $0x400  }
0xf4: {  	[sflag:s15] =	ssyncset.done $0x0  }
0xf5: {  	[sflag:s15] =	ssyncadd.s32 $0xFFFFFC00  }
0xf6: {  	[bflag:$0x0] =	sbarrier.arrive @p0 $0xFFFF  }
0xf7: {  	[tilespmem:s11], [sflag:$0x3] =	stream.indirect.gather @p0 [spmem:s1], $0x1, s22, s30, $0xb8;
	[tilespmem:$0x1C628] =	vst v63  }
0xf8: {  	_ =	swait.ge @p0 [sflag:s16], $0x400  }
0xf9: {  	[sflag:s16] =	ssyncset.done @p0 $0x0  }
0xfa: {  	[sflag:s16] =	ssyncadd.s32 @p0 $0xFFFFFC00  }
0xfb: {  	[bflag:$0x0] =	sbarrier.arrive @p0 $0xFFFF  }
0xfc: {  	s19 =	sld [smem:$0x7F0];
	_ =	sdelay $0x1  }
0xfd: {  	s21 =	simm.s32 @p0 $0x80  }
0xfe: {  	[hbm4b:s19+s21] =	stream.strided.scatter @p0 [tilespmem:s11], [sflag:$0x4], $0x400, s30, s21, $0x38;
	[tilespmem:$0x1C628] =	vst v63  }
0xff: {  	s23 =	sld [smem:$0x7E6];
	_ =	swait.ge @!p0 [sflag:s24], $0x1E850  }
0x100: {  	[sflag:s24] =	ssyncset.done @!p0 $0x0  }
0x101: {  	[sflag:s24] =	ssyncadd.s32 @!p0 $0xFFFE17B0  }
0x102: {  	[bflag:$0x0] =	sbarrier.arrive @!p0 $0xFFFF  }
0x103: {  	[tilespmem:s28], [sflag:$0x3] =	stream.indirect.gather @!p0 [spmem:s1], $0x1, s17, s5, $0xb8;
	[tilespmem:$0x1C628] =	vst v63  }
0x104: {  	_ =	swait.ge @!p0 [sflag:s31], $0x400  }
0x105: {  	[sflag:s31] =	ssyncset.done @!p0 $0x0  }
0x106: {  	[sflag:s31] =	ssyncadd.s32 @!p0 $0xFFFFFC00  }
0x107: {  	[bflag:$0x0] =	sbarrier.arrive @!p0 $0xFFFF  }
0x108: {  	s10 =	rddreg [dreg:$0x15]  }
0x109: {  	[hbm4b:s19+s4] =	stream.strided.scatter @!p0 [tilespmem:s28], [sflag:$0x4], $0x400, s5, s4, $0x38;
	[tilespmem:$0x1C628] =	vst v63  }
0x10a: {  	[spmem:s18@s26], [sflag:s25] =	dma.strided @!p0 [hbm:s10@s4], $0x1E850, s20, $0x10   }
0x10b: {  	s10 =	sld [smem:$0x7FB];
	_ =	sdelay $0x1  }
0x10c: {  	s28 =	sld [smem:$0x7FC]  }
0x10d: {  	[tilespmem:s6], [sflag:$0x1] =	stream.indirect.gather [hbm4b:s23+s2], $0x80, s10, s2, $0xb8;
	[tilespmem:$0x1C628] =	vst v63  }
0x10e: {  	s19 =	sld [smem:$0x7FD]  }
0x10f: {  	[tilespmem:s8], [sflag:$0x1] =	stream.indirect.gather [hbm4b:s12+s2], $0x80, s28, s2, $0xb8;
	[tilespmem:$0x1C628] =	vst v63  }
0x110: {  	[smem:$0x7BD] =	sst s13  }
0x111: {  	[tilespmem:s3], [sflag:$0x1] =	stream.indirect.gather [hbm4b:s13+s2], $0x80, s19, s2, $0xb8;
	[tilespmem:$0x1C628] =	vst v63  }
0x112: {  	_ =	swait.ge [sflag:s29], $0x4000  }
0x113: {  	[sflag:s29] =	ssyncset.done $0x0  }
0x114: {  	[sflag:s29] =	ssyncadd.s32 $0xFFFFC000  }
0x115: {  	_ =	swait.ge [sflag:s29], $0x4000  }
0x116: {  	[sflag:s29] =	ssyncset.done $0x0  }
0x117: {  	[sflag:s29] =	ssyncadd.s32 $0xFFFFC000  }
0x118: {  	_ =	swait.ge [sflag:s29], $0x4000  }
0x119: {  	[sflag:s29] =	ssyncset.done $0x0  }
0x11a: {  	s2 =	simm.s32 $0x0;
	s23 =	rddreg [dreg:$0x16];
	[sflag:s29] =	ssyncadd.s32 $0xFFFFC000  }
0x11b: {  	[hbm4b:s23+s2] =	stream.linear.scatter [tilespmem:s6], [sflag:$0x5], $0x4000, $0x38;
	[tilespmem:$0x1C628] =	vst v63  }
0x11c: {  	_ =	swait.ge [sflag:s14], $0x4000  }
0x11d: {  	[sflag:s14] =	ssyncset.done $0x0  }
0x11e: {  	s28 =	rddreg [dreg:$0x17];
	[sflag:s14] =	ssyncadd.s32 $0xFFFFC000  }
0x11f: {  	[hbm4b:s28+s2] =	stream.linear.scatter [tilespmem:s8], [sflag:$0x5], $0x4000, $0x38;
	[tilespmem:$0x1C628] =	vst v63  }
0x120: {  	_ =	swait.ge [sflag:s14], $0x4000  }
0x121: {  	[sflag:s14] =	ssyncset.done $0x0  }
0x122: {  	s29 =	rddreg [dreg:$0x18];
	[sflag:s14] =	ssyncadd.s32 $0xFFFFC000  }
0x123: {  	[hbm4b:s29+s2] =	stream.linear.scatter [tilespmem:s3], [sflag:$0x5], $0x4000, $0x38;
	[tilespmem:$0x1C628] =	vst v63  }
0x124: {  	_ =	swait.ge [sflag:s14], $0x4000  }
0x125: {  	[sflag:s14] =	ssyncset.done $0x0  }
0x126: {  	[sflag:s14] =	ssyncadd.s32 $0xFFFFC000  }
0x127: {  	_ =	swait.ge [sflag:s15], $0x400  }
0x128: {  	[sflag:s15] =	ssyncset.done $0x0  }
0x129: {  	[sflag:s15] =	ssyncadd.s32 $0xFFFFFC00  }
0x12a: {  	[bflag:$0x0] =	sbarrier.arrive @p0 $0xFFFF  }
0x12b: {  	[tilespmem:s0], [sflag:$0x3] =	stream.indirect.gather @p0 [spmem:s1], $0x1, s22, s30, $0xb8;
	[tilespmem:$0x1C628] =	vst v63  }
0x12c: {  	_ =	swait.ge @p0 [sflag:s16], $0x400  }
0x12d: {  	[sflag:s16] =	ssyncset.done @p0 $0x0  }
0x12e: {  	[sflag:s16] =	ssyncadd.s32 @p0 $0xFFFFFC00  }
0x12f: {  	[bflag:$0x0] =	sbarrier.arrive @p0 $0xFFFF  }
0x130: {  	s10 =	sld [smem:$0x7F2];
	_ =	sdelay $0x1  }
0x131: {  	s23 =	simm.s32 @p0 $0x4  }
0x132: {  	[hbm4b:s10+s21] =	stream.strided.scatter @p0 [tilespmem:s0], [sflag:$0x4], $0x400, s30, s21, $0x38;
	[tilespmem:$0x1C628] =	vst v63  }
0x133: {  	_ =	swait.ge @p0 [sflag:s23], $0x400  }
0x134: {  	[sflag:s23] =	ssyncset.done @p0 $0x0  }
0x135: {  	[sflag:s23] =	ssyncadd.s32 @p0 $0xFFFFFC00  }
0x136: {  	_ =	swait.ge @!p0 [sflag:s24], $0x1E850  }
0x137: {  	[sflag:s24] =	ssyncset.done @!p0 $0x0  }
0x138: {  	[sflag:s24] =	ssyncadd.s32 @!p0 $0xFFFE17B0  }
0x139: {  	[bflag:$0x0] =	sbarrier.arrive @!p0 $0xFFFF  }
0x13a: {  	[tilespmem:s9], [sflag:$0x3] =	stream.indirect.gather @!p0 [spmem:s1], $0x1, s17, s5, $0xb8;
	[tilespmem:$0x1C628] =	vst v63  }
0x13b: {  	_ =	swait.ge @!p0 [sflag:s31], $0x400  }
0x13c: {  	[sflag:s31] =	ssyncset.done @!p0 $0x0  }
0x13d: {  	[sflag:s31] =	ssyncadd.s32 @!p0 $0xFFFFFC00  }
0x13e: {  	[bflag:$0x0] =	sbarrier.arrive @!p0 $0xFFFF  }
0x13f: {  	[hbm4b:s10+s4] =	stream.strided.scatter @!p0 [tilespmem:s9], [sflag:$0x4], $0x400, s5, s4, $0x38;
	[tilespmem:$0x1C628] =	vst v63  }
0x140: {  	s30 =	rddreg [dreg:$0x19];
	s10 =	simm.s32 @!p0 $0x4  }
0x141: {  	[spmem:s18@s26], [sflag:s25] =	dma.strided @!p0 [hbm:s30@s4], $0x1E850, s20, $0x10   }
0x142: {  	_ =	swait.ge @!p0 [sflag:s10], $0x400  }
0x143: {  	[sflag:s10] =	ssyncset.done @!p0 $0x0  }
0x144: {  	[sflag:s10] =	ssyncadd.s32 @!p0 $0xFFFFFC00  }
0x145: {  	_ =	swait.ge @!p0 [sflag:s24], $0x1E850  }
0x146: {  	[sflag:s24] =	ssyncset.done @!p0 $0x0  }
0x147: {  	[sflag:s24] =	ssyncadd.s32 @!p0 $0xFFFE17B0  }
0x148: {  	s8 =	simm.s32 $0xA00;
	s3 =	simm.s32 $0x400;
	[bflag:$0x0] =	sbarrier.arrive $0xFFFF  }
0x149: {  	[tilespmem:s8], [sflag:$0x3] =	stream.indirect.gather [spmem:s1], $0x1, s2, s3, $0xb8;
	[tilespmem:$0x1C628] =	vst v63  }
0x14a: {  	_ =	swait.ge [sflag:s7], $0x400  }
0x14b: {  	[sflag:s7] =	ssyncset.done $0x0  }
0x14c: {  	[sflag:s7] =	ssyncadd.s32 $0xFFFFFC00  }
0x14d: {  	[bflag:$0x0] =	sbarrier.arrive $0xFFFF  }
0x14e: {  	s5 =	simm.s32 $0x80;
	s30 =	rddreg [dreg:$0x1a]  }
0x14f: {  	[hbm4b:s30+s5] =	stream.strided.scatter [tilespmem:s8], [sflag:$0x4], $0x400, s3, s5, $0x38;
	[tilespmem:$0x1C628] =	vst v63  }
0x150: {  	_ =	swait.ge @p0 [sflag:s23], $0x400  }
0x151: {  	[sflag:s23] =	ssyncset.done @p0 $0x0  }
0x152: {  	s30 =	rddreg [dreg:$0x1b];
	[sflag:s23] =	ssyncadd.s32 @p0 $0xFFFFFC00  }
0x153: {  	[spmem:s18@s26], [sflag:s25] =	dma.strided @!p0 [hbm:s30@s4], $0x1E850, s20, $0x10   }
0x154: {  	_ =	swait.ge @!p0 [sflag:s10], $0x400  }
0x155: {  	[sflag:s10] =	ssyncset.done @!p0 $0x0  }
0x156: {  	[sflag:s10] =	ssyncadd.s32 @!p0 $0xFFFFFC00  }
0x157: {  	_ =	swait.ge @!p0 [sflag:s24], $0x1E850  }
0x158: {  	[sflag:s24] =	ssyncset.done @!p0 $0x0  }
0x159: {  	[sflag:s24] =	ssyncadd.s32 @!p0 $0xFFFE17B0  }
0x15a: {  	s6 =	simm.s32 $0xE00;
	[bflag:$0x0] =	sbarrier.arrive $0xFFFF  }
0x15b: {  	[tilespmem:s6], [sflag:$0x3] =	stream.indirect.gather [spmem:s1], $0x1, s2, s3, $0xb8;
	[tilespmem:$0x1C628] =	vst v63  }
0x15c: {  	_ =	swait.ge [sflag:s7], $0x400  }
0x15d: {  	[sflag:s7] =	ssyncset.done $0x0  }
0x15e: {  	[sflag:s7] =	ssyncadd.s32 $0xFFFFFC00  }
0x15f: {  	[bflag:$0x0] =	sbarrier.arrive $0xFFFF  }
0x160: {  	s30 =	rddreg [dreg:$0x1c]  }
0x161: {  	[hbm4b:s30+s5] =	stream.strided.scatter [tilespmem:s6], [sflag:$0x4], $0x400, s3, s5, $0x38;
	[tilespmem:$0x1C628] =	vst v63  }
0x162: {  	_ =	swait.ge @p0 [sflag:s23], $0x400  }
0x163: {  	[sflag:s23] =	ssyncset.done @p0 $0x0  }
0x164: {  	s30 =	rddreg [dreg:$0x1d];
	[sflag:s23] =	ssyncadd.s32 @p0 $0xFFFFFC00  }
0x165: {  	[spmem:s18@s26], [sflag:s25] =	dma.strided @!p0 [hbm:s30@s4], $0x1E850, s20, $0x10   }
0x166: {  	_ =	swait.ge @!p0 [sflag:s10], $0x400  }
0x167: {  	[sflag:s10] =	ssyncset.done @!p0 $0x0  }
0x168: {  	[sflag:s10] =	ssyncadd.s32 @!p0 $0xFFFFFC00  }
0x169: {  	_ =	swait.ge @!p0 [sflag:s24], $0x1E850  }
0x16a: {  	[sflag:s24] =	ssyncset.done @!p0 $0x0  }
0x16b: {  	[sflag:s24] =	ssyncadd.s32 @!p0 $0xFFFE17B0  }
0x16c: {  	[bflag:$0x0] =	sbarrier.arrive $0xFFFF  }
0x16d: {  	[tilespmem:s8], [sflag:$0x3] =	stream.indirect.gather [spmem:s1], $0x1, s2, s3, $0xb8;
	[tilespmem:$0x1C628] =	vst v63  }
0x16e: {  	_ =	swait.ge [sflag:s7], $0x400  }
0x16f: {  	[sflag:s7] =	ssyncset.done $0x0  }
0x170: {  	[sflag:s7] =	ssyncadd.s32 $0xFFFFFC00  }
0x171: {  	[bflag:$0x0] =	sbarrier.arrive $0xFFFF  }
0x172: {  	s30 =	rddreg [dreg:$0x1e]  }
0x173: {  	[hbm4b:s30+s5] =	stream.strided.scatter [tilespmem:s8], [sflag:$0x4], $0x400, s3, s5, $0x38;
	[tilespmem:$0x1C628] =	vst v63  }
0x174: {  	_ =	swait.ge @p0 [sflag:s23], $0x400  }
0x175: {  	[sflag:s23] =	ssyncset.done @p0 $0x0  }
0x176: {  	s30 =	rddreg [dreg:$0x1f];
	[sflag:s23] =	ssyncadd.s32 @p0 $0xFFFFFC00  }
0x177: {  	[spmem:s18@s26], [sflag:s25] =	dma.strided @!p0 [hbm:s30@s4], $0x1E850, s20, $0x10   }
0x178: {  	_ =	swait.ge @!p0 [sflag:s10], $0x400  }
0x179: {  	[sflag:s10] =	ssyncset.done @!p0 $0x0  }
0x17a: {  	[sflag:s10] =	ssyncadd.s32 @!p0 $0xFFFFFC00  }
0x17b: {  	_ =	swait.ge @!p0 [sflag:s24], $0x1E850  }
0x17c: {  	[sflag:s24] =	ssyncset.done @!p0 $0x0  }
0x17d: {  	[sflag:s24] =	ssyncadd.s32 @!p0 $0xFFFE17B0  }
0x17e: {  	[bflag:$0x0] =	sbarrier.arrive $0xFFFF  }
0x17f: {  	[tilespmem:s6], [sflag:$0x3] =	stream.indirect.gather [spmem:s1], $0x1, s2, s3, $0xb8;
	[tilespmem:$0x1C628] =	vst v63  }
0x180: {  	_ =	swait.ge [sflag:s7], $0x400  }
0x181: {  	[sflag:s7] =	ssyncset.done $0x0  }
0x182: {  	[sflag:s7] =	ssyncadd.s32 $0xFFFFFC00  }
0x183: {  	[bflag:$0x0] =	sbarrier.arrive $0xFFFF  }
0x184: {  	s30 =	sld [smem:$0x7C0];
	_ =	sdelay $0x2  }
0x185: {  	[hbm4b:s30+s5] =	stream.strided.scatter [tilespmem:s6], [sflag:$0x4], $0x400, s3, s5, $0x38;
	[tilespmem:$0x1C628] =	vst v63  }
0x186: {  	_ =	swait.ge @p0 [sflag:s23], $0x400  }
0x187: {  	s30 =	sld [smem:$0x7C1]  }
0x188: {  	[sflag:s23] =	ssyncset.done @p0 $0x0  }
0x189: {  	[sflag:s23] =	ssyncadd.s32 @p0 $0xFFFFFC00  }
0x18a: {  	[spmem:s18@s26], [sflag:s25] =	dma.strided @!p0 [hbm:s30@s4], $0x1E850, s20, $0x10   }
0x18b: {  	_ =	swait.ge @!p0 [sflag:s10], $0x400  }
0x18c: {  	[sflag:s10] =	ssyncset.done @!p0 $0x0  }
0x18d: {  	[sflag:s10] =	ssyncadd.s32 @!p0 $0xFFFFFC00  }
0x18e: {  	_ =	swait.ge @!p0 [sflag:s24], $0x1E850  }
0x18f: {  	[sflag:s24] =	ssyncset.done @!p0 $0x0  }
0x190: {  	[sflag:s24] =	ssyncadd.s32 @!p0 $0xFFFE17B0  }
0x191: {  	[bflag:$0x0] =	sbarrier.arrive $0xFFFF  }
0x192: {  	[tilespmem:s8], [sflag:$0x3] =	stream.indirect.gather [spmem:s1], $0x1, s2, s3, $0xb8;
	[tilespmem:$0x1C628] =	vst v63  }
0x193: {  	_ =	swait.ge [sflag:s7], $0x400  }
0x194: {  	[sflag:s7] =	ssyncset.done $0x0  }
0x195: {  	[sflag:s7] =	ssyncadd.s32 $0xFFFFFC00  }
0x196: {  	[bflag:$0x0] =	sbarrier.arrive $0xFFFF  }
0x197: {  	s30 =	sld [smem:$0x7C2];
	_ =	sdelay $0x2  }
0x198: {  	[hbm4b:s30+s5] =	stream.strided.scatter [tilespmem:s8], [sflag:$0x4], $0x400, s3, s5, $0x38;
	[tilespmem:$0x1C628] =	vst v63  }
0x199: {  	_ =	swait.ge @p0 [sflag:s23], $0x400  }
0x19a: {  	s30 =	sld [smem:$0x7C3]  }
0x19b: {  	[sflag:s23] =	ssyncset.done @p0 $0x0  }
0x19c: {  	[sflag:s23] =	ssyncadd.s32 @p0 $0xFFFFFC00  }
0x19d: {  	[spmem:s18@s26], [sflag:s25] =	dma.strided @!p0 [hbm:s30@s4], $0x1E850, s20, $0x10   }
0x19e: {  	_ =	swait.ge @!p0 [sflag:s10], $0x400  }
0x19f: {  	[sflag:s10] =	ssyncset.done @!p0 $0x0  }
0x1a0: {  	[sflag:s10] =	ssyncadd.s32 @!p0 $0xFFFFFC00  }
0x1a1: {  	_ =	swait.ge @!p0 [sflag:s24], $0x1E850  }
0x1a2: {  	[sflag:s24] =	ssyncset.done @!p0 $0x0  }
0x1a3: {  	[sflag:s24] =	ssyncadd.s32 @!p0 $0xFFFE17B0  }
0x1a4: {  	[bflag:$0x0] =	sbarrier.arrive $0xFFFF  }
0x1a5: {  	[tilespmem:s6], [sflag:$0x3] =	stream.indirect.gather [spmem:s1], $0x1, s2, s3, $0xb8;
	[tilespmem:$0x1C628] =	vst v63  }
0x1a6: {  	_ =	swait.ge [sflag:s7], $0x400  }
0x1a7: {  	[sflag:s7] =	ssyncset.done $0x0  }
0x1a8: {  	[sflag:s7] =	ssyncadd.s32 $0xFFFFFC00  }
0x1a9: {  	[bflag:$0x0] =	sbarrier.arrive $0xFFFF  }
0x1aa: {  	s30 =	sld [smem:$0x7C4];
	_ =	sdelay $0x2  }
0x1ab: {  	[hbm4b:s30+s5] =	stream.strided.scatter [tilespmem:s6], [sflag:$0x4], $0x400, s3, s5, $0x38;
	[tilespmem:$0x1C628] =	vst v63  }
0x1ac: {  	_ =	swait.ge @p0 [sflag:s23], $0x400  }
0x1ad: {  	s30 =	sld [smem:$0x7C5]  }
0x1ae: {  	[sflag:s23] =	ssyncset.done @p0 $0x0  }
0x1af: {  	[sflag:s23] =	ssyncadd.s32 @p0 $0xFFFFFC00  }
0x1b0: {  	[spmem:s18@s26], [sflag:s25] =	dma.strided @!p0 [hbm:s30@s4], $0x1E850, s20, $0x10   }
0x1b1: {  	_ =	swait.ge @!p0 [sflag:s10], $0x400  }
0x1b2: {  	[sflag:s10] =	ssyncset.done @!p0 $0x0  }
0x1b3: {  	[sflag:s10] =	ssyncadd.s32 @!p0 $0xFFFFFC00  }
0x1b4: {  	_ =	swait.ge @!p0 [sflag:s24], $0x1E850  }
0x1b5: {  	[sflag:s24] =	ssyncset.done @!p0 $0x0  }
0x1b6: {  	[sflag:s24] =	ssyncadd.s32 @!p0 $0xFFFE17B0  }
0x1b7: {  	[bflag:$0x0] =	sbarrier.arrive $0xFFFF  }
0x1b8: {  	[tilespmem:s8], [sflag:$0x3] =	stream.indirect.gather [spmem:s1], $0x1, s2, s3, $0xb8;
	[tilespmem:$0x1C628] =	vst v63  }
0x1b9: {  	_ =	swait.ge [sflag:s7], $0x400  }
0x1ba: {  	[sflag:s7] =	ssyncset.done $0x0  }
0x1bb: {  	[sflag:s7] =	ssyncadd.s32 $0xFFFFFC00  }
0x1bc: {  	[bflag:$0x0] =	sbarrier.arrive $0xFFFF  }
0x1bd: {  	s30 =	sld [smem:$0x7C6];
	_ =	sdelay $0x2  }
0x1be: {  	[hbm4b:s30+s5] =	stream.strided.scatter [tilespmem:s8], [sflag:$0x4], $0x400, s3, s5, $0x38;
	[tilespmem:$0x1C628] =	vst v63  }
0x1bf: {  	_ =	swait.ge @p0 [sflag:s23], $0x400  }
0x1c0: {  	s30 =	sld [smem:$0x7C7]  }
0x1c1: {  	[sflag:s23] =	ssyncset.done @p0 $0x0  }
0x1c2: {  	[sflag:s23] =	ssyncadd.s32 @p0 $0xFFFFFC00  }
0x1c3: {  	[spmem:s18@s26], [sflag:s25] =	dma.strided @!p0 [hbm:s30@s4], $0x1E850, s20, $0x10   }
0x1c4: {  	_ =	swait.ge @!p0 [sflag:s10], $0x400  }
0x1c5: {  	[sflag:s10] =	ssyncset.done @!p0 $0x0  }
0x1c6: {  	[sflag:s10] =	ssyncadd.s32 @!p0 $0xFFFFFC00  }
0x1c7: {  	_ =	swait.ge @!p0 [sflag:s24], $0x1E850  }
0x1c8: {  	[sflag:s24] =	ssyncset.done @!p0 $0x0  }
0x1c9: {  	[sflag:s24] =	ssyncadd.s32 @!p0 $0xFFFE17B0  }
0x1ca: {  	[bflag:$0x0] =	sbarrier.arrive $0xFFFF  }
0x1cb: {  	[tilespmem:s6], [sflag:$0x3] =	stream.indirect.gather [spmem:s1], $0x1, s2, s3, $0xb8;
	[tilespmem:$0x1C628] =	vst v63  }
0x1cc: {  	_ =	swait.ge [sflag:s7], $0x400  }
0x1cd: {  	[sflag:s7] =	ssyncset.done $0x0  }
0x1ce: {  	[sflag:s7] =	ssyncadd.s32 $0xFFFFFC00  }
0x1cf: {  	[bflag:$0x0] =	sbarrier.arrive $0xFFFF  }
0x1d0: {  	s30 =	sld [smem:$0x7C8];
	_ =	sdelay $0x2  }
0x1d1: {  	[hbm4b:s30+s5] =	stream.strided.scatter [tilespmem:s6], [sflag:$0x4], $0x400, s3, s5, $0x38;
	[tilespmem:$0x1C628] =	vst v63  }
0x1d2: {  	_ =	swait.ge @p0 [sflag:s23], $0x400  }
0x1d3: {  	s30 =	sld [smem:$0x7C9]  }
0x1d4: {  	[sflag:s23] =	ssyncset.done @p0 $0x0  }
0x1d5: {  	[sflag:s23] =	ssyncadd.s32 @p0 $0xFFFFFC00  }
0x1d6: {  	[spmem:s18@s26], [sflag:s25] =	dma.strided @!p0 [hbm:s30@s4], $0x1E850, s20, $0x10   }
0x1d7: {  	_ =	swait.ge @!p0 [sflag:s10], $0x400  }
0x1d8: {  	[sflag:s10] =	ssyncset.done @!p0 $0x0  }
0x1d9: {  	[sflag:s10] =	ssyncadd.s32 @!p0 $0xFFFFFC00  }
0x1da: {  	_ =	swait.ge @!p0 [sflag:s24], $0x1E850  }
0x1db: {  	[sflag:s24] =	ssyncset.done @!p0 $0x0  }
0x1dc: {  	[sflag:s24] =	ssyncadd.s32 @!p0 $0xFFFE17B0  }
0x1dd: {  	[bflag:$0x0] =	sbarrier.arrive $0xFFFF  }
0x1de: {  	[tilespmem:s8], [sflag:$0x3] =	stream.indirect.gather [spmem:s1], $0x1, s2, s3, $0xb8;
	[tilespmem:$0x1C628] =	vst v63  }
0x1df: {  	_ =	swait.ge [sflag:s7], $0x400  }
0x1e0: {  	[sflag:s7] =	ssyncset.done $0x0  }
0x1e1: {  	[sflag:s7] =	ssyncadd.s32 $0xFFFFFC00  }
0x1e2: {  	[bflag:$0x0] =	sbarrier.arrive $0xFFFF  }
0x1e3: {  	s30 =	sld [smem:$0x7CA];
	_ =	sdelay $0x2  }
0x1e4: {  	[hbm4b:s30+s5] =	stream.strided.scatter [tilespmem:s8], [sflag:$0x4], $0x400, s3, s5, $0x38;
	[tilespmem:$0x1C628] =	vst v63  }
0x1e5: {  	_ =	swait.ge @p0 [sflag:s23], $0x400  }
0x1e6: {  	s30 =	sld [smem:$0x7CB]  }
0x1e7: {  	[sflag:s23] =	ssyncset.done @p0 $0x0  }
0x1e8: {  	[sflag:s23] =	ssyncadd.s32 @p0 $0xFFFFFC00  }
0x1e9: {  	[spmem:s18@s26], [sflag:s25] =	dma.strided @!p0 [hbm:s30@s4], $0x1E850, s20, $0x10   }
0x1ea: {  	_ =	swait.ge @!p0 [sflag:s10], $0x400  }
0x1eb: {  	[sflag:s10] =	ssyncset.done @!p0 $0x0  }
0x1ec: {  	[sflag:s10] =	ssyncadd.s32 @!p0 $0xFFFFFC00  }
0x1ed: {  	_ =	swait.ge @!p0 [sflag:s24], $0x1E850  }
0x1ee: {  	[sflag:s24] =	ssyncset.done @!p0 $0x0  }
0x1ef: {  	[sflag:s24] =	ssyncadd.s32 @!p0 $0xFFFE17B0  }
0x1f0: {  	[bflag:$0x0] =	sbarrier.arrive $0xFFFF  }
0x1f1: {  	[tilespmem:s6], [sflag:$0x3] =	stream.indirect.gather [spmem:s1], $0x1, s2, s3, $0xb8;
	[tilespmem:$0x1C628] =	vst v63  }
0x1f2: {  	_ =	swait.ge [sflag:s7], $0x400  }
0x1f3: {  	[sflag:s7] =	ssyncset.done $0x0  }
0x1f4: {  	[sflag:s7] =	ssyncadd.s32 $0xFFFFFC00  }
0x1f5: {  	[bflag:$0x0] =	sbarrier.arrive $0xFFFF  }
0x1f6: {  	s30 =	sld [smem:$0x7CC];
	_ =	sdelay $0x2  }
0x1f7: {  	[hbm4b:s30+s5] =	stream.strided.scatter [tilespmem:s6], [sflag:$0x4], $0x400, s3, s5, $0x38;
	[tilespmem:$0x1C628] =	vst v63  }
0x1f8: {  	_ =	swait.ge @p0 [sflag:s23], $0x400  }
0x1f9: {  	s30 =	sld [smem:$0x7CD]  }
0x1fa: {  	[sflag:s23] =	ssyncset.done @p0 $0x0  }
0x1fb: {  	[sflag:s23] =	ssyncadd.s32 @p0 $0xFFFFFC00  }
0x1fc: {  	[spmem:s18@s26], [sflag:s25] =	dma.strided @!p0 [hbm:s30@s4], $0x1E850, s20, $0x10   }
0x1fd: {  	_ =	swait.ge @!p0 [sflag:s10], $0x400  }
0x1fe: {  	[sflag:s10] =	ssyncset.done @!p0 $0x0  }
0x1ff: {  	[sflag:s10] =	ssyncadd.s32 @!p0 $0xFFFFFC00  }
0x200: {  	_ =	swait.ge @!p0 [sflag:s24], $0x1E850  }
0x201: {  	[sflag:s24] =	ssyncset.done @!p0 $0x0  }
0x202: {  	[sflag:s24] =	ssyncadd.s32 @!p0 $0xFFFE17B0  }
0x203: {  	[bflag:$0x0] =	sbarrier.arrive $0xFFFF  }
0x204: {  	[tilespmem:s8], [sflag:$0x3] =	stream.indirect.gather [spmem:s1], $0x1, s2, s3, $0xb8;
	[tilespmem:$0x1C628] =	vst v63  }
0x205: {  	_ =	swait.ge [sflag:s7], $0x400  }
0x206: {  	[sflag:s7] =	ssyncset.done $0x0  }
0x207: {  	[sflag:s7] =	ssyncadd.s32 $0xFFFFFC00  }
0x208: {  	[bflag:$0x0] =	sbarrier.arrive $0xFFFF  }
0x209: {  	s30 =	sld [smem:$0x7CE];
	_ =	sdelay $0x2  }
0x20a: {  	[hbm4b:s30+s5] =	stream.strided.scatter [tilespmem:s8], [sflag:$0x4], $0x400, s3, s5, $0x38;
	[tilespmem:$0x1C628] =	vst v63  }
0x20b: {  	_ =	swait.ge @p0 [sflag:s23], $0x400  }
0x20c: {  	s30 =	sld [smem:$0x7CF]  }
0x20d: {  	[sflag:s23] =	ssyncset.done @p0 $0x0  }
0x20e: {  	[sflag:s23] =	ssyncadd.s32 @p0 $0xFFFFFC00  }
0x20f: {  	[spmem:s18@s26], [sflag:s25] =	dma.strided @!p0 [hbm:s30@s4], $0x1E850, s20, $0x10   }
0x210: {  	_ =	swait.ge @!p0 [sflag:s10], $0x400  }
0x211: {  	[sflag:s10] =	ssyncset.done @!p0 $0x0  }
0x212: {  	[sflag:s10] =	ssyncadd.s32 @!p0 $0xFFFFFC00  }
0x213: {  	_ =	swait.ge @!p0 [sflag:s24], $0x1E850  }
0x214: {  	[sflag:s24] =	ssyncset.done @!p0 $0x0  }
0x215: {  	[sflag:s24] =	ssyncadd.s32 @!p0 $0xFFFE17B0  }
0x216: {  	[bflag:$0x0] =	sbarrier.arrive $0xFFFF  }
0x217: {  	[tilespmem:s6], [sflag:$0x3] =	stream.indirect.gather [spmem:s1], $0x1, s2, s3, $0xb8;
	[tilespmem:$0x1C628] =	vst v63  }
0x218: {  	_ =	swait.ge [sflag:s7], $0x400  }
0x219: {  	[sflag:s7] =	ssyncset.done $0x0  }
0x21a: {  	[sflag:s7] =	ssyncadd.s32 $0xFFFFFC00  }
0x21b: {  	[bflag:$0x0] =	sbarrier.arrive $0xFFFF  }
0x21c: {  	s30 =	sld [smem:$0x7D0];
	_ =	sdelay $0x2  }
0x21d: {  	[hbm4b:s30+s5] =	stream.strided.scatter [tilespmem:s6], [sflag:$0x4], $0x400, s3, s5, $0x38;
	[tilespmem:$0x1C628] =	vst v63  }
0x21e: {  	_ =	swait.ge @p0 [sflag:s23], $0x400  }
0x21f: {  	s30 =	sld [smem:$0x7D1]  }
0x220: {  	[sflag:s23] =	ssyncset.done @p0 $0x0  }
0x221: {  	[sflag:s23] =	ssyncadd.s32 @p0 $0xFFFFFC00  }
0x222: {  	[spmem:s18@s26], [sflag:s25] =	dma.strided @!p0 [hbm:s30@s4], $0x1E850, s20, $0x10   }
0x223: {  	_ =	swait.ge @!p0 [sflag:s10], $0x400  }
0x224: {  	[sflag:s10] =	ssyncset.done @!p0 $0x0  }
0x225: {  	[sflag:s10] =	ssyncadd.s32 @!p0 $0xFFFFFC00  }
0x226: {  	_ =	swait.ge @!p0 [sflag:s24], $0x1E850  }
0x227: {  	[sflag:s24] =	ssyncset.done @!p0 $0x0  }
0x228: {  	[sflag:s24] =	ssyncadd.s32 @!p0 $0xFFFE17B0  }
0x229: {  	[bflag:$0x0] =	sbarrier.arrive $0xFFFF  }
0x22a: {  	[tilespmem:s8], [sflag:$0x3] =	stream.indirect.gather [spmem:s1], $0x1, s2, s3, $0xb8;
	[tilespmem:$0x1C628] =	vst v63  }
0x22b: {  	_ =	swait.ge [sflag:s7], $0x400  }
0x22c: {  	[sflag:s7] =	ssyncset.done $0x0  }
0x22d: {  	[sflag:s7] =	ssyncadd.s32 $0xFFFFFC00  }
0x22e: {  	[bflag:$0x0] =	sbarrier.arrive $0xFFFF  }
0x22f: {  	s30 =	sld [smem:$0x7D2];
	_ =	sdelay $0x2  }
0x230: {  	[hbm4b:s30+s5] =	stream.strided.scatter [tilespmem:s8], [sflag:$0x4], $0x400, s3, s5, $0x38;
	[tilespmem:$0x1C628] =	vst v63  }
0x231: {  	_ =	swait.ge @p0 [sflag:s23], $0x400  }
0x232: {  	s30 =	sld [smem:$0x7D3]  }
0x233: {  	[sflag:s23] =	ssyncset.done @p0 $0x0  }
0x234: {  	[sflag:s23] =	ssyncadd.s32 @p0 $0xFFFFFC00  }
0x235: {  	[spmem:s18@s26], [sflag:s25] =	dma.strided @!p0 [hbm:s30@s4], $0x1E850, s20, $0x10   }
0x236: {  	_ =	swait.ge @!p0 [sflag:s10], $0x400  }
0x237: {  	[sflag:s10] =	ssyncset.done @!p0 $0x0  }
0x238: {  	[sflag:s10] =	ssyncadd.s32 @!p0 $0xFFFFFC00  }
0x239: {  	_ =	swait.ge @!p0 [sflag:s24], $0x1E850  }
0x23a: {  	[sflag:s24] =	ssyncset.done @!p0 $0x0  }
0x23b: {  	[sflag:s24] =	ssyncadd.s32 @!p0 $0xFFFE17B0  }
0x23c: {  	[bflag:$0x0] =	sbarrier.arrive $0xFFFF  }
0x23d: {  	[tilespmem:s6], [sflag:$0x3] =	stream.indirect.gather [spmem:s1], $0x1, s2, s3, $0xb8;
	[tilespmem:$0x1C628] =	vst v63  }
0x23e: {  	_ =	swait.ge [sflag:s7], $0x400  }
0x23f: {  	[sflag:s7] =	ssyncset.done $0x0  }
0x240: {  	[sflag:s7] =	ssyncadd.s32 $0xFFFFFC00  }
0x241: {  	[bflag:$0x0] =	sbarrier.arrive $0xFFFF  }
0x242: {  	s30 =	sld [smem:$0x7D4];
	_ =	sdelay $0x2  }
0x243: {  	[hbm4b:s30+s5] =	stream.strided.scatter [tilespmem:s6], [sflag:$0x4], $0x400, s3, s5, $0x38;
	[tilespmem:$0x1C628] =	vst v63  }
0x244: {  	_ =	swait.ge @p0 [sflag:s23], $0x400  }
0x245: {  	s30 =	sld [smem:$0x7D5]  }
0x246: {  	[sflag:s23] =	ssyncset.done @p0 $0x0  }
0x247: {  	[sflag:s23] =	ssyncadd.s32 @p0 $0xFFFFFC00  }
0x248: {  	[spmem:s18@s26], [sflag:s25] =	dma.strided @!p0 [hbm:s30@s4], $0x1E850, s20, $0x10   }
0x249: {  	_ =	swait.ge @!p0 [sflag:s10], $0x400  }
0x24a: {  	[sflag:s10] =	ssyncset.done @!p0 $0x0  }
0x24b: {  	[sflag:s10] =	ssyncadd.s32 @!p0 $0xFFFFFC00  }
0x24c: {  	_ =	swait.ge @!p0 [sflag:s24], $0x1E850  }
0x24d: {  	[sflag:s24] =	ssyncset.done @!p0 $0x0  }
0x24e: {  	[sflag:s24] =	ssyncadd.s32 @!p0 $0xFFFE17B0  }
0x24f: {  	[bflag:$0x0] =	sbarrier.arrive $0xFFFF  }
0x250: {  	[tilespmem:s8], [sflag:$0x3] =	stream.indirect.gather [spmem:s1], $0x1, s2, s3, $0xb8;
	[tilespmem:$0x1C628] =	vst v63  }
0x251: {  	_ =	swait.ge [sflag:s7], $0x400  }
0x252: {  	[sflag:s7] =	ssyncset.done $0x0  }
0x253: {  	[sflag:s7] =	ssyncadd.s32 $0xFFFFFC00  }
0x254: {  	[bflag:$0x0] =	sbarrier.arrive $0xFFFF  }
0x255: {  	s30 =	sld [smem:$0x7D6];
	_ =	sdelay $0x2  }
0x256: {  	[hbm4b:s30+s5] =	stream.strided.scatter [tilespmem:s8], [sflag:$0x4], $0x400, s3, s5, $0x38;
	[tilespmem:$0x1C628] =	vst v63  }
0x257: {  	_ =	swait.ge @p0 [sflag:s23], $0x400  }
0x258: {  	s30 =	sld [smem:$0x7D7]  }
0x259: {  	[sflag:s23] =	ssyncset.done @p0 $0x0  }
0x25a: {  	[sflag:s23] =	ssyncadd.s32 @p0 $0xFFFFFC00  }
0x25b: {  	[spmem:s18@s26], [sflag:s25] =	dma.strided @!p0 [hbm:s30@s4], $0x1E850, s20, $0x10   }
0x25c: {  	_ =	swait.ge @!p0 [sflag:s10], $0x400  }
0x25d: {  	[sflag:s10] =	ssyncset.done @!p0 $0x0  }
0x25e: {  	[sflag:s10] =	ssyncadd.s32 @!p0 $0xFFFFFC00  }
0x25f: {  	_ =	swait.ge @!p0 [sflag:s24], $0x1E850  }
0x260: {  	[sflag:s24] =	ssyncset.done @!p0 $0x0  }
0x261: {  	[sflag:s24] =	ssyncadd.s32 @!p0 $0xFFFE17B0  }
0x262: {  	[bflag:$0x0] =	sbarrier.arrive $0xFFFF  }
0x263: {  	[tilespmem:s6], [sflag:$0x3] =	stream.indirect.gather [spmem:s1], $0x1, s2, s3, $0xb8;
	[tilespmem:$0x1C628] =	vst v63  }
0x264: {  	_ =	swait.ge [sflag:s7], $0x400  }
0x265: {  	[sflag:s7] =	ssyncset.done $0x0  }
0x266: {  	[sflag:s7] =	ssyncadd.s32 $0xFFFFFC00  }
0x267: {  	[bflag:$0x0] =	sbarrier.arrive $0xFFFF  }
0x268: {  	s30 =	sld [smem:$0x7D8];
	_ =	sdelay $0x2  }
0x269: {  	[hbm4b:s30+s5] =	stream.strided.scatter [tilespmem:s6], [sflag:$0x4], $0x400, s3, s5, $0x38;
	[tilespmem:$0x1C628] =	vst v63  }
0x26a: {  	_ =	swait.ge @p0 [sflag:s23], $0x400  }
0x26b: {  	s30 =	sld [smem:$0x7D9]  }
0x26c: {  	[sflag:s23] =	ssyncset.done @p0 $0x0  }
0x26d: {  	[sflag:s23] =	ssyncadd.s32 @p0 $0xFFFFFC00  }
0x26e: {  	[spmem:s18@s26], [sflag:s25] =	dma.strided @!p0 [hbm:s30@s4], $0x1E850, s20, $0x10   }
0x26f: {  	_ =	swait.ge @!p0 [sflag:s10], $0x400  }
0x270: {  	[sflag:s10] =	ssyncset.done @!p0 $0x0  }
0x271: {  	[sflag:s10] =	ssyncadd.s32 @!p0 $0xFFFFFC00  }
0x272: {  	_ =	swait.ge @!p0 [sflag:s24], $0x1E850  }
0x273: {  	[sflag:s24] =	ssyncset.done @!p0 $0x0  }
0x274: {  	[sflag:s24] =	ssyncadd.s32 @!p0 $0xFFFE17B0  }
0x275: {  	[bflag:$0x0] =	sbarrier.arrive $0xFFFF  }
0x276: {  	[tilespmem:s8], [sflag:$0x3] =	stream.indirect.gather [spmem:s1], $0x1, s2, s3, $0xb8;
	[tilespmem:$0x1C628] =	vst v63  }
0x277: {  	_ =	swait.ge [sflag:s7], $0x400  }
0x278: {  	[sflag:s7] =	ssyncset.done $0x0  }
0x279: {  	[sflag:s7] =	ssyncadd.s32 $0xFFFFFC00  }
0x27a: {  	[bflag:$0x0] =	sbarrier.arrive $0xFFFF  }
0x27b: {  	s30 =	sld [smem:$0x7DA];
	_ =	sdelay $0x2  }
0x27c: {  	[hbm4b:s30+s5] =	stream.strided.scatter [tilespmem:s8], [sflag:$0x4], $0x400, s3, s5, $0x38;
	[tilespmem:$0x1C628] =	vst v63  }
0x27d: {  	_ =	swait.ge @p0 [sflag:s23], $0x400  }
0x27e: {  	s30 =	sld [smem:$0x7DB]  }
0x27f: {  	[sflag:s23] =	ssyncset.done @p0 $0x0  }
0x280: {  	[sflag:s23] =	ssyncadd.s32 @p0 $0xFFFFFC00  }
0x281: {  	[spmem:s18@s26], [sflag:s25] =	dma.strided @!p0 [hbm:s30@s4], $0x1E850, s20, $0x10   }
0x282: {  	_ =	swait.ge @!p0 [sflag:s10], $0x400  }
0x283: {  	[sflag:s10] =	ssyncset.done @!p0 $0x0  }
0x284: {  	[sflag:s10] =	ssyncadd.s32 @!p0 $0xFFFFFC00  }
0x285: {  	_ =	swait.ge @!p0 [sflag:s24], $0x1E850  }
0x286: {  	[sflag:s24] =	ssyncset.done @!p0 $0x0  }
0x287: {  	[sflag:s24] =	ssyncadd.s32 @!p0 $0xFFFE17B0  }
0x288: {  	[bflag:$0x0] =	sbarrier.arrive $0xFFFF  }
0x289: {  	[tilespmem:s6], [sflag:$0x3] =	stream.indirect.gather [spmem:s1], $0x1, s2, s3, $0xb8;
	[tilespmem:$0x1C628] =	vst v63  }
0x28a: {  	_ =	swait.ge [sflag:s7], $0x400  }
0x28b: {  	[sflag:s7] =	ssyncset.done $0x0  }
0x28c: {  	[sflag:s7] =	ssyncadd.s32 $0xFFFFFC00  }
0x28d: {  	[bflag:$0x0] =	sbarrier.arrive $0xFFFF  }
0x28e: {  	s30 =	sld [smem:$0x7DC];
	_ =	sdelay $0x2  }
0x28f: {  	[hbm4b:s30+s5] =	stream.strided.scatter [tilespmem:s6], [sflag:$0x4], $0x400, s3, s5, $0x38;
	[tilespmem:$0x1C628] =	vst v63  }
0x290: {  	_ =	swait.ge @p0 [sflag:s23], $0x400  }
0x291: {  	s30 =	sld [smem:$0x7DD]  }
0x292: {  	[sflag:s23] =	ssyncset.done @p0 $0x0  }
0x293: {  	[sflag:s23] =	ssyncadd.s32 @p0 $0xFFFFFC00  }
0x294: {  	[spmem:s18@s26], [sflag:s25] =	dma.strided @!p0 [hbm:s30@s4], $0x1E850, s20, $0x10   }
0x295: {  	_ =	swait.ge @!p0 [sflag:s10], $0x400  }
0x296: {  	[sflag:s10] =	ssyncset.done @!p0 $0x0  }
0x297: {  	[sflag:s10] =	ssyncadd.s32 @!p0 $0xFFFFFC00  }
0x298: {  	_ =	swait.ge @!p0 [sflag:s24], $0x1E850  }
0x299: {  	[sflag:s24] =	ssyncset.done @!p0 $0x0  }
0x29a: {  	[sflag:s24] =	ssyncadd.s32 @!p0 $0xFFFE17B0  }
0x29b: {  	[bflag:$0x0] =	sbarrier.arrive $0xFFFF  }
0x29c: {  	[tilespmem:s8], [sflag:$0x3] =	stream.indirect.gather [spmem:s1], $0x1, s2, s3, $0xb8;
	[tilespmem:$0x1C628] =	vst v63  }
0x29d: {  	_ =	swait.ge [sflag:s7], $0x400  }
0x29e: {  	[sflag:s7] =	ssyncset.done $0x0  }
0x29f: {  	[sflag:s7] =	ssyncadd.s32 $0xFFFFFC00  }
0x2a0: {  	[bflag:$0x0] =	sbarrier.arrive $0xFFFF  }
0x2a1: {  	s30 =	sld [smem:$0x7DE];
	_ =	sdelay $0x2  }
0x2a2: {  	[hbm4b:s30+s5] =	stream.strided.scatter [tilespmem:s8], [sflag:$0x4], $0x400, s3, s5, $0x38;
	[tilespmem:$0x1C628] =	vst v63  }
0x2a3: {  	_ =	swait.ge @p0 [sflag:s23], $0x400  }
0x2a4: {  	s30 =	sld [smem:$0x7DF]  }
0x2a5: {  	[sflag:s23] =	ssyncset.done @p0 $0x0  }
0x2a6: {  	[sflag:s23] =	ssyncadd.s32 @p0 $0xFFFFFC00  }
0x2a7: {  	[spmem:s18@s26], [sflag:s25] =	dma.strided @!p0 [hbm:s30@s4], $0x1E850, s20, $0x10   }
0x2a8: {  	_ =	swait.ge @!p0 [sflag:s10], $0x400  }
0x2a9: {  	[sflag:s10] =	ssyncset.done @!p0 $0x0  }
0x2aa: {  	[sflag:s10] =	ssyncadd.s32 @!p0 $0xFFFFFC00  }
0x2ab: {  	_ =	swait.ge @!p0 [sflag:s24], $0x1E850  }
0x2ac: {  	[sflag:s24] =	ssyncset.done @!p0 $0x0  }
0x2ad: {  	[sflag:s24] =	ssyncadd.s32 @!p0 $0xFFFE17B0  }
0x2ae: {  	[bflag:$0x0] =	sbarrier.arrive $0xFFFF  }
0x2af: {  	[tilespmem:s6], [sflag:$0x3] =	stream.indirect.gather [spmem:s1], $0x1, s2, s3, $0xb8;
	[tilespmem:$0x1C628] =	vst v63  }
0x2b0: {  	_ =	swait.ge [sflag:s7], $0x400  }
0x2b1: {  	[sflag:s7] =	ssyncset.done $0x0  }
0x2b2: {  	[sflag:s7] =	ssyncadd.s32 $0xFFFFFC00  }
0x2b3: {  	[bflag:$0x0] =	sbarrier.arrive $0xFFFF  }
0x2b4: {  	s30 =	sld [smem:$0x7E0];
	_ =	sdelay $0x2  }
0x2b5: {  	[hbm4b:s30+s5] =	stream.strided.scatter [tilespmem:s6], [sflag:$0x4], $0x400, s3, s5, $0x38;
	[tilespmem:$0x1C628] =	vst v63  }
0x2b6: {  	_ =	swait.ge @p0 [sflag:s23], $0x400  }
0x2b7: {  	s30 =	sld [smem:$0x7E1]  }
0x2b8: {  	[sflag:s23] =	ssyncset.done @p0 $0x0  }
0x2b9: {  	[sflag:s23] =	ssyncadd.s32 @p0 $0xFFFFFC00  }
0x2ba: {  	[spmem:s18@s26], [sflag:s25] =	dma.strided @!p0 [hbm:s30@s4], $0x1E850, s20, $0x10   }
0x2bb: {  	_ =	swait.ge @!p0 [sflag:s10], $0x400  }
0x2bc: {  	[sflag:s10] =	ssyncset.done @!p0 $0x0  }
0x2bd: {  	[sflag:s10] =	ssyncadd.s32 @!p0 $0xFFFFFC00  }
0x2be: {  	_ =	swait.ge @!p0 [sflag:s24], $0x1E850  }
0x2bf: {  	[sflag:s24] =	ssyncset.done @!p0 $0x0  }
0x2c0: {  	[sflag:s24] =	ssyncadd.s32 @!p0 $0xFFFE17B0  }
0x2c1: {  	[bflag:$0x0] =	sbarrier.arrive $0xFFFF  }
0x2c2: {  	[tilespmem:s8], [sflag:$0x3] =	stream.indirect.gather [spmem:s1], $0x1, s2, s3, $0xb8;
	[tilespmem:$0x1C628] =	vst v63  }
0x2c3: {  	_ =	swait.ge [sflag:s7], $0x400  }
0x2c4: {  	[sflag:s7] =	ssyncset.done $0x0  }
0x2c5: {  	[sflag:s7] =	ssyncadd.s32 $0xFFFFFC00  }
0x2c6: {  	[bflag:$0x0] =	sbarrier.arrive $0xFFFF  }
0x2c7: {  	s30 =	sld [smem:$0x7E2];
	_ =	sdelay $0x2  }
0x2c8: {  	[hbm4b:s30+s5] =	stream.strided.scatter [tilespmem:s8], [sflag:$0x4], $0x400, s3, s5, $0x38;
	[tilespmem:$0x1C628] =	vst v63  }
0x2c9: {  	_ =	swait.ge @p0 [sflag:s23], $0x400  }
0x2ca: {  	s30 =	sld [smem:$0x7E3]  }
0x2cb: {  	[sflag:s23] =	ssyncset.done @p0 $0x0  }
0x2cc: {  	[sflag:s23] =	ssyncadd.s32 @p0 $0xFFFFFC00  }
0x2cd: {  	[spmem:s18@s26], [sflag:s25] =	dma.strided @!p0 [hbm:s30@s4], $0x1E850, s20, $0x10   }
0x2ce: {  	_ =	swait.ge @!p0 [sflag:s10], $0x400  }
0x2cf: {  	[sflag:s10] =	ssyncset.done @!p0 $0x0  }
0x2d0: {  	[sflag:s10] =	ssyncadd.s32 @!p0 $0xFFFFFC00  }
0x2d1: {  	_ =	swait.ge @!p0 [sflag:s24], $0x1E850  }
0x2d2: {  	[sflag:s24] =	ssyncset.done @!p0 $0x0  }
0x2d3: {  	[sflag:s24] =	ssyncadd.s32 @!p0 $0xFFFE17B0  }
0x2d4: {  	[bflag:$0x0] =	sbarrier.arrive $0xFFFF  }
0x2d5: {  	[tilespmem:s6], [sflag:$0x3] =	stream.indirect.gather [spmem:s1], $0x1, s2, s3, $0xb8;
	[tilespmem:$0x1C628] =	vst v63  }
0x2d6: {  	_ =	swait.ge [sflag:s7], $0x400  }
0x2d7: {  	[sflag:s7] =	ssyncset.done $0x0  }
0x2d8: {  	[sflag:s7] =	ssyncadd.s32 $0xFFFFFC00  }
0x2d9: {  	[bflag:$0x0] =	sbarrier.arrive $0xFFFF  }
0x2da: {  	s30 =	sld [smem:$0x7E4];
	_ =	sdelay $0x2  }
0x2db: {  	[hbm4b:s30+s5] =	stream.strided.scatter [tilespmem:s6], [sflag:$0x4], $0x400, s3, s5, $0x38;
	[tilespmem:$0x1C628] =	vst v63  }
0x2dc: {  	_ =	swait.ge @p0 [sflag:s23], $0x400  }
0x2dd: {  	s30 =	sld [smem:$0x7E5]  }
0x2de: {  	[sflag:s23] =	ssyncset.done @p0 $0x0  }
0x2df: {  	[sflag:s23] =	ssyncadd.s32 @p0 $0xFFFFFC00  }
0x2e0: {  	[spmem:s18@s26], [sflag:s25] =	dma.strided @!p0 [hbm:s30@s4], $0x1E850, s20, $0x10   }
0x2e1: {  	_ =	swait.ge @!p0 [sflag:s10], $0x400  }
0x2e2: {  	[sflag:s10] =	ssyncset.done @!p0 $0x0  }
0x2e3: {  	[sflag:s10] =	ssyncadd.s32 @!p0 $0xFFFFFC00  }
0x2e4: {  	_ =	swait.ge @!p0 [sflag:s24], $0x1E850  }
0x2e5: {  	[sflag:s24] =	ssyncset.done @!p0 $0x0  }
0x2e6: {  	[sflag:s24] =	ssyncadd.s32 @!p0 $0xFFFE17B0  }
0x2e7: {  	[bflag:$0x0] =	sbarrier.arrive $0xFFFF  }
0x2e8: {  	[tilespmem:s8], [sflag:$0x3] =	stream.indirect.gather [spmem:s1], $0x1, s2, s3, $0xb8;
	[tilespmem:$0x1C628] =	vst v63  }
0x2e9: {  	_ =	swait.ge [sflag:s7], $0x400  }
0x2ea: {  	[sflag:s7] =	ssyncset.done $0x0  }
0x2eb: {  	[sflag:s7] =	ssyncadd.s32 $0xFFFFFC00  }
0x2ec: {  	[bflag:$0x0] =	sbarrier.arrive $0xFFFF  }
0x2ed: {  	s30 =	sld [smem:$0x7E7];
	_ =	sdelay $0x2  }
0x2ee: {  	[hbm4b:s30+s5] =	stream.strided.scatter [tilespmem:s8], [sflag:$0x4], $0x400, s3, s5, $0x38;
	[tilespmem:$0x1C628] =	vst v63  }
0x2ef: {  	_ =	swait.ge @p0 [sflag:s23], $0x400  }
0x2f0: {  	s30 =	sld [smem:$0x7E9]  }
0x2f1: {  	[sflag:s23] =	ssyncset.done @p0 $0x0  }
0x2f2: {  	[sflag:s23] =	ssyncadd.s32 @p0 $0xFFFFFC00  }
0x2f3: {  	[spmem:s18@s26], [sflag:s25] =	dma.strided @!p0 [hbm:s30@s4], $0x1E850, s20, $0x10   }
0x2f4: {  	_ =	swait.ge @!p0 [sflag:s10], $0x400  }
0x2f5: {  	[sflag:s10] =	ssyncset.done @!p0 $0x0  }
0x2f6: {  	[sflag:s10] =	ssyncadd.s32 @!p0 $0xFFFFFC00  }
0x2f7: {  	_ =	swait.ge @!p0 [sflag:s24], $0x1E850  }
0x2f8: {  	[sflag:s24] =	ssyncset.done @!p0 $0x0  }
0x2f9: {  	[sflag:s24] =	ssyncadd.s32 @!p0 $0xFFFE17B0  }
0x2fa: {  	[bflag:$0x0] =	sbarrier.arrive $0xFFFF  }
0x2fb: {  	[tilespmem:s6], [sflag:$0x3] =	stream.indirect.gather [spmem:s1], $0x1, s2, s3, $0xb8;
	[tilespmem:$0x1C628] =	vst v63  }
0x2fc: {  	_ =	swait.ge [sflag:s7], $0x400  }
0x2fd: {  	[sflag:s7] =	ssyncset.done $0x0  }
0x2fe: {  	[sflag:s7] =	ssyncadd.s32 $0xFFFFFC00  }
0x2ff: {  	[bflag:$0x0] =	sbarrier.arrive $0xFFFF  }
0x300: {  	s30 =	sld [smem:$0x7EA];
	_ =	sdelay $0x2  }
0x301: {  	[hbm4b:s30+s5] =	stream.strided.scatter [tilespmem:s6], [sflag:$0x4], $0x400, s3, s5, $0x38;
	[tilespmem:$0x1C628] =	vst v63  }
0x302: {  	_ =	swait.ge @p0 [sflag:s23], $0x400  }
0x303: {  	s30 =	sld [smem:$0x7EB]  }
0x304: {  	[sflag:s23] =	ssyncset.done @p0 $0x0  }
0x305: {  	[sflag:s23] =	ssyncadd.s32 @p0 $0xFFFFFC00  }
0x306: {  	[spmem:s18@s26], [sflag:s25] =	dma.strided @!p0 [hbm:s30@s4], $0x1E850, s20, $0x10   }
0x307: {  	_ =	swait.ge @!p0 [sflag:s10], $0x400  }
0x308: {  	[sflag:s10] =	ssyncset.done @!p0 $0x0  }
0x309: {  	[sflag:s10] =	ssyncadd.s32 @!p0 $0xFFFFFC00  }
0x30a: {  	_ =	swait.ge @!p0 [sflag:s24], $0x1E850  }
0x30b: {  	[sflag:s24] =	ssyncset.done @!p0 $0x0  }
0x30c: {  	[sflag:s24] =	ssyncadd.s32 @!p0 $0xFFFE17B0  }
0x30d: {  	[bflag:$0x0] =	sbarrier.arrive $0xFFFF  }
0x30e: {  	[tilespmem:s8], [sflag:$0x3] =	stream.indirect.gather [spmem:s1], $0x1, s2, s3, $0xb8;
	[tilespmem:$0x1C628] =	vst v63  }
0x30f: {  	_ =	swait.ge [sflag:s7], $0x400  }
0x310: {  	[sflag:s7] =	ssyncset.done $0x0  }
0x311: {  	[sflag:s7] =	ssyncadd.s32 $0xFFFFFC00  }
0x312: {  	[bflag:$0x0] =	sbarrier.arrive $0xFFFF  }
0x313: {  	s30 =	sld [smem:$0x7EC];
	_ =	sdelay $0x2  }
0x314: {  	[hbm4b:s30+s5] =	stream.strided.scatter [tilespmem:s8], [sflag:$0x4], $0x400, s3, s5, $0x38;
	[tilespmem:$0x1C628] =	vst v63  }
0x315: {  	_ =	swait.ge @p0 [sflag:s23], $0x400  }
0x316: {  	s30 =	sld [smem:$0x7ED]  }
0x317: {  	[sflag:s23] =	ssyncset.done @p0 $0x0  }
0x318: {  	[sflag:s23] =	ssyncadd.s32 @p0 $0xFFFFFC00  }
0x319: {  	[spmem:s18@s26], [sflag:s25] =	dma.strided @!p0 [hbm:s30@s4], $0x1E850, s20, $0x10   }
0x31a: {  	_ =	swait.ge @!p0 [sflag:s10], $0x400  }
0x31b: {  	[sflag:s10] =	ssyncset.done @!p0 $0x0  }
0x31c: {  	[sflag:s10] =	ssyncadd.s32 @!p0 $0xFFFFFC00  }
0x31d: {  	_ =	swait.ge @!p0 [sflag:s24], $0x1E850  }
0x31e: {  	[sflag:s24] =	ssyncset.done @!p0 $0x0  }
0x31f: {  	[sflag:s24] =	ssyncadd.s32 @!p0 $0xFFFE17B0  }
0x320: {  	[bflag:$0x0] =	sbarrier.arrive $0xFFFF  }
0x321: {  	[tilespmem:s6], [sflag:$0x3] =	stream.indirect.gather [spmem:s1], $0x1, s2, s3, $0xb8;
	[tilespmem:$0x1C628] =	vst v63  }
0x322: {  	_ =	swait.ge [sflag:s7], $0x400  }
0x323: {  	[sflag:s7] =	ssyncset.done $0x0  }
0x324: {  	[sflag:s7] =	ssyncadd.s32 $0xFFFFFC00  }
0x325: {  	[bflag:$0x0] =	sbarrier.arrive $0xFFFF  }
0x326: {  	s30 =	sld [smem:$0x7EE];
	_ =	sdelay $0x2  }
0x327: {  	[hbm4b:s30+s5] =	stream.strided.scatter [tilespmem:s6], [sflag:$0x4], $0x400, s3, s5, $0x38;
	[tilespmem:$0x1C628] =	vst v63  }
0x328: {  	_ =	swait.ge @p0 [sflag:s23], $0x400  }
0x329: {  	s30 =	sld [smem:$0x7EF]  }
0x32a: {  	[sflag:s23] =	ssyncset.done @p0 $0x0  }
0x32b: {  	[sflag:s23] =	ssyncadd.s32 @p0 $0xFFFFFC00  }
0x32c: {  	[spmem:s18@s26], [sflag:s25] =	dma.strided @!p0 [hbm:s30@s4], $0x1E850, s20, $0x10   }
0x32d: {  	_ =	swait.ge @!p0 [sflag:s10], $0x400  }
0x32e: {  	[sflag:s10] =	ssyncset.done @!p0 $0x0  }
0x32f: {  	[sflag:s10] =	ssyncadd.s32 @!p0 $0xFFFFFC00  }
0x330: {  	_ =	swait.ge @!p0 [sflag:s24], $0x1E850  }
0x331: {  	[sflag:s24] =	ssyncset.done @!p0 $0x0  }
0x332: {  	[sflag:s24] =	ssyncadd.s32 @!p0 $0xFFFE17B0  }
0x333: {  	[bflag:$0x0] =	sbarrier.arrive $0xFFFF  }
0x334: {  	[tilespmem:s8], [sflag:$0x3] =	stream.indirect.gather [spmem:s1], $0x1, s2, s3, $0xb8;
	[tilespmem:$0x1C628] =	vst v63  }
0x335: {  	_ =	swait.ge [sflag:s7], $0x400  }
0x336: {  	[sflag:s7] =	ssyncset.done $0x0  }
0x337: {  	[sflag:s7] =	ssyncadd.s32 $0xFFFFFC00  }
0x338: {  	[bflag:$0x0] =	sbarrier.arrive $0xFFFF  }
0x339: {  	s30 =	sld [smem:$0x7F1];
	_ =	sdelay $0x2  }
0x33a: {  	[hbm4b:s30+s5] =	stream.strided.scatter [tilespmem:s8], [sflag:$0x4], $0x400, s3, s5, $0x38;
	[tilespmem:$0x1C628] =	vst v63  }
0x33b: {  	_ =	swait.ge @p0 [sflag:s23], $0x400  }
0x33c: {  	s30 =	sld [smem:$0x7F3]  }
0x33d: {  	[sflag:s23] =	ssyncset.done @p0 $0x0  }
0x33e: {  	[sflag:s23] =	ssyncadd.s32 @p0 $0xFFFFFC00  }
0x33f: {  	[spmem:s18@s26], [sflag:s25] =	dma.strided @!p0 [hbm:s30@s4], $0x1E850, s20, $0x10   }
0x340: {  	_ =	swait.ge @!p0 [sflag:s10], $0x400  }
0x341: {  	[sflag:s10] =	ssyncset.done @!p0 $0x0  }
0x342: {  	[sflag:s10] =	ssyncadd.s32 @!p0 $0xFFFFFC00  }
0x343: {  	_ =	swait.ge @!p0 [sflag:s24], $0x1E850  }
0x344: {  	[sflag:s24] =	ssyncset.done @!p0 $0x0  }
0x345: {  	[sflag:s24] =	ssyncadd.s32 @!p0 $0xFFFE17B0  }
0x346: {  	[bflag:$0x0] =	sbarrier.arrive $0xFFFF  }
0x347: {  	[tilespmem:s6], [sflag:$0x3] =	stream.indirect.gather [spmem:s1], $0x1, s2, s3, $0xb8;
	[tilespmem:$0x1C628] =	vst v63  }
0x348: {  	_ =	swait.ge [sflag:s7], $0x400  }
0x349: {  	[sflag:s7] =	ssyncset.done $0x0  }
0x34a: {  	[sflag:s7] =	ssyncadd.s32 $0xFFFFFC00  }
0x34b: {  	[bflag:$0x0] =	sbarrier.arrive $0xFFFF  }
0x34c: {  	s30 =	sld [smem:$0x7F4];
	_ =	sdelay $0x2  }
0x34d: {  	[hbm4b:s30+s5] =	stream.strided.scatter [tilespmem:s6], [sflag:$0x4], $0x400, s3, s5, $0x38;
	[tilespmem:$0x1C628] =	vst v63  }
0x34e: {  	_ =	swait.ge [sflag:s15], $0x400  }
0x34f: {  	s31 =	sld [smem:$0x7BE];
	_ =	sdelay $0x2  }
0x350: {  	s0 =	sadd.s32 $0xFFFFFFFF, s31  }
0x351: {  	p2 =	sne.s32 s0, $0x0  }
.Ltmp1:
0x352: {  	_ = 	snop;
	(pc) =	sbr.rel @!p2 .LBB2_7-.Ltmp1, $4  }
0x353: {  	[sflag:s15] =	ssyncset.done $0x0  }
0x354: {  	[sflag:s15] =	ssyncadd.s32 $0xFFFFFC00;
	[smem:$0x7BF] =	sst s0  }
0x355: {  	p1 =	por $0x1, $0x1;
	s11 =	simm.s32 $0x1;
	_ =	swait.ge [sflag:s15], $0x400  }
0x356: {  	s25 =	simm.s32 $0x5;
	s30 =	rddreg [dreg:$0x6];
	[sflag:s15] =	ssyncset.done $0x0  }
0x357: {  	s14 =	simm.s32 $0x400  }
.LBB2_4:
0x358: {  	s0 =	sld [smem:$0x7BF]  }
0x359: {  	[sflag:s15] =	ssyncadd.s32 $0xFFFFFC00  }
0x35a: {  	[tilespmem:s2], [sflag:$0x5] =	stream.linear.gather [hbm4b:s30+s2], $0x400, $0x38;
	[tilespmem:$0x1C628] =	vst v63  }
0x35b: {  	s0 =	sadd.s32 $0xFFFFFFFF, s0  }
0x35c: {  	[smem:$0x7BF] =	sst s0  }
0x35d: {  	_ =	swait.ge [sflag:s25], $0x400  }
0x35e: {  	[sflag:s25] =	ssyncset.done $0x0  }
0x35f: {  	s30 =	rddreg [dreg:$0x7];
	[sflag:s25] =	ssyncadd.s32 $0xFFFFFC00  }
0x360: {  	[tilespmem:s3], [sflag:$0x5] =	stream.linear.gather [hbm4b:s30+s2], $0x200, $0x38;
	[tilespmem:$0x1C628] =	vst v63  }
0x361: {  	_ =	swait.ge [sflag:s25], $0x200  }
0x362: {  	[sflag:s25] =	ssyncset.done $0x0  }
0x363: {  	s13 =	simm.s32 $0x600;
	s30 =	rddreg [dreg:$0x8];
	[sflag:s25] =	ssyncadd.s32 $0xFFFFFE00  }
0x364: {  	[tilespmem:s13], [sflag:$0x5] =	stream.linear.gather [hbm4b:s30+s2], $0x200, $0x38;
	[tilespmem:$0x1C628] =	vst v63  }
0x365: {  	_ =	swait.ge [sflag:s25], $0x200  }
0x366: {  	s30 =	rddreg [dreg:$0x9];
	[sflag:s25] =	ssyncset.done $0x0  }
0x367: {  	s19 =	simm.s32 $0x800;
	[sflag:s25] =	ssyncadd.s32 $0xFFFFFE00  }
0x368: {  	[tilespmem:s19], [sflag:$0x5] =	stream.linear.gather [hbm4b:s30+s2], $0x200, $0x38;
	[tilespmem:$0x1C628] =	vst v63  }
0x369: {  	_ =	swait.ge [sflag:s25], $0x200  }
0x36a: {  	s17 =	sld [smem:$0x7BA]  }
0x36b: {  	s26 =	simm.s32 @!p0 $0x1C02;
	s29 =	simm.s32 @!p0 $0x10;
	[sflag:s25] =	ssyncset.done $0x0  }
0x36c: {  	s20 =	simm.s32 @!p0 $0x1;
	s4 =	simm.s32 @!p0 $0x80;
	[sflag:s25] =	ssyncadd.s32 $0xFFFFFE00  }
0x36d: {  	[spmem:s18@s29], [sflag:s26] =	dma.strided @!p0 [hbm:s17@s4], $0x1E850, s20, $0x10   }
0x36e: {  	s1 =	sld [smem:$0x7E6];
	_ =	sdelay $0x1  }
0x36f: {  	s6 =	simm.s32 $0x1200;
	s12 =	sld [smem:$0x7E8]  }
0x370: {  	[tilespmem:s6], [sflag:$0x1] =	stream.indirect.gather [hbm4b:s1+s5], $0x80, s3, s5, $0xb8;
	[tilespmem:$0x1C628] =	vst v63  }
0x371: {  	s8 =	simm.s32 $0x5200;
	s15 =	sld [smem:$0x7BD]  }
0x372: {  	[tilespmem:s8], [sflag:$0x1] =	stream.indirect.gather [hbm4b:s12+s5], $0x80, s13, s5, $0xb8;
	[tilespmem:$0x1C628] =	vst v63  }
0x373: {  	s1 =	simm.s32 $0x9200  }
0x374: {  	[tilespmem:s1], [sflag:$0x1] =	stream.indirect.gather [hbm4b:s15+s5], $0x80, s19, s5, $0xb8;
	[tilespmem:$0x1C628] =	vst v63  }
0x375: {  	_ =	swait.ge [sflag:s11], $0x4000  }
0x376: {  	[sflag:s11] =	ssyncset.done $0x0  }
0x377: {  	[sflag:s11] =	ssyncadd.s32 $0xFFFFC000  }
0x378: {  	_ =	swait.ge [sflag:s11], $0x4000  }
0x379: {  	[sflag:s11] =	ssyncset.done $0x0  }
0x37a: {  	[sflag:s11] =	ssyncadd.s32 $0xFFFFC000  }
0x37b: {  	_ =	swait.ge [sflag:s11], $0x4000  }
0x37c: {  	[sflag:s11] =	ssyncset.done $0x0  }
0x37d: {  	s30 =	rddreg [dreg:$0xa];
	[sflag:s11] =	ssyncadd.s32 $0xFFFFC000  }
0x37e: {  	[hbm4b:s30+s2] =	stream.linear.scatter [tilespmem:s6], [sflag:$0x5], $0x4000, $0x38;
	[tilespmem:$0x1C628] =	vst v63  }
0x37f: {  	_ =	swait.ge [sflag:s25], $0x4000  }
0x380: {  	[sflag:s25] =	ssyncset.done $0x0  }
0x381: {  	s30 =	rddreg [dreg:$0xb];
	[sflag:s25] =	ssyncadd.s32 $0xFFFFC000  }
0x382: {  	[hbm4b:s30+s2] =	stream.linear.scatter [tilespmem:s8], [sflag:$0x5], $0x4000, $0x38;
	[tilespmem:$0x1C628] =	vst v63  }
0x383: {  	_ =	swait.ge [sflag:s25], $0x4000  }
0x384: {  	[sflag:s25] =	ssyncset.done $0x0  }
0x385: {  	s30 =	rddreg [dreg:$0xc];
	[sflag:s25] =	ssyncadd.s32 $0xFFFFC000  }
0x386: {  	[hbm4b:s30+s2] =	stream.linear.scatter [tilespmem:s1], [sflag:$0x5], $0x4000, $0x38;
	[tilespmem:$0x1C628] =	vst v63  }
0x387: {  	_ =	swait.ge [sflag:s25], $0x4000  }
0x388: {  	[sflag:s25] =	ssyncset.done $0x0  }
0x389: {  	[sflag:s25] =	ssyncadd.s32 $0xFFFFC000  }
0x38a: {  	s21 =	simm.s32 @p0 $0x400;
	s16 =	simm.s32 @p0 $0x3;
	[bflag:$0x0] =	sbarrier.arrive @p0 $0xFFFF  }
0x38b: {  	s17 =	simm.s32 @p0 $0xA00;
	s2 =	simm.s32 @p0 $0x0;
	s3 =	rddreg [dreg:$0x4]  }
0x38c: {  	[tilespmem:s17], [sflag:$0x3] =	stream.indirect.gather @p0 [spmem:s3], $0x1, s2, s21, $0xb8;
	[tilespmem:$0x1C628] =	vst v63  }
0x38d: {  	_ =	swait.ge @p0 [sflag:s16], $0x400  }
0x38e: {  	[sflag:s16] =	ssyncset.done @p0 $0x0  }
0x38f: {  	[sflag:s16] =	ssyncadd.s32 @p0 $0xFFFFFC00  }
0x390: {  	[bflag:$0x0] =	sbarrier.arrive @p0 $0xFFFF  }
0x391: {  	s12 =	sld [smem:$0x7BB];
	_ =	sdelay $0x1  }
0x392: {  	s2 =	simm.s32 @p0 $0x80  }
0x393: {  	[hbm4b:s12+s2] =	stream.strided.scatter @p0 [tilespmem:s17], [sflag:$0x4], $0x400, s21, s2, $0x38;
	[tilespmem:$0x1C628] =	vst v63  }
0x394: {  	_ =	swait.ge @!p0 [sflag:s24], $0x1E850  }
0x395: {  	[sflag:s24] =	ssyncset.done @!p0 $0x0  }
0x396: {  	s22 =	simm.s32 @!p0 $0x3;
	s13 =	simm.s32 @!p0 $0x0;
	[sflag:s24] =	ssyncadd.s32 @!p0 $0xFFFE17B0  }
0x397: {  	s19 =	simm.s32 @!p0 $0xA00;
	s5 =	simm.s32 @!p0 $0x400;
	[bflag:$0x0] =	sbarrier.arrive @!p0 $0xFFFF  }
0x398: {  	[tilespmem:s19], [sflag:$0x3] =	stream.indirect.gather @!p0 [spmem:s3], $0x1, s13, s5, $0xb8;
	[tilespmem:$0x1C628] =	vst v63  }
0x399: {  	_ =	swait.ge @!p0 [sflag:s22], $0x400  }
0x39a: {  	[sflag:s22] =	ssyncset.done @!p0 $0x0  }
0x39b: {  	[sflag:s22] =	ssyncadd.s32 @!p0 $0xFFFFFC00  }
0x39c: {  	[bflag:$0x0] =	sbarrier.arrive @!p0 $0xFFFF  }
0x39d: {  	s30 =	rddreg [dreg:$0xd]  }
0x39e: {  	[hbm4b:s12+s4] =	stream.strided.scatter @!p0 [tilespmem:s19], [sflag:$0x4], $0x400, s5, s4, $0x38;
	[tilespmem:$0x1C628] =	vst v63  }
0x39f: {  	[spmem:s18@s29], [sflag:s26] =	dma.strided @!p0 [hbm:s30@s4], $0x1E850, s20, $0x10   }
0x3a0: {  	s30 =	sld [smem:$0x7F5]  }
0x3a1: {  	s13 =	sld [smem:$0x7E6]  }
0x3a2: {  	s19 =	sld [smem:$0x7F6]  }
0x3a3: {  	s2 =	simm.s32 $0x80;
	s28 =	sld [smem:$0x7E8]  }
0x3a4: {  	[tilespmem:s6], [sflag:$0x1] =	stream.indirect.gather [hbm4b:s13+s2], $0x80, s30, s2, $0xb8;
	[tilespmem:$0x1C628] =	vst v63  }
0x3a5: {  	s30 =	sld [smem:$0x7F7]  }
0x3a6: {  	[tilespmem:s8], [sflag:$0x1] =	stream.indirect.gather [hbm4b:s28+s2], $0x80, s19, s2, $0xb8;
	[tilespmem:$0x1C628] =	vst v63  }
0x3a7: {  	_ = 	snop  }
0x3a8: {  	[tilespmem:s1], [sflag:$0x1] =	stream.indirect.gather [hbm4b:s15+s2], $0x80, s30, s2, $0xb8;
	[tilespmem:$0x1C628] =	vst v63  }
0x3a9: {  	_ =	swait.ge [sflag:s11], $0x4000  }
0x3aa: {  	[sflag:s11] =	ssyncset.done $0x0  }
0x3ab: {  	[sflag:s11] =	ssyncadd.s32 $0xFFFFC000  }
0x3ac: {  	_ =	swait.ge [sflag:s11], $0x4000  }
0x3ad: {  	[sflag:s11] =	ssyncset.done $0x0  }
0x3ae: {  	[sflag:s11] =	ssyncadd.s32 $0xFFFFC000  }
0x3af: {  	_ =	swait.ge [sflag:s11], $0x4000  }
0x3b0: {  	p2 =	sne.s32 s0, $0x0;
	s0 =	simm.s32 $0x5;
	[sflag:s11] =	ssyncset.done $0x0  }
0x3b1: {  	s25 =	simm.s32 $0x0;
	s12 =	rddreg [dreg:$0xe];
	[sflag:s11] =	ssyncadd.s32 $0xFFFFC000  }
0x3b2: {  	[hbm4b:s12+s25] =	stream.linear.scatter [tilespmem:s6], [sflag:$0x5], $0x4000, $0x38;
	[tilespmem:$0x1C628] =	vst v63  }
0x3b3: {  	_ =	swait.ge [sflag:s0], $0x4000  }
0x3b4: {  	[sflag:s0] =	ssyncset.done $0x0  }
0x3b5: {  	s13 =	rddreg [dreg:$0xf];
	[sflag:s0] =	ssyncadd.s32 $0xFFFFC000  }
0x3b6: {  	[hbm4b:s13+s25] =	stream.linear.scatter [tilespmem:s8], [sflag:$0x5], $0x4000, $0x38;
	[tilespmem:$0x1C628] =	vst v63  }
0x3b7: {  	_ =	swait.ge [sflag:s0], $0x4000  }
0x3b8: {  	[sflag:s0] =	ssyncset.done $0x0  }
0x3b9: {  	s28 =	rddreg [dreg:$0x10];
	[sflag:s0] =	ssyncadd.s32 $0xFFFFC000  }
0x3ba: {  	[hbm4b:s28+s25] =	stream.linear.scatter [tilespmem:s1], [sflag:$0x5], $0x4000, $0x38;
	[tilespmem:$0x1C628] =	vst v63  }
0x3bb: {  	_ =	swait.ge [sflag:s0], $0x4000  }
0x3bc: {  	[sflag:s0] =	ssyncset.done $0x0  }
0x3bd: {  	[sflag:s0] =	ssyncadd.s32 $0xFFFFC000  }
0x3be: {  	s13 =	simm.s32 @p0 $0xE00;
	s28 =	simm.s32 @p0 $0x0;
	[bflag:$0x0] =	sbarrier.arrive @p0 $0xFFFF  }
0x3bf: {  	[tilespmem:s13], [sflag:$0x3] =	stream.indirect.gather @p0 [spmem:s3], $0x1, s28, s21, $0xb8;
	[tilespmem:$0x1C628] =	vst v63  }
0x3c0: {  	_ =	swait.ge @p0 [sflag:s16], $0x400  }
0x3c1: {  	[sflag:s16] =	ssyncset.done @p0 $0x0  }
0x3c2: {  	[sflag:s16] =	ssyncadd.s32 @p0 $0xFFFFFC00  }
0x3c3: {  	[bflag:$0x0] =	sbarrier.arrive @p0 $0xFFFF  }
0x3c4: {  	s12 =	sld [smem:$0x7BC];
	_ =	sdelay $0x1  }
0x3c5: {  	s9 =	simm.s32 @p0 $0x80  }
0x3c6: {  	[hbm4b:s12+s9] =	stream.strided.scatter @p0 [tilespmem:s13], [sflag:$0x4], $0x400, s21, s9, $0x38;
	[tilespmem:$0x1C628] =	vst v63  }
0x3c7: {  	_ =	swait.ge @!p0 [sflag:s24], $0x1E850  }
0x3c8: {  	[sflag:s24] =	ssyncset.done @!p0 $0x0  }
0x3c9: {  	[sflag:s24] =	ssyncadd.s32 @!p0 $0xFFFE17B0  }
0x3ca: {  	s31 =	simm.s32 @!p0 $0x0;
	s19 =	simm.s32 @!p0 $0xE00;
	[bflag:$0x0] =	sbarrier.arrive @!p0 $0xFFFF  }
0x3cb: {  	[tilespmem:s19], [sflag:$0x3] =	stream.indirect.gather @!p0 [spmem:s3], $0x1, s31, s5, $0xb8;
	[tilespmem:$0x1C628] =	vst v63  }
0x3cc: {  	_ =	swait.ge @!p0 [sflag:s22], $0x400  }
0x3cd: {  	[sflag:s22] =	ssyncset.done @!p0 $0x0  }
0x3ce: {  	[sflag:s22] =	ssyncadd.s32 @!p0 $0xFFFFFC00  }
0x3cf: {  	[bflag:$0x0] =	sbarrier.arrive @!p0 $0xFFFF  }
0x3d0: {  	s30 =	simm.s32 @!p0 $0xE00;
	s19 =	rddreg [dreg:$0x11]  }
0x3d1: {  	[hbm4b:s12+s4] =	stream.strided.scatter @!p0 [tilespmem:s30], [sflag:$0x4], $0x400, s5, s4, $0x38;
	[tilespmem:$0x1C628] =	vst v63  }
0x3d2: {  	[spmem:s18@s29], [sflag:s26] =	dma.strided @!p0 [hbm:s19@s4], $0x1E850, s20, $0x10   }
0x3d3: {  	s19 =	sld [smem:$0x7F8]  }
0x3d4: {  	s31 =	sld [smem:$0x7E6];
	_ =	sdelay $0x1  }
0x3d5: {  	s30 =	sld [smem:$0x7F9]  }
0x3d6: {  	[tilespmem:s6], [sflag:$0x1] =	stream.indirect.gather [hbm4b:s31+s2], $0x80, s19, s2, $0xb8;
	[tilespmem:$0x1C628] =	vst v63  }
0x3d7: {  	s31 =	smov.u32 s18;
	s18 =	sld [smem:$0x7E8];
	_ =	sdelay $0x1  }
0x3d8: {  	s9 =	sld [smem:$0x7FA]  }
0x3d9: {  	[tilespmem:s8], [sflag:$0x1] =	stream.indirect.gather [hbm4b:s18+s2], $0x80, s30, s2, $0xb8;
	[tilespmem:$0x1C628] =	vst v63  }
0x3da: {  	_ = 	snop  }
0x3db: {  	[tilespmem:s1], [sflag:$0x1] =	stream.indirect.gather [hbm4b:s15+s2], $0x80, s9, s2, $0xb8;
	[tilespmem:$0x1C628] =	vst v63  }
0x3dc: {  	_ =	swait.ge [sflag:s11], $0x4000  }
0x3dd: {  	[sflag:s11] =	ssyncset.done $0x0  }
0x3de: {  	[sflag:s11] =	ssyncadd.s32 $0xFFFFC000  }
0x3df: {  	_ =	swait.ge [sflag:s11], $0x4000  }
0x3e0: {  	[sflag:s11] =	ssyncset.done $0x0  }
0x3e1: {  	[sflag:s11] =	ssyncadd.s32 $0xFFFFC000  }
0x3e2: {  	_ =	swait.ge [sflag:s11], $0x4000  }
0x3e3: {  	[sflag:s11] =	ssyncset.done $0x0  }
0x3e4: {  	s12 =	rddreg [dreg:$0x12];
	[sflag:s11] =	ssyncadd.s32 $0xFFFFC000  }
0x3e5: {  	[hbm4b:s12+s25] =	stream.linear.scatter [tilespmem:s6], [sflag:$0x5], $0x4000, $0x38;
	[tilespmem:$0x1C628] =	vst v63  }
0x3e6: {  	_ =	swait.ge [sflag:s0], $0x4000  }
0x3e7: {  	[sflag:s0] =	ssyncset.done $0x0  }
0x3e8: {  	s9 =	rddreg [dreg:$0x13];
	[sflag:s0] =	ssyncadd.s32 $0xFFFFC000  }
0x3e9: {  	[hbm4b:s9+s25] =	stream.linear.scatter [tilespmem:s8], [sflag:$0x5], $0x4000, $0x38;
	[tilespmem:$0x1C628] =	vst v63  }
0x3ea: {  	_ =	swait.ge [sflag:s0], $0x4000  }
0x3eb: {  	[sflag:s0] =	ssyncset.done $0x0  }
0x3ec: {  	s12 =	rddreg [dreg:$0x14];
	[sflag:s0] =	ssyncadd.s32 $0xFFFFC000  }
0x3ed: {  	[hbm4b:s12+s25] =	stream.linear.scatter [tilespmem:s1], [sflag:$0x5], $0x4000, $0x38;
	[tilespmem:$0x1C628] =	vst v63  }
0x3ee: {  	s25 =	simm.s32 $0x5  }
0x3ef: {  	_ =	swait.ge [sflag:s25], $0x4000  }
0x3f0: {  	[sflag:s25] =	ssyncset.done $0x0  }
0x3f1: {  	s0 =	simm.s32 $0x4;
	[sflag:s25] =	ssyncadd.s32 $0xFFFFC000  }
0x3f2: {  	s9 =	simm.s32 $0x4;
	_ =	swait.ge [sflag:s0], $0x400  }
0x3f3: {  	s12 =	simm.s32 $0x4;
	[sflag:s9] =	ssyncset.done $0x0  }
0x3f4: {  	[sflag:s12] =	ssyncadd.s32 $0xFFFFFC00  }
0x3f5: {  	[bflag:$0x0] =	sbarrier.arrive @p0 $0xFFFF  }
0x3f6: {  	[tilespmem:s17], [sflag:$0x3] =	stream.indirect.gather @p0 [spmem:s3], $0x1, s28, s21, $0xb8;
	[tilespmem:$0x1C628] =	vst v63  }
0x3f7: {  	_ =	swait.ge @p0 [sflag:s16], $0x400  }
0x3f8: {  	[sflag:s16] =	ssyncset.done @p0 $0x0  }
0x3f9: {  	[sflag:s16] =	ssyncadd.s32 @p0 $0xFFFFFC00  }
0x3fa: {  	[bflag:$0x0] =	sbarrier.arrive @p0 $0xFFFF  }
0x3fb: {  	s30 =	sld [smem:$0x7F0];
	_ =	sdelay $0x1  }
0x3fc: {  	s12 =	simm.s32 @p0 $0x80  }
0x3fd: {  	[hbm4b:s30+s12] =	stream.strided.scatter @p0 [tilespmem:s17], [sflag:$0x4], $0x400, s21, s12, $0x38;
	[tilespmem:$0x1C628] =	vst v63  }
0x3fe: {  	s17 =	sld [smem:$0x7E6];
	_ =	swait.ge @!p0 [sflag:s24], $0x1E850  }
0x3ff: {  	[sflag:s24] =	ssyncset.done @!p0 $0x0  }
0x400: {  	[sflag:s24] =	ssyncadd.s32 @!p0 $0xFFFE17B0  }
0x401: {  	s0 =	simm.s32 @!p0 $0xA00;
	s9 =	simm.s32 @!p0 $0x0;
	[bflag:$0x0] =	sbarrier.arrive @!p0 $0xFFFF  }
0x402: {  	[tilespmem:s0], [sflag:$0x3] =	stream.indirect.gather @!p0 [spmem:s3], $0x1, s9, s5, $0xb8;
	[tilespmem:$0x1C628] =	vst v63  }
0x403: {  	_ =	swait.ge @!p0 [sflag:s22], $0x400  }
0x404: {  	[sflag:s22] =	ssyncset.done @!p0 $0x0  }
0x405: {  	[sflag:s22] =	ssyncadd.s32 @!p0 $0xFFFFFC00  }
0x406: {  	[bflag:$0x0] =	sbarrier.arrive @!p0 $0xFFFF  }
0x407: {  	s19 =	rddreg [dreg:$0x15]  }
0x408: {  	[hbm4b:s30+s4] =	stream.strided.scatter @!p0 [tilespmem:s0], [sflag:$0x4], $0x400, s5, s4, $0x38;
	[tilespmem:$0x1C628] =	vst v63  }
0x409: {  	[spmem:s31@s29], [sflag:s26] =	dma.strided @!p0 [hbm:s19@s4], $0x1E850, s20, $0x10   }
0x40a: {  	s19 =	sld [smem:$0x7FB];
	_ =	sdelay $0x1  }
0x40b: {  	s30 =	sld [smem:$0x7FC]  }
0x40c: {  	[tilespmem:s6], [sflag:$0x1] =	stream.indirect.gather [hbm4b:s17+s2], $0x80, s19, s2, $0xb8;
	[tilespmem:$0x1C628] =	vst v63  }
0x40d: {  	s17 =	sld [smem:$0x7FD]  }
0x40e: {  	[tilespmem:s8], [sflag:$0x1] =	stream.indirect.gather [hbm4b:s18+s2], $0x80, s30, s2, $0xb8;
	[tilespmem:$0x1C628] =	vst v63  }
0x40f: {  	_ = 	snop  }
0x410: {  	[tilespmem:s1], [sflag:$0x1] =	stream.indirect.gather [hbm4b:s15+s2], $0x80, s17, s2, $0xb8;
	[tilespmem:$0x1C628] =	vst v63  }
0x411: {  	_ =	swait.ge [sflag:s11], $0x4000  }
0x412: {  	[sflag:s11] =	ssyncset.done $0x0  }
0x413: {  	[sflag:s11] =	ssyncadd.s32 $0xFFFFC000  }
0x414: {  	_ =	swait.ge [sflag:s11], $0x4000  }
0x415: {  	[sflag:s11] =	ssyncset.done $0x0  }
0x416: {  	[sflag:s11] =	ssyncadd.s32 $0xFFFFC000  }
0x417: {  	_ =	swait.ge [sflag:s11], $0x4000  }
0x418: {  	[sflag:s11] =	ssyncset.done $0x0  }
0x419: {  	s2 =	simm.s32 $0x0;
	s0 =	rddreg [dreg:$0x16];
	[sflag:s11] =	ssyncadd.s32 $0xFFFFC000  }
0x41a: {  	[hbm4b:s0+s2] =	stream.linear.scatter [tilespmem:s6], [sflag:$0x5], $0x4000, $0x38;
	[tilespmem:$0x1C628] =	vst v63  }
0x41b: {  	_ =	swait.ge [sflag:s25], $0x4000  }
0x41c: {  	[sflag:s25] =	ssyncset.done $0x0  }
0x41d: {  	s17 =	rddreg [dreg:$0x17];
	[sflag:s25] =	ssyncadd.s32 $0xFFFFC000  }
0x41e: {  	[hbm4b:s17+s2] =	stream.linear.scatter [tilespmem:s8], [sflag:$0x5], $0x4000, $0x38;
	[tilespmem:$0x1C628] =	vst v63  }
0x41f: {  	_ =	swait.ge [sflag:s25], $0x4000  }
0x420: {  	[sflag:s25] =	ssyncset.done $0x0  }
0x421: {  	s0 =	rddreg [dreg:$0x18];
	[sflag:s25] =	ssyncadd.s32 $0xFFFFC000  }
0x422: {  	[hbm4b:s0+s2] =	stream.linear.scatter [tilespmem:s1], [sflag:$0x5], $0x4000, $0x38;
	[tilespmem:$0x1C628] =	vst v63  }
0x423: {  	_ =	swait.ge [sflag:s25], $0x4000  }
0x424: {  	[sflag:s25] =	ssyncset.done $0x0  }
0x425: {  	s15 =	simm.s32 $0x4;
	[sflag:s25] =	ssyncadd.s32 $0xFFFFC000  }
0x426: {  	_ =	swait.ge [sflag:s15], $0x400  }
0x427: {  	[sflag:s15] =	ssyncset.done $0x0  }
0x428: {  	[sflag:s15] =	ssyncadd.s32 $0xFFFFFC00  }
0x429: {  	s28 =	simm.s32 @p0 $0x0;
	[bflag:$0x0] =	sbarrier.arrive @p0 $0xFFFF  }
0x42a: {  	[tilespmem:s13], [sflag:$0x3] =	stream.indirect.gather @p0 [spmem:s3], $0x1, s28, s21, $0xb8;
	[tilespmem:$0x1C628] =	vst v63  }
0x42b: {  	_ =	swait.ge @p0 [sflag:s16], $0x400  }
0x42c: {  	[sflag:s16] =	ssyncset.done @p0 $0x0  }
0x42d: {  	[sflag:s16] =	ssyncadd.s32 @p0 $0xFFFFFC00  }
0x42e: {  	[bflag:$0x0] =	sbarrier.arrive @p0 $0xFFFF  }
0x42f: {  	s30 =	sld [smem:$0x7F2];
	_ =	sdelay $0x2  }
0x430: {  	[hbm4b:s30+s12] =	stream.strided.scatter @p0 [tilespmem:s13], [sflag:$0x4], $0x400, s21, s12, $0x38;
	[tilespmem:$0x1C628] =	vst v63  }
0x431: {  	_ =	swait.ge @p0 [sflag:s23], $0x400  }
0x432: {  	[sflag:s23] =	ssyncset.done @p0 $0x0  }
0x433: {  	[sflag:s23] =	ssyncadd.s32 @p0 $0xFFFFFC00  }
0x434: {  	_ =	swait.ge @!p0 [sflag:s24], $0x1E850  }
0x435: {  	[sflag:s24] =	ssyncset.done @!p0 $0x0  }
0x436: {  	[sflag:s24] =	ssyncadd.s32 @!p0 $0xFFFE17B0  }
0x437: {  	s1 =	simm.s32 @!p0 $0xE00;
	[bflag:$0x0] =	sbarrier.arrive @!p0 $0xFFFF  }
0x438: {  	[tilespmem:s1], [sflag:$0x3] =	stream.indirect.gather @!p0 [spmem:s3], $0x1, s9, s5, $0xb8;
	[tilespmem:$0x1C628] =	vst v63  }
0x439: {  	_ =	swait.ge @!p0 [sflag:s22], $0x400  }
0x43a: {  	[sflag:s22] =	ssyncset.done @!p0 $0x0  }
0x43b: {  	[sflag:s22] =	ssyncadd.s32 @!p0 $0xFFFFFC00  }
0x43c: {  	[bflag:$0x0] =	sbarrier.arrive @!p0 $0xFFFF  }
0x43d: {  	s19 =	rddreg [dreg:$0x19]  }
0x43e: {  	[hbm4b:s30+s4] =	stream.strided.scatter @!p0 [tilespmem:s1], [sflag:$0x4], $0x400, s5, s4, $0x38;
	[tilespmem:$0x1C628] =	vst v63  }
0x43f: {  	[spmem:s31@s29], [sflag:s26] =	dma.strided @!p0 [hbm:s19@s4], $0x1E850, s20, $0x10   }
0x440: {  	_ =	swait.ge @!p0 [sflag:s10], $0x400  }
0x441: {  	[sflag:s10] =	ssyncset.done @!p0 $0x0  }
0x442: {  	[sflag:s10] =	ssyncadd.s32 @!p0 $0xFFFFFC00  }
0x443: {  	_ =	swait.ge @!p0 [sflag:s24], $0x1E850  }
0x444: {  	[sflag:s24] =	ssyncset.done @!p0 $0x0  }
0x445: {  	[sflag:s24] =	ssyncadd.s32 @!p0 $0xFFFE17B0  }
0x446: {  	s8 =	simm.s32 $0xA00;
	[bflag:$0x0] =	sbarrier.arrive $0xFFFF  }
0x447: {  	[tilespmem:s8], [sflag:$0x3] =	stream.indirect.gather [spmem:s3], $0x1, s2, s14, $0xb8;
	[tilespmem:$0x1C628] =	vst v63  }
0x448: {  	_ =	swait.ge [sflag:s7], $0x400  }
0x449: {  	[sflag:s7] =	ssyncset.done $0x0  }
0x44a: {  	[sflag:s7] =	ssyncadd.s32 $0xFFFFFC00  }
0x44b: {  	[bflag:$0x0] =	sbarrier.arrive $0xFFFF  }
0x44c: {  	s5 =	simm.s32 $0x80;
	s12 =	rddreg [dreg:$0x1a]  }
0x44d: {  	[hbm4b:s12+s5] =	stream.strided.scatter [tilespmem:s8], [sflag:$0x4], $0x400, s14, s5, $0x38;
	[tilespmem:$0x1C628] =	vst v63  }
0x44e: {  	_ =	swait.ge @p0 [sflag:s23], $0x400  }
0x44f: {  	[sflag:s23] =	ssyncset.done @p0 $0x0  }
0x450: {  	s19 =	rddreg [dreg:$0x1b];
	[sflag:s23] =	ssyncadd.s32 @p0 $0xFFFFFC00  }
0x451: {  	[spmem:s31@s29], [sflag:s26] =	dma.strided @!p0 [hbm:s19@s4], $0x1E850, s20, $0x10   }
0x452: {  	_ =	swait.ge @!p0 [sflag:s10], $0x400  }
0x453: {  	[sflag:s10] =	ssyncset.done @!p0 $0x0  }
0x454: {  	[sflag:s10] =	ssyncadd.s32 @!p0 $0xFFFFFC00  }
0x455: {  	_ =	swait.ge @!p0 [sflag:s24], $0x1E850  }
0x456: {  	[sflag:s24] =	ssyncset.done @!p0 $0x0  }
0x457: {  	[sflag:s24] =	ssyncadd.s32 @!p0 $0xFFFE17B0  }
0x458: {  	s6 =	simm.s32 $0xE00;
	[bflag:$0x0] =	sbarrier.arrive $0xFFFF  }
0x459: {  	[tilespmem:s6], [sflag:$0x3] =	stream.indirect.gather [spmem:s3], $0x1, s2, s14, $0xb8;
	[tilespmem:$0x1C628] =	vst v63  }
0x45a: {  	_ =	swait.ge [sflag:s7], $0x400  }
0x45b: {  	[sflag:s7] =	ssyncset.done $0x0  }
0x45c: {  	[sflag:s7] =	ssyncadd.s32 $0xFFFFFC00  }
0x45d: {  	[bflag:$0x0] =	sbarrier.arrive $0xFFFF  }
0x45e: {  	s13 =	rddreg [dreg:$0x1c]  }
0x45f: {  	[hbm4b:s13+s5] =	stream.strided.scatter [tilespmem:s6], [sflag:$0x4], $0x400, s14, s5, $0x38;
	[tilespmem:$0x1C628] =	vst v63  }
0x460: {  	_ =	swait.ge @p0 [sflag:s23], $0x400  }
0x461: {  	[sflag:s23] =	ssyncset.done @p0 $0x0  }
0x462: {  	s19 =	rddreg [dreg:$0x1d];
	[sflag:s23] =	ssyncadd.s32 @p0 $0xFFFFFC00  }
0x463: {  	[spmem:s31@s29], [sflag:s26] =	dma.strided @!p0 [hbm:s19@s4], $0x1E850, s20, $0x10   }
0x464: {  	_ =	swait.ge @!p0 [sflag:s10], $0x400  }
0x465: {  	[sflag:s10] =	ssyncset.done @!p0 $0x0  }
0x466: {  	[sflag:s10] =	ssyncadd.s32 @!p0 $0xFFFFFC00  }
0x467: {  	_ =	swait.ge @!p0 [sflag:s24], $0x1E850  }
0x468: {  	[sflag:s24] =	ssyncset.done @!p0 $0x0  }
0x469: {  	[sflag:s24] =	ssyncadd.s32 @!p0 $0xFFFE17B0  }
0x46a: {  	[bflag:$0x0] =	sbarrier.arrive $0xFFFF  }
0x46b: {  	[tilespmem:s8], [sflag:$0x3] =	stream.indirect.gather [spmem:s3], $0x1, s2, s14, $0xb8;
	[tilespmem:$0x1C628] =	vst v63  }
0x46c: {  	_ =	swait.ge [sflag:s7], $0x400  }
0x46d: {  	[sflag:s7] =	ssyncset.done $0x0  }
0x46e: {  	[sflag:s7] =	ssyncadd.s32 $0xFFFFFC00  }
0x46f: {  	[bflag:$0x0] =	sbarrier.arrive $0xFFFF  }
0x470: {  	s16 =	rddreg [dreg:$0x1e]  }
0x471: {  	[hbm4b:s16+s5] =	stream.strided.scatter [tilespmem:s8], [sflag:$0x4], $0x400, s14, s5, $0x38;
	[tilespmem:$0x1C628] =	vst v63  }
0x472: {  	_ =	swait.ge @p0 [sflag:s23], $0x400  }
0x473: {  	[sflag:s23] =	ssyncset.done @p0 $0x0  }
0x474: {  	s19 =	rddreg [dreg:$0x1f];
	[sflag:s23] =	ssyncadd.s32 @p0 $0xFFFFFC00  }
0x475: {  	[spmem:s31@s29], [sflag:s26] =	dma.strided @!p0 [hbm:s19@s4], $0x1E850, s20, $0x10   }
0x476: {  	_ =	swait.ge @!p0 [sflag:s10], $0x400  }
0x477: {  	[sflag:s10] =	ssyncset.done @!p0 $0x0  }
0x478: {  	[sflag:s10] =	ssyncadd.s32 @!p0 $0xFFFFFC00  }
0x479: {  	_ =	swait.ge @!p0 [sflag:s24], $0x1E850  }
0x47a: {  	[sflag:s24] =	ssyncset.done @!p0 $0x0  }
0x47b: {  	[sflag:s24] =	ssyncadd.s32 @!p0 $0xFFFE17B0  }
0x47c: {  	[bflag:$0x0] =	sbarrier.arrive $0xFFFF  }
0x47d: {  	[tilespmem:s6], [sflag:$0x3] =	stream.indirect.gather [spmem:s3], $0x1, s2, s14, $0xb8;
	[tilespmem:$0x1C628] =	vst v63  }
0x47e: {  	_ =	swait.ge [sflag:s7], $0x400  }
0x47f: {  	[sflag:s7] =	ssyncset.done $0x0  }
0x480: {  	[sflag:s7] =	ssyncadd.s32 $0xFFFFFC00  }
0x481: {  	[bflag:$0x0] =	sbarrier.arrive $0xFFFF  }
0x482: {  	s17 =	sld [smem:$0x7C0];
	_ =	sdelay $0x2  }
0x483: {  	[hbm4b:s17+s5] =	stream.strided.scatter [tilespmem:s6], [sflag:$0x4], $0x400, s14, s5, $0x38;
	[tilespmem:$0x1C628] =	vst v63  }
0x484: {  	_ =	swait.ge @p0 [sflag:s23], $0x400  }
0x485: {  	s19 =	sld [smem:$0x7C1]  }
0x486: {  	[sflag:s23] =	ssyncset.done @p0 $0x0  }
0x487: {  	[sflag:s23] =	ssyncadd.s32 @p0 $0xFFFFFC00  }
0x488: {  	[spmem:s31@s29], [sflag:s26] =	dma.strided @!p0 [hbm:s19@s4], $0x1E850, s20, $0x10   }
0x489: {  	_ =	swait.ge @!p0 [sflag:s10], $0x400  }
0x48a: {  	[sflag:s10] =	ssyncset.done @!p0 $0x0  }
0x48b: {  	[sflag:s10] =	ssyncadd.s32 @!p0 $0xFFFFFC00  }
0x48c: {  	_ =	swait.ge @!p0 [sflag:s24], $0x1E850  }
0x48d: {  	[sflag:s24] =	ssyncset.done @!p0 $0x0  }
0x48e: {  	[sflag:s24] =	ssyncadd.s32 @!p0 $0xFFFE17B0  }
0x48f: {  	[bflag:$0x0] =	sbarrier.arrive $0xFFFF  }
0x490: {  	[tilespmem:s8], [sflag:$0x3] =	stream.indirect.gather [spmem:s3], $0x1, s2, s14, $0xb8;
	[tilespmem:$0x1C628] =	vst v63  }
0x491: {  	_ =	swait.ge [sflag:s7], $0x400  }
0x492: {  	[sflag:s7] =	ssyncset.done $0x0  }
0x493: {  	[sflag:s7] =	ssyncadd.s32 $0xFFFFFC00  }
0x494: {  	[bflag:$0x0] =	sbarrier.arrive $0xFFFF  }
0x495: {  	s21 =	sld [smem:$0x7C2];
	_ =	sdelay $0x2  }
0x496: {  	[hbm4b:s21+s5] =	stream.strided.scatter [tilespmem:s8], [sflag:$0x4], $0x400, s14, s5, $0x38;
	[tilespmem:$0x1C628] =	vst v63  }
0x497: {  	_ =	swait.ge @p0 [sflag:s23], $0x400  }
0x498: {  	s19 =	sld [smem:$0x7C3]  }
0x499: {  	[sflag:s23] =	ssyncset.done @p0 $0x0  }
0x49a: {  	[sflag:s23] =	ssyncadd.s32 @p0 $0xFFFFFC00  }
0x49b: {  	[spmem:s31@s29], [sflag:s26] =	dma.strided @!p0 [hbm:s19@s4], $0x1E850, s20, $0x10   }
0x49c: {  	_ =	swait.ge @!p0 [sflag:s10], $0x400  }
0x49d: {  	[sflag:s10] =	ssyncset.done @!p0 $0x0  }
0x49e: {  	[sflag:s10] =	ssyncadd.s32 @!p0 $0xFFFFFC00  }
0x49f: {  	_ =	swait.ge @!p0 [sflag:s24], $0x1E850  }
0x4a0: {  	[sflag:s24] =	ssyncset.done @!p0 $0x0  }
0x4a1: {  	[sflag:s24] =	ssyncadd.s32 @!p0 $0xFFFE17B0  }
0x4a2: {  	[bflag:$0x0] =	sbarrier.arrive $0xFFFF  }
0x4a3: {  	[tilespmem:s6], [sflag:$0x3] =	stream.indirect.gather [spmem:s3], $0x1, s2, s14, $0xb8;
	[tilespmem:$0x1C628] =	vst v63  }
0x4a4: {  	_ =	swait.ge [sflag:s7], $0x400  }
0x4a5: {  	[sflag:s7] =	ssyncset.done $0x0  }
0x4a6: {  	[sflag:s7] =	ssyncadd.s32 $0xFFFFFC00  }
0x4a7: {  	[bflag:$0x0] =	sbarrier.arrive $0xFFFF  }
0x4a8: {  	s22 =	sld [smem:$0x7C4];
	_ =	sdelay $0x2  }
0x4a9: {  	[hbm4b:s22+s5] =	stream.strided.scatter [tilespmem:s6], [sflag:$0x4], $0x400, s14, s5, $0x38;
	[tilespmem:$0x1C628] =	vst v63  }
0x4aa: {  	_ =	swait.ge @p0 [sflag:s23], $0x400  }
0x4ab: {  	s19 =	sld [smem:$0x7C5]  }
0x4ac: {  	[sflag:s23] =	ssyncset.done @p0 $0x0  }
0x4ad: {  	[sflag:s23] =	ssyncadd.s32 @p0 $0xFFFFFC00  }
0x4ae: {  	[spmem:s31@s29], [sflag:s26] =	dma.strided @!p0 [hbm:s19@s4], $0x1E850, s20, $0x10   }
0x4af: {  	_ =	swait.ge @!p0 [sflag:s10], $0x400  }
0x4b0: {  	[sflag:s10] =	ssyncset.done @!p0 $0x0  }
0x4b1: {  	[sflag:s10] =	ssyncadd.s32 @!p0 $0xFFFFFC00  }
0x4b2: {  	_ =	swait.ge @!p0 [sflag:s24], $0x1E850  }
0x4b3: {  	[sflag:s24] =	ssyncset.done @!p0 $0x0  }
0x4b4: {  	[sflag:s24] =	ssyncadd.s32 @!p0 $0xFFFE17B0  }
0x4b5: {  	[bflag:$0x0] =	sbarrier.arrive $0xFFFF  }
0x4b6: {  	[tilespmem:s8], [sflag:$0x3] =	stream.indirect.gather [spmem:s3], $0x1, s2, s14, $0xb8;
	[tilespmem:$0x1C628] =	vst v63  }
0x4b7: {  	_ =	swait.ge [sflag:s7], $0x400  }
0x4b8: {  	[sflag:s7] =	ssyncset.done $0x0  }
0x4b9: {  	[sflag:s7] =	ssyncadd.s32 $0xFFFFFC00  }
0x4ba: {  	[bflag:$0x0] =	sbarrier.arrive $0xFFFF  }
0x4bb: {  	s28 =	sld [smem:$0x7C6];
	_ =	sdelay $0x2  }
0x4bc: {  	[hbm4b:s28+s5] =	stream.strided.scatter [tilespmem:s8], [sflag:$0x4], $0x400, s14, s5, $0x38;
	[tilespmem:$0x1C628] =	vst v63  }
0x4bd: {  	_ =	swait.ge @p0 [sflag:s23], $0x400  }
0x4be: {  	s19 =	sld [smem:$0x7C7]  }
0x4bf: {  	[sflag:s23] =	ssyncset.done @p0 $0x0  }
0x4c0: {  	[sflag:s23] =	ssyncadd.s32 @p0 $0xFFFFFC00  }
0x4c1: {  	[spmem:s31@s29], [sflag:s26] =	dma.strided @!p0 [hbm:s19@s4], $0x1E850, s20, $0x10   }
0x4c2: {  	_ =	swait.ge @!p0 [sflag:s10], $0x400  }
0x4c3: {  	[sflag:s10] =	ssyncset.done @!p0 $0x0  }
0x4c4: {  	[sflag:s10] =	ssyncadd.s32 @!p0 $0xFFFFFC00  }
0x4c5: {  	_ =	swait.ge @!p0 [sflag:s24], $0x1E850  }
0x4c6: {  	[sflag:s24] =	ssyncset.done @!p0 $0x0  }
0x4c7: {  	[sflag:s24] =	ssyncadd.s32 @!p0 $0xFFFE17B0  }
0x4c8: {  	[bflag:$0x0] =	sbarrier.arrive $0xFFFF  }
0x4c9: {  	[tilespmem:s6], [sflag:$0x3] =	stream.indirect.gather [spmem:s3], $0x1, s2, s14, $0xb8;
	[tilespmem:$0x1C628] =	vst v63  }
0x4ca: {  	_ =	swait.ge [sflag:s7], $0x400  }
0x4cb: {  	[sflag:s7] =	ssyncset.done $0x0  }
0x4cc: {  	[sflag:s7] =	ssyncadd.s32 $0xFFFFFC00  }
0x4cd: {  	[bflag:$0x0] =	sbarrier.arrive $0xFFFF  }
0x4ce: {  	s0 =	sld [smem:$0x7C8];
	_ =	sdelay $0x2  }
0x4cf: {  	[hbm4b:s0+s5] =	stream.strided.scatter [tilespmem:s6], [sflag:$0x4], $0x400, s14, s5, $0x38;
	[tilespmem:$0x1C628] =	vst v63  }
0x4d0: {  	_ =	swait.ge @p0 [sflag:s23], $0x400  }
0x4d1: {  	s19 =	sld [smem:$0x7C9]  }
0x4d2: {  	[sflag:s23] =	ssyncset.done @p0 $0x0  }
0x4d3: {  	[sflag:s23] =	ssyncadd.s32 @p0 $0xFFFFFC00  }
0x4d4: {  	[spmem:s31@s29], [sflag:s26] =	dma.strided @!p0 [hbm:s19@s4], $0x1E850, s20, $0x10   }
0x4d5: {  	_ =	swait.ge @!p0 [sflag:s10], $0x400  }
0x4d6: {  	[sflag:s10] =	ssyncset.done @!p0 $0x0  }
0x4d7: {  	[sflag:s10] =	ssyncadd.s32 @!p0 $0xFFFFFC00  }
0x4d8: {  	_ =	swait.ge @!p0 [sflag:s24], $0x1E850  }
0x4d9: {  	[sflag:s24] =	ssyncset.done @!p0 $0x0  }
0x4da: {  	[sflag:s24] =	ssyncadd.s32 @!p0 $0xFFFE17B0  }
0x4db: {  	[bflag:$0x0] =	sbarrier.arrive $0xFFFF  }
0x4dc: {  	[tilespmem:s8], [sflag:$0x3] =	stream.indirect.gather [spmem:s3], $0x1, s2, s14, $0xb8;
	[tilespmem:$0x1C628] =	vst v63  }
0x4dd: {  	_ =	swait.ge [sflag:s7], $0x400  }
0x4de: {  	[sflag:s7] =	ssyncset.done $0x0  }
0x4df: {  	[sflag:s7] =	ssyncadd.s32 $0xFFFFFC00  }
0x4e0: {  	[bflag:$0x0] =	sbarrier.arrive $0xFFFF  }
0x4e1: {  	s1 =	sld [smem:$0x7CA];
	_ =	sdelay $0x2  }
0x4e2: {  	[hbm4b:s1+s5] =	stream.strided.scatter [tilespmem:s8], [sflag:$0x4], $0x400, s14, s5, $0x38;
	[tilespmem:$0x1C628] =	vst v63  }
0x4e3: {  	_ =	swait.ge @p0 [sflag:s23], $0x400  }
0x4e4: {  	s19 =	sld [smem:$0x7CB]  }
0x4e5: {  	[sflag:s23] =	ssyncset.done @p0 $0x0  }
0x4e6: {  	[sflag:s23] =	ssyncadd.s32 @p0 $0xFFFFFC00  }
0x4e7: {  	[spmem:s31@s29], [sflag:s26] =	dma.strided @!p0 [hbm:s19@s4], $0x1E850, s20, $0x10   }
0x4e8: {  	_ =	swait.ge @!p0 [sflag:s10], $0x400  }
0x4e9: {  	[sflag:s10] =	ssyncset.done @!p0 $0x0  }
0x4ea: {  	[sflag:s10] =	ssyncadd.s32 @!p0 $0xFFFFFC00  }
0x4eb: {  	_ =	swait.ge @!p0 [sflag:s24], $0x1E850  }
0x4ec: {  	[sflag:s24] =	ssyncset.done @!p0 $0x0  }
0x4ed: {  	[sflag:s24] =	ssyncadd.s32 @!p0 $0xFFFE17B0  }
0x4ee: {  	[bflag:$0x0] =	sbarrier.arrive $0xFFFF  }
0x4ef: {  	[tilespmem:s6], [sflag:$0x3] =	stream.indirect.gather [spmem:s3], $0x1, s2, s14, $0xb8;
	[tilespmem:$0x1C628] =	vst v63  }
0x4f0: {  	_ =	swait.ge [sflag:s7], $0x400  }
0x4f1: {  	[sflag:s7] =	ssyncset.done $0x0  }
0x4f2: {  	[sflag:s7] =	ssyncadd.s32 $0xFFFFFC00  }
0x4f3: {  	[bflag:$0x0] =	sbarrier.arrive $0xFFFF  }
0x4f4: {  	s9 =	sld [smem:$0x7CC];
	_ =	sdelay $0x2  }
0x4f5: {  	[hbm4b:s9+s5] =	stream.strided.scatter [tilespmem:s6], [sflag:$0x4], $0x400, s14, s5, $0x38;
	[tilespmem:$0x1C628] =	vst v63  }
0x4f6: {  	_ =	swait.ge @p0 [sflag:s23], $0x400  }
0x4f7: {  	s19 =	sld [smem:$0x7CD]  }
0x4f8: {  	[sflag:s23] =	ssyncset.done @p0 $0x0  }
0x4f9: {  	[sflag:s23] =	ssyncadd.s32 @p0 $0xFFFFFC00  }
0x4fa: {  	[spmem:s31@s29], [sflag:s26] =	dma.strided @!p0 [hbm:s19@s4], $0x1E850, s20, $0x10   }
0x4fb: {  	_ =	swait.ge @!p0 [sflag:s10], $0x400  }
0x4fc: {  	[sflag:s10] =	ssyncset.done @!p0 $0x0  }
0x4fd: {  	[sflag:s10] =	ssyncadd.s32 @!p0 $0xFFFFFC00  }
0x4fe: {  	_ =	swait.ge @!p0 [sflag:s24], $0x1E850  }
0x4ff: {  	[sflag:s24] =	ssyncset.done @!p0 $0x0  }
0x500: {  	[sflag:s24] =	ssyncadd.s32 @!p0 $0xFFFE17B0  }
0x501: {  	[bflag:$0x0] =	sbarrier.arrive $0xFFFF  }
0x502: {  	[tilespmem:s8], [sflag:$0x3] =	stream.indirect.gather [spmem:s3], $0x1, s2, s14, $0xb8;
	[tilespmem:$0x1C628] =	vst v63  }
0x503: {  	_ =	swait.ge [sflag:s7], $0x400  }
0x504: {  	[sflag:s7] =	ssyncset.done $0x0  }
0x505: {  	[sflag:s7] =	ssyncadd.s32 $0xFFFFFC00  }
0x506: {  	[bflag:$0x0] =	sbarrier.arrive $0xFFFF  }
0x507: {  	s12 =	sld [smem:$0x7CE];
	_ =	sdelay $0x2  }
0x508: {  	[hbm4b:s12+s5] =	stream.strided.scatter [tilespmem:s8], [sflag:$0x4], $0x400, s14, s5, $0x38;
	[tilespmem:$0x1C628] =	vst v63  }
0x509: {  	_ =	swait.ge @p0 [sflag:s23], $0x400  }
0x50a: {  	s19 =	sld [smem:$0x7CF]  }
0x50b: {  	[sflag:s23] =	ssyncset.done @p0 $0x0  }
0x50c: {  	[sflag:s23] =	ssyncadd.s32 @p0 $0xFFFFFC00  }
0x50d: {  	[spmem:s31@s29], [sflag:s26] =	dma.strided @!p0 [hbm:s19@s4], $0x1E850, s20, $0x10   }
0x50e: {  	_ =	swait.ge @!p0 [sflag:s10], $0x400  }
0x50f: {  	[sflag:s10] =	ssyncset.done @!p0 $0x0  }
0x510: {  	[sflag:s10] =	ssyncadd.s32 @!p0 $0xFFFFFC00  }
0x511: {  	_ =	swait.ge @!p0 [sflag:s24], $0x1E850  }
0x512: {  	[sflag:s24] =	ssyncset.done @!p0 $0x0  }
0x513: {  	[sflag:s24] =	ssyncadd.s32 @!p0 $0xFFFE17B0  }
0x514: {  	[bflag:$0x0] =	sbarrier.arrive $0xFFFF  }
0x515: {  	[tilespmem:s6], [sflag:$0x3] =	stream.indirect.gather [spmem:s3], $0x1, s2, s14, $0xb8;
	[tilespmem:$0x1C628] =	vst v63  }
0x516: {  	_ =	swait.ge [sflag:s7], $0x400  }
0x517: {  	[sflag:s7] =	ssyncset.done $0x0  }
0x518: {  	[sflag:s7] =	ssyncadd.s32 $0xFFFFFC00  }
0x519: {  	[bflag:$0x0] =	sbarrier.arrive $0xFFFF  }
0x51a: {  	s13 =	sld [smem:$0x7D0];
	_ =	sdelay $0x2  }
0x51b: {  	[hbm4b:s13+s5] =	stream.strided.scatter [tilespmem:s6], [sflag:$0x4], $0x400, s14, s5, $0x38;
	[tilespmem:$0x1C628] =	vst v63  }
0x51c: {  	_ =	swait.ge @p0 [sflag:s23], $0x400  }
0x51d: {  	s19 =	sld [smem:$0x7D1]  }
0x51e: {  	[sflag:s23] =	ssyncset.done @p0 $0x0  }
0x51f: {  	[sflag:s23] =	ssyncadd.s32 @p0 $0xFFFFFC00  }
0x520: {  	[spmem:s31@s29], [sflag:s26] =	dma.strided @!p0 [hbm:s19@s4], $0x1E850, s20, $0x10   }
0x521: {  	_ =	swait.ge @!p0 [sflag:s10], $0x400  }
0x522: {  	[sflag:s10] =	ssyncset.done @!p0 $0x0  }
0x523: {  	[sflag:s10] =	ssyncadd.s32 @!p0 $0xFFFFFC00  }
0x524: {  	_ =	swait.ge @!p0 [sflag:s24], $0x1E850  }
0x525: {  	[sflag:s24] =	ssyncset.done @!p0 $0x0  }
0x526: {  	[sflag:s24] =	ssyncadd.s32 @!p0 $0xFFFE17B0  }
0x527: {  	[bflag:$0x0] =	sbarrier.arrive $0xFFFF  }
0x528: {  	[tilespmem:s8], [sflag:$0x3] =	stream.indirect.gather [spmem:s3], $0x1, s2, s14, $0xb8;
	[tilespmem:$0x1C628] =	vst v63  }
0x529: {  	_ =	swait.ge [sflag:s7], $0x400  }
0x52a: {  	[sflag:s7] =	ssyncset.done $0x0  }
0x52b: {  	[sflag:s7] =	ssyncadd.s32 $0xFFFFFC00  }
0x52c: {  	[bflag:$0x0] =	sbarrier.arrive $0xFFFF  }
0x52d: {  	s16 =	sld [smem:$0x7D2];
	_ =	sdelay $0x2  }
0x52e: {  	[hbm4b:s16+s5] =	stream.strided.scatter [tilespmem:s8], [sflag:$0x4], $0x400, s14, s5, $0x38;
	[tilespmem:$0x1C628] =	vst v63  }
0x52f: {  	_ =	swait.ge @p0 [sflag:s23], $0x400  }
0x530: {  	s19 =	sld [smem:$0x7D3]  }
0x531: {  	[sflag:s23] =	ssyncset.done @p0 $0x0  }
0x532: {  	[sflag:s23] =	ssyncadd.s32 @p0 $0xFFFFFC00  }
0x533: {  	[spmem:s31@s29], [sflag:s26] =	dma.strided @!p0 [hbm:s19@s4], $0x1E850, s20, $0x10   }
0x534: {  	_ =	swait.ge @!p0 [sflag:s10], $0x400  }
0x535: {  	[sflag:s10] =	ssyncset.done @!p0 $0x0  }
0x536: {  	[sflag:s10] =	ssyncadd.s32 @!p0 $0xFFFFFC00  }
0x537: {  	_ =	swait.ge @!p0 [sflag:s24], $0x1E850  }
0x538: {  	[sflag:s24] =	ssyncset.done @!p0 $0x0  }
0x539: {  	[sflag:s24] =	ssyncadd.s32 @!p0 $0xFFFE17B0  }
0x53a: {  	[bflag:$0x0] =	sbarrier.arrive $0xFFFF  }
0x53b: {  	[tilespmem:s6], [sflag:$0x3] =	stream.indirect.gather [spmem:s3], $0x1, s2, s14, $0xb8;
	[tilespmem:$0x1C628] =	vst v63  }
0x53c: {  	_ =	swait.ge [sflag:s7], $0x400  }
0x53d: {  	[sflag:s7] =	ssyncset.done $0x0  }
0x53e: {  	[sflag:s7] =	ssyncadd.s32 $0xFFFFFC00  }
0x53f: {  	[bflag:$0x0] =	sbarrier.arrive $0xFFFF  }
0x540: {  	s17 =	sld [smem:$0x7D4];
	_ =	sdelay $0x2  }
0x541: {  	[hbm4b:s17+s5] =	stream.strided.scatter [tilespmem:s6], [sflag:$0x4], $0x400, s14, s5, $0x38;
	[tilespmem:$0x1C628] =	vst v63  }
0x542: {  	_ =	swait.ge @p0 [sflag:s23], $0x400  }
0x543: {  	s19 =	sld [smem:$0x7D5]  }
0x544: {  	[sflag:s23] =	ssyncset.done @p0 $0x0  }
0x545: {  	[sflag:s23] =	ssyncadd.s32 @p0 $0xFFFFFC00  }
0x546: {  	[spmem:s31@s29], [sflag:s26] =	dma.strided @!p0 [hbm:s19@s4], $0x1E850, s20, $0x10   }
0x547: {  	_ =	swait.ge @!p0 [sflag:s10], $0x400  }
0x548: {  	[sflag:s10] =	ssyncset.done @!p0 $0x0  }
0x549: {  	[sflag:s10] =	ssyncadd.s32 @!p0 $0xFFFFFC00  }
0x54a: {  	_ =	swait.ge @!p0 [sflag:s24], $0x1E850  }
0x54b: {  	[sflag:s24] =	ssyncset.done @!p0 $0x0  }
0x54c: {  	[sflag:s24] =	ssyncadd.s32 @!p0 $0xFFFE17B0  }
0x54d: {  	[bflag:$0x0] =	sbarrier.arrive $0xFFFF  }
0x54e: {  	[tilespmem:s8], [sflag:$0x3] =	stream.indirect.gather [spmem:s3], $0x1, s2, s14, $0xb8;
	[tilespmem:$0x1C628] =	vst v63  }
0x54f: {  	_ =	swait.ge [sflag:s7], $0x400  }
0x550: {  	[sflag:s7] =	ssyncset.done $0x0  }
0x551: {  	[sflag:s7] =	ssyncadd.s32 $0xFFFFFC00  }
0x552: {  	[bflag:$0x0] =	sbarrier.arrive $0xFFFF  }
0x553: {  	s21 =	sld [smem:$0x7D6];
	_ =	sdelay $0x2  }
0x554: {  	[hbm4b:s21+s5] =	stream.strided.scatter [tilespmem:s8], [sflag:$0x4], $0x400, s14, s5, $0x38;
	[tilespmem:$0x1C628] =	vst v63  }
0x555: {  	_ =	swait.ge @p0 [sflag:s23], $0x400  }
0x556: {  	s19 =	sld [smem:$0x7D7]  }
0x557: {  	[sflag:s23] =	ssyncset.done @p0 $0x0  }
0x558: {  	[sflag:s23] =	ssyncadd.s32 @p0 $0xFFFFFC00  }
0x559: {  	[spmem:s31@s29], [sflag:s26] =	dma.strided @!p0 [hbm:s19@s4], $0x1E850, s20, $0x10   }
0x55a: {  	_ =	swait.ge @!p0 [sflag:s10], $0x400  }
0x55b: {  	[sflag:s10] =	ssyncset.done @!p0 $0x0  }
0x55c: {  	[sflag:s10] =	ssyncadd.s32 @!p0 $0xFFFFFC00  }
0x55d: {  	_ =	swait.ge @!p0 [sflag:s24], $0x1E850  }
0x55e: {  	[sflag:s24] =	ssyncset.done @!p0 $0x0  }
0x55f: {  	[sflag:s24] =	ssyncadd.s32 @!p0 $0xFFFE17B0  }
0x560: {  	[bflag:$0x0] =	sbarrier.arrive $0xFFFF  }
0x561: {  	[tilespmem:s6], [sflag:$0x3] =	stream.indirect.gather [spmem:s3], $0x1, s2, s14, $0xb8;
	[tilespmem:$0x1C628] =	vst v63  }
0x562: {  	_ =	swait.ge [sflag:s7], $0x400  }
0x563: {  	[sflag:s7] =	ssyncset.done $0x0  }
0x564: {  	[sflag:s7] =	ssyncadd.s32 $0xFFFFFC00  }
0x565: {  	[bflag:$0x0] =	sbarrier.arrive $0xFFFF  }
0x566: {  	s22 =	sld [smem:$0x7D8];
	_ =	sdelay $0x2  }
0x567: {  	[hbm4b:s22+s5] =	stream.strided.scatter [tilespmem:s6], [sflag:$0x4], $0x400, s14, s5, $0x38;
	[tilespmem:$0x1C628] =	vst v63  }
0x568: {  	_ =	swait.ge @p0 [sflag:s23], $0x400  }
0x569: {  	s19 =	sld [smem:$0x7D9]  }
0x56a: {  	[sflag:s23] =	ssyncset.done @p0 $0x0  }
0x56b: {  	[sflag:s23] =	ssyncadd.s32 @p0 $0xFFFFFC00  }
0x56c: {  	[spmem:s31@s29], [sflag:s26] =	dma.strided @!p0 [hbm:s19@s4], $0x1E850, s20, $0x10   }
0x56d: {  	_ =	swait.ge @!p0 [sflag:s10], $0x400  }
0x56e: {  	[sflag:s10] =	ssyncset.done @!p0 $0x0  }
0x56f: {  	[sflag:s10] =	ssyncadd.s32 @!p0 $0xFFFFFC00  }
0x570: {  	_ =	swait.ge @!p0 [sflag:s24], $0x1E850  }
0x571: {  	[sflag:s24] =	ssyncset.done @!p0 $0x0  }
0x572: {  	[sflag:s24] =	ssyncadd.s32 @!p0 $0xFFFE17B0  }
0x573: {  	[bflag:$0x0] =	sbarrier.arrive $0xFFFF  }
0x574: {  	[tilespmem:s8], [sflag:$0x3] =	stream.indirect.gather [spmem:s3], $0x1, s2, s14, $0xb8;
	[tilespmem:$0x1C628] =	vst v63  }
0x575: {  	_ =	swait.ge [sflag:s7], $0x400  }
0x576: {  	[sflag:s7] =	ssyncset.done $0x0  }
0x577: {  	[sflag:s7] =	ssyncadd.s32 $0xFFFFFC00  }
0x578: {  	[bflag:$0x0] =	sbarrier.arrive $0xFFFF  }
0x579: {  	s28 =	sld [smem:$0x7DA];
	_ =	sdelay $0x2  }
0x57a: {  	[hbm4b:s28+s5] =	stream.strided.scatter [tilespmem:s8], [sflag:$0x4], $0x400, s14, s5, $0x38;
	[tilespmem:$0x1C628] =	vst v63  }
0x57b: {  	_ =	swait.ge @p0 [sflag:s23], $0x400  }
0x57c: {  	s19 =	sld [smem:$0x7DB]  }
0x57d: {  	[sflag:s23] =	ssyncset.done @p0 $0x0  }
0x57e: {  	[sflag:s23] =	ssyncadd.s32 @p0 $0xFFFFFC00  }
0x57f: {  	[spmem:s31@s29], [sflag:s26] =	dma.strided @!p0 [hbm:s19@s4], $0x1E850, s20, $0x10   }
0x580: {  	_ =	swait.ge @!p0 [sflag:s10], $0x400  }
0x581: {  	[sflag:s10] =	ssyncset.done @!p0 $0x0  }
0x582: {  	[sflag:s10] =	ssyncadd.s32 @!p0 $0xFFFFFC00  }
0x583: {  	_ =	swait.ge @!p0 [sflag:s24], $0x1E850  }
0x584: {  	[sflag:s24] =	ssyncset.done @!p0 $0x0  }
0x585: {  	[sflag:s24] =	ssyncadd.s32 @!p0 $0xFFFE17B0  }
0x586: {  	[bflag:$0x0] =	sbarrier.arrive $0xFFFF  }
0x587: {  	[tilespmem:s6], [sflag:$0x3] =	stream.indirect.gather [spmem:s3], $0x1, s2, s14, $0xb8;
	[tilespmem:$0x1C628] =	vst v63  }
0x588: {  	_ =	swait.ge [sflag:s7], $0x400  }
0x589: {  	[sflag:s7] =	ssyncset.done $0x0  }
0x58a: {  	[sflag:s7] =	ssyncadd.s32 $0xFFFFFC00  }
0x58b: {  	[bflag:$0x0] =	sbarrier.arrive $0xFFFF  }
0x58c: {  	s0 =	sld [smem:$0x7DC];
	_ =	sdelay $0x2  }
0x58d: {  	[hbm4b:s0+s5] =	stream.strided.scatter [tilespmem:s6], [sflag:$0x4], $0x400, s14, s5, $0x38;
	[tilespmem:$0x1C628] =	vst v63  }
0x58e: {  	_ =	swait.ge @p0 [sflag:s23], $0x400  }
0x58f: {  	s19 =	sld [smem:$0x7DD]  }
0x590: {  	[sflag:s23] =	ssyncset.done @p0 $0x0  }
0x591: {  	[sflag:s23] =	ssyncadd.s32 @p0 $0xFFFFFC00  }
0x592: {  	[spmem:s31@s29], [sflag:s26] =	dma.strided @!p0 [hbm:s19@s4], $0x1E850, s20, $0x10   }
0x593: {  	_ =	swait.ge @!p0 [sflag:s10], $0x400  }
0x594: {  	[sflag:s10] =	ssyncset.done @!p0 $0x0  }
0x595: {  	[sflag:s10] =	ssyncadd.s32 @!p0 $0xFFFFFC00  }
0x596: {  	_ =	swait.ge @!p0 [sflag:s24], $0x1E850  }
0x597: {  	[sflag:s24] =	ssyncset.done @!p0 $0x0  }
0x598: {  	[sflag:s24] =	ssyncadd.s32 @!p0 $0xFFFE17B0  }
0x599: {  	[bflag:$0x0] =	sbarrier.arrive $0xFFFF  }
0x59a: {  	[tilespmem:s8], [sflag:$0x3] =	stream.indirect.gather [spmem:s3], $0x1, s2, s14, $0xb8;
	[tilespmem:$0x1C628] =	vst v63  }
0x59b: {  	_ =	swait.ge [sflag:s7], $0x400  }
0x59c: {  	[sflag:s7] =	ssyncset.done $0x0  }
0x59d: {  	[sflag:s7] =	ssyncadd.s32 $0xFFFFFC00  }
0x59e: {  	[bflag:$0x0] =	sbarrier.arrive $0xFFFF  }
0x59f: {  	s1 =	sld [smem:$0x7DE];
	_ =	sdelay $0x2  }
0x5a0: {  	[hbm4b:s1+s5] =	stream.strided.scatter [tilespmem:s8], [sflag:$0x4], $0x400, s14, s5, $0x38;
	[tilespmem:$0x1C628] =	vst v63  }
0x5a1: {  	_ =	swait.ge @p0 [sflag:s23], $0x400  }
0x5a2: {  	s19 =	sld [smem:$0x7DF]  }
0x5a3: {  	[sflag:s23] =	ssyncset.done @p0 $0x0  }
0x5a4: {  	[sflag:s23] =	ssyncadd.s32 @p0 $0xFFFFFC00  }
0x5a5: {  	[spmem:s31@s29], [sflag:s26] =	dma.strided @!p0 [hbm:s19@s4], $0x1E850, s20, $0x10   }
0x5a6: {  	_ =	swait.ge @!p0 [sflag:s10], $0x400  }
0x5a7: {  	[sflag:s10] =	ssyncset.done @!p0 $0x0  }
0x5a8: {  	[sflag:s10] =	ssyncadd.s32 @!p0 $0xFFFFFC00  }
0x5a9: {  	_ =	swait.ge @!p0 [sflag:s24], $0x1E850  }
0x5aa: {  	[sflag:s24] =	ssyncset.done @!p0 $0x0  }
0x5ab: {  	[sflag:s24] =	ssyncadd.s32 @!p0 $0xFFFE17B0  }
0x5ac: {  	[bflag:$0x0] =	sbarrier.arrive $0xFFFF  }
0x5ad: {  	[tilespmem:s6], [sflag:$0x3] =	stream.indirect.gather [spmem:s3], $0x1, s2, s14, $0xb8;
	[tilespmem:$0x1C628] =	vst v63  }
0x5ae: {  	_ =	swait.ge [sflag:s7], $0x400  }
0x5af: {  	[sflag:s7] =	ssyncset.done $0x0  }
0x5b0: {  	[sflag:s7] =	ssyncadd.s32 $0xFFFFFC00  }
0x5b1: {  	[bflag:$0x0] =	sbarrier.arrive $0xFFFF  }
0x5b2: {  	s9 =	sld [smem:$0x7E0];
	_ =	sdelay $0x2  }
0x5b3: {  	[hbm4b:s9+s5] =	stream.strided.scatter [tilespmem:s6], [sflag:$0x4], $0x400, s14, s5, $0x38;
	[tilespmem:$0x1C628] =	vst v63  }
0x5b4: {  	_ =	swait.ge @p0 [sflag:s23], $0x400  }
0x5b5: {  	s19 =	sld [smem:$0x7E1]  }
0x5b6: {  	[sflag:s23] =	ssyncset.done @p0 $0x0  }
0x5b7: {  	[sflag:s23] =	ssyncadd.s32 @p0 $0xFFFFFC00  }
0x5b8: {  	[spmem:s31@s29], [sflag:s26] =	dma.strided @!p0 [hbm:s19@s4], $0x1E850, s20, $0x10   }
0x5b9: {  	_ =	swait.ge @!p0 [sflag:s10], $0x400  }
0x5ba: {  	[sflag:s10] =	ssyncset.done @!p0 $0x0  }
0x5bb: {  	[sflag:s10] =	ssyncadd.s32 @!p0 $0xFFFFFC00  }
0x5bc: {  	_ =	swait.ge @!p0 [sflag:s24], $0x1E850  }
0x5bd: {  	[sflag:s24] =	ssyncset.done @!p0 $0x0  }
0x5be: {  	[sflag:s24] =	ssyncadd.s32 @!p0 $0xFFFE17B0  }
0x5bf: {  	[bflag:$0x0] =	sbarrier.arrive $0xFFFF  }
0x5c0: {  	[tilespmem:s8], [sflag:$0x3] =	stream.indirect.gather [spmem:s3], $0x1, s2, s14, $0xb8;
	[tilespmem:$0x1C628] =	vst v63  }
0x5c1: {  	_ =	swait.ge [sflag:s7], $0x400  }
0x5c2: {  	[sflag:s7] =	ssyncset.done $0x0  }
0x5c3: {  	[sflag:s7] =	ssyncadd.s32 $0xFFFFFC00  }
0x5c4: {  	[bflag:$0x0] =	sbarrier.arrive $0xFFFF  }
0x5c5: {  	s12 =	sld [smem:$0x7E2];
	_ =	sdelay $0x2  }
0x5c6: {  	[hbm4b:s12+s5] =	stream.strided.scatter [tilespmem:s8], [sflag:$0x4], $0x400, s14, s5, $0x38;
	[tilespmem:$0x1C628] =	vst v63  }
0x5c7: {  	_ =	swait.ge @p0 [sflag:s23], $0x400  }
0x5c8: {  	s19 =	sld [smem:$0x7E3]  }
0x5c9: {  	[sflag:s23] =	ssyncset.done @p0 $0x0  }
0x5ca: {  	[sflag:s23] =	ssyncadd.s32 @p0 $0xFFFFFC00  }
0x5cb: {  	[spmem:s31@s29], [sflag:s26] =	dma.strided @!p0 [hbm:s19@s4], $0x1E850, s20, $0x10   }
0x5cc: {  	_ =	swait.ge @!p0 [sflag:s10], $0x400  }
0x5cd: {  	[sflag:s10] =	ssyncset.done @!p0 $0x0  }
0x5ce: {  	[sflag:s10] =	ssyncadd.s32 @!p0 $0xFFFFFC00  }
0x5cf: {  	_ =	swait.ge @!p0 [sflag:s24], $0x1E850  }
0x5d0: {  	[sflag:s24] =	ssyncset.done @!p0 $0x0  }
0x5d1: {  	[sflag:s24] =	ssyncadd.s32 @!p0 $0xFFFE17B0  }
0x5d2: {  	[bflag:$0x0] =	sbarrier.arrive $0xFFFF  }
0x5d3: {  	[tilespmem:s6], [sflag:$0x3] =	stream.indirect.gather [spmem:s3], $0x1, s2, s14, $0xb8;
	[tilespmem:$0x1C628] =	vst v63  }
0x5d4: {  	_ =	swait.ge [sflag:s7], $0x400  }
0x5d5: {  	[sflag:s7] =	ssyncset.done $0x0  }
0x5d6: {  	[sflag:s7] =	ssyncadd.s32 $0xFFFFFC00  }
0x5d7: {  	[bflag:$0x0] =	sbarrier.arrive $0xFFFF  }
0x5d8: {  	s13 =	sld [smem:$0x7E4];
	_ =	sdelay $0x2  }
0x5d9: {  	[hbm4b:s13+s5] =	stream.strided.scatter [tilespmem:s6], [sflag:$0x4], $0x400, s14, s5, $0x38;
	[tilespmem:$0x1C628] =	vst v63  }
0x5da: {  	_ =	swait.ge @p0 [sflag:s23], $0x400  }
0x5db: {  	s19 =	sld [smem:$0x7E5]  }
0x5dc: {  	[sflag:s23] =	ssyncset.done @p0 $0x0  }
0x5dd: {  	[sflag:s23] =	ssyncadd.s32 @p0 $0xFFFFFC00  }
0x5de: {  	[spmem:s31@s29], [sflag:s26] =	dma.strided @!p0 [hbm:s19@s4], $0x1E850, s20, $0x10   }
0x5df: {  	_ =	swait.ge @!p0 [sflag:s10], $0x400  }
0x5e0: {  	[sflag:s10] =	ssyncset.done @!p0 $0x0  }
0x5e1: {  	[sflag:s10] =	ssyncadd.s32 @!p0 $0xFFFFFC00  }
0x5e2: {  	_ =	swait.ge @!p0 [sflag:s24], $0x1E850  }
0x5e3: {  	[sflag:s24] =	ssyncset.done @!p0 $0x0  }
0x5e4: {  	[sflag:s24] =	ssyncadd.s32 @!p0 $0xFFFE17B0  }
0x5e5: {  	[bflag:$0x0] =	sbarrier.arrive $0xFFFF  }
0x5e6: {  	[tilespmem:s8], [sflag:$0x3] =	stream.indirect.gather [spmem:s3], $0x1, s2, s14, $0xb8;
	[tilespmem:$0x1C628] =	vst v63  }
0x5e7: {  	_ =	swait.ge [sflag:s7], $0x400  }
0x5e8: {  	[sflag:s7] =	ssyncset.done $0x0  }
0x5e9: {  	[sflag:s7] =	ssyncadd.s32 $0xFFFFFC00  }
0x5ea: {  	[bflag:$0x0] =	sbarrier.arrive $0xFFFF  }
0x5eb: {  	s16 =	sld [smem:$0x7E7];
	_ =	sdelay $0x2  }
0x5ec: {  	[hbm4b:s16+s5] =	stream.strided.scatter [tilespmem:s8], [sflag:$0x4], $0x400, s14, s5, $0x38;
	[tilespmem:$0x1C628] =	vst v63  }
0x5ed: {  	_ =	swait.ge @p0 [sflag:s23], $0x400  }
0x5ee: {  	s19 =	sld [smem:$0x7E9]  }
0x5ef: {  	[sflag:s23] =	ssyncset.done @p0 $0x0  }
0x5f0: {  	[sflag:s23] =	ssyncadd.s32 @p0 $0xFFFFFC00  }
0x5f1: {  	[spmem:s31@s29], [sflag:s26] =	dma.strided @!p0 [hbm:s19@s4], $0x1E850, s20, $0x10   }
0x5f2: {  	_ =	swait.ge @!p0 [sflag:s10], $0x400  }
0x5f3: {  	[sflag:s10] =	ssyncset.done @!p0 $0x0  }
0x5f4: {  	[sflag:s10] =	ssyncadd.s32 @!p0 $0xFFFFFC00  }
0x5f5: {  	_ =	swait.ge @!p0 [sflag:s24], $0x1E850  }
0x5f6: {  	[sflag:s24] =	ssyncset.done @!p0 $0x0  }
0x5f7: {  	[sflag:s24] =	ssyncadd.s32 @!p0 $0xFFFE17B0  }
0x5f8: {  	[bflag:$0x0] =	sbarrier.arrive $0xFFFF  }
0x5f9: {  	[tilespmem:s6], [sflag:$0x3] =	stream.indirect.gather [spmem:s3], $0x1, s2, s14, $0xb8;
	[tilespmem:$0x1C628] =	vst v63  }
0x5fa: {  	_ =	swait.ge [sflag:s7], $0x400  }
0x5fb: {  	[sflag:s7] =	ssyncset.done $0x0  }
0x5fc: {  	[sflag:s7] =	ssyncadd.s32 $0xFFFFFC00  }
0x5fd: {  	[bflag:$0x0] =	sbarrier.arrive $0xFFFF  }
0x5fe: {  	s17 =	sld [smem:$0x7EA];
	_ =	sdelay $0x2  }
0x5ff: {  	[hbm4b:s17+s5] =	stream.strided.scatter [tilespmem:s6], [sflag:$0x4], $0x400, s14, s5, $0x38;
	[tilespmem:$0x1C628] =	vst v63  }
0x600: {  	_ =	swait.ge @p0 [sflag:s23], $0x400  }
0x601: {  	s19 =	sld [smem:$0x7EB]  }
0x602: {  	[sflag:s23] =	ssyncset.done @p0 $0x0  }
0x603: {  	[sflag:s23] =	ssyncadd.s32 @p0 $0xFFFFFC00  }
0x604: {  	[spmem:s31@s29], [sflag:s26] =	dma.strided @!p0 [hbm:s19@s4], $0x1E850, s20, $0x10   }
0x605: {  	_ =	swait.ge @!p0 [sflag:s10], $0x400  }
0x606: {  	[sflag:s10] =	ssyncset.done @!p0 $0x0  }
0x607: {  	[sflag:s10] =	ssyncadd.s32 @!p0 $0xFFFFFC00  }
0x608: {  	_ =	swait.ge @!p0 [sflag:s24], $0x1E850  }
0x609: {  	[sflag:s24] =	ssyncset.done @!p0 $0x0  }
0x60a: {  	[sflag:s24] =	ssyncadd.s32 @!p0 $0xFFFE17B0  }
0x60b: {  	[bflag:$0x0] =	sbarrier.arrive $0xFFFF  }
0x60c: {  	[tilespmem:s8], [sflag:$0x3] =	stream.indirect.gather [spmem:s3], $0x1, s2, s14, $0xb8;
	[tilespmem:$0x1C628] =	vst v63  }
0x60d: {  	_ =	swait.ge [sflag:s7], $0x400  }
0x60e: {  	[sflag:s7] =	ssyncset.done $0x0  }
0x60f: {  	[sflag:s7] =	ssyncadd.s32 $0xFFFFFC00  }
0x610: {  	[bflag:$0x0] =	sbarrier.arrive $0xFFFF  }
0x611: {  	s21 =	sld [smem:$0x7EC];
	_ =	sdelay $0x2  }
0x612: {  	[hbm4b:s21+s5] =	stream.strided.scatter [tilespmem:s8], [sflag:$0x4], $0x400, s14, s5, $0x38;
	[tilespmem:$0x1C628] =	vst v63  }
0x613: {  	_ =	swait.ge @p0 [sflag:s23], $0x400  }
0x614: {  	s19 =	sld [smem:$0x7ED]  }
0x615: {  	[sflag:s23] =	ssyncset.done @p0 $0x0  }
0x616: {  	[sflag:s23] =	ssyncadd.s32 @p0 $0xFFFFFC00  }
0x617: {  	[spmem:s31@s29], [sflag:s26] =	dma.strided @!p0 [hbm:s19@s4], $0x1E850, s20, $0x10   }
0x618: {  	_ =	swait.ge @!p0 [sflag:s10], $0x400  }
0x619: {  	[sflag:s10] =	ssyncset.done @!p0 $0x0  }
0x61a: {  	[sflag:s10] =	ssyncadd.s32 @!p0 $0xFFFFFC00  }
0x61b: {  	_ =	swait.ge @!p0 [sflag:s24], $0x1E850  }
0x61c: {  	[sflag:s24] =	ssyncset.done @!p0 $0x0  }
0x61d: {  	[sflag:s24] =	ssyncadd.s32 @!p0 $0xFFFE17B0  }
0x61e: {  	[bflag:$0x0] =	sbarrier.arrive $0xFFFF  }
0x61f: {  	[tilespmem:s6], [sflag:$0x3] =	stream.indirect.gather [spmem:s3], $0x1, s2, s14, $0xb8;
	[tilespmem:$0x1C628] =	vst v63  }
0x620: {  	_ =	swait.ge [sflag:s7], $0x400  }
0x621: {  	[sflag:s7] =	ssyncset.done $0x0  }
0x622: {  	[sflag:s7] =	ssyncadd.s32 $0xFFFFFC00  }
0x623: {  	[bflag:$0x0] =	sbarrier.arrive $0xFFFF  }
0x624: {  	s22 =	sld [smem:$0x7EE];
	_ =	sdelay $0x2  }
0x625: {  	[hbm4b:s22+s5] =	stream.strided.scatter [tilespmem:s6], [sflag:$0x4], $0x400, s14, s5, $0x38;
	[tilespmem:$0x1C628] =	vst v63  }
0x626: {  	_ =	swait.ge @p0 [sflag:s23], $0x400  }
0x627: {  	s19 =	sld [smem:$0x7EF]  }
0x628: {  	[sflag:s23] =	ssyncset.done @p0 $0x0  }
0x629: {  	[sflag:s23] =	ssyncadd.s32 @p0 $0xFFFFFC00  }
0x62a: {  	[spmem:s31@s29], [sflag:s26] =	dma.strided @!p0 [hbm:s19@s4], $0x1E850, s20, $0x10   }
0x62b: {  	_ =	swait.ge @!p0 [sflag:s10], $0x400  }
0x62c: {  	[sflag:s10] =	ssyncset.done @!p0 $0x0  }
0x62d: {  	[sflag:s10] =	ssyncadd.s32 @!p0 $0xFFFFFC00  }
0x62e: {  	_ =	swait.ge @!p0 [sflag:s24], $0x1E850  }
0x62f: {  	[sflag:s24] =	ssyncset.done @!p0 $0x0  }
0x630: {  	[sflag:s24] =	ssyncadd.s32 @!p0 $0xFFFE17B0  }
0x631: {  	[bflag:$0x0] =	sbarrier.arrive $0xFFFF  }
0x632: {  	[tilespmem:s8], [sflag:$0x3] =	stream.indirect.gather [spmem:s3], $0x1, s2, s14, $0xb8;
	[tilespmem:$0x1C628] =	vst v63  }
0x633: {  	_ =	swait.ge [sflag:s7], $0x400  }
0x634: {  	[sflag:s7] =	ssyncset.done $0x0  }
0x635: {  	[sflag:s7] =	ssyncadd.s32 $0xFFFFFC00  }
0x636: {  	[bflag:$0x0] =	sbarrier.arrive $0xFFFF  }
0x637: {  	s28 =	sld [smem:$0x7F1];
	_ =	sdelay $0x2  }
0x638: {  	[hbm4b:s28+s5] =	stream.strided.scatter [tilespmem:s8], [sflag:$0x4], $0x400, s14, s5, $0x38;
	[tilespmem:$0x1C628] =	vst v63  }
0x639: {  	_ =	swait.ge @p0 [sflag:s23], $0x400  }
0x63a: {  	s19 =	sld [smem:$0x7F3]  }
0x63b: {  	[sflag:s23] =	ssyncset.done @p0 $0x0  }
0x63c: {  	[sflag:s23] =	ssyncadd.s32 @p0 $0xFFFFFC00  }
0x63d: {  	[spmem:s31@s29], [sflag:s26] =	dma.strided @!p0 [hbm:s19@s4], $0x1E850, s20, $0x10   }
0x63e: {  	_ =	swait.ge @!p0 [sflag:s10], $0x400  }
0x63f: {  	[sflag:s10] =	ssyncset.done @!p0 $0x0  }
0x640: {  	[sflag:s10] =	ssyncadd.s32 @!p0 $0xFFFFFC00  }
0x641: {  	_ =	swait.ge @!p0 [sflag:s24], $0x1E850  }
0x642: {  	[sflag:s24] =	ssyncset.done @!p0 $0x0  }
0x643: {  	[sflag:s24] =	ssyncadd.s32 @!p0 $0xFFFE17B0  }
0x644: {  	[bflag:$0x0] =	sbarrier.arrive $0xFFFF  }
0x645: {  	[tilespmem:s6], [sflag:$0x3] =	stream.indirect.gather [spmem:s3], $0x1, s2, s14, $0xb8;
	[tilespmem:$0x1C628] =	vst v63  }
0x646: {  	_ =	swait.ge [sflag:s7], $0x400  }
0x647: {  	[sflag:s7] =	ssyncset.done $0x0  }
0x648: {  	[sflag:s7] =	ssyncadd.s32 $0xFFFFFC00  }
0x649: {  	[bflag:$0x0] =	sbarrier.arrive $0xFFFF  }
0x64a: {  	s18 =	smov.u32 s31;
	s31 =	sld [smem:$0x7F4];
	_ =	sdelay $0x1  }
0x64b: {  	s3 =	simm.s32 $0x400  }
0x64c: {  	[hbm4b:s31+s5] =	stream.strided.scatter [tilespmem:s6], [sflag:$0x4], $0x400, s3, s5, $0x38;
	[tilespmem:$0x1C628] =	vst v63  }
.Ltmp2:
0x64d: {  	_ =	swait.ge [sflag:s15], $0x400;
	(pc) =	sbr.rel @p2 .LBB2_4-.Ltmp2, $4  }
0x64e: {  	[sflag:s15] =	ssyncset.done $0x0  }
0x64f: {  	[sflag:s15] =	ssyncadd.s32 $0xFFFFFC00  }
0x650: {  	_ =	swait.ge [sflag:s15], $0x400  }
0x651: {  	s30 =	rddreg [dreg:$0x6];
	[sflag:s15] =	ssyncset.done $0x0  }
0x652: {  	s13 =	sld [smem:$0x7BD]  }
0x653: {  	s25 =	sld [smem:$0x7BB]  }
0x654: {  	s10 =	sld [smem:$0x7BC]  }
0x655: {  	s21 =	sld [smem:$0x7BA];
	s24 =	simm.s32 $0x600;
	s31 =	simm.s32 $0x800  }
0x656: {  	s22 =	simm.s32 $0x5200;
	s28 =	simm.s32 $0x1200;
	s1 =	rddreg [dreg:$0x4]  }
.LBB2_6:
0x657: {  	[sflag:s15] =	ssyncadd.s32 @p1 $0xFFFFFC00;
	s14 =	simm.s32 $0x5  }
0x658: {  	[tilespmem:s2], [sflag:$0x5] =	stream.linear.gather [hbm4b:s30+s2], $0x400, $0x38;
	[tilespmem:$0x1C628] =	vst v63  }
0x659: {  	_ =	swait.ge [sflag:s14], $0x400  }
0x65a: {  	s0 =	rddreg [dreg:$0x7];
	[sflag:s14] =	ssyncset.done $0x0  }
0x65b: {  	[sflag:s14] =	ssyncadd.s32 $0xFFFFFC00  }
0x65c: {  	[tilespmem:s3], [sflag:$0x5] =	stream.linear.gather [hbm4b:s0+s2], $0x200, $0x38;
	[tilespmem:$0x1C628] =	vst v63  }
0x65d: {  	_ =	swait.ge [sflag:s14], $0x200  }
0x65e: {  	[sflag:s14] =	ssyncset.done $0x0  }
0x65f: {  	s19 =	rddreg [dreg:$0x8];
	[sflag:s14] =	ssyncadd.s32 $0xFFFFFE00  }
0x660: {  	[tilespmem:s24], [sflag:$0x5] =	stream.linear.gather [hbm4b:s19+s2], $0x200, $0x38;
	[tilespmem:$0x1C628] =	vst v63  }
0x661: {  	_ =	swait.ge [sflag:s14], $0x200  }
0x662: {  	[sflag:s14] =	ssyncset.done $0x0  }
0x663: {  	s20 =	rddreg [dreg:$0x9];
	[sflag:s14] =	ssyncadd.s32 $0xFFFFFE00  }
0x664: {  	[tilespmem:s31], [sflag:$0x5] =	stream.linear.gather [hbm4b:s20+s2], $0x200, $0x38;
	[tilespmem:$0x1C628] =	vst v63  }
0x665: {  	_ =	swait.ge [sflag:s14], $0x200  }
0x666: {  	s29 =	simm.s32 @!p0 $0x10;
	s16 =	simm.s32 @!p0 $0x80;
	[sflag:s14] =	ssyncset.done $0x0  }
0x667: {  	s30 =	simm.s32 @!p0 $0x1C02;
	s19 =	simm.s32 @!p0 $0x1;
	[sflag:s14] =	ssyncadd.s32 $0xFFFFFE00  }
0x668: {  	[spmem:s18@s29], [sflag:s30] =	dma.strided @!p0 [hbm:s21@s16], $0x1E850, s19, $0x10   }
0x669: {  	s11 =	sld [smem:$0x7E6];
	_ =	sdelay $0x1  }
0x66a: {  	s12 =	sld [smem:$0x7E8]  }
0x66b: {  	[tilespmem:s28], [sflag:$0x1] =	stream.indirect.gather [hbm4b:s11+s5], $0x80, s3, s5, $0xb8;
	[tilespmem:$0x1C628] =	vst v63  }
0x66c: {  	_ = 	snop  }
0x66d: {  	[tilespmem:s22], [sflag:$0x1] =	stream.indirect.gather [hbm4b:s12+s5], $0x80, s24, s5, $0xb8;
	[tilespmem:$0x1C628] =	vst v63  }
0x66e: {  	s20 =	simm.s32 $0x1;
	s21 =	simm.s32 $0x9200;
	s5 =	simm.s32 $0x80  }
0x66f: {  	[tilespmem:s21], [sflag:$0x1] =	stream.indirect.gather [hbm4b:s13+s5], $0x80, s31, s5, $0xb8;
	[tilespmem:$0x1C628] =	vst v63  }
0x670: {  	_ =	swait.ge [sflag:s20], $0x4000  }
0x671: {  	[sflag:s20] =	ssyncset.done $0x0  }
0x672: {  	[sflag:s20] =	ssyncadd.s32 $0xFFFFC000  }
0x673: {  	_ =	swait.ge [sflag:s20], $0x4000  }
0x674: {  	[sflag:s20] =	ssyncset.done $0x0  }
0x675: {  	[sflag:s20] =	ssyncadd.s32 $0xFFFFC000  }
0x676: {  	_ =	swait.ge [sflag:s20], $0x4000  }
0x677: {  	[sflag:s20] =	ssyncset.done $0x0  }
0x678: {  	s24 =	rddreg [dreg:$0xa];
	[sflag:s20] =	ssyncadd.s32 $0xFFFFC000  }
0x679: {  	[hbm4b:s24+s2] =	stream.linear.scatter [tilespmem:s28], [sflag:$0x5], $0x4000, $0x38;
	[tilespmem:$0x1C628] =	vst v63  }
0x67a: {  	_ =	swait.ge [sflag:s14], $0x4000  }
0x67b: {  	[sflag:s14] =	ssyncset.done $0x0  }
0x67c: {  	s26 =	rddreg [dreg:$0xb];
	[sflag:s14] =	ssyncadd.s32 $0xFFFFC000  }
0x67d: {  	[hbm4b:s26+s2] =	stream.linear.scatter [tilespmem:s22], [sflag:$0x5], $0x4000, $0x38;
	[tilespmem:$0x1C628] =	vst v63  }
0x67e: {  	_ =	swait.ge [sflag:s14], $0x4000  }
0x67f: {  	[sflag:s14] =	ssyncset.done $0x0  }
0x680: {  	s23 =	simm.s32 $0x9200;
	s31 =	rddreg [dreg:$0xc];
	[sflag:s14] =	ssyncadd.s32 $0xFFFFC000  }
0x681: {  	[hbm4b:s31+s2] =	stream.linear.scatter [tilespmem:s23], [sflag:$0x5], $0x4000, $0x38;
	[tilespmem:$0x1C628] =	vst v63  }
0x682: {  	_ =	swait.ge [sflag:s14], $0x4000  }
0x683: {  	[sflag:s14] =	ssyncset.done $0x0  }
0x684: {  	s9 =	simm.s32 @p0 $0x400;
	s0 =	simm.s32 @p0 $0x0;
	[sflag:s14] =	ssyncadd.s32 $0xFFFFC000  }
0x685: {  	s24 =	simm.s32 @p0 $0x3;
	s23 =	simm.s32 @p0 $0xA00;
	[bflag:$0x0] =	sbarrier.arrive @p0 $0xFFFF  }
0x686: {  	[tilespmem:s23], [sflag:$0x3] =	stream.indirect.gather @p0 [spmem:s1], $0x1, s0, s9, $0xb8;
	[tilespmem:$0x1C628] =	vst v63  }
0x687: {  	_ =	swait.ge @p0 [sflag:s24], $0x400  }
0x688: {  	[sflag:s24] =	ssyncset.done @p0 $0x0  }
0x689: {  	[sflag:s24] =	ssyncadd.s32 @p0 $0xFFFFFC00  }
0x68a: {  	s21 =	simm.s32 @p0 $0x80;
	[bflag:$0x0] =	sbarrier.arrive @p0 $0xFFFF  }
0x68b: {  	[hbm4b:s25+s21] =	stream.strided.scatter @p0 [tilespmem:s23], [sflag:$0x4], $0x400, s9, s21, $0x38;
	[tilespmem:$0x1C628] =	vst v63  }
0x68c: {  	s21 =	simm.s32 @!p0 $0x2  }
0x68d: {  	_ =	swait.ge @!p0 [sflag:s21], $0x1E850  }
0x68e: {  	s4 =	simm.s32 @!p0 $0xA00;
	[sflag:s21] =	ssyncset.done @!p0 $0x0  }
0x68f: {  	s26 =	simm.s32 @!p0 $0x3;
	s0 =	smov.u32 s25;
	[sflag:s21] =	ssyncadd.s32 @!p0 $0xFFFE17B0  }
0x690: {  	s23 =	simm.s32 @!p0 $0x400;
	s25 =	simm.s32 @!p0 $0x0;
	[bflag:$0x0] =	sbarrier.arrive @!p0 $0xFFFF  }
0x691: {  	[tilespmem:s4], [sflag:$0x3] =	stream.indirect.gather @!p0 [spmem:s1], $0x1, s25, s23, $0xb8;
	[tilespmem:$0x1C628] =	vst v63  }
0x692: {  	_ =	swait.ge @!p0 [sflag:s26], $0x400  }
0x693: {  	[sflag:s26] =	ssyncset.done @!p0 $0x0  }
0x694: {  	[sflag:s26] =	ssyncadd.s32 @!p0 $0xFFFFFC00  }
0x695: {  	[bflag:$0x0] =	sbarrier.arrive @!p0 $0xFFFF  }
0x696: {  	s25 =	rddreg [dreg:$0xd]  }
0x697: {  	[hbm4b:s0+s16] =	stream.strided.scatter @!p0 [tilespmem:s4], [sflag:$0x4], $0x400, s23, s16, $0x38;
	[tilespmem:$0x1C628] =	vst v63  }
0x698: {  	[spmem:s18@s29], [sflag:s30] =	dma.strided @!p0 [hbm:s25@s16], $0x1E850, s19, $0x10   }
0x699: {  	s25 =	sld [smem:$0x7F5];
	_ =	sdelay $0x1  }
0x69a: {  	s4 =	sld [smem:$0x7F6]  }
0x69b: {  	[tilespmem:s28], [sflag:$0x1] =	stream.indirect.gather [hbm4b:s11+s5], $0x80, s25, s5, $0xb8;
	[tilespmem:$0x1C628] =	vst v63  }
0x69c: {  	s17 =	sld [smem:$0x7F7]  }
0x69d: {  	[tilespmem:s22], [sflag:$0x1] =	stream.indirect.gather [hbm4b:s12+s5], $0x80, s4, s5, $0xb8;
	[tilespmem:$0x1C628] =	vst v63  }
0x69e: {  	s0 =	simm.s32 $0x9200  }
0x69f: {  	[tilespmem:s0], [sflag:$0x1] =	stream.indirect.gather [hbm4b:s13+s5], $0x80, s17, s5, $0xb8;
	[tilespmem:$0x1C628] =	vst v63  }
0x6a0: {  	_ =	swait.ge [sflag:s20], $0x4000  }
0x6a1: {  	[sflag:s20] =	ssyncset.done $0x0  }
0x6a2: {  	[sflag:s20] =	ssyncadd.s32 $0xFFFFC000  }
0x6a3: {  	_ =	swait.ge [sflag:s20], $0x4000  }
0x6a4: {  	[sflag:s20] =	ssyncset.done $0x0  }
0x6a5: {  	[sflag:s20] =	ssyncadd.s32 $0xFFFFC000  }
0x6a6: {  	_ =	swait.ge [sflag:s20], $0x4000  }
0x6a7: {  	[sflag:s20] =	ssyncset.done $0x0  }
0x6a8: {  	s4 =	rddreg [dreg:$0xe];
	[sflag:s20] =	ssyncadd.s32 $0xFFFFC000  }
0x6a9: {  	[hbm4b:s4+s2] =	stream.linear.scatter [tilespmem:s28], [sflag:$0x5], $0x4000, $0x38;
	[tilespmem:$0x1C628] =	vst v63  }
0x6aa: {  	_ =	swait.ge [sflag:s14], $0x4000  }
0x6ab: {  	[sflag:s14] =	ssyncset.done $0x0  }
0x6ac: {  	s17 =	rddreg [dreg:$0xf];
	[sflag:s14] =	ssyncadd.s32 $0xFFFFC000  }
0x6ad: {  	[hbm4b:s17+s2] =	stream.linear.scatter [tilespmem:s22], [sflag:$0x5], $0x4000, $0x38;
	[tilespmem:$0x1C628] =	vst v63  }
0x6ae: {  	_ =	swait.ge [sflag:s14], $0x4000  }
0x6af: {  	[sflag:s14] =	ssyncset.done $0x0  }
0x6b0: {  	s31 =	rddreg [dreg:$0x10];
	[sflag:s14] =	ssyncadd.s32 $0xFFFFC000  }
0x6b1: {  	[hbm4b:s31+s2] =	stream.linear.scatter [tilespmem:s0], [sflag:$0x5], $0x4000, $0x38;
	[tilespmem:$0x1C628] =	vst v63  }
0x6b2: {  	_ =	swait.ge [sflag:s14], $0x4000  }
0x6b3: {  	[sflag:s14] =	ssyncset.done $0x0  }
0x6b4: {  	[sflag:s14] =	ssyncadd.s32 $0xFFFFC000  }
0x6b5: {  	s4 =	simm.s32 @p0 $0xE00;
	s0 =	simm.s32 @p0 $0x0;
	[bflag:$0x0] =	sbarrier.arrive @p0 $0xFFFF  }
0x6b6: {  	[tilespmem:s4], [sflag:$0x3] =	stream.indirect.gather @p0 [spmem:s1], $0x1, s0, s9, $0xb8;
	[tilespmem:$0x1C628] =	vst v63  }
0x6b7: {  	_ =	swait.ge @p0 [sflag:s24], $0x400  }
0x6b8: {  	[sflag:s24] =	ssyncset.done @p0 $0x0  }
0x6b9: {  	[sflag:s24] =	ssyncadd.s32 @p0 $0xFFFFFC00  }
0x6ba: {  	s0 =	simm.s32 @p0 $0x80;
	[bflag:$0x0] =	sbarrier.arrive @p0 $0xFFFF  }
0x6bb: {  	[hbm4b:s10+s0] =	stream.strided.scatter @p0 [tilespmem:s4], [sflag:$0x4], $0x400, s9, s0, $0x38;
	[tilespmem:$0x1C628] =	vst v63  }
0x6bc: {  	_ =	swait.ge @!p0 [sflag:s21], $0x1E850  }
0x6bd: {  	[sflag:s21] =	ssyncset.done @!p0 $0x0  }
0x6be: {  	[sflag:s21] =	ssyncadd.s32 @!p0 $0xFFFE17B0  }
0x6bf: {  	s31 =	simm.s32 @!p0 $0x0;
	s0 =	simm.s32 @!p0 $0xE00;
	[bflag:$0x0] =	sbarrier.arrive @!p0 $0xFFFF  }
0x6c0: {  	[tilespmem:s0], [sflag:$0x3] =	stream.indirect.gather @!p0 [spmem:s1], $0x1, s31, s23, $0xb8;
	[tilespmem:$0x1C628] =	vst v63  }
0x6c1: {  	_ =	swait.ge @!p0 [sflag:s26], $0x400  }
0x6c2: {  	[sflag:s26] =	ssyncset.done @!p0 $0x0  }
0x6c3: {  	[sflag:s26] =	ssyncadd.s32 @!p0 $0xFFFFFC00  }
0x6c4: {  	[bflag:$0x0] =	sbarrier.arrive @!p0 $0xFFFF  }
0x6c5: {  	s4 =	simm.s32 @!p0 $0xE00;
	s0 =	rddreg [dreg:$0x11]  }
0x6c6: {  	[hbm4b:s10+s16] =	stream.strided.scatter @!p0 [tilespmem:s4], [sflag:$0x4], $0x400, s23, s16, $0x38;
	[tilespmem:$0x1C628] =	vst v63  }
0x6c7: {  	[spmem:s18@s29], [sflag:s30] =	dma.strided @!p0 [hbm:s0@s16], $0x1E850, s19, $0x10   }
0x6c8: {  	s0 =	sld [smem:$0x7F8];
	_ =	sdelay $0x1  }
0x6c9: {  	s4 =	sld [smem:$0x7F9]  }
0x6ca: {  	[tilespmem:s28], [sflag:$0x1] =	stream.indirect.gather [hbm4b:s11+s5], $0x80, s0, s5, $0xb8;
	[tilespmem:$0x1C628] =	vst v63  }
0x6cb: {  	s17 =	sld [smem:$0x7FA]  }
0x6cc: {  	[tilespmem:s22], [sflag:$0x1] =	stream.indirect.gather [hbm4b:s12+s5], $0x80, s4, s5, $0xb8;
	[tilespmem:$0x1C628] =	vst v63  }
0x6cd: {  	s25 =	simm.s32 $0x9200  }
0x6ce: {  	[tilespmem:s25], [sflag:$0x1] =	stream.indirect.gather [hbm4b:s13+s5], $0x80, s17, s5, $0xb8;
	[tilespmem:$0x1C628] =	vst v63  }
0x6cf: {  	_ =	swait.ge [sflag:s20], $0x4000  }
0x6d0: {  	[sflag:s20] =	ssyncset.done $0x0  }
0x6d1: {  	[sflag:s20] =	ssyncadd.s32 $0xFFFFC000  }
0x6d2: {  	_ =	swait.ge [sflag:s20], $0x4000  }
0x6d3: {  	[sflag:s20] =	ssyncset.done $0x0  }
0x6d4: {  	[sflag:s20] =	ssyncadd.s32 $0xFFFFC000  }
0x6d5: {  	_ =	swait.ge [sflag:s20], $0x4000  }
0x6d6: {  	[sflag:s20] =	ssyncset.done $0x0  }
0x6d7: {  	s4 =	rddreg [dreg:$0x12];
	[sflag:s20] =	ssyncadd.s32 $0xFFFFC000  }
0x6d8: {  	[hbm4b:s4+s2] =	stream.linear.scatter [tilespmem:s28], [sflag:$0x5], $0x4000, $0x38;
	[tilespmem:$0x1C628] =	vst v63  }
0x6d9: {  	_ =	swait.ge [sflag:s14], $0x4000  }
0x6da: {  	[sflag:s14] =	ssyncset.done $0x0  }
0x6db: {  	s10 =	rddreg [dreg:$0x13];
	[sflag:s14] =	ssyncadd.s32 $0xFFFFC000  }
0x6dc: {  	[hbm4b:s10+s2] =	stream.linear.scatter [tilespmem:s22], [sflag:$0x5], $0x4000, $0x38;
	[tilespmem:$0x1C628] =	vst v63  }
0x6dd: {  	_ =	swait.ge [sflag:s14], $0x4000  }
0x6de: {  	[sflag:s14] =	ssyncset.done $0x0  }
0x6df: {  	s17 =	rddreg [dreg:$0x14];
	[sflag:s14] =	ssyncadd.s32 $0xFFFFC000  }
0x6e0: {  	[hbm4b:s17+s2] =	stream.linear.scatter [tilespmem:s25], [sflag:$0x5], $0x4000, $0x38;
	[tilespmem:$0x1C628] =	vst v63  }
0x6e1: {  	_ =	swait.ge [sflag:s14], $0x4000  }
0x6e2: {  	[sflag:s14] =	ssyncset.done $0x0  }
0x6e3: {  	[sflag:s14] =	ssyncadd.s32 $0xFFFFC000  }
0x6e4: {  	_ =	swait.ge [sflag:s15], $0x400  }
0x6e5: {  	[sflag:s15] =	ssyncset.done $0x0  }
0x6e6: {  	[sflag:s15] =	ssyncadd.s32 $0xFFFFFC00  }
0x6e7: {  	s0 =	simm.s32 @p0 $0x0;
	s17 =	simm.s32 @p0 $0xA00;
	[bflag:$0x0] =	sbarrier.arrive @p0 $0xFFFF  }
0x6e8: {  	[tilespmem:s17], [sflag:$0x3] =	stream.indirect.gather @p0 [spmem:s1], $0x1, s0, s9, $0xb8;
	[tilespmem:$0x1C628] =	vst v63  }
0x6e9: {  	_ =	swait.ge @p0 [sflag:s24], $0x400  }
0x6ea: {  	[sflag:s24] =	ssyncset.done @p0 $0x0  }
0x6eb: {  	[sflag:s24] =	ssyncadd.s32 @p0 $0xFFFFFC00  }
0x6ec: {  	[bflag:$0x0] =	sbarrier.arrive @p0 $0xFFFF  }
0x6ed: {  	s10 =	sld [smem:$0x7F0];
	_ =	sdelay $0x1  }
0x6ee: {  	s0 =	simm.s32 @p0 $0x80  }
0x6ef: {  	[hbm4b:s10+s0] =	stream.strided.scatter @p0 [tilespmem:s17], [sflag:$0x4], $0x400, s9, s0, $0x38;
	[tilespmem:$0x1C628] =	vst v63  }
0x6f0: {  	_ =	swait.ge @!p0 [sflag:s21], $0x1E850  }
0x6f1: {  	[sflag:s21] =	ssyncset.done @!p0 $0x0  }
0x6f2: {  	[sflag:s21] =	ssyncadd.s32 @!p0 $0xFFFE17B0  }
0x6f3: {  	s4 =	simm.s32 @!p0 $0xA00;
	[bflag:$0x0] =	sbarrier.arrive @!p0 $0xFFFF  }
0x6f4: {  	[tilespmem:s4], [sflag:$0x3] =	stream.indirect.gather @!p0 [spmem:s1], $0x1, s31, s23, $0xb8;
	[tilespmem:$0x1C628] =	vst v63  }
0x6f5: {  	_ =	swait.ge @!p0 [sflag:s26], $0x400  }
0x6f6: {  	[sflag:s26] =	ssyncset.done @!p0 $0x0  }
0x6f7: {  	[sflag:s26] =	ssyncadd.s32 @!p0 $0xFFFFFC00  }
0x6f8: {  	[bflag:$0x0] =	sbarrier.arrive @!p0 $0xFFFF  }
0x6f9: {  	s0 =	rddreg [dreg:$0x15]  }
0x6fa: {  	[hbm4b:s10+s16] =	stream.strided.scatter @!p0 [tilespmem:s4], [sflag:$0x4], $0x400, s23, s16, $0x38;
	[tilespmem:$0x1C628] =	vst v63  }
0x6fb: {  	[spmem:s18@s29], [sflag:s30] =	dma.strided @!p0 [hbm:s0@s16], $0x1E850, s19, $0x10   }
0x6fc: {  	s0 =	sld [smem:$0x7FB];
	_ =	sdelay $0x1  }
0x6fd: {  	s4 =	sld [smem:$0x7FC]  }
0x6fe: {  	[tilespmem:s28], [sflag:$0x1] =	stream.indirect.gather [hbm4b:s11+s5], $0x80, s0, s5, $0xb8;
	[tilespmem:$0x1C628] =	vst v63  }
0x6ff: {  	s11 =	sld [smem:$0x7FD]  }
0x700: {  	[tilespmem:s22], [sflag:$0x1] =	stream.indirect.gather [hbm4b:s12+s5], $0x80, s4, s5, $0xb8;
	[tilespmem:$0x1C628] =	vst v63  }
0x701: {  	_ = 	snop  }
0x702: {  	[tilespmem:s25], [sflag:$0x1] =	stream.indirect.gather [hbm4b:s13+s5], $0x80, s11, s5, $0xb8;
	[tilespmem:$0x1C628] =	vst v63  }
0x703: {  	_ =	swait.ge [sflag:s20], $0x4000  }
0x704: {  	[sflag:s20] =	ssyncset.done $0x0  }
0x705: {  	[sflag:s20] =	ssyncadd.s32 $0xFFFFC000  }
0x706: {  	_ =	swait.ge [sflag:s20], $0x4000  }
0x707: {  	[sflag:s20] =	ssyncset.done $0x0  }
0x708: {  	[sflag:s20] =	ssyncadd.s32 $0xFFFFC000  }
0x709: {  	_ =	swait.ge [sflag:s20], $0x4000  }
0x70a: {  	[sflag:s20] =	ssyncset.done $0x0  }
0x70b: {  	s13 =	rddreg [dreg:$0x16];
	[sflag:s20] =	ssyncadd.s32 $0xFFFFC000  }
0x70c: {  	[hbm4b:s13+s2] =	stream.linear.scatter [tilespmem:s28], [sflag:$0x5], $0x4000, $0x38;
	[tilespmem:$0x1C628] =	vst v63  }
0x70d: {  	_ =	swait.ge [sflag:s14], $0x4000  }
0x70e: {  	[sflag:s14] =	ssyncset.done $0x0  }
0x70f: {  	s20 =	rddreg [dreg:$0x17];
	[sflag:s14] =	ssyncadd.s32 $0xFFFFC000  }
0x710: {  	[hbm4b:s20+s2] =	stream.linear.scatter [tilespmem:s22], [sflag:$0x5], $0x4000, $0x38;
	[tilespmem:$0x1C628] =	vst v63  }
0x711: {  	_ =	swait.ge [sflag:s14], $0x4000  }
0x712: {  	[sflag:s14] =	ssyncset.done $0x0  }
0x713: {  	s28 =	rddreg [dreg:$0x18];
	[sflag:s14] =	ssyncadd.s32 $0xFFFFC000  }
0x714: {  	[hbm4b:s28+s2] =	stream.linear.scatter [tilespmem:s25], [sflag:$0x5], $0x4000, $0x38;
	[tilespmem:$0x1C628] =	vst v63  }
0x715: {  	_ =	swait.ge [sflag:s14], $0x4000  }
0x716: {  	[sflag:s14] =	ssyncset.done $0x0  }
0x717: {  	[sflag:s14] =	ssyncadd.s32 $0xFFFFC000  }
0x718: {  	_ =	swait.ge [sflag:s15], $0x400  }
0x719: {  	[sflag:s15] =	ssyncset.done $0x0  }
0x71a: {  	[sflag:s15] =	ssyncadd.s32 $0xFFFFFC00  }
0x71b: {  	s0 =	simm.s32 @p0 $0xE00;
	s4 =	simm.s32 @p0 $0x0;
	[bflag:$0x0] =	sbarrier.arrive @p0 $0xFFFF  }
0x71c: {  	[tilespmem:s0], [sflag:$0x3] =	stream.indirect.gather @p0 [spmem:s1], $0x1, s4, s9, $0xb8;
	[tilespmem:$0x1C628] =	vst v63  }
0x71d: {  	_ =	swait.ge @p0 [sflag:s24], $0x400  }
0x71e: {  	[sflag:s24] =	ssyncset.done @p0 $0x0  }
0x71f: {  	[sflag:s24] =	ssyncadd.s32 @p0 $0xFFFFFC00  }
0x720: {  	[bflag:$0x0] =	sbarrier.arrive @p0 $0xFFFF  }
0x721: {  	s10 =	sld [smem:$0x7F2];
	_ =	sdelay $0x1  }
0x722: {  	s17 =	simm.s32 @p0 $0x80;
	s11 =	simm.s32 @p0 $0x4  }
0x723: {  	[hbm4b:s10+s17] =	stream.strided.scatter @p0 [tilespmem:s0], [sflag:$0x4], $0x400, s9, s17, $0x38;
	[tilespmem:$0x1C628] =	vst v63  }
0x724: {  	_ =	swait.ge @p0 [sflag:s11], $0x400  }
0x725: {  	[sflag:s11] =	ssyncset.done @p0 $0x0  }
0x726: {  	[sflag:s11] =	ssyncadd.s32 @p0 $0xFFFFFC00  }
0x727: {  	_ =	swait.ge @!p0 [sflag:s21], $0x1E850  }
0x728: {  	[sflag:s21] =	ssyncset.done @!p0 $0x0  }
0x729: {  	[sflag:s21] =	ssyncadd.s32 @!p0 $0xFFFE17B0  }
0x72a: {  	s31 =	simm.s32 @!p0 $0x0;
	s4 =	simm.s32 @!p0 $0xE00;
	[bflag:$0x0] =	sbarrier.arrive @!p0 $0xFFFF  }
0x72b: {  	[tilespmem:s4], [sflag:$0x3] =	stream.indirect.gather @!p0 [spmem:s1], $0x1, s31, s23, $0xb8;
	[tilespmem:$0x1C628] =	vst v63  }
0x72c: {  	_ =	swait.ge @!p0 [sflag:s26], $0x400  }
0x72d: {  	[sflag:s26] =	ssyncset.done @!p0 $0x0  }
0x72e: {  	[sflag:s26] =	ssyncadd.s32 @!p0 $0xFFFFFC00  }
0x72f: {  	[bflag:$0x0] =	sbarrier.arrive @!p0 $0xFFFF  }
0x730: {  	s12 =	simm.s32 @!p0 $0x4;
	s0 =	rddreg [dreg:$0x19]  }
0x731: {  	[hbm4b:s10+s16] =	stream.strided.scatter @!p0 [tilespmem:s4], [sflag:$0x4], $0x400, s23, s16, $0x38;
	[tilespmem:$0x1C628] =	vst v63  }
0x732: {  	[spmem:s18@s29], [sflag:s30] =	dma.strided @!p0 [hbm:s0@s16], $0x1E850, s19, $0x10   }
0x733: {  	_ =	swait.ge @!p0 [sflag:s12], $0x400  }
0x734: {  	[sflag:s12] =	ssyncset.done @!p0 $0x0  }
0x735: {  	[sflag:s12] =	ssyncadd.s32 @!p0 $0xFFFFFC00  }
0x736: {  	_ =	swait.ge @!p0 [sflag:s21], $0x1E850  }
0x737: {  	[sflag:s21] =	ssyncset.done @!p0 $0x0  }
0x738: {  	[sflag:s21] =	ssyncadd.s32 @!p0 $0xFFFE17B0  }
0x739: {  	[bflag:$0x0] =	sbarrier.arrive $0xFFFF  }
0x73a: {  	[tilespmem:s8], [sflag:$0x3] =	stream.indirect.gather [spmem:s1], $0x1, s2, s3, $0xb8;
	[tilespmem:$0x1C628] =	vst v63  }
0x73b: {  	_ =	swait.ge [sflag:s7], $0x400  }
0x73c: {  	[sflag:s7] =	ssyncset.done $0x0  }
0x73d: {  	[sflag:s7] =	ssyncadd.s32 $0xFFFFFC00  }
0x73e: {  	[bflag:$0x0] =	sbarrier.arrive $0xFFFF  }
0x73f: {  	s4 =	rddreg [dreg:$0x1a]  }
0x740: {  	[hbm4b:s4+s5] =	stream.strided.scatter [tilespmem:s8], [sflag:$0x4], $0x400, s3, s5, $0x38;
	[tilespmem:$0x1C628] =	vst v63  }
0x741: {  	_ =	swait.ge @p0 [sflag:s11], $0x400  }
0x742: {  	[sflag:s11] =	ssyncset.done @p0 $0x0  }
0x743: {  	s0 =	rddreg [dreg:$0x1b];
	[sflag:s11] =	ssyncadd.s32 @p0 $0xFFFFFC00  }
0x744: {  	[spmem:s18@s29], [sflag:s30] =	dma.strided @!p0 [hbm:s0@s16], $0x1E850, s19, $0x10   }
0x745: {  	_ =	swait.ge @!p0 [sflag:s12], $0x400  }
0x746: {  	[sflag:s12] =	ssyncset.done @!p0 $0x0  }
0x747: {  	[sflag:s12] =	ssyncadd.s32 @!p0 $0xFFFFFC00  }
0x748: {  	_ =	swait.ge @!p0 [sflag:s21], $0x1E850  }
0x749: {  	[sflag:s21] =	ssyncset.done @!p0 $0x0  }
0x74a: {  	[sflag:s21] =	ssyncadd.s32 @!p0 $0xFFFE17B0  }
0x74b: {  	[bflag:$0x0] =	sbarrier.arrive $0xFFFF  }
0x74c: {  	[tilespmem:s6], [sflag:$0x3] =	stream.indirect.gather [spmem:s1], $0x1, s2, s3, $0xb8;
	[tilespmem:$0x1C628] =	vst v63  }
0x74d: {  	_ =	swait.ge [sflag:s7], $0x400  }
0x74e: {  	[sflag:s7] =	ssyncset.done $0x0  }
0x74f: {  	[sflag:s7] =	ssyncadd.s32 $0xFFFFFC00  }
0x750: {  	[bflag:$0x0] =	sbarrier.arrive $0xFFFF  }
0x751: {  	s9 =	rddreg [dreg:$0x1c]  }
0x752: {  	[hbm4b:s9+s5] =	stream.strided.scatter [tilespmem:s6], [sflag:$0x4], $0x400, s3, s5, $0x38;
	[tilespmem:$0x1C628] =	vst v63  }
0x753: {  	_ =	swait.ge @p0 [sflag:s11], $0x400  }
0x754: {  	[sflag:s11] =	ssyncset.done @p0 $0x0  }
0x755: {  	s0 =	rddreg [dreg:$0x1d];
	[sflag:s11] =	ssyncadd.s32 @p0 $0xFFFFFC00  }
0x756: {  	[spmem:s18@s29], [sflag:s30] =	dma.strided @!p0 [hbm:s0@s16], $0x1E850, s19, $0x10   }
0x757: {  	_ =	swait.ge @!p0 [sflag:s12], $0x400  }
0x758: {  	[sflag:s12] =	ssyncset.done @!p0 $0x0  }
0x759: {  	[sflag:s12] =	ssyncadd.s32 @!p0 $0xFFFFFC00  }
0x75a: {  	_ =	swait.ge @!p0 [sflag:s21], $0x1E850  }
0x75b: {  	[sflag:s21] =	ssyncset.done @!p0 $0x0  }
0x75c: {  	[sflag:s21] =	ssyncadd.s32 @!p0 $0xFFFE17B0  }
0x75d: {  	[bflag:$0x0] =	sbarrier.arrive $0xFFFF  }
0x75e: {  	[tilespmem:s8], [sflag:$0x3] =	stream.indirect.gather [spmem:s1], $0x1, s2, s3, $0xb8;
	[tilespmem:$0x1C628] =	vst v63  }
0x75f: {  	_ =	swait.ge [sflag:s7], $0x400  }
0x760: {  	[sflag:s7] =	ssyncset.done $0x0  }
0x761: {  	[sflag:s7] =	ssyncadd.s32 $0xFFFFFC00  }
0x762: {  	[bflag:$0x0] =	sbarrier.arrive $0xFFFF  }
0x763: {  	s10 =	rddreg [dreg:$0x1e]  }
0x764: {  	[hbm4b:s10+s5] =	stream.strided.scatter [tilespmem:s8], [sflag:$0x4], $0x400, s3, s5, $0x38;
	[tilespmem:$0x1C628] =	vst v63  }
0x765: {  	_ =	swait.ge @p0 [sflag:s11], $0x400  }
0x766: {  	[sflag:s11] =	ssyncset.done @p0 $0x0  }
0x767: {  	s0 =	rddreg [dreg:$0x1f];
	[sflag:s11] =	ssyncadd.s32 @p0 $0xFFFFFC00  }
0x768: {  	[spmem:s18@s29], [sflag:s30] =	dma.strided @!p0 [hbm:s0@s16], $0x1E850, s19, $0x10   }
0x769: {  	_ =	swait.ge @!p0 [sflag:s12], $0x400  }
0x76a: {  	[sflag:s12] =	ssyncset.done @!p0 $0x0  }
0x76b: {  	[sflag:s12] =	ssyncadd.s32 @!p0 $0xFFFFFC00  }
0x76c: {  	_ =	swait.ge @!p0 [sflag:s21], $0x1E850  }
0x76d: {  	[sflag:s21] =	ssyncset.done @!p0 $0x0  }
0x76e: {  	[sflag:s21] =	ssyncadd.s32 @!p0 $0xFFFE17B0  }
0x76f: {  	[bflag:$0x0] =	sbarrier.arrive $0xFFFF  }
0x770: {  	[tilespmem:s6], [sflag:$0x3] =	stream.indirect.gather [spmem:s1], $0x1, s2, s3, $0xb8;
	[tilespmem:$0x1C628] =	vst v63  }
0x771: {  	_ =	swait.ge [sflag:s7], $0x400  }
0x772: {  	[sflag:s7] =	ssyncset.done $0x0  }
0x773: {  	[sflag:s7] =	ssyncadd.s32 $0xFFFFFC00  }
0x774: {  	[bflag:$0x0] =	sbarrier.arrive $0xFFFF  }
0x775: {  	s13 =	sld [smem:$0x7C0];
	_ =	sdelay $0x2  }
0x776: {  	[hbm4b:s13+s5] =	stream.strided.scatter [tilespmem:s6], [sflag:$0x4], $0x400, s3, s5, $0x38;
	[tilespmem:$0x1C628] =	vst v63  }
0x777: {  	_ =	swait.ge @p0 [sflag:s11], $0x400  }
0x778: {  	s0 =	sld [smem:$0x7C1]  }
0x779: {  	[sflag:s11] =	ssyncset.done @p0 $0x0  }
0x77a: {  	[sflag:s11] =	ssyncadd.s32 @p0 $0xFFFFFC00  }
0x77b: {  	[spmem:s18@s29], [sflag:s30] =	dma.strided @!p0 [hbm:s0@s16], $0x1E850, s19, $0x10   }
0x77c: {  	_ =	swait.ge @!p0 [sflag:s12], $0x400  }
0x77d: {  	[sflag:s12] =	ssyncset.done @!p0 $0x0  }
0x77e: {  	[sflag:s12] =	ssyncadd.s32 @!p0 $0xFFFFFC00  }
0x77f: {  	_ =	swait.ge @!p0 [sflag:s21], $0x1E850  }
0x780: {  	[sflag:s21] =	ssyncset.done @!p0 $0x0  }
0x781: {  	[sflag:s21] =	ssyncadd.s32 @!p0 $0xFFFE17B0  }
0x782: {  	[bflag:$0x0] =	sbarrier.arrive $0xFFFF  }
0x783: {  	[tilespmem:s8], [sflag:$0x3] =	stream.indirect.gather [spmem:s1], $0x1, s2, s3, $0xb8;
	[tilespmem:$0x1C628] =	vst v63  }
0x784: {  	_ =	swait.ge [sflag:s7], $0x400  }
0x785: {  	[sflag:s7] =	ssyncset.done $0x0  }
0x786: {  	[sflag:s7] =	ssyncadd.s32 $0xFFFFFC00  }
0x787: {  	[bflag:$0x0] =	sbarrier.arrive $0xFFFF  }
0x788: {  	s14 =	sld [smem:$0x7C2];
	_ =	sdelay $0x2  }
0x789: {  	[hbm4b:s14+s5] =	stream.strided.scatter [tilespmem:s8], [sflag:$0x4], $0x400, s3, s5, $0x38;
	[tilespmem:$0x1C628] =	vst v63  }
0x78a: {  	_ =	swait.ge @p0 [sflag:s11], $0x400  }
0x78b: {  	s0 =	sld [smem:$0x7C3]  }
0x78c: {  	[sflag:s11] =	ssyncset.done @p0 $0x0  }
0x78d: {  	[sflag:s11] =	ssyncadd.s32 @p0 $0xFFFFFC00  }
0x78e: {  	[spmem:s18@s29], [sflag:s30] =	dma.strided @!p0 [hbm:s0@s16], $0x1E850, s19, $0x10   }
0x78f: {  	_ =	swait.ge @!p0 [sflag:s12], $0x400  }
0x790: {  	[sflag:s12] =	ssyncset.done @!p0 $0x0  }
0x791: {  	[sflag:s12] =	ssyncadd.s32 @!p0 $0xFFFFFC00  }
0x792: {  	_ =	swait.ge @!p0 [sflag:s21], $0x1E850  }
0x793: {  	[sflag:s21] =	ssyncset.done @!p0 $0x0  }
0x794: {  	[sflag:s21] =	ssyncadd.s32 @!p0 $0xFFFE17B0  }
0x795: {  	[bflag:$0x0] =	sbarrier.arrive $0xFFFF  }
0x796: {  	[tilespmem:s6], [sflag:$0x3] =	stream.indirect.gather [spmem:s1], $0x1, s2, s3, $0xb8;
	[tilespmem:$0x1C628] =	vst v63  }
0x797: {  	_ =	swait.ge [sflag:s7], $0x400  }
0x798: {  	[sflag:s7] =	ssyncset.done $0x0  }
0x799: {  	[sflag:s7] =	ssyncadd.s32 $0xFFFFFC00  }
0x79a: {  	[bflag:$0x0] =	sbarrier.arrive $0xFFFF  }
0x79b: {  	s17 =	sld [smem:$0x7C4];
	_ =	sdelay $0x2  }
0x79c: {  	[hbm4b:s17+s5] =	stream.strided.scatter [tilespmem:s6], [sflag:$0x4], $0x400, s3, s5, $0x38;
	[tilespmem:$0x1C628] =	vst v63  }
0x79d: {  	_ =	swait.ge @p0 [sflag:s11], $0x400  }
0x79e: {  	s0 =	sld [smem:$0x7C5]  }
0x79f: {  	[sflag:s11] =	ssyncset.done @p0 $0x0  }
0x7a0: {  	[sflag:s11] =	ssyncadd.s32 @p0 $0xFFFFFC00  }
0x7a1: {  	[spmem:s18@s29], [sflag:s30] =	dma.strided @!p0 [hbm:s0@s16], $0x1E850, s19, $0x10   }
0x7a2: {  	_ =	swait.ge @!p0 [sflag:s12], $0x400  }
0x7a3: {  	[sflag:s12] =	ssyncset.done @!p0 $0x0  }
0x7a4: {  	[sflag:s12] =	ssyncadd.s32 @!p0 $0xFFFFFC00  }
0x7a5: {  	_ =	swait.ge @!p0 [sflag:s21], $0x1E850  }
0x7a6: {  	[sflag:s21] =	ssyncset.done @!p0 $0x0  }
0x7a7: {  	[sflag:s21] =	ssyncadd.s32 @!p0 $0xFFFE17B0  }
0x7a8: {  	[bflag:$0x0] =	sbarrier.arrive $0xFFFF  }
0x7a9: {  	[tilespmem:s8], [sflag:$0x3] =	stream.indirect.gather [spmem:s1], $0x1, s2, s3, $0xb8;
	[tilespmem:$0x1C628] =	vst v63  }
0x7aa: {  	_ =	swait.ge [sflag:s7], $0x400  }
0x7ab: {  	[sflag:s7] =	ssyncset.done $0x0  }
0x7ac: {  	[sflag:s7] =	ssyncadd.s32 $0xFFFFFC00  }
0x7ad: {  	[bflag:$0x0] =	sbarrier.arrive $0xFFFF  }
0x7ae: {  	s20 =	sld [smem:$0x7C6];
	_ =	sdelay $0x2  }
0x7af: {  	[hbm4b:s20+s5] =	stream.strided.scatter [tilespmem:s8], [sflag:$0x4], $0x400, s3, s5, $0x38;
	[tilespmem:$0x1C628] =	vst v63  }
0x7b0: {  	_ =	swait.ge @p0 [sflag:s11], $0x400  }
0x7b1: {  	s0 =	sld [smem:$0x7C7]  }
0x7b2: {  	[sflag:s11] =	ssyncset.done @p0 $0x0  }
0x7b3: {  	[sflag:s11] =	ssyncadd.s32 @p0 $0xFFFFFC00  }
0x7b4: {  	[spmem:s18@s29], [sflag:s30] =	dma.strided @!p0 [hbm:s0@s16], $0x1E850, s19, $0x10   }
0x7b5: {  	_ =	swait.ge @!p0 [sflag:s12], $0x400  }
0x7b6: {  	[sflag:s12] =	ssyncset.done @!p0 $0x0  }
0x7b7: {  	[sflag:s12] =	ssyncadd.s32 @!p0 $0xFFFFFC00  }
0x7b8: {  	_ =	swait.ge @!p0 [sflag:s21], $0x1E850  }
0x7b9: {  	[sflag:s21] =	ssyncset.done @!p0 $0x0  }
0x7ba: {  	[sflag:s21] =	ssyncadd.s32 @!p0 $0xFFFE17B0  }
0x7bb: {  	[bflag:$0x0] =	sbarrier.arrive $0xFFFF  }
0x7bc: {  	[tilespmem:s6], [sflag:$0x3] =	stream.indirect.gather [spmem:s1], $0x1, s2, s3, $0xb8;
	[tilespmem:$0x1C628] =	vst v63  }
0x7bd: {  	_ =	swait.ge [sflag:s7], $0x400  }
0x7be: {  	[sflag:s7] =	ssyncset.done $0x0  }
0x7bf: {  	[sflag:s7] =	ssyncadd.s32 $0xFFFFFC00  }
0x7c0: {  	[bflag:$0x0] =	sbarrier.arrive $0xFFFF  }
0x7c1: {  	s22 =	sld [smem:$0x7C8];
	_ =	sdelay $0x2  }
0x7c2: {  	[hbm4b:s22+s5] =	stream.strided.scatter [tilespmem:s6], [sflag:$0x4], $0x400, s3, s5, $0x38;
	[tilespmem:$0x1C628] =	vst v63  }
0x7c3: {  	_ =	swait.ge @p0 [sflag:s11], $0x400  }
0x7c4: {  	s0 =	sld [smem:$0x7C9]  }
0x7c5: {  	[sflag:s11] =	ssyncset.done @p0 $0x0  }
0x7c6: {  	[sflag:s11] =	ssyncadd.s32 @p0 $0xFFFFFC00  }
0x7c7: {  	[spmem:s18@s29], [sflag:s30] =	dma.strided @!p0 [hbm:s0@s16], $0x1E850, s19, $0x10   }
0x7c8: {  	_ =	swait.ge @!p0 [sflag:s12], $0x400  }
0x7c9: {  	[sflag:s12] =	ssyncset.done @!p0 $0x0  }
0x7ca: {  	[sflag:s12] =	ssyncadd.s32 @!p0 $0xFFFFFC00  }
0x7cb: {  	_ =	swait.ge @!p0 [sflag:s21], $0x1E850  }
0x7cc: {  	[sflag:s21] =	ssyncset.done @!p0 $0x0  }
0x7cd: {  	[sflag:s21] =	ssyncadd.s32 @!p0 $0xFFFE17B0  }
0x7ce: {  	[bflag:$0x0] =	sbarrier.arrive $0xFFFF  }
0x7cf: {  	[tilespmem:s8], [sflag:$0x3] =	stream.indirect.gather [spmem:s1], $0x1, s2, s3, $0xb8;
	[tilespmem:$0x1C628] =	vst v63  }
0x7d0: {  	_ =	swait.ge [sflag:s7], $0x400  }
0x7d1: {  	[sflag:s7] =	ssyncset.done $0x0  }
0x7d2: {  	[sflag:s7] =	ssyncadd.s32 $0xFFFFFC00  }
0x7d3: {  	[bflag:$0x0] =	sbarrier.arrive $0xFFFF  }
0x7d4: {  	s23 =	sld [smem:$0x7CA];
	_ =	sdelay $0x2  }
0x7d5: {  	[hbm4b:s23+s5] =	stream.strided.scatter [tilespmem:s8], [sflag:$0x4], $0x400, s3, s5, $0x38;
	[tilespmem:$0x1C628] =	vst v63  }
0x7d6: {  	_ =	swait.ge @p0 [sflag:s11], $0x400  }
0x7d7: {  	s0 =	sld [smem:$0x7CB]  }
0x7d8: {  	[sflag:s11] =	ssyncset.done @p0 $0x0  }
0x7d9: {  	[sflag:s11] =	ssyncadd.s32 @p0 $0xFFFFFC00  }
0x7da: {  	[spmem:s18@s29], [sflag:s30] =	dma.strided @!p0 [hbm:s0@s16], $0x1E850, s19, $0x10   }
0x7db: {  	_ =	swait.ge @!p0 [sflag:s12], $0x400  }
0x7dc: {  	[sflag:s12] =	ssyncset.done @!p0 $0x0  }
0x7dd: {  	[sflag:s12] =	ssyncadd.s32 @!p0 $0xFFFFFC00  }
0x7de: {  	_ =	swait.ge @!p0 [sflag:s21], $0x1E850  }
0x7df: {  	[sflag:s21] =	ssyncset.done @!p0 $0x0  }
0x7e0: {  	[sflag:s21] =	ssyncadd.s32 @!p0 $0xFFFE17B0  }
0x7e1: {  	[bflag:$0x0] =	sbarrier.arrive $0xFFFF  }
0x7e2: {  	[tilespmem:s6], [sflag:$0x3] =	stream.indirect.gather [spmem:s1], $0x1, s2, s3, $0xb8;
	[tilespmem:$0x1C628] =	vst v63  }
0x7e3: {  	_ =	swait.ge [sflag:s7], $0x400  }
0x7e4: {  	[sflag:s7] =	ssyncset.done $0x0  }
0x7e5: {  	[sflag:s7] =	ssyncadd.s32 $0xFFFFFC00  }
0x7e6: {  	[bflag:$0x0] =	sbarrier.arrive $0xFFFF  }
0x7e7: {  	s24 =	sld [smem:$0x7CC];
	_ =	sdelay $0x2  }
0x7e8: {  	[hbm4b:s24+s5] =	stream.strided.scatter [tilespmem:s6], [sflag:$0x4], $0x400, s3, s5, $0x38;
	[tilespmem:$0x1C628] =	vst v63  }
0x7e9: {  	_ =	swait.ge @p0 [sflag:s11], $0x400  }
0x7ea: {  	s0 =	sld [smem:$0x7CD]  }
0x7eb: {  	[sflag:s11] =	ssyncset.done @p0 $0x0  }
0x7ec: {  	[sflag:s11] =	ssyncadd.s32 @p0 $0xFFFFFC00  }
0x7ed: {  	[spmem:s18@s29], [sflag:s30] =	dma.strided @!p0 [hbm:s0@s16], $0x1E850, s19, $0x10   }
0x7ee: {  	_ =	swait.ge @!p0 [sflag:s12], $0x400  }
0x7ef: {  	[sflag:s12] =	ssyncset.done @!p0 $0x0  }
0x7f0: {  	[sflag:s12] =	ssyncadd.s32 @!p0 $0xFFFFFC00  }
0x7f1: {  	_ =	swait.ge @!p0 [sflag:s21], $0x1E850  }
0x7f2: {  	[sflag:s21] =	ssyncset.done @!p0 $0x0  }
0x7f3: {  	[sflag:s21] =	ssyncadd.s32 @!p0 $0xFFFE17B0  }
0x7f4: {  	[bflag:$0x0] =	sbarrier.arrive $0xFFFF  }
0x7f5: {  	[tilespmem:s8], [sflag:$0x3] =	stream.indirect.gather [spmem:s1], $0x1, s2, s3, $0xb8;
	[tilespmem:$0x1C628] =	vst v63  }
0x7f6: {  	_ =	swait.ge [sflag:s7], $0x400  }
0x7f7: {  	[sflag:s7] =	ssyncset.done $0x0  }
0x7f8: {  	[sflag:s7] =	ssyncadd.s32 $0xFFFFFC00  }
0x7f9: {  	[bflag:$0x0] =	sbarrier.arrive $0xFFFF  }
0x7fa: {  	s25 =	sld [smem:$0x7CE];
	_ =	sdelay $0x2  }
0x7fb: {  	[hbm4b:s25+s5] =	stream.strided.scatter [tilespmem:s8], [sflag:$0x4], $0x400, s3, s5, $0x38;
	[tilespmem:$0x1C628] =	vst v63  }
0x7fc: {  	_ =	swait.ge @p0 [sflag:s11], $0x400  }
0x7fd: {  	s0 =	sld [smem:$0x7CF]  }
0x7fe: {  	[sflag:s11] =	ssyncset.done @p0 $0x0  }
0x7ff: {  	[sflag:s11] =	ssyncadd.s32 @p0 $0xFFFFFC00  }
0x800: {  	[spmem:s18@s29], [sflag:s30] =	dma.strided @!p0 [hbm:s0@s16], $0x1E850, s19, $0x10   }
0x801: {  	_ =	swait.ge @!p0 [sflag:s12], $0x400  }
0x802: {  	[sflag:s12] =	ssyncset.done @!p0 $0x0  }
0x803: {  	[sflag:s12] =	ssyncadd.s32 @!p0 $0xFFFFFC00  }
0x804: {  	_ =	swait.ge @!p0 [sflag:s21], $0x1E850  }
0x805: {  	[sflag:s21] =	ssyncset.done @!p0 $0x0  }
0x806: {  	[sflag:s21] =	ssyncadd.s32 @!p0 $0xFFFE17B0  }
0x807: {  	[bflag:$0x0] =	sbarrier.arrive $0xFFFF  }
0x808: {  	[tilespmem:s6], [sflag:$0x3] =	stream.indirect.gather [spmem:s1], $0x1, s2, s3, $0xb8;
	[tilespmem:$0x1C628] =	vst v63  }
0x809: {  	_ =	swait.ge [sflag:s7], $0x400  }
0x80a: {  	[sflag:s7] =	ssyncset.done $0x0  }
0x80b: {  	[sflag:s7] =	ssyncadd.s32 $0xFFFFFC00  }
0x80c: {  	[bflag:$0x0] =	sbarrier.arrive $0xFFFF  }
0x80d: {  	s26 =	sld [smem:$0x7D0];
	_ =	sdelay $0x2  }
0x80e: {  	[hbm4b:s26+s5] =	stream.strided.scatter [tilespmem:s6], [sflag:$0x4], $0x400, s3, s5, $0x38;
	[tilespmem:$0x1C628] =	vst v63  }
0x80f: {  	_ =	swait.ge @p0 [sflag:s11], $0x400  }
0x810: {  	s0 =	sld [smem:$0x7D1]  }
0x811: {  	[sflag:s11] =	ssyncset.done @p0 $0x0  }
0x812: {  	[sflag:s11] =	ssyncadd.s32 @p0 $0xFFFFFC00  }
0x813: {  	[spmem:s18@s29], [sflag:s30] =	dma.strided @!p0 [hbm:s0@s16], $0x1E850, s19, $0x10   }
0x814: {  	_ =	swait.ge @!p0 [sflag:s12], $0x400  }
0x815: {  	[sflag:s12] =	ssyncset.done @!p0 $0x0  }
0x816: {  	[sflag:s12] =	ssyncadd.s32 @!p0 $0xFFFFFC00  }
0x817: {  	_ =	swait.ge @!p0 [sflag:s21], $0x1E850  }
0x818: {  	[sflag:s21] =	ssyncset.done @!p0 $0x0  }
0x819: {  	[sflag:s21] =	ssyncadd.s32 @!p0 $0xFFFE17B0  }
0x81a: {  	[bflag:$0x0] =	sbarrier.arrive $0xFFFF  }
0x81b: {  	[tilespmem:s8], [sflag:$0x3] =	stream.indirect.gather [spmem:s1], $0x1, s2, s3, $0xb8;
	[tilespmem:$0x1C628] =	vst v63  }
0x81c: {  	_ =	swait.ge [sflag:s7], $0x400  }
0x81d: {  	[sflag:s7] =	ssyncset.done $0x0  }
0x81e: {  	[sflag:s7] =	ssyncadd.s32 $0xFFFFFC00  }
0x81f: {  	[bflag:$0x0] =	sbarrier.arrive $0xFFFF  }
0x820: {  	s28 =	sld [smem:$0x7D2];
	_ =	sdelay $0x2  }
0x821: {  	[hbm4b:s28+s5] =	stream.strided.scatter [tilespmem:s8], [sflag:$0x4], $0x400, s3, s5, $0x38;
	[tilespmem:$0x1C628] =	vst v63  }
0x822: {  	_ =	swait.ge @p0 [sflag:s11], $0x400  }
0x823: {  	s0 =	sld [smem:$0x7D3]  }
0x824: {  	[sflag:s11] =	ssyncset.done @p0 $0x0  }
0x825: {  	[sflag:s11] =	ssyncadd.s32 @p0 $0xFFFFFC00  }
0x826: {  	[spmem:s18@s29], [sflag:s30] =	dma.strided @!p0 [hbm:s0@s16], $0x1E850, s19, $0x10   }
0x827: {  	_ =	swait.ge @!p0 [sflag:s12], $0x400  }
0x828: {  	[sflag:s12] =	ssyncset.done @!p0 $0x0  }
0x829: {  	[sflag:s12] =	ssyncadd.s32 @!p0 $0xFFFFFC00  }
0x82a: {  	_ =	swait.ge @!p0 [sflag:s21], $0x1E850  }
0x82b: {  	[sflag:s21] =	ssyncset.done @!p0 $0x0  }
0x82c: {  	[sflag:s21] =	ssyncadd.s32 @!p0 $0xFFFE17B0  }
0x82d: {  	[bflag:$0x0] =	sbarrier.arrive $0xFFFF  }
0x82e: {  	[tilespmem:s6], [sflag:$0x3] =	stream.indirect.gather [spmem:s1], $0x1, s2, s3, $0xb8;
	[tilespmem:$0x1C628] =	vst v63  }
0x82f: {  	_ =	swait.ge [sflag:s7], $0x400  }
0x830: {  	[sflag:s7] =	ssyncset.done $0x0  }
0x831: {  	[sflag:s7] =	ssyncadd.s32 $0xFFFFFC00  }
0x832: {  	[bflag:$0x0] =	sbarrier.arrive $0xFFFF  }
0x833: {  	s31 =	sld [smem:$0x7D4];
	_ =	sdelay $0x2  }
0x834: {  	[hbm4b:s31+s5] =	stream.strided.scatter [tilespmem:s6], [sflag:$0x4], $0x400, s3, s5, $0x38;
	[tilespmem:$0x1C628] =	vst v63  }
0x835: {  	_ =	swait.ge @p0 [sflag:s11], $0x400  }
0x836: {  	s0 =	sld [smem:$0x7D5]  }
0x837: {  	[sflag:s11] =	ssyncset.done @p0 $0x0  }
0x838: {  	[sflag:s11] =	ssyncadd.s32 @p0 $0xFFFFFC00  }
0x839: {  	[spmem:s18@s29], [sflag:s30] =	dma.strided @!p0 [hbm:s0@s16], $0x1E850, s19, $0x10   }
0x83a: {  	_ =	swait.ge @!p0 [sflag:s12], $0x400  }
0x83b: {  	[sflag:s12] =	ssyncset.done @!p0 $0x0  }
0x83c: {  	[sflag:s12] =	ssyncadd.s32 @!p0 $0xFFFFFC00  }
0x83d: {  	_ =	swait.ge @!p0 [sflag:s21], $0x1E850  }
0x83e: {  	[sflag:s21] =	ssyncset.done @!p0 $0x0  }
0x83f: {  	[sflag:s21] =	ssyncadd.s32 @!p0 $0xFFFE17B0  }
0x840: {  	[bflag:$0x0] =	sbarrier.arrive $0xFFFF  }
0x841: {  	[tilespmem:s8], [sflag:$0x3] =	stream.indirect.gather [spmem:s1], $0x1, s2, s3, $0xb8;
	[tilespmem:$0x1C628] =	vst v63  }
0x842: {  	_ =	swait.ge [sflag:s7], $0x400  }
0x843: {  	[sflag:s7] =	ssyncset.done $0x0  }
0x844: {  	[sflag:s7] =	ssyncadd.s32 $0xFFFFFC00  }
0x845: {  	[bflag:$0x0] =	sbarrier.arrive $0xFFFF  }
0x846: {  	s4 =	sld [smem:$0x7D6];
	_ =	sdelay $0x2  }
0x847: {  	[hbm4b:s4+s5] =	stream.strided.scatter [tilespmem:s8], [sflag:$0x4], $0x400, s3, s5, $0x38;
	[tilespmem:$0x1C628] =	vst v63  }
0x848: {  	_ =	swait.ge @p0 [sflag:s11], $0x400  }
0x849: {  	s0 =	sld [smem:$0x7D7]  }
0x84a: {  	[sflag:s11] =	ssyncset.done @p0 $0x0  }
0x84b: {  	[sflag:s11] =	ssyncadd.s32 @p0 $0xFFFFFC00  }
0x84c: {  	[spmem:s18@s29], [sflag:s30] =	dma.strided @!p0 [hbm:s0@s16], $0x1E850, s19, $0x10   }
0x84d: {  	_ =	swait.ge @!p0 [sflag:s12], $0x400  }
0x84e: {  	[sflag:s12] =	ssyncset.done @!p0 $0x0  }
0x84f: {  	[sflag:s12] =	ssyncadd.s32 @!p0 $0xFFFFFC00  }
0x850: {  	_ =	swait.ge @!p0 [sflag:s21], $0x1E850  }
0x851: {  	[sflag:s21] =	ssyncset.done @!p0 $0x0  }
0x852: {  	[sflag:s21] =	ssyncadd.s32 @!p0 $0xFFFE17B0  }
0x853: {  	[bflag:$0x0] =	sbarrier.arrive $0xFFFF  }
0x854: {  	[tilespmem:s6], [sflag:$0x3] =	stream.indirect.gather [spmem:s1], $0x1, s2, s3, $0xb8;
	[tilespmem:$0x1C628] =	vst v63  }
0x855: {  	_ =	swait.ge [sflag:s7], $0x400  }
0x856: {  	[sflag:s7] =	ssyncset.done $0x0  }
0x857: {  	[sflag:s7] =	ssyncadd.s32 $0xFFFFFC00  }
0x858: {  	[bflag:$0x0] =	sbarrier.arrive $0xFFFF  }
0x859: {  	s9 =	sld [smem:$0x7D8];
	_ =	sdelay $0x2  }
0x85a: {  	[hbm4b:s9+s5] =	stream.strided.scatter [tilespmem:s6], [sflag:$0x4], $0x400, s3, s5, $0x38;
	[tilespmem:$0x1C628] =	vst v63  }
0x85b: {  	_ =	swait.ge @p0 [sflag:s11], $0x400  }
0x85c: {  	s0 =	sld [smem:$0x7D9]  }
0x85d: {  	[sflag:s11] =	ssyncset.done @p0 $0x0  }
0x85e: {  	[sflag:s11] =	ssyncadd.s32 @p0 $0xFFFFFC00  }
0x85f: {  	[spmem:s18@s29], [sflag:s30] =	dma.strided @!p0 [hbm:s0@s16], $0x1E850, s19, $0x10   }
0x860: {  	_ =	swait.ge @!p0 [sflag:s12], $0x400  }
0x861: {  	[sflag:s12] =	ssyncset.done @!p0 $0x0  }
0x862: {  	[sflag:s12] =	ssyncadd.s32 @!p0 $0xFFFFFC00  }
0x863: {  	_ =	swait.ge @!p0 [sflag:s21], $0x1E850  }
0x864: {  	[sflag:s21] =	ssyncset.done @!p0 $0x0  }
0x865: {  	[sflag:s21] =	ssyncadd.s32 @!p0 $0xFFFE17B0  }
0x866: {  	[bflag:$0x0] =	sbarrier.arrive $0xFFFF  }
0x867: {  	[tilespmem:s8], [sflag:$0x3] =	stream.indirect.gather [spmem:s1], $0x1, s2, s3, $0xb8;
	[tilespmem:$0x1C628] =	vst v63  }
0x868: {  	_ =	swait.ge [sflag:s7], $0x400  }
0x869: {  	[sflag:s7] =	ssyncset.done $0x0  }
0x86a: {  	[sflag:s7] =	ssyncadd.s32 $0xFFFFFC00  }
0x86b: {  	[bflag:$0x0] =	sbarrier.arrive $0xFFFF  }
0x86c: {  	s10 =	sld [smem:$0x7DA];
	_ =	sdelay $0x2  }
0x86d: {  	[hbm4b:s10+s5] =	stream.strided.scatter [tilespmem:s8], [sflag:$0x4], $0x400, s3, s5, $0x38;
	[tilespmem:$0x1C628] =	vst v63  }
0x86e: {  	_ =	swait.ge @p0 [sflag:s11], $0x400  }
0x86f: {  	s0 =	sld [smem:$0x7DB]  }
0x870: {  	[sflag:s11] =	ssyncset.done @p0 $0x0  }
0x871: {  	[sflag:s11] =	ssyncadd.s32 @p0 $0xFFFFFC00  }
0x872: {  	[spmem:s18@s29], [sflag:s30] =	dma.strided @!p0 [hbm:s0@s16], $0x1E850, s19, $0x10   }
0x873: {  	_ =	swait.ge @!p0 [sflag:s12], $0x400  }
0x874: {  	[sflag:s12] =	ssyncset.done @!p0 $0x0  }
0x875: {  	[sflag:s12] =	ssyncadd.s32 @!p0 $0xFFFFFC00  }
0x876: {  	_ =	swait.ge @!p0 [sflag:s21], $0x1E850  }
0x877: {  	[sflag:s21] =	ssyncset.done @!p0 $0x0  }
0x878: {  	[sflag:s21] =	ssyncadd.s32 @!p0 $0xFFFE17B0  }
0x879: {  	[bflag:$0x0] =	sbarrier.arrive $0xFFFF  }
0x87a: {  	[tilespmem:s6], [sflag:$0x3] =	stream.indirect.gather [spmem:s1], $0x1, s2, s3, $0xb8;
	[tilespmem:$0x1C628] =	vst v63  }
0x87b: {  	_ =	swait.ge [sflag:s7], $0x400  }
0x87c: {  	[sflag:s7] =	ssyncset.done $0x0  }
0x87d: {  	[sflag:s7] =	ssyncadd.s32 $0xFFFFFC00  }
0x87e: {  	[bflag:$0x0] =	sbarrier.arrive $0xFFFF  }
0x87f: {  	s13 =	sld [smem:$0x7DC];
	_ =	sdelay $0x2  }
0x880: {  	[hbm4b:s13+s5] =	stream.strided.scatter [tilespmem:s6], [sflag:$0x4], $0x400, s3, s5, $0x38;
	[tilespmem:$0x1C628] =	vst v63  }
0x881: {  	_ =	swait.ge @p0 [sflag:s11], $0x400  }
0x882: {  	s0 =	sld [smem:$0x7DD]  }
0x883: {  	[sflag:s11] =	ssyncset.done @p0 $0x0  }
0x884: {  	[sflag:s11] =	ssyncadd.s32 @p0 $0xFFFFFC00  }
0x885: {  	[spmem:s18@s29], [sflag:s30] =	dma.strided @!p0 [hbm:s0@s16], $0x1E850, s19, $0x10   }
0x886: {  	_ =	swait.ge @!p0 [sflag:s12], $0x400  }
0x887: {  	[sflag:s12] =	ssyncset.done @!p0 $0x0  }
0x888: {  	[sflag:s12] =	ssyncadd.s32 @!p0 $0xFFFFFC00  }
0x889: {  	_ =	swait.ge @!p0 [sflag:s21], $0x1E850  }
0x88a: {  	[sflag:s21] =	ssyncset.done @!p0 $0x0  }
0x88b: {  	[sflag:s21] =	ssyncadd.s32 @!p0 $0xFFFE17B0  }
0x88c: {  	[bflag:$0x0] =	sbarrier.arrive $0xFFFF  }
0x88d: {  	[tilespmem:s8], [sflag:$0x3] =	stream.indirect.gather [spmem:s1], $0x1, s2, s3, $0xb8;
	[tilespmem:$0x1C628] =	vst v63  }
0x88e: {  	_ =	swait.ge [sflag:s7], $0x400  }
0x88f: {  	[sflag:s7] =	ssyncset.done $0x0  }
0x890: {  	[sflag:s7] =	ssyncadd.s32 $0xFFFFFC00  }
0x891: {  	[bflag:$0x0] =	sbarrier.arrive $0xFFFF  }
0x892: {  	s14 =	sld [smem:$0x7DE];
	_ =	sdelay $0x2  }
0x893: {  	[hbm4b:s14+s5] =	stream.strided.scatter [tilespmem:s8], [sflag:$0x4], $0x400, s3, s5, $0x38;
	[tilespmem:$0x1C628] =	vst v63  }
0x894: {  	_ =	swait.ge @p0 [sflag:s11], $0x400  }
0x895: {  	s0 =	sld [smem:$0x7DF]  }
0x896: {  	[sflag:s11] =	ssyncset.done @p0 $0x0  }
0x897: {  	[sflag:s11] =	ssyncadd.s32 @p0 $0xFFFFFC00  }
0x898: {  	[spmem:s18@s29], [sflag:s30] =	dma.strided @!p0 [hbm:s0@s16], $0x1E850, s19, $0x10   }
0x899: {  	_ =	swait.ge @!p0 [sflag:s12], $0x400  }
0x89a: {  	[sflag:s12] =	ssyncset.done @!p0 $0x0  }
0x89b: {  	[sflag:s12] =	ssyncadd.s32 @!p0 $0xFFFFFC00  }
0x89c: {  	_ =	swait.ge @!p0 [sflag:s21], $0x1E850  }
0x89d: {  	[sflag:s21] =	ssyncset.done @!p0 $0x0  }
0x89e: {  	[sflag:s21] =	ssyncadd.s32 @!p0 $0xFFFE17B0  }
0x89f: {  	[bflag:$0x0] =	sbarrier.arrive $0xFFFF  }
0x8a0: {  	[tilespmem:s6], [sflag:$0x3] =	stream.indirect.gather [spmem:s1], $0x1, s2, s3, $0xb8;
	[tilespmem:$0x1C628] =	vst v63  }
0x8a1: {  	_ =	swait.ge [sflag:s7], $0x400  }
0x8a2: {  	[sflag:s7] =	ssyncset.done $0x0  }
0x8a3: {  	[sflag:s7] =	ssyncadd.s32 $0xFFFFFC00  }
0x8a4: {  	[bflag:$0x0] =	sbarrier.arrive $0xFFFF  }
0x8a5: {  	s17 =	sld [smem:$0x7E0];
	_ =	sdelay $0x2  }
0x8a6: {  	[hbm4b:s17+s5] =	stream.strided.scatter [tilespmem:s6], [sflag:$0x4], $0x400, s3, s5, $0x38;
	[tilespmem:$0x1C628] =	vst v63  }
0x8a7: {  	_ =	swait.ge @p0 [sflag:s11], $0x400  }
0x8a8: {  	s0 =	sld [smem:$0x7E1]  }
0x8a9: {  	[sflag:s11] =	ssyncset.done @p0 $0x0  }
0x8aa: {  	[sflag:s11] =	ssyncadd.s32 @p0 $0xFFFFFC00  }
0x8ab: {  	[spmem:s18@s29], [sflag:s30] =	dma.strided @!p0 [hbm:s0@s16], $0x1E850, s19, $0x10   }
0x8ac: {  	_ =	swait.ge @!p0 [sflag:s12], $0x400  }
0x8ad: {  	[sflag:s12] =	ssyncset.done @!p0 $0x0  }
0x8ae: {  	[sflag:s12] =	ssyncadd.s32 @!p0 $0xFFFFFC00  }
0x8af: {  	_ =	swait.ge @!p0 [sflag:s21], $0x1E850  }
0x8b0: {  	[sflag:s21] =	ssyncset.done @!p0 $0x0  }
0x8b1: {  	[sflag:s21] =	ssyncadd.s32 @!p0 $0xFFFE17B0  }
0x8b2: {  	[bflag:$0x0] =	sbarrier.arrive $0xFFFF  }
0x8b3: {  	[tilespmem:s8], [sflag:$0x3] =	stream.indirect.gather [spmem:s1], $0x1, s2, s3, $0xb8;
	[tilespmem:$0x1C628] =	vst v63  }
0x8b4: {  	_ =	swait.ge [sflag:s7], $0x400  }
0x8b5: {  	[sflag:s7] =	ssyncset.done $0x0  }
0x8b6: {  	[sflag:s7] =	ssyncadd.s32 $0xFFFFFC00  }
0x8b7: {  	[bflag:$0x0] =	sbarrier.arrive $0xFFFF  }
0x8b8: {  	s20 =	sld [smem:$0x7E2];
	_ =	sdelay $0x2  }
0x8b9: {  	[hbm4b:s20+s5] =	stream.strided.scatter [tilespmem:s8], [sflag:$0x4], $0x400, s3, s5, $0x38;
	[tilespmem:$0x1C628] =	vst v63  }
0x8ba: {  	_ =	swait.ge @p0 [sflag:s11], $0x400  }
0x8bb: {  	s0 =	sld [smem:$0x7E3]  }
0x8bc: {  	[sflag:s11] =	ssyncset.done @p0 $0x0  }
0x8bd: {  	[sflag:s11] =	ssyncadd.s32 @p0 $0xFFFFFC00  }
0x8be: {  	[spmem:s18@s29], [sflag:s30] =	dma.strided @!p0 [hbm:s0@s16], $0x1E850, s19, $0x10   }
0x8bf: {  	_ =	swait.ge @!p0 [sflag:s12], $0x400  }
0x8c0: {  	[sflag:s12] =	ssyncset.done @!p0 $0x0  }
0x8c1: {  	[sflag:s12] =	ssyncadd.s32 @!p0 $0xFFFFFC00  }
0x8c2: {  	_ =	swait.ge @!p0 [sflag:s21], $0x1E850  }
0x8c3: {  	[sflag:s21] =	ssyncset.done @!p0 $0x0  }
0x8c4: {  	[sflag:s21] =	ssyncadd.s32 @!p0 $0xFFFE17B0  }
0x8c5: {  	[bflag:$0x0] =	sbarrier.arrive $0xFFFF  }
0x8c6: {  	[tilespmem:s6], [sflag:$0x3] =	stream.indirect.gather [spmem:s1], $0x1, s2, s3, $0xb8;
	[tilespmem:$0x1C628] =	vst v63  }
0x8c7: {  	_ =	swait.ge [sflag:s7], $0x400  }
0x8c8: {  	[sflag:s7] =	ssyncset.done $0x0  }
0x8c9: {  	[sflag:s7] =	ssyncadd.s32 $0xFFFFFC00  }
0x8ca: {  	[bflag:$0x0] =	sbarrier.arrive $0xFFFF  }
0x8cb: {  	s22 =	sld [smem:$0x7E4];
	_ =	sdelay $0x2  }
0x8cc: {  	[hbm4b:s22+s5] =	stream.strided.scatter [tilespmem:s6], [sflag:$0x4], $0x400, s3, s5, $0x38;
	[tilespmem:$0x1C628] =	vst v63  }
0x8cd: {  	_ =	swait.ge @p0 [sflag:s11], $0x400  }
0x8ce: {  	s0 =	sld [smem:$0x7E5]  }
0x8cf: {  	[sflag:s11] =	ssyncset.done @p0 $0x0  }
0x8d0: {  	[sflag:s11] =	ssyncadd.s32 @p0 $0xFFFFFC00  }
0x8d1: {  	[spmem:s18@s29], [sflag:s30] =	dma.strided @!p0 [hbm:s0@s16], $0x1E850, s19, $0x10   }
0x8d2: {  	_ =	swait.ge @!p0 [sflag:s12], $0x400  }
0x8d3: {  	[sflag:s12] =	ssyncset.done @!p0 $0x0  }
0x8d4: {  	[sflag:s12] =	ssyncadd.s32 @!p0 $0xFFFFFC00  }
0x8d5: {  	_ =	swait.ge @!p0 [sflag:s21], $0x1E850  }
0x8d6: {  	[sflag:s21] =	ssyncset.done @!p0 $0x0  }
0x8d7: {  	[sflag:s21] =	ssyncadd.s32 @!p0 $0xFFFE17B0  }
0x8d8: {  	[bflag:$0x0] =	sbarrier.arrive $0xFFFF  }
0x8d9: {  	[tilespmem:s8], [sflag:$0x3] =	stream.indirect.gather [spmem:s1], $0x1, s2, s3, $0xb8;
	[tilespmem:$0x1C628] =	vst v63  }
0x8da: {  	_ =	swait.ge [sflag:s7], $0x400  }
0x8db: {  	[sflag:s7] =	ssyncset.done $0x0  }
0x8dc: {  	[sflag:s7] =	ssyncadd.s32 $0xFFFFFC00  }
0x8dd: {  	[bflag:$0x0] =	sbarrier.arrive $0xFFFF  }
0x8de: {  	s23 =	sld [smem:$0x7E7];
	_ =	sdelay $0x2  }
0x8df: {  	[hbm4b:s23+s5] =	stream.strided.scatter [tilespmem:s8], [sflag:$0x4], $0x400, s3, s5, $0x38;
	[tilespmem:$0x1C628] =	vst v63  }
0x8e0: {  	_ =	swait.ge @p0 [sflag:s11], $0x400  }
0x8e1: {  	s0 =	sld [smem:$0x7E9]  }
0x8e2: {  	[sflag:s11] =	ssyncset.done @p0 $0x0  }
0x8e3: {  	[sflag:s11] =	ssyncadd.s32 @p0 $0xFFFFFC00  }
0x8e4: {  	[spmem:s18@s29], [sflag:s30] =	dma.strided @!p0 [hbm:s0@s16], $0x1E850, s19, $0x10   }
0x8e5: {  	_ =	swait.ge @!p0 [sflag:s12], $0x400  }
0x8e6: {  	[sflag:s12] =	ssyncset.done @!p0 $0x0  }
0x8e7: {  	[sflag:s12] =	ssyncadd.s32 @!p0 $0xFFFFFC00  }
0x8e8: {  	_ =	swait.ge @!p0 [sflag:s21], $0x1E850  }
0x8e9: {  	[sflag:s21] =	ssyncset.done @!p0 $0x0  }
0x8ea: {  	[sflag:s21] =	ssyncadd.s32 @!p0 $0xFFFE17B0  }
0x8eb: {  	[bflag:$0x0] =	sbarrier.arrive $0xFFFF  }
0x8ec: {  	[tilespmem:s6], [sflag:$0x3] =	stream.indirect.gather [spmem:s1], $0x1, s2, s3, $0xb8;
	[tilespmem:$0x1C628] =	vst v63  }
0x8ed: {  	_ =	swait.ge [sflag:s7], $0x400  }
0x8ee: {  	[sflag:s7] =	ssyncset.done $0x0  }
0x8ef: {  	[sflag:s7] =	ssyncadd.s32 $0xFFFFFC00  }
0x8f0: {  	[bflag:$0x0] =	sbarrier.arrive $0xFFFF  }
0x8f1: {  	s24 =	sld [smem:$0x7EA];
	_ =	sdelay $0x2  }
0x8f2: {  	[hbm4b:s24+s5] =	stream.strided.scatter [tilespmem:s6], [sflag:$0x4], $0x400, s3, s5, $0x38;
	[tilespmem:$0x1C628] =	vst v63  }
0x8f3: {  	_ =	swait.ge @p0 [sflag:s11], $0x400  }
0x8f4: {  	s0 =	sld [smem:$0x7EB]  }
0x8f5: {  	[sflag:s11] =	ssyncset.done @p0 $0x0  }
0x8f6: {  	[sflag:s11] =	ssyncadd.s32 @p0 $0xFFFFFC00  }
0x8f7: {  	[spmem:s18@s29], [sflag:s30] =	dma.strided @!p0 [hbm:s0@s16], $0x1E850, s19, $0x10   }
0x8f8: {  	_ =	swait.ge @!p0 [sflag:s12], $0x400  }
0x8f9: {  	[sflag:s12] =	ssyncset.done @!p0 $0x0  }
0x8fa: {  	[sflag:s12] =	ssyncadd.s32 @!p0 $0xFFFFFC00  }
0x8fb: {  	_ =	swait.ge @!p0 [sflag:s21], $0x1E850  }
0x8fc: {  	[sflag:s21] =	ssyncset.done @!p0 $0x0  }
0x8fd: {  	[sflag:s21] =	ssyncadd.s32 @!p0 $0xFFFE17B0  }
0x8fe: {  	[bflag:$0x0] =	sbarrier.arrive $0xFFFF  }
0x8ff: {  	[tilespmem:s8], [sflag:$0x3] =	stream.indirect.gather [spmem:s1], $0x1, s2, s3, $0xb8;
	[tilespmem:$0x1C628] =	vst v63  }
0x900: {  	_ =	swait.ge [sflag:s7], $0x400  }
0x901: {  	[sflag:s7] =	ssyncset.done $0x0  }
0x902: {  	[sflag:s7] =	ssyncadd.s32 $0xFFFFFC00  }
0x903: {  	[bflag:$0x0] =	sbarrier.arrive $0xFFFF  }
0x904: {  	s25 =	sld [smem:$0x7EC];
	_ =	sdelay $0x2  }
0x905: {  	[hbm4b:s25+s5] =	stream.strided.scatter [tilespmem:s8], [sflag:$0x4], $0x400, s3, s5, $0x38;
	[tilespmem:$0x1C628] =	vst v63  }
0x906: {  	_ =	swait.ge @p0 [sflag:s11], $0x400  }
0x907: {  	s0 =	sld [smem:$0x7ED]  }
0x908: {  	[sflag:s11] =	ssyncset.done @p0 $0x0  }
0x909: {  	[sflag:s11] =	ssyncadd.s32 @p0 $0xFFFFFC00  }
0x90a: {  	[spmem:s18@s29], [sflag:s30] =	dma.strided @!p0 [hbm:s0@s16], $0x1E850, s19, $0x10   }
0x90b: {  	_ =	swait.ge @!p0 [sflag:s12], $0x400  }
0x90c: {  	[sflag:s12] =	ssyncset.done @!p0 $0x0  }
0x90d: {  	[sflag:s12] =	ssyncadd.s32 @!p0 $0xFFFFFC00  }
0x90e: {  	_ =	swait.ge @!p0 [sflag:s21], $0x1E850  }
0x90f: {  	[sflag:s21] =	ssyncset.done @!p0 $0x0  }
0x910: {  	[sflag:s21] =	ssyncadd.s32 @!p0 $0xFFFE17B0  }
0x911: {  	[bflag:$0x0] =	sbarrier.arrive $0xFFFF  }
0x912: {  	[tilespmem:s6], [sflag:$0x3] =	stream.indirect.gather [spmem:s1], $0x1, s2, s3, $0xb8;
	[tilespmem:$0x1C628] =	vst v63  }
0x913: {  	_ =	swait.ge [sflag:s7], $0x400  }
0x914: {  	[sflag:s7] =	ssyncset.done $0x0  }
0x915: {  	[sflag:s7] =	ssyncadd.s32 $0xFFFFFC00  }
0x916: {  	[bflag:$0x0] =	sbarrier.arrive $0xFFFF  }
0x917: {  	s26 =	sld [smem:$0x7EE];
	_ =	sdelay $0x2  }
0x918: {  	[hbm4b:s26+s5] =	stream.strided.scatter [tilespmem:s6], [sflag:$0x4], $0x400, s3, s5, $0x38;
	[tilespmem:$0x1C628] =	vst v63  }
0x919: {  	_ =	swait.ge @p0 [sflag:s11], $0x400  }
0x91a: {  	s0 =	sld [smem:$0x7EF]  }
0x91b: {  	[sflag:s11] =	ssyncset.done @p0 $0x0  }
0x91c: {  	[sflag:s11] =	ssyncadd.s32 @p0 $0xFFFFFC00  }
0x91d: {  	[spmem:s18@s29], [sflag:s30] =	dma.strided @!p0 [hbm:s0@s16], $0x1E850, s19, $0x10   }
0x91e: {  	_ =	swait.ge @!p0 [sflag:s12], $0x400  }
0x91f: {  	[sflag:s12] =	ssyncset.done @!p0 $0x0  }
0x920: {  	[sflag:s12] =	ssyncadd.s32 @!p0 $0xFFFFFC00  }
0x921: {  	_ =	swait.ge @!p0 [sflag:s21], $0x1E850  }
0x922: {  	[sflag:s21] =	ssyncset.done @!p0 $0x0  }
0x923: {  	[sflag:s21] =	ssyncadd.s32 @!p0 $0xFFFE17B0  }
0x924: {  	[bflag:$0x0] =	sbarrier.arrive $0xFFFF  }
0x925: {  	[tilespmem:s8], [sflag:$0x3] =	stream.indirect.gather [spmem:s1], $0x1, s2, s3, $0xb8;
	[tilespmem:$0x1C628] =	vst v63  }
0x926: {  	_ =	swait.ge [sflag:s7], $0x400  }
0x927: {  	[sflag:s7] =	ssyncset.done $0x0  }
0x928: {  	[sflag:s7] =	ssyncadd.s32 $0xFFFFFC00  }
0x929: {  	[bflag:$0x0] =	sbarrier.arrive $0xFFFF  }
0x92a: {  	s28 =	sld [smem:$0x7F1];
	_ =	sdelay $0x2  }
0x92b: {  	[hbm4b:s28+s5] =	stream.strided.scatter [tilespmem:s8], [sflag:$0x4], $0x400, s3, s5, $0x38;
	[tilespmem:$0x1C628] =	vst v63  }
0x92c: {  	_ =	swait.ge @p0 [sflag:s11], $0x400  }
0x92d: {  	s0 =	sld [smem:$0x7F3]  }
0x92e: {  	[sflag:s11] =	ssyncset.done @p0 $0x0  }
0x92f: {  	[sflag:s11] =	ssyncadd.s32 @p0 $0xFFFFFC00  }
0x930: {  	[spmem:s18@s29], [sflag:s30] =	dma.strided @!p0 [hbm:s0@s16], $0x1E850, s19, $0x10   }
0x931: {  	_ =	swait.ge @!p0 [sflag:s12], $0x400  }
0x932: {  	[sflag:s12] =	ssyncset.done @!p0 $0x0  }
0x933: {  	[sflag:s12] =	ssyncadd.s32 @!p0 $0xFFFFFC00  }
0x934: {  	_ =	swait.ge @!p0 [sflag:s21], $0x1E850  }
0x935: {  	[sflag:s21] =	ssyncset.done @!p0 $0x0  }
0x936: {  	[sflag:s21] =	ssyncadd.s32 @!p0 $0xFFFE17B0  }
0x937: {  	[bflag:$0x0] =	sbarrier.arrive $0xFFFF  }
0x938: {  	[tilespmem:s6], [sflag:$0x3] =	stream.indirect.gather [spmem:s1], $0x1, s2, s3, $0xb8;
	[tilespmem:$0x1C628] =	vst v63  }
0x939: {  	_ =	swait.ge [sflag:s7], $0x400  }
0x93a: {  	[sflag:s7] =	ssyncset.done $0x0  }
0x93b: {  	[sflag:s7] =	ssyncadd.s32 $0xFFFFFC00  }
0x93c: {  	[bflag:$0x0] =	sbarrier.arrive $0xFFFF  }
0x93d: {  	s31 =	sld [smem:$0x7F4];
	_ =	sdelay $0x2  }
0x93e: {  	[hbm4b:s31+s5] =	stream.strided.scatter [tilespmem:s6], [sflag:$0x4], $0x400, s3, s5, $0x38;
	[tilespmem:$0x1C628] =	vst v63  }
0x93f: {  	_ =	swait.ge [sflag:s15], $0x400  }
0x940: {  	[sflag:s15] =	ssyncset.done $0x0  }
0x941: {  	[sflag:s15] =	ssyncadd.s32 $0xFFFFFC00  }
0x942: {  	_ =	swait.ge [sflag:s15], $0x400  }
0x943: {  	[sflag:s15] =	ssyncset.done $0x0  }
0x944: {  	[sflag:s15] =	ssyncadd.s32 $0xFFFFFC00  }
0x945: {  	_ =	sfence.sel $0x180000  }
0x946: {  	[bflag:$0x0] =	sbarrier.arrive $0xFFFF  }
0x947: {  	_ =	strace $0x90000047  }
0x948: {  	[bflag:$0x2] =	sbarrier.arrive $0xFFFF  }
0x949: {  	s0 =	rddreg [dreg:$0x5]  }
0x94a: {  	s0 =	sadd.s32 @!p0 $0x100000, s0  }
0x94b: {  	[sflag:s0] =	ssyncadd.tile.s32 @!p0 $0x1;
	_ =	shalt  }
.LBB2_1:
.Ltmp3:
0x94c: {  	(pc) =	sbr.rel .LBB2_6-.Ltmp3, $2  }
0x94d: {  	_ =	sdelay $0x2  }
0x94e: {  	s25 =	smov.u32 s19;
	s10 =	smov.u32 s23  }
.LBB2_7:
.Ltmp4:
0x94f: {  	s13 =	sld [smem:$0x7BD];
	(pc) =	sbr.rel .LBB2_6-.Ltmp4, $4  }
0x950: {  	s25 =	sld [smem:$0x7BB]  }
0x951: {  	s10 =	sld [smem:$0x7BC]  }
0x952: {  	s21 =	sld [smem:$0x7BA];
	s24 =	simm.s32 $0x600;
	s31 =	simm.s32 $0x800  }
0x953: {  	s22 =	simm.s32 $0x5200;
	s28 =	simm.s32 $0x1200;
	s1 =	rddreg [dreg:$0x4]  }
.Lfunc_end2:
_tile_overlayer_lowered:
.L_overlay_start_2:
0x954: {  	(tag) =	ssettag $0x2  }
0x955: {  	s0 =	rddreg [dreg:$0x0];
	s2 =	stileid.u32  }
0x956: {  	s1 =	rddreg [dreg:$0x1];
	p0 =	sne.s32 s2, $0x0  }
0x957: {  	s3 =	rddreg [dreg:$0x2];
	[bflag:$0x3] =	sbarrier.arrive $0xFFFF;
	s2 =	simm.s32 @!p0 $0x1C05  }
0x958: {  	[timem:s3], [sflag:s2] =	dma.local @!p0 [hbm:s0], s1  }
0x959: {  	s0 =	simm.s32 @!p0 $0x5  }
0x95a: {  	_ =	swait.ge @!p0 [sflag:s0], s1  }
0x95b: {  	s1 =	ssub.s32 @!p0 $0x0, s1;
	[sflag:s0] =	ssyncset.done @!p0 $0x0  }
0x95c: {  	[sflag:s0] =	ssyncadd.s32 @!p0 s1  }
0x95d: {  	[bflag:$0x3] =	sbarrier.arrive $0xFFFF  }
0x95e: {  	_ =	shalt  }

</sc_bundles>
